<compile_context>
chip_gen: v7x
topology: tpu7x:2x2x1
jax: 0.10.2.dev20260603
libtpu: 0.0.44.dev20260713+nightly
codegen_flags: <defaults>
</compile_context>

<pallas_src>
import functools

import jax
import jax.numpy as jnp
from jax import lax
from jax.experimental import pallas as pl
from jax.experimental.pallas import tpu as pltpu, tpu_sc as plsc

VOCAB = 10000
VPAD = 10240
EMBED = 16
SEQ = 20
HID = 16

_info = plsc.get_sparse_core_info()
_NC, _NS, _LANES = _info.num_cores, _info.num_subcores, _info.num_lanes
_NW = _NC * _NS


def _t2_body(e8_ref, w1_ref, out_ref):
    e8 = e8_ref[...]
    r = lax.broadcasted_iota(jnp.int32, (128, 128), 0)
    c = lax.broadcasted_iota(jnp.int32, (128, 128), 1)
    diag = (r // HID) == (c // HID)
    vp8 = VPAD // 8
    for l in range(SEQ):
        bd = jnp.where(diag, jnp.tile(w1_ref[l], (8, 8)), 0.0)
        out_ref[pl.ds(l * vp8, vp8), :] = jnp.dot(
            e8, bd, preferred_element_type=jnp.float32)


def _build_t2(e8, w1_3d):
    return pl.pallas_call(
        _t2_body,
        grid=(1,),
        in_specs=[
            pl.BlockSpec((VPAD // 8, 128), lambda i: (0, 0)),
            pl.BlockSpec((SEQ, EMBED, HID), lambda i: (0, 0, 0)),
        ],
        out_specs=pl.BlockSpec((SEQ * VPAD // 8, 128), lambda i: (0, 0)),
        out_shape=jax.ShapeDtypeStruct((SEQ * VPAD // 8, 128), jnp.float32),
    )(e8, w1_3d)


def _make_flattener(batch):
    rows_w = batch // _NW
    idx_w = rows_w * SEQ

    mesh = plsc.VectorSubcoreMesh(core_axis_name="c", subcore_axis_name="s")

    @functools.partial(
        pl.kernel,
        mesh=mesh,
        out_type=jax.ShapeDtypeStruct((batch * SEQ,), jnp.int32),
        scratch_types=[
            pltpu.VMEM((rows_w, SEQ), jnp.int32),
            pltpu.VMEM((idx_w,), jnp.int32),
        ],
    )
    def flat_kernel(x_hbm, out_hbm, raw_v, o_v):
        wid = lax.axis_index("s") * _NC + lax.axis_index("c")
        row0 = wid * rows_w
        pltpu.sync_copy(x_hbm.at[pl.ds(row0, rows_w)], raw_v)
        lane = lax.iota(jnp.int32, 16)
        off0 = lane * VPAD
        off1 = (lane + 4) * VPAD

        def row(r, _):
            o_v[pl.ds(r * SEQ, 16)] = raw_v[r, pl.ds(0, 16)] + off0
            o_v[pl.ds(r * SEQ + 4, 16)] = raw_v[r, pl.ds(4, 16)] + off1
            return 0
        lax.fori_loop(0, rows_w, row, 0)

        pltpu.sync_copy(o_v, out_hbm.at[pl.ds(row0 * SEQ, idx_w)])

    return flat_kernel


def _make_sc_kernel(batch):
    rows_w = batch // _NW
    idx_w = rows_w * SEQ
    rows_c = 64
    idx_c = rows_c * SEQ
    g_per_c = idx_c // 128
    n_chunks = rows_w // rows_c
    n_groups = rows_c // 16

    mesh = plsc.VectorSubcoreMesh(core_axis_name="c", subcore_axis_name="s")

    @functools.partial(
        pl.kernel,
        mesh=mesh,
        compiler_params=pltpu.CompilerParams(use_tc_tiling_on_sc=False),
        out_type=jax.ShapeDtypeStruct((batch // 8, 128), jnp.float32),
        scratch_types=[
            pltpu.VMEM((idx_w,), jnp.int32),
            pltpu.VMEM((4 * idx_c, HID), jnp.float32),
            pltpu.VMEM((rows_w // 8, 128), jnp.float32),
            pltpu.SemaphoreType.DMA,
        ],
    )
    def sc_kernel(xf_hbm, t2_hbm, out_hbm, idx_v, buf_v, o_v, sem):
        wid = lax.axis_index("s") * _NC + lax.axis_index("c")
        row0 = wid * rows_w

        pltpu.sync_copy(xf_hbm.at[pl.ds(row0 * SEQ, idx_w)], idx_v)
        zero = jnp.zeros((16,), jnp.float32)

        def fire(c, slot):
            for j in range(g_per_c):
                pltpu.async_copy(
                    t2_hbm.at[idx_v.at[pl.ds((c * g_per_c + j) * 128, 128)]],
                    buf_v.at[pl.ds(slot * idx_c + j * 128, 128)],
                    sem)

        fire(0, 0)
        fire(1, 1)
        fire(2, 2)

        def chunk(c, _):
            slot = c % 4
            pltpu.make_async_copy(
                t2_hbm.at[pl.ds(0, idx_c)],
                buf_v.at[pl.ds(slot * idx_c, idx_c)],
                sem).wait()

            @pl.when(c + 3 < n_chunks)
            def _():
                fire(c + 3, (c + 3) % 4)

            def group(g, _):
                for rr in range(16):
                    acc = zero
                    for l in range(SEQ):
                        acc = acc + buf_v[slot * idx_c
                                          + g * (16 * SEQ) + rr * SEQ + l, :]
                    o_v[c * 8 + g * 2 + rr // 8,
                        pl.ds((rr % 8) * HID, HID)] = acc
                return 0
            lax.fori_loop(0, n_groups, group, 0)
            return 0
        lax.fori_loop(0, n_chunks, chunk, 0)

        pltpu.sync_copy(o_v, out_hbm.at[pl.ds(row0 // 8, rows_w // 8)])

    return sc_kernel


def _head_body(acc_ref, b1_ref, w2_ref, b2_ref, out_ref):
    b1t = jnp.tile(b1_ref[...], (1, 8))
    h = jnp.maximum(acc_ref[...] + b1t, 0.0)
    w2t = jnp.tile(w2_ref[...], (8, 8))
    r = lax.broadcasted_iota(jnp.int32, (128, 8), 0)
    c = lax.broadcasted_iota(jnp.int32, (128, 8), 1)
    w2bd = jnp.where((r // HID) == c, w2t, 0.0)
    z = jnp.dot(h, w2bd, preferred_element_type=jnp.float32)
    out_ref[...] = 1.0 / (1.0 + jnp.exp(-(z + b2_ref[...])))


def _apply_head(acc8, b1_, w2_, b2_):
    n = acc8.shape[0]
    return pl.pallas_call(
        _head_body,
        grid=(1,),
        in_specs=[
            pl.BlockSpec((n, 128), lambda i: (0, 0)),
            pl.BlockSpec((1, HID), lambda i: (0, 0)),
            pl.BlockSpec((HID, 1), lambda i: (0, 0)),
            pl.BlockSpec((1, 1), lambda i: (0, 0)),
        ],
        out_specs=pl.BlockSpec((n, 8), lambda i: (0, 0)),
        out_shape=jax.ShapeDtypeStruct((n, 8), jnp.float32),
    )(acc8, b1_, w2_, b2_)


def kernel(x, emb, W1, b1, W2, b2):
    batch = x.shape[0]
    f32 = jnp.float32
    e8 = jnp.pad(emb.astype(f32), ((0, VPAD - VOCAB), (0, 0))
                 ).reshape(VPAD // 8, 128)
    w1_3d = W1.astype(f32).reshape(SEQ, EMBED, HID)
    t2p = _build_t2(e8, w1_3d)

    idx_flat = _make_flattener(batch)(x.astype(jnp.int32))
    acc8 = _make_sc_kernel(batch)(idx_flat, t2p.reshape(SEQ * VPAD, HID))

    out8 = _apply_head(acc8, b1.astype(f32).reshape(1, HID),
                       W2.astype(f32), b2.astype(f32).reshape(1, 1))
    return out8.reshape(batch, 1)

# --- scband reference (transcript-rebuilt; emitter-appended) ---
"""Pipeline reference for scband-my-model-81501299409315 (READ-ONLY COPY).

The authoritative reference and input builder live on the scoring server;
editing this copy changes nothing except your own understanding.
"""

import jax, jax.numpy as jnp
import numpy as np

VOCAB = 10000
EMBED_DIM = 16
MAX_LEN = 20
BATCH = 16384


def setup_inputs(seed: int = 0) -> dict:
    key = jax.random.key(seed)
    k1, k2, k3, k4 = jax.random.split(key, 4)
    x = jax.random.randint(k1, (BATCH, MAX_LEN), 0, VOCAB)
    emb = jax.random.normal(k2, (VOCAB, EMBED_DIM), dtype=jnp.float32) * 0.05
    W1 = jax.random.normal(k3, (MAX_LEN * EMBED_DIM, 16), dtype=jnp.float32) * 0.05
    b1 = jnp.zeros((16,), dtype=jnp.float32)
    W2 = jax.random.normal(k4, (16, 1), dtype=jnp.float32) * 0.05
    b2 = jnp.zeros((1,), dtype=jnp.float32)
    return {"x": x, "emb": emb, "W1": W1, "b1": b1, "W2": W2, "b2": b2}


def reference(x, emb, W1, b1, W2, b2):
    # Embedding lookup: [B, L] -> [B, L, D]
    e = jnp.take(emb, x, axis=0)
    # Flatten: [B, L*D]
    f = e.reshape((e.shape[0], -1))
    # Dense 16 + relu
    h = jax.nn.relu(f @ W1 + b1)
    # Dropout is identity at inference
    # Dense 1 + sigmoid
    out = jax.nn.sigmoid(h @ W2 + b2)
    # Final dropout identity at inference
    return out

if __name__ == "__main__":
    import jax
    _d = setup_inputs()
    print(jax.jit(kernel)(*tuple(_d.values())))

</pallas_src>

<mosaic_0001>
#map = affine_map<(d0, d1) -> (0, 0)>
#map1 = affine_map<(d0, d1) -> (0)>
module attributes {stable_mosaic.version = 14 : i64} {
  func.func @flat_kernel(%arg0: i32, %arg1: i32, %arg2: memref<16384x20xi32, #tpu.memory_space<hbm>>, %arg3: memref<327680xi32, #tpu.memory_space<hbm>>, %arg4: memref<512x20xi32, #tpu.memory_space<vmem>>, %arg5: memref<10240xi32, #tpu.memory_space<vmem>>) attributes {dimension_semantics = [#tpu.dimension_semantics<core_parallel>, #tpu.dimension_semantics<subcore_parallel>], iteration_bounds = array<i64: 2, 16>, scalar_prefetch = 0 : i64, scratch_operands = 2 : i64, tpu.core_type = #tpu.core_type<sc_vector_subcore>, window_params = [{transform_indices = #map}, {transform_indices = #map1}]} {
    %mul3A = arith.constant 2 : i32
    %mul3A_0 = arith.muli %arg1, %mul3A : i32
    %add3A = arith.addi %mul3A_0, %arg0 : i32
    %mul3A_1 = arith.constant 512 : i32
    %mul3A_2 = arith.muli %add3A, %mul3A_1 : i32
    "tpu.region"() ({
      %run_scoped3A = tpu.sem_alloc : memref<!tpu.dma_semaphore, #tpu.memory_space<semaphore_mem>>
      %dma_start3A = arith.constant 0 : i32
      %dma_start3A_20 = tpu.memref_slice %arg2[%mul3A_2, %dma_start3A] : memref<16384x20xi32, #tpu.memory_space<hbm>> -> memref<512x20xi32, #tpu.memory_space<hbm>>
      %dma_start3A_21 = arith.constant 0 : i32
      %dma_start3A_22 = tpu.memref_slice %arg2[%mul3A_2, %dma_start3A_21] : memref<16384x20xi32, #tpu.memory_space<hbm>> -> memref<512x20xi32, #tpu.memory_space<hbm>>
      tpu.enqueue_dma source(%dma_start3A_22 : memref<512x20xi32, #tpu.memory_space<hbm>>) target(%arg4 : memref<512x20xi32, #tpu.memory_space<vmem>>) target_semaphore(%run_scoped3A : memref<!tpu.dma_semaphore, #tpu.memory_space<semaphore_mem>>)
      %dma_wait3A = arith.constant 0 : i32
      %dma_wait3A_23 = tpu.memref_slice %arg2[%mul3A_2, %dma_wait3A] : memref<16384x20xi32, #tpu.memory_space<hbm>> -> memref<512x20xi32, #tpu.memory_space<hbm>>
      %dma_wait3A_24 = arith.constant 0 : i32
      %dma_wait3A_25 = tpu.memref_slice %arg2[%mul3A_2, %dma_wait3A_24] : memref<16384x20xi32, #tpu.memory_space<hbm>> -> memref<512x20xi32, #tpu.memory_space<hbm>>
      tpu.wait_dma2 semaphore(%run_scoped3A : memref<!tpu.dma_semaphore, #tpu.memory_space<semaphore_mem>>) src(%dma_wait3A_25 : memref<512x20xi32, #tpu.memory_space<hbm>>) dst(%arg4 : memref<512x20xi32, #tpu.memory_space<vmem>>)
      tpu.yield
    }) : () -> ()
    %iota3A = tpu.iota {dimensions = array<i32: 0>} : vector<16xi32>
    %mul3A_3 = arith.constant 10240 : i32
    %mul3A_4 = vector.broadcast %mul3A_3 : i32 to vector<16xi32>
    %mul3A_5 = arith.muli %iota3A, %mul3A_4 : vector<16xi32>
    %add3A_6 = arith.constant 4 : i32
    %add3A_7 = vector.broadcast %add3A_6 : i32 to vector<16xi32>
    %add3A_8 = arith.addi %iota3A, %add3A_7 : vector<16xi32>
    %mul3A_9 = arith.constant 10240 : i32
    %mul3A_10 = vector.broadcast %mul3A_9 : i32 to vector<16xi32>
    %mul3A_11 = arith.muli %add3A_8, %mul3A_10 : vector<16xi32>
    %scan3A = arith.constant 0 : i32
    %scan3A_12 = arith.constant 0 : i32
    %scan3A_13 = arith.constant 512 : i32
    %scan3A_14 = arith.addi %scan3A_12, %scan3A_13 : i32
    %scan3A_15 = arith.constant 1 : i32
    %scan3A_16 = scf.for %scan3A_20 = %scan3A_12 to %scan3A_14 step %scan3A_15 iter_args(%scan3A_21 = %scan3A) -> (i32)  : i32 {
      %get3A = arith.index_cast %scan3A_20 : i32 to index
      %get3A_22 = arith.constant 0 : index
      %get3A_23 = tpu.vector_load %arg4[%get3A, %get3A_22] {strides = array<i32>} : memref<512x20xi32, #tpu.memory_space<vmem>>, vector<1x16xi32>,
      %get3A_24 = vector.shape_cast %get3A_23 : vector<1x16xi32> to vector<16xi32>
      %add3A_25 = arith.addi %get3A_24, %mul3A_5 : vector<16xi32>
      %mul3A_26 = arith.constant 20 : i32
      %mul3A_27 = arith.muli %scan3A_20, %mul3A_26 : i32
      %swap3A = arith.index_cast %mul3A_27 : i32 to index
      %swap3A_28 = tpu.vector_load %arg5[%swap3A] {strides = array<i32>} : memref<10240xi32, #tpu.memory_space<vmem>>, vector<16xi32>,
      %swap3A_29 = vector.shape_cast %swap3A_28 : vector<16xi32> to vector<16xi32>
      %swap3A_30 = vector.shape_cast %add3A_25 : vector<16xi32> to vector<16xi32>
      tpu.vector_store %arg5[%swap3A], %swap3A_30 {strides = array<i32>} : memref<10240xi32, #tpu.memory_space<vmem>>, vector<16xi32>,
      %get3A_31 = arith.index_cast %scan3A_20 : i32 to index
      %get3A_32 = arith.constant 4 : index
      %get3A_33 = tpu.vector_load %arg4[%get3A_31, %get3A_32] {strides = array<i32>} : memref<512x20xi32, #tpu.memory_space<vmem>>, vector<1x16xi32>,
      %get3A_34 = vector.shape_cast %get3A_33 : vector<1x16xi32> to vector<16xi32>
      %add3A_35 = arith.addi %get3A_34, %mul3A_11 : vector<16xi32>
      %mul3A_36 = arith.constant 20 : i32
      %mul3A_37 = arith.muli %scan3A_20, %mul3A_36 : i32
      %add3A_38 = arith.constant 4 : i32
      %add3A_39 = arith.addi %mul3A_37, %add3A_38 : i32
      %swap3A_40 = arith.index_cast %add3A_39 : i32 to index
      %swap3A_41 = tpu.vector_load %arg5[%swap3A_40] {strides = array<i32>} : memref<10240xi32, #tpu.memory_space<vmem>>, vector<16xi32>,
      %swap3A_42 = vector.shape_cast %swap3A_41 : vector<16xi32> to vector<16xi32>
      %swap3A_43 = vector.shape_cast %add3A_35 : vector<16xi32> to vector<16xi32>
      tpu.vector_store %arg5[%swap3A_40], %swap3A_43 {strides = array<i32>} : memref<10240xi32, #tpu.memory_space<vmem>>, vector<16xi32>,
      %scan3A_44 = arith.constant 0 : i32
      scf.yield %scan3A_44 : i32
    }
    %scan3A_17 = arith.constant 512 : i32
    %mul3A_18 = arith.constant 20 : i32
    %mul3A_19 = arith.muli %mul3A_2, %mul3A_18 : i32
    "tpu.region"() ({
      %run_scoped3A = tpu.sem_alloc : memref<!tpu.dma_semaphore, #tpu.memory_space<semaphore_mem>>
      %dma_start3A = tpu.memref_slice %arg3[%mul3A_19] : memref<327680xi32, #tpu.memory_space<hbm>> -> memref<10240xi32, #tpu.memory_space<hbm>>
      %dma_start3A_20 = tpu.memref_slice %arg3[%mul3A_19] : memref<327680xi32, #tpu.memory_space<hbm>> -> memref<10240xi32, #tpu.memory_space<hbm>>
      tpu.enqueue_dma source(%arg5 : memref<10240xi32, #tpu.memory_space<vmem>>) target(%dma_start3A_20 : memref<10240xi32, #tpu.memory_space<hbm>>) target_semaphore(%run_scoped3A : memref<!tpu.dma_semaphore, #tpu.memory_space<semaphore_mem>>)
      %dma_wait3A = tpu.memref_slice %arg3[%mul3A_19] : memref<327680xi32, #tpu.memory_space<hbm>> -> memref<10240xi32, #tpu.memory_space<hbm>>
      %dma_wait3A_21 = tpu.memref_slice %arg3[%mul3A_19] : memref<327680xi32, #tpu.memory_space<hbm>> -> memref<10240xi32, #tpu.memory_space<hbm>>
      tpu.wait_dma2 semaphore(%run_scoped3A : memref<!tpu.dma_semaphore, #tpu.memory_space<semaphore_mem>>) src(%arg5 : memref<10240xi32, #tpu.memory_space<vmem>>) dst(%dma_wait3A_21 : memref<10240xi32, #tpu.memory_space<hbm>>)
      tpu.yield
    }) : () -> ()
    return
  }
}

#map = affine_map<(d0, d1) -> (0)>
#map1 = affine_map<(d0, d1) -> (0, 0)>
module attributes {stable_mosaic.version = 14 : i64} {
  func.func @sc_kernel(%arg0: i32, %arg1: i32, %arg2: memref<327680xi32, #tpu.memory_space<hbm>>, %arg3: memref<204800x16xf32, #tpu.memory_space<hbm>>, %arg4: memref<2048x128xf32, #tpu.memory_space<hbm>>, %arg5: memref<10240xi32, #tpu.memory_space<vmem>>, %arg6: memref<5120x16xf32, #tpu.memory_space<vmem>>, %arg7: memref<64x128xf32, #tpu.memory_space<vmem>>, %arg8: memref<!tpu.dma_semaphore, #tpu.memory_space<semaphore_mem>>) attributes {dimension_semantics = [#tpu.dimension_semantics<core_parallel>, #tpu.dimension_semantics<subcore_parallel>], iteration_bounds = array<i64: 2, 16>, scalar_prefetch = 0 : i64, scratch_operands = 4 : i64, tpu.core_type = #tpu.core_type<sc_vector_subcore>, window_params = [{transform_indices = #map}, {transform_indices = #map1}, {transform_indices = #map1}]} {
    %mul3A = arith.constant 2 : i32
    %mul3A_0 = arith.muli %arg1, %mul3A : i32
    %add3A = arith.addi %mul3A_0, %arg0 : i32
    %mul3A_1 = arith.constant 512 : i32
    %mul3A_2 = arith.muli %add3A, %mul3A_1 : i32
    %mul3A_3 = arith.constant 20 : i32
    %mul3A_4 = arith.muli %mul3A_2, %mul3A_3 : i32
    "tpu.region"() ({
      %run_scoped3A = tpu.sem_alloc : memref<!tpu.dma_semaphore, #tpu.memory_space<semaphore_mem>>
      %dma_start3A_267 = tpu.memref_slice %arg2[%mul3A_4] : memref<327680xi32, #tpu.memory_space<hbm>> -> memref<10240xi32, #tpu.memory_space<hbm>>
      %dma_start3A_268 = tpu.memref_slice %arg2[%mul3A_4] : memref<327680xi32, #tpu.memory_space<hbm>> -> memref<10240xi32, #tpu.memory_space<hbm>>
      tpu.enqueue_dma source(%dma_start3A_268 : memref<10240xi32, #tpu.memory_space<hbm>>) target(%arg5 : memref<10240xi32, #tpu.memory_space<vmem>>) target_semaphore(%run_scoped3A : memref<!tpu.dma_semaphore, #tpu.memory_space<semaphore_mem>>)
      %dma_wait3A = tpu.memref_slice %arg2[%mul3A_4] : memref<327680xi32, #tpu.memory_space<hbm>> -> memref<10240xi32, #tpu.memory_space<hbm>>
      %dma_wait3A_269 = tpu.memref_slice %arg2[%mul3A_4] : memref<327680xi32, #tpu.memory_space<hbm>> -> memref<10240xi32, #tpu.memory_space<hbm>>
      tpu.wait_dma2 semaphore(%run_scoped3A : memref<!tpu.dma_semaphore, #tpu.memory_space<semaphore_mem>>) src(%dma_wait3A_269 : memref<10240xi32, #tpu.memory_space<hbm>>) dst(%arg5 : memref<10240xi32, #tpu.memory_space<vmem>>)
      tpu.yield
    }) : () -> ()
    %broadcast_in_dim3A = arith.constant 0.000000e+00 : f32
    %broadcast_in_dim3A_5 = vector.broadcast %broadcast_in_dim3A : f32 to vector<16xf32>
    %dma_start3A = arith.constant 0 : i32
    %dma_start3A_6 = arith.constant 0 : i32
    %dma_start3A_7 = tpu.memref_slice %arg6[%dma_start3A, %dma_start3A_6] : memref<5120x16xf32, #tpu.memory_space<vmem>> -> memref<128x16xf32, #tpu.memory_space<vmem>>
    %dma_start3A_8 = arith.constant 0 : i32
    %dma_start3A_9 = tpu.memref_slice %arg5[%dma_start3A_8] : memref<10240xi32, #tpu.memory_space<vmem>> -> memref<128xi32, #tpu.memory_space<vmem>>
    %dma_start3A_10 = arith.constant 0 : i32
    %dma_start3A_11 = arith.constant 0 : i32
    %dma_start3A_12 = tpu.memref_slice %arg3[%dma_start3A_10, %dma_start3A_11] : memref<204800x16xf32, #tpu.memory_space<hbm>> -> memref<204800x16xf32, #tpu.memory_space<hbm>>
    tpu.enqueue_indirect_dma source(%dma_start3A_12 : memref<204800x16xf32, #tpu.memory_space<hbm>>) target(%dma_start3A_7 : memref<128x16xf32, #tpu.memory_space<vmem>>) offsets(%dma_start3A_9 : memref<128xi32, #tpu.memory_space<vmem>>) semaphore(%arg8 : memref<!tpu.dma_semaphore, #tpu.memory_space<semaphore_mem>>)
    %dma_start3A_13 = arith.constant 128 : i32
    %dma_start3A_14 = arith.constant 0 : i32
    %dma_start3A_15 = tpu.memref_slice %arg6[%dma_start3A_13, %dma_start3A_14] : memref<5120x16xf32, #tpu.memory_space<vmem>> -> memref<128x16xf32, #tpu.memory_space<vmem>>
    %dma_start3A_16 = arith.constant 128 : i32
    %dma_start3A_17 = tpu.memref_slice %arg5[%dma_start3A_16] : memref<10240xi32, #tpu.memory_space<vmem>> -> memref<128xi32, #tpu.memory_space<vmem>>
    %dma_start3A_18 = arith.constant 0 : i32
    %dma_start3A_19 = arith.constant 0 : i32
    %dma_start3A_20 = tpu.memref_slice %arg3[%dma_start3A_18, %dma_start3A_19] : memref<204800x16xf32, #tpu.memory_space<hbm>> -> memref<204800x16xf32, #tpu.memory_space<hbm>>
    tpu.enqueue_indirect_dma source(%dma_start3A_20 : memref<204800x16xf32, #tpu.memory_space<hbm>>) target(%dma_start3A_15 : memref<128x16xf32, #tpu.memory_space<vmem>>) offsets(%dma_start3A_17 : memref<128xi32, #tpu.memory_space<vmem>>) semaphore(%arg8 : memref<!tpu.dma_semaphore, #tpu.memory_space<semaphore_mem>>)
    %dma_start3A_21 = arith.constant 256 : i32
    %dma_start3A_22 = arith.constant 0 : i32
    %dma_start3A_23 = tpu.memref_slice %arg6[%dma_start3A_21, %dma_start3A_22] : memref<5120x16xf32, #tpu.memory_space<vmem>> -> memref<128x16xf32, #tpu.memory_space<vmem>>
    %dma_start3A_24 = arith.constant 256 : i32
    %dma_start3A_25 = tpu.memref_slice %arg5[%dma_start3A_24] : memref<10240xi32, #tpu.memory_space<vmem>> -> memref<128xi32, #tpu.memory_space<vmem>>
    %dma_start3A_26 = arith.constant 0 : i32
    %dma_start3A_27 = arith.constant 0 : i32
    %dma_start3A_28 = tpu.memref_slice %arg3[%dma_start3A_26, %dma_start3A_27] : memref<204800x16xf32, #tpu.memory_space<hbm>> -> memref<204800x16xf32, #tpu.memory_space<hbm>>
    tpu.enqueue_indirect_dma source(%dma_start3A_28 : memref<204800x16xf32, #tpu.memory_space<hbm>>) target(%dma_start3A_23 : memref<128x16xf32, #tpu.memory_space<vmem>>) offsets(%dma_start3A_25 : memref<128xi32, #tpu.memory_space<vmem>>) semaphore(%arg8 : memref<!tpu.dma_semaphore, #tpu.memory_space<semaphore_mem>>)
    %dma_start3A_29 = arith.constant 384 : i32
    %dma_start3A_30 = arith.constant 0 : i32
    %dma_start3A_31 = tpu.memref_slice %arg6[%dma_start3A_29, %dma_start3A_30] : memref<5120x16xf32, #tpu.memory_space<vmem>> -> memref<128x16xf32, #tpu.memory_space<vmem>>
    %dma_start3A_32 = arith.constant 384 : i32
    %dma_start3A_33 = tpu.memref_slice %arg5[%dma_start3A_32] : memref<10240xi32, #tpu.memory_space<vmem>> -> memref<128xi32, #tpu.memory_space<vmem>>
    %dma_start3A_34 = arith.constant 0 : i32
    %dma_start3A_35 = arith.constant 0 : i32
    %dma_start3A_36 = tpu.memref_slice %arg3[%dma_start3A_34, %dma_start3A_35] : memref<204800x16xf32, #tpu.memory_space<hbm>> -> memref<204800x16xf32, #tpu.memory_space<hbm>>
    tpu.enqueue_indirect_dma source(%dma_start3A_36 : memref<204800x16xf32, #tpu.memory_space<hbm>>) target(%dma_start3A_31 : memref<128x16xf32, #tpu.memory_space<vmem>>) offsets(%dma_start3A_33 : memref<128xi32, #tpu.memory_space<vmem>>) semaphore(%arg8 : memref<!tpu.dma_semaphore, #tpu.memory_space<semaphore_mem>>)
    %dma_start3A_37 = arith.constant 512 : i32
    %dma_start3A_38 = arith.constant 0 : i32
    %dma_start3A_39 = tpu.memref_slice %arg6[%dma_start3A_37, %dma_start3A_38] : memref<5120x16xf32, #tpu.memory_space<vmem>> -> memref<128x16xf32, #tpu.memory_space<vmem>>
    %dma_start3A_40 = arith.constant 512 : i32
    %dma_start3A_41 = tpu.memref_slice %arg5[%dma_start3A_40] : memref<10240xi32, #tpu.memory_space<vmem>> -> memref<128xi32, #tpu.memory_space<vmem>>
    %dma_start3A_42 = arith.constant 0 : i32
    %dma_start3A_43 = arith.constant 0 : i32
    %dma_start3A_44 = tpu.memref_slice %arg3[%dma_start3A_42, %dma_start3A_43] : memref<204800x16xf32, #tpu.memory_space<hbm>> -> memref<204800x16xf32, #tpu.memory_space<hbm>>
    tpu.enqueue_indirect_dma source(%dma_start3A_44 : memref<204800x16xf32, #tpu.memory_space<hbm>>) target(%dma_start3A_39 : memref<128x16xf32, #tpu.memory_space<vmem>>) offsets(%dma_start3A_41 : memref<128xi32, #tpu.memory_space<vmem>>) semaphore(%arg8 : memref<!tpu.dma_semaphore, #tpu.memory_space<semaphore_mem>>)
    %dma_start3A_45 = arith.constant 640 : i32
    %dma_start3A_46 = arith.constant 0 : i32
    %dma_start3A_47 = tpu.memref_slice %arg6[%dma_start3A_45, %dma_start3A_46] : memref<5120x16xf32, #tpu.memory_space<vmem>> -> memref<128x16xf32, #tpu.memory_space<vmem>>
    %dma_start3A_48 = arith.constant 640 : i32
    %dma_start3A_49 = tpu.memref_slice %arg5[%dma_start3A_48] : memref<10240xi32, #tpu.memory_space<vmem>> -> memref<128xi32, #tpu.memory_space<vmem>>
    %dma_start3A_50 = arith.constant 0 : i32
    %dma_start3A_51 = arith.constant 0 : i32
    %dma_start3A_52 = tpu.memref_slice %arg3[%dma_start3A_50, %dma_start3A_51] : memref<204800x16xf32, #tpu.memory_space<hbm>> -> memref<204800x16xf32, #tpu.memory_space<hbm>>
    tpu.enqueue_indirect_dma source(%dma_start3A_52 : memref<204800x16xf32, #tpu.memory_space<hbm>>) target(%dma_start3A_47 : memref<128x16xf32, #tpu.memory_space<vmem>>) offsets(%dma_start3A_49 : memref<128xi32, #tpu.memory_space<vmem>>) semaphore(%arg8 : memref<!tpu.dma_semaphore, #tpu.memory_space<semaphore_mem>>)
    %dma_start3A_53 = arith.constant 768 : i32
    %dma_start3A_54 = arith.constant 0 : i32
    %dma_start3A_55 = tpu.memref_slice %arg6[%dma_start3A_53, %dma_start3A_54] : memref<5120x16xf32, #tpu.memory_space<vmem>> -> memref<128x16xf32, #tpu.memory_space<vmem>>
    %dma_start3A_56 = arith.constant 768 : i32
    %dma_start3A_57 = tpu.memref_slice %arg5[%dma_start3A_56] : memref<10240xi32, #tpu.memory_space<vmem>> -> memref<128xi32, #tpu.memory_space<vmem>>
    %dma_start3A_58 = arith.constant 0 : i32
    %dma_start3A_59 = arith.constant 0 : i32
    %dma_start3A_60 = tpu.memref_slice %arg3[%dma_start3A_58, %dma_start3A_59] : memref<204800x16xf32, #tpu.memory_space<hbm>> -> memref<204800x16xf32, #tpu.memory_space<hbm>>
    tpu.enqueue_indirect_dma source(%dma_start3A_60 : memref<204800x16xf32, #tpu.memory_space<hbm>>) target(%dma_start3A_55 : memref<128x16xf32, #tpu.memory_space<vmem>>) offsets(%dma_start3A_57 : memref<128xi32, #tpu.memory_space<vmem>>) semaphore(%arg8 : memref<!tpu.dma_semaphore, #tpu.memory_space<semaphore_mem>>)
    %dma_start3A_61 = arith.constant 896 : i32
    %dma_start3A_62 = arith.constant 0 : i32
    %dma_start3A_63 = tpu.memref_slice %arg6[%dma_start3A_61, %dma_start3A_62] : memref<5120x16xf32, #tpu.memory_space<vmem>> -> memref<128x16xf32, #tpu.memory_space<vmem>>
    %dma_start3A_64 = arith.constant 896 : i32
    %dma_start3A_65 = tpu.memref_slice %arg5[%dma_start3A_64] : memref<10240xi32, #tpu.memory_space<vmem>> -> memref<128xi32, #tpu.memory_space<vmem>>
    %dma_start3A_66 = arith.constant 0 : i32
    %dma_start3A_67 = arith.constant 0 : i32
    %dma_start3A_68 = tpu.memref_slice %arg3[%dma_start3A_66, %dma_start3A_67] : memref<204800x16xf32, #tpu.memory_space<hbm>> -> memref<204800x16xf32, #tpu.memory_space<hbm>>
    tpu.enqueue_indirect_dma source(%dma_start3A_68 : memref<204800x16xf32, #tpu.memory_space<hbm>>) target(%dma_start3A_63 : memref<128x16xf32, #tpu.memory_space<vmem>>) offsets(%dma_start3A_65 : memref<128xi32, #tpu.memory_space<vmem>>) semaphore(%arg8 : memref<!tpu.dma_semaphore, #tpu.memory_space<semaphore_mem>>)
    %dma_start3A_69 = arith.constant 1024 : i32
    %dma_start3A_70 = arith.constant 0 : i32
    %dma_start3A_71 = tpu.memref_slice %arg6[%dma_start3A_69, %dma_start3A_70] : memref<5120x16xf32, #tpu.memory_space<vmem>> -> memref<128x16xf32, #tpu.memory_space<vmem>>
    %dma_start3A_72 = arith.constant 1024 : i32
    %dma_start3A_73 = tpu.memref_slice %arg5[%dma_start3A_72] : memref<10240xi32, #tpu.memory_space<vmem>> -> memref<128xi32, #tpu.memory_space<vmem>>
    %dma_start3A_74 = arith.constant 0 : i32
    %dma_start3A_75 = arith.constant 0 : i32
    %dma_start3A_76 = tpu.memref_slice %arg3[%dma_start3A_74, %dma_start3A_75] : memref<204800x16xf32, #tpu.memory_space<hbm>> -> memref<204800x16xf32, #tpu.memory_space<hbm>>
    tpu.enqueue_indirect_dma source(%dma_start3A_76 : memref<204800x16xf32, #tpu.memory_space<hbm>>) target(%dma_start3A_71 : memref<128x16xf32, #tpu.memory_space<vmem>>) offsets(%dma_start3A_73 : memref<128xi32, #tpu.memory_space<vmem>>) semaphore(%arg8 : memref<!tpu.dma_semaphore, #tpu.memory_space<semaphore_mem>>)
    %dma_start3A_77 = arith.constant 1152 : i32
    %dma_start3A_78 = arith.constant 0 : i32
    %dma_start3A_79 = tpu.memref_slice %arg6[%dma_start3A_77, %dma_start3A_78] : memref<5120x16xf32, #tpu.memory_space<vmem>> -> memref<128x16xf32, #tpu.memory_space<vmem>>
    %dma_start3A_80 = arith.constant 1152 : i32
    %dma_start3A_81 = tpu.memref_slice %arg5[%dma_start3A_80] : memref<10240xi32, #tpu.memory_space<vmem>> -> memref<128xi32, #tpu.memory_space<vmem>>
    %dma_start3A_82 = arith.constant 0 : i32
    %dma_start3A_83 = arith.constant 0 : i32
    %dma_start3A_84 = tpu.memref_slice %arg3[%dma_start3A_82, %dma_start3A_83] : memref<204800x16xf32, #tpu.memory_space<hbm>> -> memref<204800x16xf32, #tpu.memory_space<hbm>>
    tpu.enqueue_indirect_dma source(%dma_start3A_84 : memref<204800x16xf32, #tpu.memory_space<hbm>>) target(%dma_start3A_79 : memref<128x16xf32, #tpu.memory_space<vmem>>) offsets(%dma_start3A_81 : memref<128xi32, #tpu.memory_space<vmem>>) semaphore(%arg8 : memref<!tpu.dma_semaphore, #tpu.memory_space<semaphore_mem>>)
    %dma_start3A_85 = arith.constant 1280 : i32
    %dma_start3A_86 = arith.constant 0 : i32
    %dma_start3A_87 = tpu.memref_slice %arg6[%dma_start3A_85, %dma_start3A_86] : memref<5120x16xf32, #tpu.memory_space<vmem>> -> memref<128x16xf32, #tpu.memory_space<vmem>>
    %dma_start3A_88 = arith.constant 1280 : i32
    %dma_start3A_89 = tpu.memref_slice %arg5[%dma_start3A_88] : memref<10240xi32, #tpu.memory_space<vmem>> -> memref<128xi32, #tpu.memory_space<vmem>>
    %dma_start3A_90 = arith.constant 0 : i32
    %dma_start3A_91 = arith.constant 0 : i32
    %dma_start3A_92 = tpu.memref_slice %arg3[%dma_start3A_90, %dma_start3A_91] : memref<204800x16xf32, #tpu.memory_space<hbm>> -> memref<204800x16xf32, #tpu.memory_space<hbm>>
    tpu.enqueue_indirect_dma source(%dma_start3A_92 : memref<204800x16xf32, #tpu.memory_space<hbm>>) target(%dma_start3A_87 : memref<128x16xf32, #tpu.memory_space<vmem>>) offsets(%dma_start3A_89 : memref<128xi32, #tpu.memory_space<vmem>>) semaphore(%arg8 : memref<!tpu.dma_semaphore, #tpu.memory_space<semaphore_mem>>)
    %dma_start3A_93 = arith.constant 1408 : i32
    %dma_start3A_94 = arith.constant 0 : i32
    %dma_start3A_95 = tpu.memref_slice %arg6[%dma_start3A_93, %dma_start3A_94] : memref<5120x16xf32, #tpu.memory_space<vmem>> -> memref<128x16xf32, #tpu.memory_space<vmem>>
    %dma_start3A_96 = arith.constant 1408 : i32
    %dma_start3A_97 = tpu.memref_slice %arg5[%dma_start3A_96] : memref<10240xi32, #tpu.memory_space<vmem>> -> memref<128xi32, #tpu.memory_space<vmem>>
    %dma_start3A_98 = arith.constant 0 : i32
    %dma_start3A_99 = arith.constant 0 : i32
    %dma_start3A_100 = tpu.memref_slice %arg3[%dma_start3A_98, %dma_start3A_99] : memref<204800x16xf32, #tpu.memory_space<hbm>> -> memref<204800x16xf32, #tpu.memory_space<hbm>>
    tpu.enqueue_indirect_dma source(%dma_start3A_100 : memref<204800x16xf32, #tpu.memory_space<hbm>>) target(%dma_start3A_95 : memref<128x16xf32, #tpu.memory_space<vmem>>) offsets(%dma_start3A_97 : memref<128xi32, #tpu.memory_space<vmem>>) semaphore(%arg8 : memref<!tpu.dma_semaphore, #tpu.memory_space<semaphore_mem>>)
    %dma_start3A_101 = arith.constant 1536 : i32
    %dma_start3A_102 = arith.constant 0 : i32
    %dma_start3A_103 = tpu.memref_slice %arg6[%dma_start3A_101, %dma_start3A_102] : memref<5120x16xf32, #tpu.memory_space<vmem>> -> memref<128x16xf32, #tpu.memory_space<vmem>>
    %dma_start3A_104 = arith.constant 1536 : i32
    %dma_start3A_105 = tpu.memref_slice %arg5[%dma_start3A_104] : memref<10240xi32, #tpu.memory_space<vmem>> -> memref<128xi32, #tpu.memory_space<vmem>>
    %dma_start3A_106 = arith.constant 0 : i32
    %dma_start3A_107 = arith.constant 0 : i32
    %dma_start3A_108 = tpu.memref_slice %arg3[%dma_start3A_106, %dma_start3A_107] : memref<204800x16xf32, #tpu.memory_space<hbm>> -> memref<204800x16xf32, #tpu.memory_space<hbm>>
    tpu.enqueue_indirect_dma source(%dma_start3A_108 : memref<204800x16xf32, #tpu.memory_space<hbm>>) target(%dma_start3A_103 : memref<128x16xf32, #tpu.memory_space<vmem>>) offsets(%dma_start3A_105 : memref<128xi32, #tpu.memory_space<vmem>>) semaphore(%arg8 : memref<!tpu.dma_semaphore, #tpu.memory_space<semaphore_mem>>)
    %dma_start3A_109 = arith.constant 1664 : i32
    %dma_start3A_110 = arith.constant 0 : i32
    %dma_start3A_111 = tpu.memref_slice %arg6[%dma_start3A_109, %dma_start3A_110] : memref<5120x16xf32, #tpu.memory_space<vmem>> -> memref<128x16xf32, #tpu.memory_space<vmem>>
    %dma_start3A_112 = arith.constant 1664 : i32
    %dma_start3A_113 = tpu.memref_slice %arg5[%dma_start3A_112] : memref<10240xi32, #tpu.memory_space<vmem>> -> memref<128xi32, #tpu.memory_space<vmem>>
    %dma_start3A_114 = arith.constant 0 : i32
    %dma_start3A_115 = arith.constant 0 : i32
    %dma_start3A_116 = tpu.memref_slice %arg3[%dma_start3A_114, %dma_start3A_115] : memref<204800x16xf32, #tpu.memory_space<hbm>> -> memref<204800x16xf32, #tpu.memory_space<hbm>>
    tpu.enqueue_indirect_dma source(%dma_start3A_116 : memref<204800x16xf32, #tpu.memory_space<hbm>>) target(%dma_start3A_111 : memref<128x16xf32, #tpu.memory_space<vmem>>) offsets(%dma_start3A_113 : memref<128xi32, #tpu.memory_space<vmem>>) semaphore(%arg8 : memref<!tpu.dma_semaphore, #tpu.memory_space<semaphore_mem>>)
    %dma_start3A_117 = arith.constant 1792 : i32
    %dma_start3A_118 = arith.constant 0 : i32
    %dma_start3A_119 = tpu.memref_slice %arg6[%dma_start3A_117, %dma_start3A_118] : memref<5120x16xf32, #tpu.memory_space<vmem>> -> memref<128x16xf32, #tpu.memory_space<vmem>>
    %dma_start3A_120 = arith.constant 1792 : i32
    %dma_start3A_121 = tpu.memref_slice %arg5[%dma_start3A_120] : memref<10240xi32, #tpu.memory_space<vmem>> -> memref<128xi32, #tpu.memory_space<vmem>>
    %dma_start3A_122 = arith.constant 0 : i32
    %dma_start3A_123 = arith.constant 0 : i32
    %dma_start3A_124 = tpu.memref_slice %arg3[%dma_start3A_122, %dma_start3A_123] : memref<204800x16xf32, #tpu.memory_space<hbm>> -> memref<204800x16xf32, #tpu.memory_space<hbm>>
    tpu.enqueue_indirect_dma source(%dma_start3A_124 : memref<204800x16xf32, #tpu.memory_space<hbm>>) target(%dma_start3A_119 : memref<128x16xf32, #tpu.memory_space<vmem>>) offsets(%dma_start3A_121 : memref<128xi32, #tpu.memory_space<vmem>>) semaphore(%arg8 : memref<!tpu.dma_semaphore, #tpu.memory_space<semaphore_mem>>)
    %dma_start3A_125 = arith.constant 1920 : i32
    %dma_start3A_126 = arith.constant 0 : i32
    %dma_start3A_127 = tpu.memref_slice %arg6[%dma_start3A_125, %dma_start3A_126] : memref<5120x16xf32, #tpu.memory_space<vmem>> -> memref<128x16xf32, #tpu.memory_space<vmem>>
    %dma_start3A_128 = arith.constant 1920 : i32
    %dma_start3A_129 = tpu.memref_slice %arg5[%dma_start3A_128] : memref<10240xi32, #tpu.memory_space<vmem>> -> memref<128xi32, #tpu.memory_space<vmem>>
    %dma_start3A_130 = arith.constant 0 : i32
    %dma_start3A_131 = arith.constant 0 : i32
    %dma_start3A_132 = tpu.memref_slice %arg3[%dma_start3A_130, %dma_start3A_131] : memref<204800x16xf32, #tpu.memory_space<hbm>> -> memref<204800x16xf32, #tpu.memory_space<hbm>>
    tpu.enqueue_indirect_dma source(%dma_start3A_132 : memref<204800x16xf32, #tpu.memory_space<hbm>>) target(%dma_start3A_127 : memref<128x16xf32, #tpu.memory_space<vmem>>) offsets(%dma_start3A_129 : memref<128xi32, #tpu.memory_space<vmem>>) semaphore(%arg8 : memref<!tpu.dma_semaphore, #tpu.memory_space<semaphore_mem>>)
    %dma_start3A_133 = arith.constant 2048 : i32
    %dma_start3A_134 = arith.constant 0 : i32
    %dma_start3A_135 = tpu.memref_slice %arg6[%dma_start3A_133, %dma_start3A_134] : memref<5120x16xf32, #tpu.memory_space<vmem>> -> memref<128x16xf32, #tpu.memory_space<vmem>>
    %dma_start3A_136 = arith.constant 2048 : i32
    %dma_start3A_137 = tpu.memref_slice %arg5[%dma_start3A_136] : memref<10240xi32, #tpu.memory_space<vmem>> -> memref<128xi32, #tpu.memory_space<vmem>>
    %dma_start3A_138 = arith.constant 0 : i32
    %dma_start3A_139 = arith.constant 0 : i32
    %dma_start3A_140 = tpu.memref_slice %arg3[%dma_start3A_138, %dma_start3A_139] : memref<204800x16xf32, #tpu.memory_space<hbm>> -> memref<204800x16xf32, #tpu.memory_space<hbm>>
    tpu.enqueue_indirect_dma source(%dma_start3A_140 : memref<204800x16xf32, #tpu.memory_space<hbm>>) target(%dma_start3A_135 : memref<128x16xf32, #tpu.memory_space<vmem>>) offsets(%dma_start3A_137 : memref<128xi32, #tpu.memory_space<vmem>>) semaphore(%arg8 : memref<!tpu.dma_semaphore, #tpu.memory_space<semaphore_mem>>)
    %dma_start3A_141 = arith.constant 2176 : i32
    %dma_start3A_142 = arith.constant 0 : i32
    %dma_start3A_143 = tpu.memref_slice %arg6[%dma_start3A_141, %dma_start3A_142] : memref<5120x16xf32, #tpu.memory_space<vmem>> -> memref<128x16xf32, #tpu.memory_space<vmem>>
    %dma_start3A_144 = arith.constant 2176 : i32
    %dma_start3A_145 = tpu.memref_slice %arg5[%dma_start3A_144] : memref<10240xi32, #tpu.memory_space<vmem>> -> memref<128xi32, #tpu.memory_space<vmem>>
    %dma_start3A_146 = arith.constant 0 : i32
    %dma_start3A_147 = arith.constant 0 : i32
    %dma_start3A_148 = tpu.memref_slice %arg3[%dma_start3A_146, %dma_start3A_147] : memref<204800x16xf32, #tpu.memory_space<hbm>> -> memref<204800x16xf32, #tpu.memory_space<hbm>>
    tpu.enqueue_indirect_dma source(%dma_start3A_148 : memref<204800x16xf32, #tpu.memory_space<hbm>>) target(%dma_start3A_143 : memref<128x16xf32, #tpu.memory_space<vmem>>) offsets(%dma_start3A_145 : memref<128xi32, #tpu.memory_space<vmem>>) semaphore(%arg8 : memref<!tpu.dma_semaphore, #tpu.memory_space<semaphore_mem>>)
    %dma_start3A_149 = arith.constant 2304 : i32
    %dma_start3A_150 = arith.constant 0 : i32
    %dma_start3A_151 = tpu.memref_slice %arg6[%dma_start3A_149, %dma_start3A_150] : memref<5120x16xf32, #tpu.memory_space<vmem>> -> memref<128x16xf32, #tpu.memory_space<vmem>>
    %dma_start3A_152 = arith.constant 2304 : i32
    %dma_start3A_153 = tpu.memref_slice %arg5[%dma_start3A_152] : memref<10240xi32, #tpu.memory_space<vmem>> -> memref<128xi32, #tpu.memory_space<vmem>>
    %dma_start3A_154 = arith.constant 0 : i32
    %dma_start3A_155 = arith.constant 0 : i32
    %dma_start3A_156 = tpu.memref_slice %arg3[%dma_start3A_154, %dma_start3A_155] : memref<204800x16xf32, #tpu.memory_space<hbm>> -> memref<204800x16xf32, #tpu.memory_space<hbm>>
    tpu.enqueue_indirect_dma source(%dma_start3A_156 : memref<204800x16xf32, #tpu.memory_space<hbm>>) target(%dma_start3A_151 : memref<128x16xf32, #tpu.memory_space<vmem>>) offsets(%dma_start3A_153 : memref<128xi32, #tpu.memory_space<vmem>>) semaphore(%arg8 : memref<!tpu.dma_semaphore, #tpu.memory_space<semaphore_mem>>)
    %dma_start3A_157 = arith.constant 2432 : i32
    %dma_start3A_158 = arith.constant 0 : i32
    %dma_start3A_159 = tpu.memref_slice %arg6[%dma_start3A_157, %dma_start3A_158] : memref<5120x16xf32, #tpu.memory_space<vmem>> -> memref<128x16xf32, #tpu.memory_space<vmem>>
    %dma_start3A_160 = arith.constant 2432 : i32
    %dma_start3A_161 = tpu.memref_slice %arg5[%dma_start3A_160] : memref<10240xi32, #tpu.memory_space<vmem>> -> memref<128xi32, #tpu.memory_space<vmem>>
    %dma_start3A_162 = arith.constant 0 : i32
    %dma_start3A_163 = arith.constant 0 : i32
    %dma_start3A_164 = tpu.memref_slice %arg3[%dma_start3A_162, %dma_start3A_163] : memref<204800x16xf32, #tpu.memory_space<hbm>> -> memref<204800x16xf32, #tpu.memory_space<hbm>>
    tpu.enqueue_indirect_dma source(%dma_start3A_164 : memref<204800x16xf32, #tpu.memory_space<hbm>>) target(%dma_start3A_159 : memref<128x16xf32, #tpu.memory_space<vmem>>) offsets(%dma_start3A_161 : memref<128xi32, #tpu.memory_space<vmem>>) semaphore(%arg8 : memref<!tpu.dma_semaphore, #tpu.memory_space<semaphore_mem>>)
    %dma_start3A_165 = arith.constant 2560 : i32
    %dma_start3A_166 = arith.constant 0 : i32
    %dma_start3A_167 = tpu.memref_slice %arg6[%dma_start3A_165, %dma_start3A_166] : memref<5120x16xf32, #tpu.memory_space<vmem>> -> memref<128x16xf32, #tpu.memory_space<vmem>>
    %dma_start3A_168 = arith.constant 2560 : i32
    %dma_start3A_169 = tpu.memref_slice %arg5[%dma_start3A_168] : memref<10240xi32, #tpu.memory_space<vmem>> -> memref<128xi32, #tpu.memory_space<vmem>>
    %dma_start3A_170 = arith.constant 0 : i32
    %dma_start3A_171 = arith.constant 0 : i32
    %dma_start3A_172 = tpu.memref_slice %arg3[%dma_start3A_170, %dma_start3A_171] : memref<204800x16xf32, #tpu.memory_space<hbm>> -> memref<204800x16xf32, #tpu.memory_space<hbm>>
    tpu.enqueue_indirect_dma source(%dma_start3A_172 : memref<204800x16xf32, #tpu.memory_space<hbm>>) target(%dma_start3A_167 : memref<128x16xf32, #tpu.memory_space<vmem>>) offsets(%dma_start3A_169 : memref<128xi32, #tpu.memory_space<vmem>>) semaphore(%arg8 : memref<!tpu.dma_semaphore, #tpu.memory_space<semaphore_mem>>)
    %dma_start3A_173 = arith.constant 2688 : i32
    %dma_start3A_174 = arith.constant 0 : i32
    %dma_start3A_175 = tpu.memref_slice %arg6[%dma_start3A_173, %dma_start3A_174] : memref<5120x16xf32, #tpu.memory_space<vmem>> -> memref<128x16xf32, #tpu.memory_space<vmem>>
    %dma_start3A_176 = arith.constant 2688 : i32
    %dma_start3A_177 = tpu.memref_slice %arg5[%dma_start3A_176] : memref<10240xi32, #tpu.memory_space<vmem>> -> memref<128xi32, #tpu.memory_space<vmem>>
    %dma_start3A_178 = arith.constant 0 : i32
    %dma_start3A_179 = arith.constant 0 : i32
    %dma_start3A_180 = tpu.memref_slice %arg3[%dma_start3A_178, %dma_start3A_179] : memref<204800x16xf32, #tpu.memory_space<hbm>> -> memref<204800x16xf32, #tpu.memory_space<hbm>>
    tpu.enqueue_indirect_dma source(%dma_start3A_180 : memref<204800x16xf32, #tpu.memory_space<hbm>>) target(%dma_start3A_175 : memref<128x16xf32, #tpu.memory_space<vmem>>) offsets(%dma_start3A_177 : memref<128xi32, #tpu.memory_space<vmem>>) semaphore(%arg8 : memref<!tpu.dma_semaphore, #tpu.memory_space<semaphore_mem>>)
    %dma_start3A_181 = arith.constant 2816 : i32
    %dma_start3A_182 = arith.constant 0 : i32
    %dma_start3A_183 = tpu.memref_slice %arg6[%dma_start3A_181, %dma_start3A_182] : memref<5120x16xf32, #tpu.memory_space<vmem>> -> memref<128x16xf32, #tpu.memory_space<vmem>>
    %dma_start3A_184 = arith.constant 2816 : i32
    %dma_start3A_185 = tpu.memref_slice %arg5[%dma_start3A_184] : memref<10240xi32, #tpu.memory_space<vmem>> -> memref<128xi32, #tpu.memory_space<vmem>>
    %dma_start3A_186 = arith.constant 0 : i32
    %dma_start3A_187 = arith.constant 0 : i32
    %dma_start3A_188 = tpu.memref_slice %arg3[%dma_start3A_186, %dma_start3A_187] : memref<204800x16xf32, #tpu.memory_space<hbm>> -> memref<204800x16xf32, #tpu.memory_space<hbm>>
    tpu.enqueue_indirect_dma source(%dma_start3A_188 : memref<204800x16xf32, #tpu.memory_space<hbm>>) target(%dma_start3A_183 : memref<128x16xf32, #tpu.memory_space<vmem>>) offsets(%dma_start3A_185 : memref<128xi32, #tpu.memory_space<vmem>>) semaphore(%arg8 : memref<!tpu.dma_semaphore, #tpu.memory_space<semaphore_mem>>)
    %dma_start3A_189 = arith.constant 2944 : i32
    %dma_start3A_190 = arith.constant 0 : i32
    %dma_start3A_191 = tpu.memref_slice %arg6[%dma_start3A_189, %dma_start3A_190] : memref<5120x16xf32, #tpu.memory_space<vmem>> -> memref<128x16xf32, #tpu.memory_space<vmem>>
    %dma_start3A_192 = arith.constant 2944 : i32
    %dma_start3A_193 = tpu.memref_slice %arg5[%dma_start3A_192] : memref<10240xi32, #tpu.memory_space<vmem>> -> memref<128xi32, #tpu.memory_space<vmem>>
    %dma_start3A_194 = arith.constant 0 : i32
    %dma_start3A_195 = arith.constant 0 : i32
    %dma_start3A_196 = tpu.memref_slice %arg3[%dma_start3A_194, %dma_start3A_195] : memref<204800x16xf32, #tpu.memory_space<hbm>> -> memref<204800x16xf32, #tpu.memory_space<hbm>>
    tpu.enqueue_indirect_dma source(%dma_start3A_196 : memref<204800x16xf32, #tpu.memory_space<hbm>>) target(%dma_start3A_191 : memref<128x16xf32, #tpu.memory_space<vmem>>) offsets(%dma_start3A_193 : memref<128xi32, #tpu.memory_space<vmem>>) semaphore(%arg8 : memref<!tpu.dma_semaphore, #tpu.memory_space<semaphore_mem>>)
    %dma_start3A_197 = arith.constant 3072 : i32
    %dma_start3A_198 = arith.constant 0 : i32
    %dma_start3A_199 = tpu.memref_slice %arg6[%dma_start3A_197, %dma_start3A_198] : memref<5120x16xf32, #tpu.memory_space<vmem>> -> memref<128x16xf32, #tpu.memory_space<vmem>>
    %dma_start3A_200 = arith.constant 3072 : i32
    %dma_start3A_201 = tpu.memref_slice %arg5[%dma_start3A_200] : memref<10240xi32, #tpu.memory_space<vmem>> -> memref<128xi32, #tpu.memory_space<vmem>>
    %dma_start3A_202 = arith.constant 0 : i32
    %dma_start3A_203 = arith.constant 0 : i32
    %dma_start3A_204 = tpu.memref_slice %arg3[%dma_start3A_202, %dma_start3A_203] : memref<204800x16xf32, #tpu.memory_space<hbm>> -> memref<204800x16xf32, #tpu.memory_space<hbm>>
    tpu.enqueue_indirect_dma source(%dma_start3A_204 : memref<204800x16xf32, #tpu.memory_space<hbm>>) target(%dma_start3A_199 : memref<128x16xf32, #tpu.memory_space<vmem>>) offsets(%dma_start3A_201 : memref<128xi32, #tpu.memory_space<vmem>>) semaphore(%arg8 : memref<!tpu.dma_semaphore, #tpu.memory_space<semaphore_mem>>)
    %dma_start3A_205 = arith.constant 3200 : i32
    %dma_start3A_206 = arith.constant 0 : i32
    %dma_start3A_207 = tpu.memref_slice %arg6[%dma_start3A_205, %dma_start3A_206] : memref<5120x16xf32, #tpu.memory_space<vmem>> -> memref<128x16xf32, #tpu.memory_space<vmem>>
    %dma_start3A_208 = arith.constant 3200 : i32
    %dma_start3A_209 = tpu.memref_slice %arg5[%dma_start3A_208] : memref<10240xi32, #tpu.memory_space<vmem>> -> memref<128xi32, #tpu.memory_space<vmem>>
    %dma_start3A_210 = arith.constant 0 : i32
    %dma_start3A_211 = arith.constant 0 : i32
    %dma_start3A_212 = tpu.memref_slice %arg3[%dma_start3A_210, %dma_start3A_211] : memref<204800x16xf32, #tpu.memory_space<hbm>> -> memref<204800x16xf32, #tpu.memory_space<hbm>>
    tpu.enqueue_indirect_dma source(%dma_start3A_212 : memref<204800x16xf32, #tpu.memory_space<hbm>>) target(%dma_start3A_207 : memref<128x16xf32, #tpu.memory_space<vmem>>) offsets(%dma_start3A_209 : memref<128xi32, #tpu.memory_space<vmem>>) semaphore(%arg8 : memref<!tpu.dma_semaphore, #tpu.memory_space<semaphore_mem>>)
    %dma_start3A_213 = arith.constant 3328 : i32
    %dma_start3A_214 = arith.constant 0 : i32
    %dma_start3A_215 = tpu.memref_slice %arg6[%dma_start3A_213, %dma_start3A_214] : memref<5120x16xf32, #tpu.memory_space<vmem>> -> memref<128x16xf32, #tpu.memory_space<vmem>>
    %dma_start3A_216 = arith.constant 3328 : i32
    %dma_start3A_217 = tpu.memref_slice %arg5[%dma_start3A_216] : memref<10240xi32, #tpu.memory_space<vmem>> -> memref<128xi32, #tpu.memory_space<vmem>>
    %dma_start3A_218 = arith.constant 0 : i32
    %dma_start3A_219 = arith.constant 0 : i32
    %dma_start3A_220 = tpu.memref_slice %arg3[%dma_start3A_218, %dma_start3A_219] : memref<204800x16xf32, #tpu.memory_space<hbm>> -> memref<204800x16xf32, #tpu.memory_space<hbm>>
    tpu.enqueue_indirect_dma source(%dma_start3A_220 : memref<204800x16xf32, #tpu.memory_space<hbm>>) target(%dma_start3A_215 : memref<128x16xf32, #tpu.memory_space<vmem>>) offsets(%dma_start3A_217 : memref<128xi32, #tpu.memory_space<vmem>>) semaphore(%arg8 : memref<!tpu.dma_semaphore, #tpu.memory_space<semaphore_mem>>)
    %dma_start3A_221 = arith.constant 3456 : i32
    %dma_start3A_222 = arith.constant 0 : i32
    %dma_start3A_223 = tpu.memref_slice %arg6[%dma_start3A_221, %dma_start3A_222] : memref<5120x16xf32, #tpu.memory_space<vmem>> -> memref<128x16xf32, #tpu.memory_space<vmem>>
    %dma_start3A_224 = arith.constant 3456 : i32
    %dma_start3A_225 = tpu.memref_slice %arg5[%dma_start3A_224] : memref<10240xi32, #tpu.memory_space<vmem>> -> memref<128xi32, #tpu.memory_space<vmem>>
    %dma_start3A_226 = arith.constant 0 : i32
    %dma_start3A_227 = arith.constant 0 : i32
    %dma_start3A_228 = tpu.memref_slice %arg3[%dma_start3A_226, %dma_start3A_227] : memref<204800x16xf32, #tpu.memory_space<hbm>> -> memref<204800x16xf32, #tpu.memory_space<hbm>>
    tpu.enqueue_indirect_dma source(%dma_start3A_228 : memref<204800x16xf32, #tpu.memory_space<hbm>>) target(%dma_start3A_223 : memref<128x16xf32, #tpu.memory_space<vmem>>) offsets(%dma_start3A_225 : memref<128xi32, #tpu.memory_space<vmem>>) semaphore(%arg8 : memref<!tpu.dma_semaphore, #tpu.memory_space<semaphore_mem>>)
    %dma_start3A_229 = arith.constant 3584 : i32
    %dma_start3A_230 = arith.constant 0 : i32
    %dma_start3A_231 = tpu.memref_slice %arg6[%dma_start3A_229, %dma_start3A_230] : memref<5120x16xf32, #tpu.memory_space<vmem>> -> memref<128x16xf32, #tpu.memory_space<vmem>>
    %dma_start3A_232 = arith.constant 3584 : i32
    %dma_start3A_233 = tpu.memref_slice %arg5[%dma_start3A_232] : memref<10240xi32, #tpu.memory_space<vmem>> -> memref<128xi32, #tpu.memory_space<vmem>>
    %dma_start3A_234 = arith.constant 0 : i32
    %dma_start3A_235 = arith.constant 0 : i32
    %dma_start3A_236 = tpu.memref_slice %arg3[%dma_start3A_234, %dma_start3A_235] : memref<204800x16xf32, #tpu.memory_space<hbm>> -> memref<204800x16xf32, #tpu.memory_space<hbm>>
    tpu.enqueue_indirect_dma source(%dma_start3A_236 : memref<204800x16xf32, #tpu.memory_space<hbm>>) target(%dma_start3A_231 : memref<128x16xf32, #tpu.memory_space<vmem>>) offsets(%dma_start3A_233 : memref<128xi32, #tpu.memory_space<vmem>>) semaphore(%arg8 : memref<!tpu.dma_semaphore, #tpu.memory_space<semaphore_mem>>)
    %dma_start3A_237 = arith.constant 3712 : i32
    %dma_start3A_238 = arith.constant 0 : i32
    %dma_start3A_239 = tpu.memref_slice %arg6[%dma_start3A_237, %dma_start3A_238] : memref<5120x16xf32, #tpu.memory_space<vmem>> -> memref<128x16xf32, #tpu.memory_space<vmem>>
    %dma_start3A_240 = arith.constant 3712 : i32
    %dma_start3A_241 = tpu.memref_slice %arg5[%dma_start3A_240] : memref<10240xi32, #tpu.memory_space<vmem>> -> memref<128xi32, #tpu.memory_space<vmem>>
    %dma_start3A_242 = arith.constant 0 : i32
    %dma_start3A_243 = arith.constant 0 : i32
    %dma_start3A_244 = tpu.memref_slice %arg3[%dma_start3A_242, %dma_start3A_243] : memref<204800x16xf32, #tpu.memory_space<hbm>> -> memref<204800x16xf32, #tpu.memory_space<hbm>>
    tpu.enqueue_indirect_dma source(%dma_start3A_244 : memref<204800x16xf32, #tpu.memory_space<hbm>>) target(%dma_start3A_239 : memref<128x16xf32, #tpu.memory_space<vmem>>) offsets(%dma_start3A_241 : memref<128xi32, #tpu.memory_space<vmem>>) semaphore(%arg8 : memref<!tpu.dma_semaphore, #tpu.memory_space<semaphore_mem>>)
    %scan3A = arith.constant 0 : i32
    %scan3A_245 = arith.constant 0 : i32
    %scan3A_246 = arith.constant 8 : i32
    %scan3A_247 = arith.addi %scan3A_245, %scan3A_246 : i32
    %scan3A_248 = arith.constant 1 : i32
    %scan3A_249 = scf.for %scan3A_267 = %scan3A_245 to %scan3A_247 step %scan3A_248 iter_args(%scan3A_268 = %scan3A) -> (i32)  : i32 {
      %jit3A_269 = arith.constant 4 : i32
      %eq3A = arith.constant 0 : i32
      %eq3A_270 = arith.cmpi eq, %jit3A_269, %eq3A : i32
      %jit3A_271 = arith.constant 1 : i32
      %select_n3A_272 = arith.select %eq3A_270, %jit3A_271, %jit3A_269 : i32
      %rem3A_273 = arith.remsi %scan3A_267, %select_n3A_272 : i32
      %ne3A_274 = arith.constant 0 : i32
      %ne3A_275 = arith.cmpi ne, %rem3A_273, %ne3A_274 : i32
      %lt3A = arith.constant 0 : i32
      %lt3A_276 = arith.cmpi slt, %rem3A_273, %lt3A : i32
      %lt3A_277 = arith.constant 0 : i32
      %lt3A_278 = arith.cmpi slt, %select_n3A_272, %lt3A_277 : i32
      %ne3A_279 = arith.xori %lt3A_276, %lt3A_278 : i1
      %and3A_280 = arith.andi %ne3A_279, %ne3A_275 : i1
      %add3A_281 = arith.addi %rem3A_273, %select_n3A_272 : i32
      %select_n3A_282 = arith.select %and3A_280, %add3A_281, %rem3A_273 : i32
      %mul3A_283 = arith.constant 1280 : i32
      %mul3A_284 = arith.muli %select_n3A_282, %mul3A_283 : i32
      %dma_wait3A = arith.constant 0 : i32
      %dma_wait3A_285 = tpu.memref_slice %arg6[%mul3A_284, %dma_wait3A] : memref<5120x16xf32, #tpu.memory_space<vmem>> -> memref<1280x16xf32, #tpu.memory_space<vmem>>
      %dma_wait3A_286 = arith.constant 0 : i32
      %dma_wait3A_287 = arith.constant 0 : i32
      %dma_wait3A_288 = tpu.memref_slice %arg3[%dma_wait3A_286, %dma_wait3A_287] : memref<204800x16xf32, #tpu.memory_space<hbm>> -> memref<1280x16xf32, #tpu.memory_space<hbm>>
      %dma_wait3A_289 = arith.constant 0 : i32
      %dma_wait3A_290 = tpu.memref_slice %arg6[%mul3A_284, %dma_wait3A_289] : memref<5120x16xf32, #tpu.memory_space<vmem>> -> memref<1280x16xf32, #tpu.memory_space<vmem>>
      %dma_wait3A_291 = arith.constant 0 : i32
      %dma_wait3A_292 = arith.constant 0 : i32
      %dma_wait3A_293 = tpu.memref_slice %arg3[%dma_wait3A_291, %dma_wait3A_292] : memref<204800x16xf32, #tpu.memory_space<hbm>> -> memref<1280x16xf32, #tpu.memory_space<hbm>>
      tpu.wait_dma2 semaphore(%arg8 : memref<!tpu.dma_semaphore, #tpu.memory_space<semaphore_mem>>) src(%dma_wait3A_293 : memref<1280x16xf32, #tpu.memory_space<hbm>>) dst(%dma_wait3A_290 : memref<1280x16xf32, #tpu.memory_space<vmem>>)
      %add3A_294 = arith.constant 3 : i32
      %add3A_295 = arith.addi %scan3A_267, %add3A_294 : i32
      %lt3A_296 = arith.constant 8 : i32
      %lt3A_297 = arith.cmpi slt, %add3A_295, %lt3A_296 : i32
      %convert_element_type3A = arith.extui %lt3A_297 : i1 to i32
      %cond3A = arith.constant 0 : i32
      %cond3A_298 = arith.cmpi ne, %convert_element_type3A, %cond3A : i32
      scf.if %cond3A_298 {
        %add3A_307 = arith.constant 3 : i32
        %add3A_308 = arith.addi %scan3A_267, %add3A_307 : i32
        %add3A_309 = arith.constant 3 : i32
        %add3A_310 = arith.addi %scan3A_267, %add3A_309 : i32
        %jit3A_311 = arith.constant 4 : i32
        %eq3A_312 = arith.constant 0 : i32
        %eq3A_313 = arith.cmpi eq, %jit3A_311, %eq3A_312 : i32
        %jit3A_314 = arith.constant 1 : i32
        %select_n3A_315 = arith.select %eq3A_313, %jit3A_314, %jit3A_311 : i32
        %rem3A_316 = arith.remsi %add3A_310, %select_n3A_315 : i32
        %ne3A_317 = arith.constant 0 : i32
        %ne3A_318 = arith.cmpi ne, %rem3A_316, %ne3A_317 : i32
        %lt3A_319 = arith.constant 0 : i32
        %lt3A_320 = arith.cmpi slt, %rem3A_316, %lt3A_319 : i32
        %lt3A_321 = arith.constant 0 : i32
        %lt3A_322 = arith.cmpi slt, %select_n3A_315, %lt3A_321 : i32
        %ne3A_323 = arith.xori %lt3A_320, %lt3A_322 : i1
        %and3A_324 = arith.andi %ne3A_323, %ne3A_318 : i1
        %add3A_325 = arith.addi %rem3A_316, %select_n3A_315 : i32
        %select_n3A_326 = arith.select %and3A_324, %add3A_325, %rem3A_316 : i32
        %mul3A_327 = arith.constant 10 : i32
        %mul3A_328 = arith.muli %add3A_308, %mul3A_327 : i32
        %add3A_329 = arith.constant 0 : i32
        %add3A_330 = arith.addi %mul3A_328, %add3A_329 : i32
        %mul3A_331 = arith.constant 128 : i32
        %mul3A_332 = arith.muli %add3A_330, %mul3A_331 : i32
        %mul3A_333 = arith.constant 1280 : i32
        %mul3A_334 = arith.muli %select_n3A_326, %mul3A_333 : i32
        %add3A_335 = arith.constant 0 : i32
        %add3A_336 = arith.addi %mul3A_334, %add3A_335 : i32
        %dma_start3A_337 = arith.constant 0 : i32
        %dma_start3A_338 = tpu.memref_slice %arg6[%add3A_336, %dma_start3A_337] : memref<5120x16xf32, #tpu.memory_space<vmem>> -> memref<128x16xf32, #tpu.memory_space<vmem>>
        %dma_start3A_339 = tpu.memref_slice %arg5[%mul3A_332] : memref<10240xi32, #tpu.memory_space<vmem>> -> memref<128xi32, #tpu.memory_space<vmem>>
        %dma_start3A_340 = arith.constant 0 : i32
        %dma_start3A_341 = arith.constant 0 : i32
        %dma_start3A_342 = tpu.memref_slice %arg3[%dma_start3A_340, %dma_start3A_341] : memref<204800x16xf32, #tpu.memory_space<hbm>> -> memref<204800x16xf32, #tpu.memory_space<hbm>>
        tpu.enqueue_indirect_dma source(%dma_start3A_342 : memref<204800x16xf32, #tpu.memory_space<hbm>>) target(%dma_start3A_338 : memref<128x16xf32, #tpu.memory_space<vmem>>) offsets(%dma_start3A_339 : memref<128xi32, #tpu.memory_space<vmem>>) semaphore(%arg8 : memref<!tpu.dma_semaphore, #tpu.memory_space<semaphore_mem>>)
        %mul3A_343 = arith.constant 10 : i32
        %mul3A_344 = arith.muli %add3A_308, %mul3A_343 : i32
        %add3A_345 = arith.constant 1 : i32
        %add3A_346 = arith.addi %mul3A_344, %add3A_345 : i32
        %mul3A_347 = arith.constant 128 : i32
        %mul3A_348 = arith.muli %add3A_346, %mul3A_347 : i32
        %mul3A_349 = arith.constant 1280 : i32
        %mul3A_350 = arith.muli %select_n3A_326, %mul3A_349 : i32
        %add3A_351 = arith.constant 128 : i32
        %add3A_352 = arith.addi %mul3A_350, %add3A_351 : i32
        %dma_start3A_353 = arith.constant 0 : i32
        %dma_start3A_354 = tpu.memref_slice %arg6[%add3A_352, %dma_start3A_353] : memref<5120x16xf32, #tpu.memory_space<vmem>> -> memref<128x16xf32, #tpu.memory_space<vmem>>
        %dma_start3A_355 = tpu.memref_slice %arg5[%mul3A_348] : memref<10240xi32, #tpu.memory_space<vmem>> -> memref<128xi32, #tpu.memory_space<vmem>>
        %dma_start3A_356 = arith.constant 0 : i32
        %dma_start3A_357 = arith.constant 0 : i32
        %dma_start3A_358 = tpu.memref_slice %arg3[%dma_start3A_356, %dma_start3A_357] : memref<204800x16xf32, #tpu.memory_space<hbm>> -> memref<204800x16xf32, #tpu.memory_space<hbm>>
        tpu.enqueue_indirect_dma source(%dma_start3A_358 : memref<204800x16xf32, #tpu.memory_space<hbm>>) target(%dma_start3A_354 : memref<128x16xf32, #tpu.memory_space<vmem>>) offsets(%dma_start3A_355 : memref<128xi32, #tpu.memory_space<vmem>>) semaphore(%arg8 : memref<!tpu.dma_semaphore, #tpu.memory_space<semaphore_mem>>)
        %mul3A_359 = arith.constant 10 : i32
        %mul3A_360 = arith.muli %add3A_308, %mul3A_359 : i32
        %add3A_361 = arith.constant 2 : i32
        %add3A_362 = arith.addi %mul3A_360, %add3A_361 : i32
        %mul3A_363 = arith.constant 128 : i32
        %mul3A_364 = arith.muli %add3A_362, %mul3A_363 : i32
        %mul3A_365 = arith.constant 1280 : i32
        %mul3A_366 = arith.muli %select_n3A_326, %mul3A_365 : i32
        %add3A_367 = arith.constant 256 : i32
        %add3A_368 = arith.addi %mul3A_366, %add3A_367 : i32
        %dma_start3A_369 = arith.constant 0 : i32
        %dma_start3A_370 = tpu.memref_slice %arg6[%add3A_368, %dma_start3A_369] : memref<5120x16xf32, #tpu.memory_space<vmem>> -> memref<128x16xf32, #tpu.memory_space<vmem>>
        %dma_start3A_371 = tpu.memref_slice %arg5[%mul3A_364] : memref<10240xi32, #tpu.memory_space<vmem>> -> memref<128xi32, #tpu.memory_space<vmem>>
        %dma_start3A_372 = arith.constant 0 : i32
        %dma_start3A_373 = arith.constant 0 : i32
        %dma_start3A_374 = tpu.memref_slice %arg3[%dma_start3A_372, %dma_start3A_373] : memref<204800x16xf32, #tpu.memory_space<hbm>> -> memref<204800x16xf32, #tpu.memory_space<hbm>>
        tpu.enqueue_indirect_dma source(%dma_start3A_374 : memref<204800x16xf32, #tpu.memory_space<hbm>>) target(%dma_start3A_370 : memref<128x16xf32, #tpu.memory_space<vmem>>) offsets(%dma_start3A_371 : memref<128xi32, #tpu.memory_space<vmem>>) semaphore(%arg8 : memref<!tpu.dma_semaphore, #tpu.memory_space<semaphore_mem>>)
        %mul3A_375 = arith.constant 10 : i32
        %mul3A_376 = arith.muli %add3A_308, %mul3A_375 : i32
        %add3A_377 = arith.constant 3 : i32
        %add3A_378 = arith.addi %mul3A_376, %add3A_377 : i32
        %mul3A_379 = arith.constant 128 : i32
        %mul3A_380 = arith.muli %add3A_378, %mul3A_379 : i32
        %mul3A_381 = arith.constant 1280 : i32
        %mul3A_382 = arith.muli %select_n3A_326, %mul3A_381 : i32
        %add3A_383 = arith.constant 384 : i32
        %add3A_384 = arith.addi %mul3A_382, %add3A_383 : i32
        %dma_start3A_385 = arith.constant 0 : i32
        %dma_start3A_386 = tpu.memref_slice %arg6[%add3A_384, %dma_start3A_385] : memref<5120x16xf32, #tpu.memory_space<vmem>> -> memref<128x16xf32, #tpu.memory_space<vmem>>
        %dma_start3A_387 = tpu.memref_slice %arg5[%mul3A_380] : memref<10240xi32, #tpu.memory_space<vmem>> -> memref<128xi32, #tpu.memory_space<vmem>>
        %dma_start3A_388 = arith.constant 0 : i32
        %dma_start3A_389 = arith.constant 0 : i32
        %dma_start3A_390 = tpu.memref_slice %arg3[%dma_start3A_388, %dma_start3A_389] : memref<204800x16xf32, #tpu.memory_space<hbm>> -> memref<204800x16xf32, #tpu.memory_space<hbm>>
        tpu.enqueue_indirect_dma source(%dma_start3A_390 : memref<204800x16xf32, #tpu.memory_space<hbm>>) target(%dma_start3A_386 : memref<128x16xf32, #tpu.memory_space<vmem>>) offsets(%dma_start3A_387 : memref<128xi32, #tpu.memory_space<vmem>>) semaphore(%arg8 : memref<!tpu.dma_semaphore, #tpu.memory_space<semaphore_mem>>)
        %mul3A_391 = arith.constant 10 : i32
        %mul3A_392 = arith.muli %add3A_308, %mul3A_391 : i32
        %add3A_393 = arith.constant 4 : i32
        %add3A_394 = arith.addi %mul3A_392, %add3A_393 : i32
        %mul3A_395 = arith.constant 128 : i32
        %mul3A_396 = arith.muli %add3A_394, %mul3A_395 : i32
        %mul3A_397 = arith.constant 1280 : i32
        %mul3A_398 = arith.muli %select_n3A_326, %mul3A_397 : i32
        %add3A_399 = arith.constant 512 : i32
        %add3A_400 = arith.addi %mul3A_398, %add3A_399 : i32
        %dma_start3A_401 = arith.constant 0 : i32
        %dma_start3A_402 = tpu.memref_slice %arg6[%add3A_400, %dma_start3A_401] : memref<5120x16xf32, #tpu.memory_space<vmem>> -> memref<128x16xf32, #tpu.memory_space<vmem>>
        %dma_start3A_403 = tpu.memref_slice %arg5[%mul3A_396] : memref<10240xi32, #tpu.memory_space<vmem>> -> memref<128xi32, #tpu.memory_space<vmem>>
        %dma_start3A_404 = arith.constant 0 : i32
        %dma_start3A_405 = arith.constant 0 : i32
        %dma_start3A_406 = tpu.memref_slice %arg3[%dma_start3A_404, %dma_start3A_405] : memref<204800x16xf32, #tpu.memory_space<hbm>> -> memref<204800x16xf32, #tpu.memory_space<hbm>>
        tpu.enqueue_indirect_dma source(%dma_start3A_406 : memref<204800x16xf32, #tpu.memory_space<hbm>>) target(%dma_start3A_402 : memref<128x16xf32, #tpu.memory_space<vmem>>) offsets(%dma_start3A_403 : memref<128xi32, #tpu.memory_space<vmem>>) semaphore(%arg8 : memref<!tpu.dma_semaphore, #tpu.memory_space<semaphore_mem>>)
        %mul3A_407 = arith.constant 10 : i32
        %mul3A_408 = arith.muli %add3A_308, %mul3A_407 : i32
        %add3A_409 = arith.constant 5 : i32
        %add3A_410 = arith.addi %mul3A_408, %add3A_409 : i32
        %mul3A_411 = arith.constant 128 : i32
        %mul3A_412 = arith.muli %add3A_410, %mul3A_411 : i32
        %mul3A_413 = arith.constant 1280 : i32
        %mul3A_414 = arith.muli %select_n3A_326, %mul3A_413 : i32
        %add3A_415 = arith.constant 640 : i32
        %add3A_416 = arith.addi %mul3A_414, %add3A_415 : i32
        %dma_start3A_417 = arith.constant 0 : i32
        %dma_start3A_418 = tpu.memref_slice %arg6[%add3A_416, %dma_start3A_417] : memref<5120x16xf32, #tpu.memory_space<vmem>> -> memref<128x16xf32, #tpu.memory_space<vmem>>
        %dma_start3A_419 = tpu.memref_slice %arg5[%mul3A_412] : memref<10240xi32, #tpu.memory_space<vmem>> -> memref<128xi32, #tpu.memory_space<vmem>>
        %dma_start3A_420 = arith.constant 0 : i32
        %dma_start3A_421 = arith.constant 0 : i32
        %dma_start3A_422 = tpu.memref_slice %arg3[%dma_start3A_420, %dma_start3A_421] : memref<204800x16xf32, #tpu.memory_space<hbm>> -> memref<204800x16xf32, #tpu.memory_space<hbm>>
        tpu.enqueue_indirect_dma source(%dma_start3A_422 : memref<204800x16xf32, #tpu.memory_space<hbm>>) target(%dma_start3A_418 : memref<128x16xf32, #tpu.memory_space<vmem>>) offsets(%dma_start3A_419 : memref<128xi32, #tpu.memory_space<vmem>>) semaphore(%arg8 : memref<!tpu.dma_semaphore, #tpu.memory_space<semaphore_mem>>)
        %mul3A_423 = arith.constant 10 : i32
        %mul3A_424 = arith.muli %add3A_308, %mul3A_423 : i32
        %add3A_425 = arith.constant 6 : i32
        %add3A_426 = arith.addi %mul3A_424, %add3A_425 : i32
        %mul3A_427 = arith.constant 128 : i32
        %mul3A_428 = arith.muli %add3A_426, %mul3A_427 : i32
        %mul3A_429 = arith.constant 1280 : i32
        %mul3A_430 = arith.muli %select_n3A_326, %mul3A_429 : i32
        %add3A_431 = arith.constant 768 : i32
        %add3A_432 = arith.addi %mul3A_430, %add3A_431 : i32
        %dma_start3A_433 = arith.constant 0 : i32
        %dma_start3A_434 = tpu.memref_slice %arg6[%add3A_432, %dma_start3A_433] : memref<5120x16xf32, #tpu.memory_space<vmem>> -> memref<128x16xf32, #tpu.memory_space<vmem>>
        %dma_start3A_435 = tpu.memref_slice %arg5[%mul3A_428] : memref<10240xi32, #tpu.memory_space<vmem>> -> memref<128xi32, #tpu.memory_space<vmem>>
        %dma_start3A_436 = arith.constant 0 : i32
        %dma_start3A_437 = arith.constant 0 : i32
        %dma_start3A_438 = tpu.memref_slice %arg3[%dma_start3A_436, %dma_start3A_437] : memref<204800x16xf32, #tpu.memory_space<hbm>> -> memref<204800x16xf32, #tpu.memory_space<hbm>>
        tpu.enqueue_indirect_dma source(%dma_start3A_438 : memref<204800x16xf32, #tpu.memory_space<hbm>>) target(%dma_start3A_434 : memref<128x16xf32, #tpu.memory_space<vmem>>) offsets(%dma_start3A_435 : memref<128xi32, #tpu.memory_space<vmem>>) semaphore(%arg8 : memref<!tpu.dma_semaphore, #tpu.memory_space<semaphore_mem>>)
        %mul3A_439 = arith.constant 10 : i32
        %mul3A_440 = arith.muli %add3A_308, %mul3A_439 : i32
        %add3A_441 = arith.constant 7 : i32
        %add3A_442 = arith.addi %mul3A_440, %add3A_441 : i32
        %mul3A_443 = arith.constant 128 : i32
        %mul3A_444 = arith.muli %add3A_442, %mul3A_443 : i32
        %mul3A_445 = arith.constant 1280 : i32
        %mul3A_446 = arith.muli %select_n3A_326, %mul3A_445 : i32
        %add3A_447 = arith.constant 896 : i32
        %add3A_448 = arith.addi %mul3A_446, %add3A_447 : i32
        %dma_start3A_449 = arith.constant 0 : i32
        %dma_start3A_450 = tpu.memref_slice %arg6[%add3A_448, %dma_start3A_449] : memref<5120x16xf32, #tpu.memory_space<vmem>> -> memref<128x16xf32, #tpu.memory_space<vmem>>
        %dma_start3A_451 = tpu.memref_slice %arg5[%mul3A_444] : memref<10240xi32, #tpu.memory_space<vmem>> -> memref<128xi32, #tpu.memory_space<vmem>>
        %dma_start3A_452 = arith.constant 0 : i32
        %dma_start3A_453 = arith.constant 0 : i32
        %dma_start3A_454 = tpu.memref_slice %arg3[%dma_start3A_452, %dma_start3A_453] : memref<204800x16xf32, #tpu.memory_space<hbm>> -> memref<204800x16xf32, #tpu.memory_space<hbm>>
        tpu.enqueue_indirect_dma source(%dma_start3A_454 : memref<204800x16xf32, #tpu.memory_space<hbm>>) target(%dma_start3A_450 : memref<128x16xf32, #tpu.memory_space<vmem>>) offsets(%dma_start3A_451 : memref<128xi32, #tpu.memory_space<vmem>>) semaphore(%arg8 : memref<!tpu.dma_semaphore, #tpu.memory_space<semaphore_mem>>)
        %mul3A_455 = arith.constant 10 : i32
        %mul3A_456 = arith.muli %add3A_308, %mul3A_455 : i32
        %add3A_457 = arith.constant 8 : i32
        %add3A_458 = arith.addi %mul3A_456, %add3A_457 : i32
        %mul3A_459 = arith.constant 128 : i32
        %mul3A_460 = arith.muli %add3A_458, %mul3A_459 : i32
        %mul3A_461 = arith.constant 1280 : i32
        %mul3A_462 = arith.muli %select_n3A_326, %mul3A_461 : i32
        %add3A_463 = arith.constant 1024 : i32
        %add3A_464 = arith.addi %mul3A_462, %add3A_463 : i32
        %dma_start3A_465 = arith.constant 0 : i32
        %dma_start3A_466 = tpu.memref_slice %arg6[%add3A_464, %dma_start3A_465] : memref<5120x16xf32, #tpu.memory_space<vmem>> -> memref<128x16xf32, #tpu.memory_space<vmem>>
        %dma_start3A_467 = tpu.memref_slice %arg5[%mul3A_460] : memref<10240xi32, #tpu.memory_space<vmem>> -> memref<128xi32, #tpu.memory_space<vmem>>
        %dma_start3A_468 = arith.constant 0 : i32
        %dma_start3A_469 = arith.constant 0 : i32
        %dma_start3A_470 = tpu.memref_slice %arg3[%dma_start3A_468, %dma_start3A_469] : memref<204800x16xf32, #tpu.memory_space<hbm>> -> memref<204800x16xf32, #tpu.memory_space<hbm>>
        tpu.enqueue_indirect_dma source(%dma_start3A_470 : memref<204800x16xf32, #tpu.memory_space<hbm>>) target(%dma_start3A_466 : memref<128x16xf32, #tpu.memory_space<vmem>>) offsets(%dma_start3A_467 : memref<128xi32, #tpu.memory_space<vmem>>) semaphore(%arg8 : memref<!tpu.dma_semaphore, #tpu.memory_space<semaphore_mem>>)
        %mul3A_471 = arith.constant 10 : i32
        %mul3A_472 = arith.muli %add3A_308, %mul3A_471 : i32
        %add3A_473 = arith.constant 9 : i32
        %add3A_474 = arith.addi %mul3A_472, %add3A_473 : i32
        %mul3A_475 = arith.constant 128 : i32
        %mul3A_476 = arith.muli %add3A_474, %mul3A_475 : i32
        %mul3A_477 = arith.constant 1280 : i32
        %mul3A_478 = arith.muli %select_n3A_326, %mul3A_477 : i32
        %add3A_479 = arith.constant 1152 : i32
        %add3A_480 = arith.addi %mul3A_478, %add3A_479 : i32
        %dma_start3A_481 = arith.constant 0 : i32
        %dma_start3A_482 = tpu.memref_slice %arg6[%add3A_480, %dma_start3A_481] : memref<5120x16xf32, #tpu.memory_space<vmem>> -> memref<128x16xf32, #tpu.memory_space<vmem>>
        %dma_start3A_483 = tpu.memref_slice %arg5[%mul3A_476] : memref<10240xi32, #tpu.memory_space<vmem>> -> memref<128xi32, #tpu.memory_space<vmem>>
        %dma_start3A_484 = arith.constant 0 : i32
        %dma_start3A_485 = arith.constant 0 : i32
        %dma_start3A_486 = tpu.memref_slice %arg3[%dma_start3A_484, %dma_start3A_485] : memref<204800x16xf32, #tpu.memory_space<hbm>> -> memref<204800x16xf32, #tpu.memory_space<hbm>>
        tpu.enqueue_indirect_dma source(%dma_start3A_486 : memref<204800x16xf32, #tpu.memory_space<hbm>>) target(%dma_start3A_482 : memref<128x16xf32, #tpu.memory_space<vmem>>) offsets(%dma_start3A_483 : memref<128xi32, #tpu.memory_space<vmem>>) semaphore(%arg8 : memref<!tpu.dma_semaphore, #tpu.memory_space<semaphore_mem>>)
      } else {
      }
      %scan3A_299 = arith.constant 0 : i32
      %scan3A_300 = arith.constant 0 : i32
      %scan3A_301 = arith.constant 4 : i32
      %scan3A_302 = arith.addi %scan3A_300, %scan3A_301 : i32
      %scan3A_303 = arith.constant 1 : i32
      %scan3A_304 = scf.for %scan3A_307 = %scan3A_300 to %scan3A_302 step %scan3A_303 iter_args(%scan3A_308 = %scan3A_299) -> (i32)  : i32 {
        %mul3A_309 = arith.constant 1280 : i32
        %mul3A_310 = arith.muli %select_n3A_282, %mul3A_309 : i32
        %mul3A_311 = arith.constant 320 : i32
        %mul3A_312 = arith.muli %scan3A_307, %mul3A_311 : i32
        %add3A_313 = arith.addi %mul3A_310, %mul3A_312 : i32
        %add3A_314 = arith.constant 0 : i32
        %add3A_315 = arith.addi %add3A_313, %add3A_314 : i32
        %add3A_316 = arith.constant 0 : i32
        %add3A_317 = arith.addi %add3A_315, %add3A_316 : i32
        %get3A = arith.index_cast %add3A_317 : i32 to index
        %get3A_318 = arith.constant 0 : index
        %get3A_319 = tpu.vector_load %arg6[%get3A, %get3A_318] {strides = array<i32>} : memref<5120x16xf32, #tpu.memory_space<vmem>>, vector<1x16xf32>,
        %get3A_320 = vector.shape_cast %get3A_319 : vector<1x16xf32> to vector<16xf32>
        %add3A_321 = arith.addf %broadcast_in_dim3A_5, %get3A_320 : vector<16xf32>
        %mul3A_322 = arith.constant 1280 : i32
        %mul3A_323 = arith.muli %select_n3A_282, %mul3A_322 : i32
        %mul3A_324 = arith.constant 320 : i32
        %mul3A_325 = arith.muli %scan3A_307, %mul3A_324 : i32
        %add3A_326 = arith.addi %mul3A_323, %mul3A_325 : i32
        %add3A_327 = arith.constant 0 : i32
        %add3A_328 = arith.addi %add3A_326, %add3A_327 : i32
        %add3A_329 = arith.constant 1 : i32
        %add3A_330 = arith.addi %add3A_328, %add3A_329 : i32
        %get3A_331 = arith.index_cast %add3A_330 : i32 to index
        %get3A_332 = arith.constant 0 : index
        %get3A_333 = tpu.vector_load %arg6[%get3A_331, %get3A_332] {strides = array<i32>} : memref<5120x16xf32, #tpu.memory_space<vmem>>, vector<1x16xf32>,
        %get3A_334 = vector.shape_cast %get3A_333 : vector<1x16xf32> to vector<16xf32>
        %add3A_335 = arith.addf %add3A_321, %get3A_334 : vector<16xf32>
        %mul3A_336 = arith.constant 1280 : i32
        %mul3A_337 = arith.muli %select_n3A_282, %mul3A_336 : i32
        %mul3A_338 = arith.constant 320 : i32
        %mul3A_339 = arith.muli %scan3A_307, %mul3A_338 : i32
        %add3A_340 = arith.addi %mul3A_337, %mul3A_339 : i32
        %add3A_341 = arith.constant 0 : i32
        %add3A_342 = arith.addi %add3A_340, %add3A_341 : i32
        %add3A_343 = arith.constant 2 : i32
        %add3A_344 = arith.addi %add3A_342, %add3A_343 : i32
        %get3A_345 = arith.index_cast %add3A_344 : i32 to index
        %get3A_346 = arith.constant 0 : index
        %get3A_347 = tpu.vector_load %arg6[%get3A_345, %get3A_346] {strides = array<i32>} : memref<5120x16xf32, #tpu.memory_space<vmem>>, vector<1x16xf32>,
        %get3A_348 = vector.shape_cast %get3A_347 : vector<1x16xf32> to vector<16xf32>
        %add3A_349 = arith.addf %add3A_335, %get3A_348 : vector<16xf32>
        %mul3A_350 = arith.constant 1280 : i32
        %mul3A_351 = arith.muli %select_n3A_282, %mul3A_350 : i32
        %mul3A_352 = arith.constant 320 : i32
        %mul3A_353 = arith.muli %scan3A_307, %mul3A_352 : i32
        %add3A_354 = arith.addi %mul3A_351, %mul3A_353 : i32
        %add3A_355 = arith.constant 0 : i32
        %add3A_356 = arith.addi %add3A_354, %add3A_355 : i32
        %add3A_357 = arith.constant 3 : i32
        %add3A_358 = arith.addi %add3A_356, %add3A_357 : i32
        %get3A_359 = arith.index_cast %add3A_358 : i32 to index
        %get3A_360 = arith.constant 0 : index
        %get3A_361 = tpu.vector_load %arg6[%get3A_359, %get3A_360] {strides = array<i32>} : memref<5120x16xf32, #tpu.memory_space<vmem>>, vector<1x16xf32>,
        %get3A_362 = vector.shape_cast %get3A_361 : vector<1x16xf32> to vector<16xf32>
        %add3A_363 = arith.addf %add3A_349, %get3A_362 : vector<16xf32>
        %mul3A_364 = arith.constant 1280 : i32
        %mul3A_365 = arith.muli %select_n3A_282, %mul3A_364 : i32
        %mul3A_366 = arith.constant 320 : i32
        %mul3A_367 = arith.muli %scan3A_307, %mul3A_366 : i32
        %add3A_368 = arith.addi %mul3A_365, %mul3A_367 : i32
        %add3A_369 = arith.constant 0 : i32
        %add3A_370 = arith.addi %add3A_368, %add3A_369 : i32
        %add3A_371 = arith.constant 4 : i32
        %add3A_372 = arith.addi %add3A_370, %add3A_371 : i32
        %get3A_373 = arith.index_cast %add3A_372 : i32 to index
        %get3A_374 = arith.constant 0 : index
        %get3A_375 = tpu.vector_load %arg6[%get3A_373, %get3A_374] {strides = array<i32>} : memref<5120x16xf32, #tpu.memory_space<vmem>>, vector<1x16xf32>,
        %get3A_376 = vector.shape_cast %get3A_375 : vector<1x16xf32> to vector<16xf32>
        %add3A_377 = arith.addf %add3A_363, %get3A_376 : vector<16xf32>
        %mul3A_378 = arith.constant 1280 : i32
        %mul3A_379 = arith.muli %select_n3A_282, %mul3A_378 : i32
        %mul3A_380 = arith.constant 320 : i32
        %mul3A_381 = arith.muli %scan3A_307, %mul3A_380 : i32
        %add3A_382 = arith.addi %mul3A_379, %mul3A_381 : i32
        %add3A_383 = arith.constant 0 : i32
        %add3A_384 = arith.addi %add3A_382, %add3A_383 : i32
        %add3A_385 = arith.constant 5 : i32
        %add3A_386 = arith.addi %add3A_384, %add3A_385 : i32
        %get3A_387 = arith.index_cast %add3A_386 : i32 to index
        %get3A_388 = arith.constant 0 : index
        %get3A_389 = tpu.vector_load %arg6[%get3A_387, %get3A_388] {strides = array<i32>} : memref<5120x16xf32, #tpu.memory_space<vmem>>, vector<1x16xf32>,
        %get3A_390 = vector.shape_cast %get3A_389 : vector<1x16xf32> to vector<16xf32>
        %add3A_391 = arith.addf %add3A_377, %get3A_390 : vector<16xf32>
        %mul3A_392 = arith.constant 1280 : i32
        %mul3A_393 = arith.muli %select_n3A_282, %mul3A_392 : i32
        %mul3A_394 = arith.constant 320 : i32
        %mul3A_395 = arith.muli %scan3A_307, %mul3A_394 : i32
        %add3A_396 = arith.addi %mul3A_393, %mul3A_395 : i32
        %add3A_397 = arith.constant 0 : i32
        %add3A_398 = arith.addi %add3A_396, %add3A_397 : i32
        %add3A_399 = arith.constant 6 : i32
        %add3A_400 = arith.addi %add3A_398, %add3A_399 : i32
        %get3A_401 = arith.index_cast %add3A_400 : i32 to index
        %get3A_402 = arith.constant 0 : index
        %get3A_403 = tpu.vector_load %arg6[%get3A_401, %get3A_402] {strides = array<i32>} : memref<5120x16xf32, #tpu.memory_space<vmem>>, vector<1x16xf32>,
        %get3A_404 = vector.shape_cast %get3A_403 : vector<1x16xf32> to vector<16xf32>
        %add3A_405 = arith.addf %add3A_391, %get3A_404 : vector<16xf32>
        %mul3A_406 = arith.constant 1280 : i32
        %mul3A_407 = arith.muli %select_n3A_282, %mul3A_406 : i32
        %mul3A_408 = arith.constant 320 : i32
        %mul3A_409 = arith.muli %scan3A_307, %mul3A_408 : i32
        %add3A_410 = arith.addi %mul3A_407, %mul3A_409 : i32
        %add3A_411 = arith.constant 0 : i32
        %add3A_412 = arith.addi %add3A_410, %add3A_411 : i32
        %add3A_413 = arith.constant 7 : i32
        %add3A_414 = arith.addi %add3A_412, %add3A_413 : i32
        %get3A_415 = arith.index_cast %add3A_414 : i32 to index
        %get3A_416 = arith.constant 0 : index
        %get3A_417 = tpu.vector_load %arg6[%get3A_415, %get3A_416] {strides = array<i32>} : memref<5120x16xf32, #tpu.memory_space<vmem>>, vector<1x16xf32>,
        %get3A_418 = vector.shape_cast %get3A_417 : vector<1x16xf32> to vector<16xf32>
        %add3A_419 = arith.addf %add3A_405, %get3A_418 : vector<16xf32>
        %mul3A_420 = arith.constant 1280 : i32
        %mul3A_421 = arith.muli %select_n3A_282, %mul3A_420 : i32
        %mul3A_422 = arith.constant 320 : i32
        %mul3A_423 = arith.muli %scan3A_307, %mul3A_422 : i32
        %add3A_424 = arith.addi %mul3A_421, %mul3A_423 : i32
        %add3A_425 = arith.constant 0 : i32
        %add3A_426 = arith.addi %add3A_424, %add3A_425 : i32
        %add3A_427 = arith.constant 8 : i32
        %add3A_428 = arith.addi %add3A_426, %add3A_427 : i32
        %get3A_429 = arith.index_cast %add3A_428 : i32 to index
        %get3A_430 = arith.constant 0 : index
        %get3A_431 = tpu.vector_load %arg6[%get3A_429, %get3A_430] {strides = array<i32>} : memref<5120x16xf32, #tpu.memory_space<vmem>>, vector<1x16xf32>,
        %get3A_432 = vector.shape_cast %get3A_431 : vector<1x16xf32> to vector<16xf32>
        %add3A_433 = arith.addf %add3A_419, %get3A_432 : vector<16xf32>
        %mul3A_434 = arith.constant 1280 : i32
        %mul3A_435 = arith.muli %select_n3A_282, %mul3A_434 : i32
        %mul3A_436 = arith.constant 320 : i32
        %mul3A_437 = arith.muli %scan3A_307, %mul3A_436 : i32
        %add3A_438 = arith.addi %mul3A_435, %mul3A_437 : i32
        %add3A_439 = arith.constant 0 : i32
        %add3A_440 = arith.addi %add3A_438, %add3A_439 : i32
        %add3A_441 = arith.constant 9 : i32
        %add3A_442 = arith.addi %add3A_440, %add3A_441 : i32
        %get3A_443 = arith.index_cast %add3A_442 : i32 to index
        %get3A_444 = arith.constant 0 : index
        %get3A_445 = tpu.vector_load %arg6[%get3A_443, %get3A_444] {strides = array<i32>} : memref<5120x16xf32, #tpu.memory_space<vmem>>, vector<1x16xf32>,
        %get3A_446 = vector.shape_cast %get3A_445 : vector<1x16xf32> to vector<16xf32>
        %add3A_447 = arith.addf %add3A_433, %get3A_446 : vector<16xf32>
        %mul3A_448 = arith.constant 1280 : i32
        %mul3A_449 = arith.muli %select_n3A_282, %mul3A_448 : i32
        %mul3A_450 = arith.constant 320 : i32
        %mul3A_451 = arith.muli %scan3A_307, %mul3A_450 : i32
        %add3A_452 = arith.addi %mul3A_449, %mul3A_451 : i32
        %add3A_453 = arith.constant 0 : i32
        %add3A_454 = arith.addi %add3A_452, %add3A_453 : i32
        %add3A_455 = arith.constant 10 : i32
        %add3A_456 = arith.addi %add3A_454, %add3A_455 : i32
        %get3A_457 = arith.index_cast %add3A_456 : i32 to index
        %get3A_458 = arith.constant 0 : index
        %get3A_459 = tpu.vector_load %arg6[%get3A_457, %get3A_458] {strides = array<i32>} : memref<5120x16xf32, #tpu.memory_space<vmem>>, vector<1x16xf32>,
        %get3A_460 = vector.shape_cast %get3A_459 : vector<1x16xf32> to vector<16xf32>
        %add3A_461 = arith.addf %add3A_447, %get3A_460 : vector<16xf32>
        %mul3A_462 = arith.constant 1280 : i32
        %mul3A_463 = arith.muli %select_n3A_282, %mul3A_462 : i32
        %mul3A_464 = arith.constant 320 : i32
        %mul3A_465 = arith.muli %scan3A_307, %mul3A_464 : i32
        %add3A_466 = arith.addi %mul3A_463, %mul3A_465 : i32
        %add3A_467 = arith.constant 0 : i32
        %add3A_468 = arith.addi %add3A_466, %add3A_467 : i32
        %add3A_469 = arith.constant 11 : i32
        %add3A_470 = arith.addi %add3A_468, %add3A_469 : i32
        %get3A_471 = arith.index_cast %add3A_470 : i32 to index
        %get3A_472 = arith.constant 0 : index
        %get3A_473 = tpu.vector_load %arg6[%get3A_471, %get3A_472] {strides = array<i32>} : memref<5120x16xf32, #tpu.memory_space<vmem>>, vector<1x16xf32>,
        %get3A_474 = vector.shape_cast %get3A_473 : vector<1x16xf32> to vector<16xf32>
        %add3A_475 = arith.addf %add3A_461, %get3A_474 : vector<16xf32>
        %mul3A_476 = arith.constant 1280 : i32
        %mul3A_477 = arith.muli %select_n3A_282, %mul3A_476 : i32
        %mul3A_478 = arith.constant 320 : i32
        %mul3A_479 = arith.muli %scan3A_307, %mul3A_478 : i32
        %add3A_480 = arith.addi %mul3A_477, %mul3A_479 : i32
        %add3A_481 = arith.constant 0 : i32
        %add3A_482 = arith.addi %add3A_480, %add3A_481 : i32
        %add3A_483 = arith.constant 12 : i32
        %add3A_484 = arith.addi %add3A_482, %add3A_483 : i32
        %get3A_485 = arith.index_cast %add3A_484 : i32 to index
        %get3A_486 = arith.constant 0 : index
        %get3A_487 = tpu.vector_load %arg6[%get3A_485, %get3A_486] {strides = array<i32>} : memref<5120x16xf32, #tpu.memory_space<vmem>>, vector<1x16xf32>,
        %get3A_488 = vector.shape_cast %get3A_487 : vector<1x16xf32> to vector<16xf32>
        %add3A_489 = arith.addf %add3A_475, %get3A_488 : vector<16xf32>
        %mul3A_490 = arith.constant 1280 : i32
        %mul3A_491 = arith.muli %select_n3A_282, %mul3A_490 : i32
        %mul3A_492 = arith.constant 320 : i32
        %mul3A_493 = arith.muli %scan3A_307, %mul3A_492 : i32
        %add3A_494 = arith.addi %mul3A_491, %mul3A_493 : i32
        %add3A_495 = arith.constant 0 : i32
        %add3A_496 = arith.addi %add3A_494, %add3A_495 : i32
        %add3A_497 = arith.constant 13 : i32
        %add3A_498 = arith.addi %add3A_496, %add3A_497 : i32
        %get3A_499 = arith.index_cast %add3A_498 : i32 to index
        %get3A_500 = arith.constant 0 : index
        %get3A_501 = tpu.vector_load %arg6[%get3A_499, %get3A_500] {strides = array<i32>} : memref<5120x16xf32, #tpu.memory_space<vmem>>, vector<1x16xf32>,
        %get3A_502 = vector.shape_cast %get3A_501 : vector<1x16xf32> to vector<16xf32>
        %add3A_503 = arith.addf %add3A_489, %get3A_502 : vector<16xf32>
        %mul3A_504 = arith.constant 1280 : i32
        %mul3A_505 = arith.muli %select_n3A_282, %mul3A_504 : i32
        %mul3A_506 = arith.constant 320 : i32
        %mul3A_507 = arith.muli %scan3A_307, %mul3A_506 : i32
        %add3A_508 = arith.addi %mul3A_505, %mul3A_507 : i32
        %add3A_509 = arith.constant 0 : i32
        %add3A_510 = arith.addi %add3A_508, %add3A_509 : i32
        %add3A_511 = arith.constant 14 : i32
        %add3A_512 = arith.addi %add3A_510, %add3A_511 : i32
        %get3A_513 = arith.index_cast %add3A_512 : i32 to index
        %get3A_514 = arith.constant 0 : index
        %get3A_515 = tpu.vector_load %arg6[%get3A_513, %get3A_514] {strides = array<i32>} : memref<5120x16xf32, #tpu.memory_space<vmem>>, vector<1x16xf32>,
        %get3A_516 = vector.shape_cast %get3A_515 : vector<1x16xf32> to vector<16xf32>
        %add3A_517 = arith.addf %add3A_503, %get3A_516 : vector<16xf32>
        %mul3A_518 = arith.constant 1280 : i32
        %mul3A_519 = arith.muli %select_n3A_282, %mul3A_518 : i32
        %mul3A_520 = arith.constant 320 : i32
        %mul3A_521 = arith.muli %scan3A_307, %mul3A_520 : i32
        %add3A_522 = arith.addi %mul3A_519, %mul3A_521 : i32
        %add3A_523 = arith.constant 0 : i32
        %add3A_524 = arith.addi %add3A_522, %add3A_523 : i32
        %add3A_525 = arith.constant 15 : i32
        %add3A_526 = arith.addi %add3A_524, %add3A_525 : i32
        %get3A_527 = arith.index_cast %add3A_526 : i32 to index
        %get3A_528 = arith.constant 0 : index
        %get3A_529 = tpu.vector_load %arg6[%get3A_527, %get3A_528] {strides = array<i32>} : memref<5120x16xf32, #tpu.memory_space<vmem>>, vector<1x16xf32>,
        %get3A_530 = vector.shape_cast %get3A_529 : vector<1x16xf32> to vector<16xf32>
        %add3A_531 = arith.addf %add3A_517, %get3A_530 : vector<16xf32>
        %mul3A_532 = arith.constant 1280 : i32
        %mul3A_533 = arith.muli %select_n3A_282, %mul3A_532 : i32
        %mul3A_534 = arith.constant 320 : i32
        %mul3A_535 = arith.muli %scan3A_307, %mul3A_534 : i32
        %add3A_536 = arith.addi %mul3A_533, %mul3A_535 : i32
        %add3A_537 = arith.constant 0 : i32
        %add3A_538 = arith.addi %add3A_536, %add3A_537 : i32
        %add3A_539 = arith.constant 16 : i32
        %add3A_540 = arith.addi %add3A_538, %add3A_539 : i32
        %get3A_541 = arith.index_cast %add3A_540 : i32 to index
        %get3A_542 = arith.constant 0 : index
        %get3A_543 = tpu.vector_load %arg6[%get3A_541, %get3A_542] {strides = array<i32>} : memref<5120x16xf32, #tpu.memory_space<vmem>>, vector<1x16xf32>,
        %get3A_544 = vector.shape_cast %get3A_543 : vector<1x16xf32> to vector<16xf32>
        %add3A_545 = arith.addf %add3A_531, %get3A_544 : vector<16xf32>
        %mul3A_546 = arith.constant 1280 : i32
        %mul3A_547 = arith.muli %select_n3A_282, %mul3A_546 : i32
        %mul3A_548 = arith.constant 320 : i32
        %mul3A_549 = arith.muli %scan3A_307, %mul3A_548 : i32
        %add3A_550 = arith.addi %mul3A_547, %mul3A_549 : i32
        %add3A_551 = arith.constant 0 : i32
        %add3A_552 = arith.addi %add3A_550, %add3A_551 : i32
        %add3A_553 = arith.constant 17 : i32
        %add3A_554 = arith.addi %add3A_552, %add3A_553 : i32
        %get3A_555 = arith.index_cast %add3A_554 : i32 to index
        %get3A_556 = arith.constant 0 : index
        %get3A_557 = tpu.vector_load %arg6[%get3A_555, %get3A_556] {strides = array<i32>} : memref<5120x16xf32, #tpu.memory_space<vmem>>, vector<1x16xf32>,
        %get3A_558 = vector.shape_cast %get3A_557 : vector<1x16xf32> to vector<16xf32>
        %add3A_559 = arith.addf %add3A_545, %get3A_558 : vector<16xf32>
        %mul3A_560 = arith.constant 1280 : i32
        %mul3A_561 = arith.muli %select_n3A_282, %mul3A_560 : i32
        %mul3A_562 = arith.constant 320 : i32
        %mul3A_563 = arith.muli %scan3A_307, %mul3A_562 : i32
        %add3A_564 = arith.addi %mul3A_561, %mul3A_563 : i32
        %add3A_565 = arith.constant 0 : i32
        %add3A_566 = arith.addi %add3A_564, %add3A_565 : i32
        %add3A_567 = arith.constant 18 : i32
        %add3A_568 = arith.addi %add3A_566, %add3A_567 : i32
        %get3A_569 = arith.index_cast %add3A_568 : i32 to index
        %get3A_570 = arith.constant 0 : index
        %get3A_571 = tpu.vector_load %arg6[%get3A_569, %get3A_570] {strides = array<i32>} : memref<5120x16xf32, #tpu.memory_space<vmem>>, vector<1x16xf32>,
        %get3A_572 = vector.shape_cast %get3A_571 : vector<1x16xf32> to vector<16xf32>
        %add3A_573 = arith.addf %add3A_559, %get3A_572 : vector<16xf32>
        %mul3A_574 = arith.constant 1280 : i32
        %mul3A_575 = arith.muli %select_n3A_282, %mul3A_574 : i32
        %mul3A_576 = arith.constant 320 : i32
        %mul3A_577 = arith.muli %scan3A_307, %mul3A_576 : i32
        %add3A_578 = arith.addi %mul3A_575, %mul3A_577 : i32
        %add3A_579 = arith.constant 0 : i32
        %add3A_580 = arith.addi %add3A_578, %add3A_579 : i32
        %add3A_581 = arith.constant 19 : i32
        %add3A_582 = arith.addi %add3A_580, %add3A_581 : i32
        %get3A_583 = arith.index_cast %add3A_582 : i32 to index
        %get3A_584 = arith.constant 0 : index
        %get3A_585 = tpu.vector_load %arg6[%get3A_583, %get3A_584] {strides = array<i32>} : memref<5120x16xf32, #tpu.memory_space<vmem>>, vector<1x16xf32>,
        %get3A_586 = vector.shape_cast %get3A_585 : vector<1x16xf32> to vector<16xf32>
        %add3A_587 = arith.addf %add3A_573, %get3A_586 : vector<16xf32>
        %mul3A_588 = arith.constant 8 : i32
        %mul3A_589 = arith.muli %scan3A_267, %mul3A_588 : i32
        %mul3A_590 = arith.constant 2 : i32
        %mul3A_591 = arith.muli %scan3A_307, %mul3A_590 : i32
        %add3A_592 = arith.addi %mul3A_589, %mul3A_591 : i32
        %add3A_593 = arith.constant 0 : i32
        %add3A_594 = arith.addi %add3A_592, %add3A_593 : i32
        %swap3A = arith.index_cast %add3A_594 : i32 to index
        %swap3A_595 = arith.constant 0 : index
        %swap3A_596 = tpu.vector_load %arg7[%swap3A, %swap3A_595] {strides = array<i32>} : memref<64x128xf32, #tpu.memory_space<vmem>>, vector<1x16xf32>,
        %swap3A_597 = vector.shape_cast %swap3A_596 : vector<1x16xf32> to vector<16xf32>
        %swap3A_598 = vector.shape_cast %add3A_587 : vector<16xf32> to vector<1x16xf32>
        tpu.vector_store %arg7[%swap3A, %swap3A_595], %swap3A_598 {strides = array<i32>} : memref<64x128xf32, #tpu.memory_space<vmem>>, vector<1x16xf32>,
        %mul3A_599 = arith.constant 1280 : i32
        %mul3A_600 = arith.muli %select_n3A_282, %mul3A_599 : i32
        %mul3A_601 = arith.constant 320 : i32
        %mul3A_602 = arith.muli %scan3A_307, %mul3A_601 : i32
        %add3A_603 = arith.addi %mul3A_600, %mul3A_602 : i32
        %add3A_604 = arith.constant 20 : i32
        %add3A_605 = arith.addi %add3A_603, %add3A_604 : i32
        %add3A_606 = arith.constant 0 : i32
        %add3A_607 = arith.addi %add3A_605, %add3A_606 : i32
        %get3A_608 = arith.index_cast %add3A_607 : i32 to index
        %get3A_609 = arith.constant 0 : index
        %get3A_610 = tpu.vector_load %arg6[%get3A_608, %get3A_609] {strides = array<i32>} : memref<5120x16xf32, #tpu.memory_space<vmem>>, vector<1x16xf32>,
        %get3A_611 = vector.shape_cast %get3A_610 : vector<1x16xf32> to vector<16xf32>
        %add3A_612 = arith.addf %broadcast_in_dim3A_5, %get3A_611 : vector<16xf32>
        %mul3A_613 = arith.constant 1280 : i32
        %mul3A_614 = arith.muli %select_n3A_282, %mul3A_613 : i32
        %mul3A_615 = arith.constant 320 : i32
        %mul3A_616 = arith.muli %scan3A_307, %mul3A_615 : i32
        %add3A_617 = arith.addi %mul3A_614, %mul3A_616 : i32
        %add3A_618 = arith.constant 20 : i32
        %add3A_619 = arith.addi %add3A_617, %add3A_618 : i32
        %add3A_620 = arith.constant 1 : i32
        %add3A_621 = arith.addi %add3A_619, %add3A_620 : i32
        %get3A_622 = arith.index_cast %add3A_621 : i32 to index
        %get3A_623 = arith.constant 0 : index
        %get3A_624 = tpu.vector_load %arg6[%get3A_622, %get3A_623] {strides = array<i32>} : memref<5120x16xf32, #tpu.memory_space<vmem>>, vector<1x16xf32>,
        %get3A_625 = vector.shape_cast %get3A_624 : vector<1x16xf32> to vector<16xf32>
        %add3A_626 = arith.addf %add3A_612, %get3A_625 : vector<16xf32>
        %mul3A_627 = arith.constant 1280 : i32
        %mul3A_628 = arith.muli %select_n3A_282, %mul3A_627 : i32
        %mul3A_629 = arith.constant 320 : i32
        %mul3A_630 = arith.muli %scan3A_307, %mul3A_629 : i32
        %add3A_631 = arith.addi %mul3A_628, %mul3A_630 : i32
        %add3A_632 = arith.constant 20 : i32
        %add3A_633 = arith.addi %add3A_631, %add3A_632 : i32
        %add3A_634 = arith.constant 2 : i32
        %add3A_635 = arith.addi %add3A_633, %add3A_634 : i32
        %get3A_636 = arith.index_cast %add3A_635 : i32 to index
        %get3A_637 = arith.constant 0 : index
        %get3A_638 = tpu.vector_load %arg6[%get3A_636, %get3A_637] {strides = array<i32>} : memref<5120x16xf32, #tpu.memory_space<vmem>>, vector<1x16xf32>,
        %get3A_639 = vector.shape_cast %get3A_638 : vector<1x16xf32> to vector<16xf32>
        %add3A_640 = arith.addf %add3A_626, %get3A_639 : vector<16xf32>
        %mul3A_641 = arith.constant 1280 : i32
        %mul3A_642 = arith.muli %select_n3A_282, %mul3A_641 : i32
        %mul3A_643 = arith.constant 320 : i32
        %mul3A_644 = arith.muli %scan3A_307, %mul3A_643 : i32
        %add3A_645 = arith.addi %mul3A_642, %mul3A_644 : i32
        %add3A_646 = arith.constant 20 : i32
        %add3A_647 = arith.addi %add3A_645, %add3A_646 : i32
        %add3A_648 = arith.constant 3 : i32
        %add3A_649 = arith.addi %add3A_647, %add3A_648 : i32
        %get3A_650 = arith.index_cast %add3A_649 : i32 to index
        %get3A_651 = arith.constant 0 : index
        %get3A_652 = tpu.vector_load %arg6[%get3A_650, %get3A_651] {strides = array<i32>} : memref<5120x16xf32, #tpu.memory_space<vmem>>, vector<1x16xf32>,
        %get3A_653 = vector.shape_cast %get3A_652 : vector<1x16xf32> to vector<16xf32>
        %add3A_654 = arith.addf %add3A_640, %get3A_653 : vector<16xf32>
        %mul3A_655 = arith.constant 1280 : i32
        %mul3A_656 = arith.muli %select_n3A_282, %mul3A_655 : i32
        %mul3A_657 = arith.constant 320 : i32
        %mul3A_658 = arith.muli %scan3A_307, %mul3A_657 : i32
        %add3A_659 = arith.addi %mul3A_656, %mul3A_658 : i32
        %add3A_660 = arith.constant 20 : i32
        %add3A_661 = arith.addi %add3A_659, %add3A_660 : i32
        %add3A_662 = arith.constant 4 : i32
        %add3A_663 = arith.addi %add3A_661, %add3A_662 : i32
        %get3A_664 = arith.index_cast %add3A_663 : i32 to index
        %get3A_665 = arith.constant 0 : index
        %get3A_666 = tpu.vector_load %arg6[%get3A_664, %get3A_665] {strides = array<i32>} : memref<5120x16xf32, #tpu.memory_space<vmem>>, vector<1x16xf32>,
        %get3A_667 = vector.shape_cast %get3A_666 : vector<1x16xf32> to vector<16xf32>
        %add3A_668 = arith.addf %add3A_654, %get3A_667 : vector<16xf32>
        %mul3A_669 = arith.constant 1280 : i32
        %mul3A_670 = arith.muli %select_n3A_282, %mul3A_669 : i32
        %mul3A_671 = arith.constant 320 : i32
        %mul3A_672 = arith.muli %scan3A_307, %mul3A_671 : i32
        %add3A_673 = arith.addi %mul3A_670, %mul3A_672 : i32
        %add3A_674 = arith.constant 20 : i32
        %add3A_675 = arith.addi %add3A_673, %add3A_674 : i32
        %add3A_676 = arith.constant 5 : i32
        %add3A_677 = arith.addi %add3A_675, %add3A_676 : i32
        %get3A_678 = arith.index_cast %add3A_677 : i32 to index
        %get3A_679 = arith.constant 0 : index
        %get3A_680 = tpu.vector_load %arg6[%get3A_678, %get3A_679] {strides = array<i32>} : memref<5120x16xf32, #tpu.memory_space<vmem>>, vector<1x16xf32>,
        %get3A_681 = vector.shape_cast %get3A_680 : vector<1x16xf32> to vector<16xf32>
        %add3A_682 = arith.addf %add3A_668, %get3A_681 : vector<16xf32>
        %mul3A_683 = arith.constant 1280 : i32
        %mul3A_684 = arith.muli %select_n3A_282, %mul3A_683 : i32
        %mul3A_685 = arith.constant 320 : i32
        %mul3A_686 = arith.muli %scan3A_307, %mul3A_685 : i32
        %add3A_687 = arith.addi %mul3A_684, %mul3A_686 : i32
        %add3A_688 = arith.constant 20 : i32
        %add3A_689 = arith.addi %add3A_687, %add3A_688 : i32
        %add3A_690 = arith.constant 6 : i32
        %add3A_691 = arith.addi %add3A_689, %add3A_690 : i32
        %get3A_692 = arith.index_cast %add3A_691 : i32 to index
        %get3A_693 = arith.constant 0 : index
        %get3A_694 = tpu.vector_load %arg6[%get3A_692, %get3A_693] {strides = array<i32>} : memref<5120x16xf32, #tpu.memory_space<vmem>>, vector<1x16xf32>,
        %get3A_695 = vector.shape_cast %get3A_694 : vector<1x16xf32> to vector<16xf32>
        %add3A_696 = arith.addf %add3A_682, %get3A_695 : vector<16xf32>
        %mul3A_697 = arith.constant 1280 : i32
        %mul3A_698 = arith.muli %select_n3A_282, %mul3A_697 : i32
        %mul3A_699 = arith.constant 320 : i32
        %mul3A_700 = arith.muli %scan3A_307, %mul3A_699 : i32
        %add3A_701 = arith.addi %mul3A_698, %mul3A_700 : i32
        %add3A_702 = arith.constant 20 : i32
        %add3A_703 = arith.addi %add3A_701, %add3A_702 : i32
        %add3A_704 = arith.constant 7 : i32
        %add3A_705 = arith.addi %add3A_703, %add3A_704 : i32
        %get3A_706 = arith.index_cast %add3A_705 : i32 to index
        %get3A_707 = arith.constant 0 : index
        %get3A_708 = tpu.vector_load %arg6[%get3A_706, %get3A_707] {strides = array<i32>} : memref<5120x16xf32, #tpu.memory_space<vmem>>, vector<1x16xf32>,
        %get3A_709 = vector.shape_cast %get3A_708 : vector<1x16xf32> to vector<16xf32>
        %add3A_710 = arith.addf %add3A_696, %get3A_709 : vector<16xf32>
        %mul3A_711 = arith.constant 1280 : i32
        %mul3A_712 = arith.muli %select_n3A_282, %mul3A_711 : i32
        %mul3A_713 = arith.constant 320 : i32
        %mul3A_714 = arith.muli %scan3A_307, %mul3A_713 : i32
        %add3A_715 = arith.addi %mul3A_712, %mul3A_714 : i32
        %add3A_716 = arith.constant 20 : i32
        %add3A_717 = arith.addi %add3A_715, %add3A_716 : i32
        %add3A_718 = arith.constant 8 : i32
        %add3A_719 = arith.addi %add3A_717, %add3A_718 : i32
        %get3A_720 = arith.index_cast %add3A_719 : i32 to index
        %get3A_721 = arith.constant 0 : index
        %get3A_722 = tpu.vector_load %arg6[%get3A_720, %get3A_721] {strides = array<i32>} : memref<5120x16xf32, #tpu.memory_space<vmem>>, vector<1x16xf32>,
        %get3A_723 = vector.shape_cast %get3A_722 : vector<1x16xf32> to vector<16xf32>
        %add3A_724 = arith.addf %add3A_710, %get3A_723 : vector<16xf32>
        %mul3A_725 = arith.constant 1280 : i32
        %mul3A_726 = arith.muli %select_n3A_282, %mul3A_725 : i32
        %mul3A_727 = arith.constant 320 : i32
        %mul3A_728 = arith.muli %scan3A_307, %mul3A_727 : i32
        %add3A_729 = arith.addi %mul3A_726, %mul3A_728 : i32
        %add3A_730 = arith.constant 20 : i32
        %add3A_731 = arith.addi %add3A_729, %add3A_730 : i32
        %add3A_732 = arith.constant 9 : i32
        %add3A_733 = arith.addi %add3A_731, %add3A_732 : i32
        %get3A_734 = arith.index_cast %add3A_733 : i32 to index
        %get3A_735 = arith.constant 0 : index
        %get3A_736 = tpu.vector_load %arg6[%get3A_734, %get3A_735] {strides = array<i32>} : memref<5120x16xf32, #tpu.memory_space<vmem>>, vector<1x16xf32>,
        %get3A_737 = vector.shape_cast %get3A_736 : vector<1x16xf32> to vector<16xf32>
        %add3A_738 = arith.addf %add3A_724, %get3A_737 : vector<16xf32>
        %mul3A_739 = arith.constant 1280 : i32
        %mul3A_740 = arith.muli %select_n3A_282, %mul3A_739 : i32
        %mul3A_741 = arith.constant 320 : i32
        %mul3A_742 = arith.muli %scan3A_307, %mul3A_741 : i32
        %add3A_743 = arith.addi %mul3A_740, %mul3A_742 : i32
        %add3A_744 = arith.constant 20 : i32
        %add3A_745 = arith.addi %add3A_743, %add3A_744 : i32
        %add3A_746 = arith.constant 10 : i32
        %add3A_747 = arith.addi %add3A_745, %add3A_746 : i32
        %get3A_748 = arith.index_cast %add3A_747 : i32 to index
        %get3A_749 = arith.constant 0 : index
        %get3A_750 = tpu.vector_load %arg6[%get3A_748, %get3A_749] {strides = array<i32>} : memref<5120x16xf32, #tpu.memory_space<vmem>>, vector<1x16xf32>,
        %get3A_751 = vector.shape_cast %get3A_750 : vector<1x16xf32> to vector<16xf32>
        %add3A_752 = arith.addf %add3A_738, %get3A_751 : vector<16xf32>
        %mul3A_753 = arith.constant 1280 : i32
        %mul3A_754 = arith.muli %select_n3A_282, %mul3A_753 : i32
        %mul3A_755 = arith.constant 320 : i32
        %mul3A_756 = arith.muli %scan3A_307, %mul3A_755 : i32
        %add3A_757 = arith.addi %mul3A_754, %mul3A_756 : i32
        %add3A_758 = arith.constant 20 : i32
        %add3A_759 = arith.addi %add3A_757, %add3A_758 : i32
        %add3A_760 = arith.constant 11 : i32
        %add3A_761 = arith.addi %add3A_759, %add3A_760 : i32
        %get3A_762 = arith.index_cast %add3A_761 : i32 to index
        %get3A_763 = arith.constant 0 : index
        %get3A_764 = tpu.vector_load %arg6[%get3A_762, %get3A_763] {strides = array<i32>} : memref<5120x16xf32, #tpu.memory_space<vmem>>, vector<1x16xf32>,
        %get3A_765 = vector.shape_cast %get3A_764 : vector<1x16xf32> to vector<16xf32>
        %add3A_766 = arith.addf %add3A_752, %get3A_765 : vector<16xf32>
        %mul3A_767 = arith.constant 1280 : i32
        %mul3A_768 = arith.muli %select_n3A_282, %mul3A_767 : i32
        %mul3A_769 = arith.constant 320 : i32
        %mul3A_770 = arith.muli %scan3A_307, %mul3A_769 : i32
        %add3A_771 = arith.addi %mul3A_768, %mul3A_770 : i32
        %add3A_772 = arith.constant 20 : i32
        %add3A_773 = arith.addi %add3A_771, %add3A_772 : i32
        %add3A_774 = arith.constant 12 : i32
        %add3A_775 = arith.addi %add3A_773, %add3A_774 : i32
        %get3A_776 = arith.index_cast %add3A_775 : i32 to index
        %get3A_777 = arith.constant 0 : index
        %get3A_778 = tpu.vector_load %arg6[%get3A_776, %get3A_777] {strides = array<i32>} : memref<5120x16xf32, #tpu.memory_space<vmem>>, vector<1x16xf32>,
        %get3A_779 = vector.shape_cast %get3A_778 : vector<1x16xf32> to vector<16xf32>
        %add3A_780 = arith.addf %add3A_766, %get3A_779 : vector<16xf32>
        %mul3A_781 = arith.constant 1280 : i32
        %mul3A_782 = arith.muli %select_n3A_282, %mul3A_781 : i32
        %mul3A_783 = arith.constant 320 : i32
        %mul3A_784 = arith.muli %scan3A_307, %mul3A_783 : i32
        %add3A_785 = arith.addi %mul3A_782, %mul3A_784 : i32
        %add3A_786 = arith.constant 20 : i32
        %add3A_787 = arith.addi %add3A_785, %add3A_786 : i32
        %add3A_788 = arith.constant 13 : i32
        %add3A_789 = arith.addi %add3A_787, %add3A_788 : i32
        %get3A_790 = arith.index_cast %add3A_789 : i32 to index
        %get3A_791 = arith.constant 0 : index
        %get3A_792 = tpu.vector_load %arg6[%get3A_790, %get3A_791] {strides = array<i32>} : memref<5120x16xf32, #tpu.memory_space<vmem>>, vector<1x16xf32>,
        %get3A_793 = vector.shape_cast %get3A_792 : vector<1x16xf32> to vector<16xf32>
        %add3A_794 = arith.addf %add3A_780, %get3A_793 : vector<16xf32>
        %mul3A_795 = arith.constant 1280 : i32
        %mul3A_796 = arith.muli %select_n3A_282, %mul3A_795 : i32
        %mul3A_797 = arith.constant 320 : i32
        %mul3A_798 = arith.muli %scan3A_307, %mul3A_797 : i32
        %add3A_799 = arith.addi %mul3A_796, %mul3A_798 : i32
        %add3A_800 = arith.constant 20 : i32
        %add3A_801 = arith.addi %add3A_799, %add3A_800 : i32
        %add3A_802 = arith.constant 14 : i32
        %add3A_803 = arith.addi %add3A_801, %add3A_802 : i32
        %get3A_804 = arith.index_cast %add3A_803 : i32 to index
        %get3A_805 = arith.constant 0 : index
        %get3A_806 = tpu.vector_load %arg6[%get3A_804, %get3A_805] {strides = array<i32>} : memref<5120x16xf32, #tpu.memory_space<vmem>>, vector<1x16xf32>,
        %get3A_807 = vector.shape_cast %get3A_806 : vector<1x16xf32> to vector<16xf32>
        %add3A_808 = arith.addf %add3A_794, %get3A_807 : vector<16xf32>
        %mul3A_809 = arith.constant 1280 : i32
        %mul3A_810 = arith.muli %select_n3A_282, %mul3A_809 : i32
        %mul3A_811 = arith.constant 320 : i32
        %mul3A_812 = arith.muli %scan3A_307, %mul3A_811 : i32
        %add3A_813 = arith.addi %mul3A_810, %mul3A_812 : i32
        %add3A_814 = arith.constant 20 : i32
        %add3A_815 = arith.addi %add3A_813, %add3A_814 : i32
        %add3A_816 = arith.constant 15 : i32
        %add3A_817 = arith.addi %add3A_815, %add3A_816 : i32
        %get3A_818 = arith.index_cast %add3A_817 : i32 to index
        %get3A_819 = arith.constant 0 : index
        %get3A_820 = tpu.vector_load %arg6[%get3A_818, %get3A_819] {strides = array<i32>} : memref<5120x16xf32, #tpu.memory_space<vmem>>, vector<1x16xf32>,
        %get3A_821 = vector.shape_cast %get3A_820 : vector<1x16xf32> to vector<16xf32>
        %add3A_822 = arith.addf %add3A_808, %get3A_821 : vector<16xf32>
        %mul3A_823 = arith.constant 1280 : i32
        %mul3A_824 = arith.muli %select_n3A_282, %mul3A_823 : i32
        %mul3A_825 = arith.constant 320 : i32
        %mul3A_826 = arith.muli %scan3A_307, %mul3A_825 : i32
        %add3A_827 = arith.addi %mul3A_824, %mul3A_826 : i32
        %add3A_828 = arith.constant 20 : i32
        %add3A_829 = arith.addi %add3A_827, %add3A_828 : i32
        %add3A_830 = arith.constant 16 : i32
        %add3A_831 = arith.addi %add3A_829, %add3A_830 : i32
        %get3A_832 = arith.index_cast %add3A_831 : i32 to index
        %get3A_833 = arith.constant 0 : index
        %get3A_834 = tpu.vector_load %arg6[%get3A_832, %get3A_833] {strides = array<i32>} : memref<5120x16xf32, #tpu.memory_space<vmem>>, vector<1x16xf32>,
        %get3A_835 = vector.shape_cast %get3A_834 : vector<1x16xf32> to vector<16xf32>
        %add3A_836 = arith.addf %add3A_822, %get3A_835 : vector<16xf32>
        %mul3A_837 = arith.constant 1280 : i32
        %mul3A_838 = arith.muli %select_n3A_282, %mul3A_837 : i32
        %mul3A_839 = arith.constant 320 : i32
        %mul3A_840 = arith.muli %scan3A_307, %mul3A_839 : i32
        %add3A_841 = arith.addi %mul3A_838, %mul3A_840 : i32
        %add3A_842 = arith.constant 20 : i32
        %add3A_843 = arith.addi %add3A_841, %add3A_842 : i32
        %add3A_844 = arith.constant 17 : i32
        %add3A_845 = arith.addi %add3A_843, %add3A_844 : i32
        %get3A_846 = arith.index_cast %add3A_845 : i32 to index
        %get3A_847 = arith.constant 0 : index
        %get3A_848 = tpu.vector_load %arg6[%get3A_846, %get3A_847] {strides = array<i32>} : memref<5120x16xf32, #tpu.memory_space<vmem>>, vector<1x16xf32>,
        %get3A_849 = vector.shape_cast %get3A_848 : vector<1x16xf32> to vector<16xf32>
        %add3A_850 = arith.addf %add3A_836, %get3A_849 : vector<16xf32>
        %mul3A_851 = arith.constant 1280 : i32
        %mul3A_852 = arith.muli %select_n3A_282, %mul3A_851 : i32
        %mul3A_853 = arith.constant 320 : i32
        %mul3A_854 = arith.muli %scan3A_307, %mul3A_853 : i32
        %add3A_855 = arith.addi %mul3A_852, %mul3A_854 : i32
        %add3A_856 = arith.constant 20 : i32
        %add3A_857 = arith.addi %add3A_855, %add3A_856 : i32
        %add3A_858 = arith.constant 18 : i32
        %add3A_859 = arith.addi %add3A_857, %add3A_858 : i32
        %get3A_860 = arith.index_cast %add3A_859 : i32 to index
        %get3A_861 = arith.constant 0 : index
        %get3A_862 = tpu.vector_load %arg6[%get3A_860, %get3A_861] {strides = array<i32>} : memref<5120x16xf32, #tpu.memory_space<vmem>>, vector<1x16xf32>,
        %get3A_863 = vector.shape_cast %get3A_862 : vector<1x16xf32> to vector<16xf32>
        %add3A_864 = arith.addf %add3A_850, %get3A_863 : vector<16xf32>
        %mul3A_865 = arith.constant 1280 : i32
        %mul3A_866 = arith.muli %select_n3A_282, %mul3A_865 : i32
        %mul3A_867 = arith.constant 320 : i32
        %mul3A_868 = arith.muli %scan3A_307, %mul3A_867 : i32
        %add3A_869 = arith.addi %mul3A_866, %mul3A_868 : i32
        %add3A_870 = arith.constant 20 : i32
        %add3A_871 = arith.addi %add3A_869, %add3A_870 : i32
        %add3A_872 = arith.constant 19 : i32
        %add3A_873 = arith.addi %add3A_871, %add3A_872 : i32
        %get3A_874 = arith.index_cast %add3A_873 : i32 to index
        %get3A_875 = arith.constant 0 : index
        %get3A_876 = tpu.vector_load %arg6[%get3A_874, %get3A_875] {strides = array<i32>} : memref<5120x16xf32, #tpu.memory_space<vmem>>, vector<1x16xf32>,
        %get3A_877 = vector.shape_cast %get3A_876 : vector<1x16xf32> to vector<16xf32>
        %add3A_878 = arith.addf %add3A_864, %get3A_877 : vector<16xf32>
        %mul3A_879 = arith.constant 8 : i32
        %mul3A_880 = arith.muli %scan3A_267, %mul3A_879 : i32
        %mul3A_881 = arith.constant 2 : i32
        %mul3A_882 = arith.muli %scan3A_307, %mul3A_881 : i32
        %add3A_883 = arith.addi %mul3A_880, %mul3A_882 : i32
        %add3A_884 = arith.constant 0 : i32
        %add3A_885 = arith.addi %add3A_883, %add3A_884 : i32
        %swap3A_886 = arith.index_cast %add3A_885 : i32 to index
        %swap3A_887 = arith.constant 16 : index
        %swap3A_888 = tpu.vector_load %arg7[%swap3A_886, %swap3A_887] {strides = array<i32>} : memref<64x128xf32, #tpu.memory_space<vmem>>, vector<1x16xf32>,
        %swap3A_889 = vector.shape_cast %swap3A_888 : vector<1x16xf32> to vector<16xf32>
        %swap3A_890 = vector.shape_cast %add3A_878 : vector<16xf32> to vector<1x16xf32>
        tpu.vector_store %arg7[%swap3A_886, %swap3A_887], %swap3A_890 {strides = array<i32>} : memref<64x128xf32, #tpu.memory_space<vmem>>, vector<1x16xf32>,
        %mul3A_891 = arith.constant 1280 : i32
        %mul3A_892 = arith.muli %select_n3A_282, %mul3A_891 : i32
        %mul3A_893 = arith.constant 320 : i32
        %mul3A_894 = arith.muli %scan3A_307, %mul3A_893 : i32
        %add3A_895 = arith.addi %mul3A_892, %mul3A_894 : i32
        %add3A_896 = arith.constant 40 : i32
        %add3A_897 = arith.addi %add3A_895, %add3A_896 : i32
        %add3A_898 = arith.constant 0 : i32
        %add3A_899 = arith.addi %add3A_897, %add3A_898 : i32
        %get3A_900 = arith.index_cast %add3A_899 : i32 to index
        %get3A_901 = arith.constant 0 : index
        %get3A_902 = tpu.vector_load %arg6[%get3A_900, %get3A_901] {strides = array<i32>} : memref<5120x16xf32, #tpu.memory_space<vmem>>, vector<1x16xf32>,
        %get3A_903 = vector.shape_cast %get3A_902 : vector<1x16xf32> to vector<16xf32>
        %add3A_904 = arith.addf %broadcast_in_dim3A_5, %get3A_903 : vector<16xf32>
        %mul3A_905 = arith.constant 1280 : i32
        %mul3A_906 = arith.muli %select_n3A_282, %mul3A_905 : i32
        %mul3A_907 = arith.constant 320 : i32
        %mul3A_908 = arith.muli %scan3A_307, %mul3A_907 : i32
        %add3A_909 = arith.addi %mul3A_906, %mul3A_908 : i32
        %add3A_910 = arith.constant 40 : i32
        %add3A_911 = arith.addi %add3A_909, %add3A_910 : i32
        %add3A_912 = arith.constant 1 : i32
        %add3A_913 = arith.addi %add3A_911, %add3A_912 : i32
        %get3A_914 = arith.index_cast %add3A_913 : i32 to index
        %get3A_915 = arith.constant 0 : index
        %get3A_916 = tpu.vector_load %arg6[%get3A_914, %get3A_915] {strides = array<i32>} : memref<5120x16xf32, #tpu.memory_space<vmem>>, vector<1x16xf32>,
        %get3A_917 = vector.shape_cast %get3A_916 : vector<1x16xf32> to vector<16xf32>
        %add3A_918 = arith.addf %add3A_904, %get3A_917 : vector<16xf32>
        %mul3A_919 = arith.constant 1280 : i32
        %mul3A_920 = arith.muli %select_n3A_282, %mul3A_919 : i32
        %mul3A_921 = arith.constant 320 : i32
        %mul3A_922 = arith.muli %scan3A_307, %mul3A_921 : i32
        %add3A_923 = arith.addi %mul3A_920, %mul3A_922 : i32
        %add3A_924 = arith.constant 40 : i32
        %add3A_925 = arith.addi %add3A_923, %add3A_924 : i32
        %add3A_926 = arith.constant 2 : i32
        %add3A_927 = arith.addi %add3A_925, %add3A_926 : i32
        %get3A_928 = arith.index_cast %add3A_927 : i32 to index
        %get3A_929 = arith.constant 0 : index
        %get3A_930 = tpu.vector_load %arg6[%get3A_928, %get3A_929] {strides = array<i32>} : memref<5120x16xf32, #tpu.memory_space<vmem>>, vector<1x16xf32>,
        %get3A_931 = vector.shape_cast %get3A_930 : vector<1x16xf32> to vector<16xf32>
        %add3A_932 = arith.addf %add3A_918, %get3A_931 : vector<16xf32>
        %mul3A_933 = arith.constant 1280 : i32
        %mul3A_934 = arith.muli %select_n3A_282, %mul3A_933 : i32
        %mul3A_935 = arith.constant 320 : i32
        %mul3A_936 = arith.muli %scan3A_307, %mul3A_935 : i32
        %add3A_937 = arith.addi %mul3A_934, %mul3A_936 : i32
        %add3A_938 = arith.constant 40 : i32
        %add3A_939 = arith.addi %add3A_937, %add3A_938 : i32
        %add3A_940 = arith.constant 3 : i32
        %add3A_941 = arith.addi %add3A_939, %add3A_940 : i32
        %get3A_942 = arith.index_cast %add3A_941 : i32 to index
        %get3A_943 = arith.constant 0 : index
        %get3A_944 = tpu.vector_load %arg6[%get3A_942, %get3A_943] {strides = array<i32>} : memref<5120x16xf32, #tpu.memory_space<vmem>>, vector<1x16xf32>,
        %get3A_945 = vector.shape_cast %get3A_944 : vector<1x16xf32> to vector<16xf32>
        %add3A_946 = arith.addf %add3A_932, %get3A_945 : vector<16xf32>
        %mul3A_947 = arith.constant 1280 : i32
        %mul3A_948 = arith.muli %select_n3A_282, %mul3A_947 : i32
        %mul3A_949 = arith.constant 320 : i32
        %mul3A_950 = arith.muli %scan3A_307, %mul3A_949 : i32
        %add3A_951 = arith.addi %mul3A_948, %mul3A_950 : i32
        %add3A_952 = arith.constant 40 : i32
        %add3A_953 = arith.addi %add3A_951, %add3A_952 : i32
        %add3A_954 = arith.constant 4 : i32
        %add3A_955 = arith.addi %add3A_953, %add3A_954 : i32
        %get3A_956 = arith.index_cast %add3A_955 : i32 to index
        %get3A_957 = arith.constant 0 : index
        %get3A_958 = tpu.vector_load %arg6[%get3A_956, %get3A_957] {strides = array<i32>} : memref<5120x16xf32, #tpu.memory_space<vmem>>, vector<1x16xf32>,
        %get3A_959 = vector.shape_cast %get3A_958 : vector<1x16xf32> to vector<16xf32>
        %add3A_960 = arith.addf %add3A_946, %get3A_959 : vector<16xf32>
        %mul3A_961 = arith.constant 1280 : i32
        %mul3A_962 = arith.muli %select_n3A_282, %mul3A_961 : i32
        %mul3A_963 = arith.constant 320 : i32
        %mul3A_964 = arith.muli %scan3A_307, %mul3A_963 : i32
        %add3A_965 = arith.addi %mul3A_962, %mul3A_964 : i32
        %add3A_966 = arith.constant 40 : i32
        %add3A_967 = arith.addi %add3A_965, %add3A_966 : i32
        %add3A_968 = arith.constant 5 : i32
        %add3A_969 = arith.addi %add3A_967, %add3A_968 : i32
        %get3A_970 = arith.index_cast %add3A_969 : i32 to index
        %get3A_971 = arith.constant 0 : index
        %get3A_972 = tpu.vector_load %arg6[%get3A_970, %get3A_971] {strides = array<i32>} : memref<5120x16xf32, #tpu.memory_space<vmem>>, vector<1x16xf32>,
        %get3A_973 = vector.shape_cast %get3A_972 : vector<1x16xf32> to vector<16xf32>
        %add3A_974 = arith.addf %add3A_960, %get3A_973 : vector<16xf32>
        %mul3A_975 = arith.constant 1280 : i32
        %mul3A_976 = arith.muli %select_n3A_282, %mul3A_975 : i32
        %mul3A_977 = arith.constant 320 : i32
        %mul3A_978 = arith.muli %scan3A_307, %mul3A_977 : i32
        %add3A_979 = arith.addi %mul3A_976, %mul3A_978 : i32
        %add3A_980 = arith.constant 40 : i32
        %add3A_981 = arith.addi %add3A_979, %add3A_980 : i32
        %add3A_982 = arith.constant 6 : i32
        %add3A_983 = arith.addi %add3A_981, %add3A_982 : i32
        %get3A_984 = arith.index_cast %add3A_983 : i32 to index
        %get3A_985 = arith.constant 0 : index
        %get3A_986 = tpu.vector_load %arg6[%get3A_984, %get3A_985] {strides = array<i32>} : memref<5120x16xf32, #tpu.memory_space<vmem>>, vector<1x16xf32>,
        %get3A_987 = vector.shape_cast %get3A_986 : vector<1x16xf32> to vector<16xf32>
        %add3A_988 = arith.addf %add3A_974, %get3A_987 : vector<16xf32>
        %mul3A_989 = arith.constant 1280 : i32
        %mul3A_990 = arith.muli %select_n3A_282, %mul3A_989 : i32
        %mul3A_991 = arith.constant 320 : i32
        %mul3A_992 = arith.muli %scan3A_307, %mul3A_991 : i32
        %add3A_993 = arith.addi %mul3A_990, %mul3A_992 : i32
        %add3A_994 = arith.constant 40 : i32
        %add3A_995 = arith.addi %add3A_993, %add3A_994 : i32
        %add3A_996 = arith.constant 7 : i32
        %add3A_997 = arith.addi %add3A_995, %add3A_996 : i32
        %get3A_998 = arith.index_cast %add3A_997 : i32 to index
        %get3A_999 = arith.constant 0 : index
        %get3A_1000 = tpu.vector_load %arg6[%get3A_998, %get3A_999] {strides = array<i32>} : memref<5120x16xf32, #tpu.memory_space<vmem>>, vector<1x16xf32>,
        %get3A_1001 = vector.shape_cast %get3A_1000 : vector<1x16xf32> to vector<16xf32>
        %add3A_1002 = arith.addf %add3A_988, %get3A_1001 : vector<16xf32>
        %mul3A_1003 = arith.constant 1280 : i32
        %mul3A_1004 = arith.muli %select_n3A_282, %mul3A_1003 : i32
        %mul3A_1005 = arith.constant 320 : i32
        %mul3A_1006 = arith.muli %scan3A_307, %mul3A_1005 : i32
        %add3A_1007 = arith.addi %mul3A_1004, %mul3A_1006 : i32
        %add3A_1008 = arith.constant 40 : i32
        %add3A_1009 = arith.addi %add3A_1007, %add3A_1008 : i32
        %add3A_1010 = arith.constant 8 : i32
        %add3A_1011 = arith.addi %add3A_1009, %add3A_1010 : i32
        %get3A_1012 = arith.index_cast %add3A_1011 : i32 to index
        %get3A_1013 = arith.constant 0 : index
        %get3A_1014 = tpu.vector_load %arg6[%get3A_1012, %get3A_1013] {strides = array<i32>} : memref<5120x16xf32, #tpu.memory_space<vmem>>, vector<1x16xf32>,
        %get3A_1015 = vector.shape_cast %get3A_1014 : vector<1x16xf32> to vector<16xf32>
        %add3A_1016 = arith.addf %add3A_1002, %get3A_1015 : vector<16xf32>
        %mul3A_1017 = arith.constant 1280 : i32
        %mul3A_1018 = arith.muli %select_n3A_282, %mul3A_1017 : i32
        %mul3A_1019 = arith.constant 320 : i32
        %mul3A_1020 = arith.muli %scan3A_307, %mul3A_1019 : i32
        %add3A_1021 = arith.addi %mul3A_1018, %mul3A_1020 : i32
        %add3A_1022 = arith.constant 40 : i32
        %add3A_1023 = arith.addi %add3A_1021, %add3A_1022 : i32
        %add3A_1024 = arith.constant 9 : i32
        %add3A_1025 = arith.addi %add3A_1023, %add3A_1024 : i32
        %get3A_1026 = arith.index_cast %add3A_1025 : i32 to index
        %get3A_1027 = arith.constant 0 : index
        %get3A_1028 = tpu.vector_load %arg6[%get3A_1026, %get3A_1027] {strides = array<i32>} : memref<5120x16xf32, #tpu.memory_space<vmem>>, vector<1x16xf32>,
        %get3A_1029 = vector.shape_cast %get3A_1028 : vector<1x16xf32> to vector<16xf32>
        %add3A_1030 = arith.addf %add3A_1016, %get3A_1029 : vector<16xf32>
        %mul3A_1031 = arith.constant 1280 : i32
        %mul3A_1032 = arith.muli %select_n3A_282, %mul3A_1031 : i32
        %mul3A_1033 = arith.constant 320 : i32
        %mul3A_1034 = arith.muli %scan3A_307, %mul3A_1033 : i32
        %add3A_1035 = arith.addi %mul3A_1032, %mul3A_1034 : i32
        %add3A_1036 = arith.constant 40 : i32
        %add3A_1037 = arith.addi %add3A_1035, %add3A_1036 : i32
        %add3A_1038 = arith.constant 10 : i32
        %add3A_1039 = arith.addi %add3A_1037, %add3A_1038 : i32
        %get3A_1040 = arith.index_cast %add3A_1039 : i32 to index
        %get3A_1041 = arith.constant 0 : index
        %get3A_1042 = tpu.vector_load %arg6[%get3A_1040, %get3A_1041] {strides = array<i32>} : memref<5120x16xf32, #tpu.memory_space<vmem>>, vector<1x16xf32>,
        %get3A_1043 = vector.shape_cast %get3A_1042 : vector<1x16xf32> to vector<16xf32>
        %add3A_1044 = arith.addf %add3A_1030, %get3A_1043 : vector<16xf32>
        %mul3A_1045 = arith.constant 1280 : i32
        %mul3A_1046 = arith.muli %select_n3A_282, %mul3A_1045 : i32
        %mul3A_1047 = arith.constant 320 : i32
        %mul3A_1048 = arith.muli %scan3A_307, %mul3A_1047 : i32
        %add3A_1049 = arith.addi %mul3A_1046, %mul3A_1048 : i32
        %add3A_1050 = arith.constant 40 : i32
        %add3A_1051 = arith.addi %add3A_1049, %add3A_1050 : i32
        %add3A_1052 = arith.constant 11 : i32
        %add3A_1053 = arith.addi %add3A_1051, %add3A_1052 : i32
        %get3A_1054 = arith.index_cast %add3A_1053 : i32 to index
        %get3A_1055 = arith.constant 0 : index
        %get3A_1056 = tpu.vector_load %arg6[%get3A_1054, %get3A_1055] {strides = array<i32>} : memref<5120x16xf32, #tpu.memory_space<vmem>>, vector<1x16xf32>,
        %get3A_1057 = vector.shape_cast %get3A_1056 : vector<1x16xf32> to vector<16xf32>
        %add3A_1058 = arith.addf %add3A_1044, %get3A_1057 : vector<16xf32>
        %mul3A_1059 = arith.constant 1280 : i32
        %mul3A_1060 = arith.muli %select_n3A_282, %mul3A_1059 : i32
        %mul3A_1061 = arith.constant 320 : i32
        %mul3A_1062 = arith.muli %scan3A_307, %mul3A_1061 : i32
        %add3A_1063 = arith.addi %mul3A_1060, %mul3A_1062 : i32
        %add3A_1064 = arith.constant 40 : i32
        %add3A_1065 = arith.addi %add3A_1063, %add3A_1064 : i32
        %add3A_1066 = arith.constant 12 : i32
        %add3A_1067 = arith.addi %add3A_1065, %add3A_1066 : i32
        %get3A_1068 = arith.index_cast %add3A_1067 : i32 to index
        %get3A_1069 = arith.constant 0 : index
        %get3A_1070 = tpu.vector_load %arg6[%get3A_1068, %get3A_1069] {strides = array<i32>} : memref<5120x16xf32, #tpu.memory_space<vmem>>, vector<1x16xf32>,
        %get3A_1071 = vector.shape_cast %get3A_1070 : vector<1x16xf32> to vector<16xf32>
        %add3A_1072 = arith.addf %add3A_1058, %get3A_1071 : vector<16xf32>
        %mul3A_1073 = arith.constant 1280 : i32
        %mul3A_1074 = arith.muli %select_n3A_282, %mul3A_1073 : i32
        %mul3A_1075 = arith.constant 320 : i32
        %mul3A_1076 = arith.muli %scan3A_307, %mul3A_1075 : i32
        %add3A_1077 = arith.addi %mul3A_1074, %mul3A_1076 : i32
        %add3A_1078 = arith.constant 40 : i32
        %add3A_1079 = arith.addi %add3A_1077, %add3A_1078 : i32
        %add3A_1080 = arith.constant 13 : i32
        %add3A_1081 = arith.addi %add3A_1079, %add3A_1080 : i32
        %get3A_1082 = arith.index_cast %add3A_1081 : i32 to index
        %get3A_1083 = arith.constant 0 : index
        %get3A_1084 = tpu.vector_load %arg6[%get3A_1082, %get3A_1083] {strides = array<i32>} : memref<5120x16xf32, #tpu.memory_space<vmem>>, vector<1x16xf32>,
        %get3A_1085 = vector.shape_cast %get3A_1084 : vector<1x16xf32> to vector<16xf32>
        %add3A_1086 = arith.addf %add3A_1072, %get3A_1085 : vector<16xf32>
        %mul3A_1087 = arith.constant 1280 : i32
        %mul3A_1088 = arith.muli %select_n3A_282, %mul3A_1087 : i32
        %mul3A_1089 = arith.constant 320 : i32
        %mul3A_1090 = arith.muli %scan3A_307, %mul3A_1089 : i32
        %add3A_1091 = arith.addi %mul3A_1088, %mul3A_1090 : i32
        %add3A_1092 = arith.constant 40 : i32
        %add3A_1093 = arith.addi %add3A_1091, %add3A_1092 : i32
        %add3A_1094 = arith.constant 14 : i32
        %add3A_1095 = arith.addi %add3A_1093, %add3A_1094 : i32
        %get3A_1096 = arith.index_cast %add3A_1095 : i32 to index
        %get3A_1097 = arith.constant 0 : index
        %get3A_1098 = tpu.vector_load %arg6[%get3A_1096, %get3A_1097] {strides = array<i32>} : memref<5120x16xf32, #tpu.memory_space<vmem>>, vector<1x16xf32>,
        %get3A_1099 = vector.shape_cast %get3A_1098 : vector<1x16xf32> to vector<16xf32>
        %add3A_1100 = arith.addf %add3A_1086, %get3A_1099 : vector<16xf32>
        %mul3A_1101 = arith.constant 1280 : i32
        %mul3A_1102 = arith.muli %select_n3A_282, %mul3A_1101 : i32
        %mul3A_1103 = arith.constant 320 : i32
        %mul3A_1104 = arith.muli %scan3A_307, %mul3A_1103 : i32
        %add3A_1105 = arith.addi %mul3A_1102, %mul3A_1104 : i32
        %add3A_1106 = arith.constant 40 : i32
        %add3A_1107 = arith.addi %add3A_1105, %add3A_1106 : i32
        %add3A_1108 = arith.constant 15 : i32
        %add3A_1109 = arith.addi %add3A_1107, %add3A_1108 : i32
        %get3A_1110 = arith.index_cast %add3A_1109 : i32 to index
        %get3A_1111 = arith.constant 0 : index
        %get3A_1112 = tpu.vector_load %arg6[%get3A_1110, %get3A_1111] {strides = array<i32>} : memref<5120x16xf32, #tpu.memory_space<vmem>>, vector<1x16xf32>,
        %get3A_1113 = vector.shape_cast %get3A_1112 : vector<1x16xf32> to vector<16xf32>
        %add3A_1114 = arith.addf %add3A_1100, %get3A_1113 : vector<16xf32>
        %mul3A_1115 = arith.constant 1280 : i32
        %mul3A_1116 = arith.muli %select_n3A_282, %mul3A_1115 : i32
        %mul3A_1117 = arith.constant 320 : i32
        %mul3A_1118 = arith.muli %scan3A_307, %mul3A_1117 : i32
        %add3A_1119 = arith.addi %mul3A_1116, %mul3A_1118 : i32
        %add3A_1120 = arith.constant 40 : i32
        %add3A_1121 = arith.addi %add3A_1119, %add3A_1120 : i32
        %add3A_1122 = arith.constant 16 : i32
        %add3A_1123 = arith.addi %add3A_1121, %add3A_1122 : i32
        %get3A_1124 = arith.index_cast %add3A_1123 : i32 to index
        %get3A_1125 = arith.constant 0 : index
        %get3A_1126 = tpu.vector_load %arg6[%get3A_1124, %get3A_1125] {strides = array<i32>} : memref<5120x16xf32, #tpu.memory_space<vmem>>, vector<1x16xf32>,
        %get3A_1127 = vector.shape_cast %get3A_1126 : vector<1x16xf32> to vector<16xf32>
        %add3A_1128 = arith.addf %add3A_1114, %get3A_1127 : vector<16xf32>
        %mul3A_1129 = arith.constant 1280 : i32
        %mul3A_1130 = arith.muli %select_n3A_282, %mul3A_1129 : i32
        %mul3A_1131 = arith.constant 320 : i32
        %mul3A_1132 = arith.muli %scan3A_307, %mul3A_1131 : i32
        %add3A_1133 = arith.addi %mul3A_1130, %mul3A_1132 : i32
        %add3A_1134 = arith.constant 40 : i32
        %add3A_1135 = arith.addi %add3A_1133, %add3A_1134 : i32
        %add3A_1136 = arith.constant 17 : i32
        %add3A_1137 = arith.addi %add3A_1135, %add3A_1136 : i32
        %get3A_1138 = arith.index_cast %add3A_1137 : i32 to index
        %get3A_1139 = arith.constant 0 : index
        %get3A_1140 = tpu.vector_load %arg6[%get3A_1138, %get3A_1139] {strides = array<i32>} : memref<5120x16xf32, #tpu.memory_space<vmem>>, vector<1x16xf32>,
        %get3A_1141 = vector.shape_cast %get3A_1140 : vector<1x16xf32> to vector<16xf32>
        %add3A_1142 = arith.addf %add3A_1128, %get3A_1141 : vector<16xf32>
        %mul3A_1143 = arith.constant 1280 : i32
        %mul3A_1144 = arith.muli %select_n3A_282, %mul3A_1143 : i32
        %mul3A_1145 = arith.constant 320 : i32
        %mul3A_1146 = arith.muli %scan3A_307, %mul3A_1145 : i32
        %add3A_1147 = arith.addi %mul3A_1144, %mul3A_1146 : i32
        %add3A_1148 = arith.constant 40 : i32
        %add3A_1149 = arith.addi %add3A_1147, %add3A_1148 : i32
        %add3A_1150 = arith.constant 18 : i32
        %add3A_1151 = arith.addi %add3A_1149, %add3A_1150 : i32
        %get3A_1152 = arith.index_cast %add3A_1151 : i32 to index
        %get3A_1153 = arith.constant 0 : index
        %get3A_1154 = tpu.vector_load %arg6[%get3A_1152, %get3A_1153] {strides = array<i32>} : memref<5120x16xf32, #tpu.memory_space<vmem>>, vector<1x16xf32>,
        %get3A_1155 = vector.shape_cast %get3A_1154 : vector<1x16xf32> to vector<16xf32>
        %add3A_1156 = arith.addf %add3A_1142, %get3A_1155 : vector<16xf32>
        %mul3A_1157 = arith.constant 1280 : i32
        %mul3A_1158 = arith.muli %select_n3A_282, %mul3A_1157 : i32
        %mul3A_1159 = arith.constant 320 : i32
        %mul3A_1160 = arith.muli %scan3A_307, %mul3A_1159 : i32
        %add3A_1161 = arith.addi %mul3A_1158, %mul3A_1160 : i32
        %add3A_1162 = arith.constant 40 : i32
        %add3A_1163 = arith.addi %add3A_1161, %add3A_1162 : i32
        %add3A_1164 = arith.constant 19 : i32
        %add3A_1165 = arith.addi %add3A_1163, %add3A_1164 : i32
        %get3A_1166 = arith.index_cast %add3A_1165 : i32 to index
        %get3A_1167 = arith.constant 0 : index
        %get3A_1168 = tpu.vector_load %arg6[%get3A_1166, %get3A_1167] {strides = array<i32>} : memref<5120x16xf32, #tpu.memory_space<vmem>>, vector<1x16xf32>,
        %get3A_1169 = vector.shape_cast %get3A_1168 : vector<1x16xf32> to vector<16xf32>
        %add3A_1170 = arith.addf %add3A_1156, %get3A_1169 : vector<16xf32>
        %mul3A_1171 = arith.constant 8 : i32
        %mul3A_1172 = arith.muli %scan3A_267, %mul3A_1171 : i32
        %mul3A_1173 = arith.constant 2 : i32
        %mul3A_1174 = arith.muli %scan3A_307, %mul3A_1173 : i32
        %add3A_1175 = arith.addi %mul3A_1172, %mul3A_1174 : i32
        %add3A_1176 = arith.constant 0 : i32
        %add3A_1177 = arith.addi %add3A_1175, %add3A_1176 : i32
        %swap3A_1178 = arith.index_cast %add3A_1177 : i32 to index
        %swap3A_1179 = arith.constant 32 : index
        %swap3A_1180 = tpu.vector_load %arg7[%swap3A_1178, %swap3A_1179] {strides = array<i32>} : memref<64x128xf32, #tpu.memory_space<vmem>>, vector<1x16xf32>,
        %swap3A_1181 = vector.shape_cast %swap3A_1180 : vector<1x16xf32> to vector<16xf32>
        %swap3A_1182 = vector.shape_cast %add3A_1170 : vector<16xf32> to vector<1x16xf32>
        tpu.vector_store %arg7[%swap3A_1178, %swap3A_1179], %swap3A_1182 {strides = array<i32>} : memref<64x128xf32, #tpu.memory_space<vmem>>, vector<1x16xf32>,
        %mul3A_1183 = arith.constant 1280 : i32
        %mul3A_1184 = arith.muli %select_n3A_282, %mul3A_1183 : i32
        %mul3A_1185 = arith.constant 320 : i32
        %mul3A_1186 = arith.muli %scan3A_307, %mul3A_1185 : i32
        %add3A_1187 = arith.addi %mul3A_1184, %mul3A_1186 : i32
        %add3A_1188 = arith.constant 60 : i32
        %add3A_1189 = arith.addi %add3A_1187, %add3A_1188 : i32
        %add3A_1190 = arith.constant 0 : i32
        %add3A_1191 = arith.addi %add3A_1189, %add3A_1190 : i32
        %get3A_1192 = arith.index_cast %add3A_1191 : i32 to index
        %get3A_1193 = arith.constant 0 : index
        %get3A_1194 = tpu.vector_load %arg6[%get3A_1192, %get3A_1193] {strides = array<i32>} : memref<5120x16xf32, #tpu.memory_space<vmem>>, vector<1x16xf32>,
        %get3A_1195 = vector.shape_cast %get3A_1194 : vector<1x16xf32> to vector<16xf32>
        %add3A_1196 = arith.addf %broadcast_in_dim3A_5, %get3A_1195 : vector<16xf32>
        %mul3A_1197 = arith.constant 1280 : i32
        %mul3A_1198 = arith.muli %select_n3A_282, %mul3A_1197 : i32
        %mul3A_1199 = arith.constant 320 : i32
        %mul3A_1200 = arith.muli %scan3A_307, %mul3A_1199 : i32
        %add3A_1201 = arith.addi %mul3A_1198, %mul3A_1200 : i32
        %add3A_1202 = arith.constant 60 : i32
        %add3A_1203 = arith.addi %add3A_1201, %add3A_1202 : i32
        %add3A_1204 = arith.constant 1 : i32
        %add3A_1205 = arith.addi %add3A_1203, %add3A_1204 : i32
        %get3A_1206 = arith.index_cast %add3A_1205 : i32 to index
        %get3A_1207 = arith.constant 0 : index
        %get3A_1208 = tpu.vector_load %arg6[%get3A_1206, %get3A_1207] {strides = array<i32>} : memref<5120x16xf32, #tpu.memory_space<vmem>>, vector<1x16xf32>,
        %get3A_1209 = vector.shape_cast %get3A_1208 : vector<1x16xf32> to vector<16xf32>
        %add3A_1210 = arith.addf %add3A_1196, %get3A_1209 : vector<16xf32>
        %mul3A_1211 = arith.constant 1280 : i32
        %mul3A_1212 = arith.muli %select_n3A_282, %mul3A_1211 : i32
        %mul3A_1213 = arith.constant 320 : i32
        %mul3A_1214 = arith.muli %scan3A_307, %mul3A_1213 : i32
        %add3A_1215 = arith.addi %mul3A_1212, %mul3A_1214 : i32
        %add3A_1216 = arith.constant 60 : i32
        %add3A_1217 = arith.addi %add3A_1215, %add3A_1216 : i32
        %add3A_1218 = arith.constant 2 : i32
        %add3A_1219 = arith.addi %add3A_1217, %add3A_1218 : i32
        %get3A_1220 = arith.index_cast %add3A_1219 : i32 to index
        %get3A_1221 = arith.constant 0 : index
        %get3A_1222 = tpu.vector_load %arg6[%get3A_1220, %get3A_1221] {strides = array<i32>} : memref<5120x16xf32, #tpu.memory_space<vmem>>, vector<1x16xf32>,
        %get3A_1223 = vector.shape_cast %get3A_1222 : vector<1x16xf32> to vector<16xf32>
        %add3A_1224 = arith.addf %add3A_1210, %get3A_1223 : vector<16xf32>
        %mul3A_1225 = arith.constant 1280 : i32
        %mul3A_1226 = arith.muli %select_n3A_282, %mul3A_1225 : i32
        %mul3A_1227 = arith.constant 320 : i32
        %mul3A_1228 = arith.muli %scan3A_307, %mul3A_1227 : i32
        %add3A_1229 = arith.addi %mul3A_1226, %mul3A_1228 : i32
        %add3A_1230 = arith.constant 60 : i32
        %add3A_1231 = arith.addi %add3A_1229, %add3A_1230 : i32
        %add3A_1232 = arith.constant 3 : i32
        %add3A_1233 = arith.addi %add3A_1231, %add3A_1232 : i32
        %get3A_1234 = arith.index_cast %add3A_1233 : i32 to index
        %get3A_1235 = arith.constant 0 : index
        %get3A_1236 = tpu.vector_load %arg6[%get3A_1234, %get3A_1235] {strides = array<i32>} : memref<5120x16xf32, #tpu.memory_space<vmem>>, vector<1x16xf32>,
        %get3A_1237 = vector.shape_cast %get3A_1236 : vector<1x16xf32> to vector<16xf32>
        %add3A_1238 = arith.addf %add3A_1224, %get3A_1237 : vector<16xf32>
        %mul3A_1239 = arith.constant 1280 : i32
        %mul3A_1240 = arith.muli %select_n3A_282, %mul3A_1239 : i32
        %mul3A_1241 = arith.constant 320 : i32
        %mul3A_1242 = arith.muli %scan3A_307, %mul3A_1241 : i32
        %add3A_1243 = arith.addi %mul3A_1240, %mul3A_1242 : i32
        %add3A_1244 = arith.constant 60 : i32
        %add3A_1245 = arith.addi %add3A_1243, %add3A_1244 : i32
        %add3A_1246 = arith.constant 4 : i32
        %add3A_1247 = arith.addi %add3A_1245, %add3A_1246 : i32
        %get3A_1248 = arith.index_cast %add3A_1247 : i32 to index
        %get3A_1249 = arith.constant 0 : index
        %get3A_1250 = tpu.vector_load %arg6[%get3A_1248, %get3A_1249] {strides = array<i32>} : memref<5120x16xf32, #tpu.memory_space<vmem>>, vector<1x16xf32>,
        %get3A_1251 = vector.shape_cast %get3A_1250 : vector<1x16xf32> to vector<16xf32>
        %add3A_1252 = arith.addf %add3A_1238, %get3A_1251 : vector<16xf32>
        %mul3A_1253 = arith.constant 1280 : i32
        %mul3A_1254 = arith.muli %select_n3A_282, %mul3A_1253 : i32
        %mul3A_1255 = arith.constant 320 : i32
        %mul3A_1256 = arith.muli %scan3A_307, %mul3A_1255 : i32
        %add3A_1257 = arith.addi %mul3A_1254, %mul3A_1256 : i32
        %add3A_1258 = arith.constant 60 : i32
        %add3A_1259 = arith.addi %add3A_1257, %add3A_1258 : i32
        %add3A_1260 = arith.constant 5 : i32
        %add3A_1261 = arith.addi %add3A_1259, %add3A_1260 : i32
        %get3A_1262 = arith.index_cast %add3A_1261 : i32 to index
        %get3A_1263 = arith.constant 0 : index
        %get3A_1264 = tpu.vector_load %arg6[%get3A_1262, %get3A_1263] {strides = array<i32>} : memref<5120x16xf32, #tpu.memory_space<vmem>>, vector<1x16xf32>,
        %get3A_1265 = vector.shape_cast %get3A_1264 : vector<1x16xf32> to vector<16xf32>
        %add3A_1266 = arith.addf %add3A_1252, %get3A_1265 : vector<16xf32>
        %mul3A_1267 = arith.constant 1280 : i32
        %mul3A_1268 = arith.muli %select_n3A_282, %mul3A_1267 : i32
        %mul3A_1269 = arith.constant 320 : i32
        %mul3A_1270 = arith.muli %scan3A_307, %mul3A_1269 : i32
        %add3A_1271 = arith.addi %mul3A_1268, %mul3A_1270 : i32
        %add3A_1272 = arith.constant 60 : i32
        %add3A_1273 = arith.addi %add3A_1271, %add3A_1272 : i32
        %add3A_1274 = arith.constant 6 : i32
        %add3A_1275 = arith.addi %add3A_1273, %add3A_1274 : i32
        %get3A_1276 = arith.index_cast %add3A_1275 : i32 to index
        %get3A_1277 = arith.constant 0 : index
        %get3A_1278 = tpu.vector_load %arg6[%get3A_1276, %get3A_1277] {strides = array<i32>} : memref<5120x16xf32, #tpu.memory_space<vmem>>, vector<1x16xf32>,
        %get3A_1279 = vector.shape_cast %get3A_1278 : vector<1x16xf32> to vector<16xf32>
        %add3A_1280 = arith.addf %add3A_1266, %get3A_1279 : vector<16xf32>
        %mul3A_1281 = arith.constant 1280 : i32
        %mul3A_1282 = arith.muli %select_n3A_282, %mul3A_1281 : i32
        %mul3A_1283 = arith.constant 320 : i32
        %mul3A_1284 = arith.muli %scan3A_307, %mul3A_1283 : i32
        %add3A_1285 = arith.addi %mul3A_1282, %mul3A_1284 : i32
        %add3A_1286 = arith.constant 60 : i32
        %add3A_1287 = arith.addi %add3A_1285, %add3A_1286 : i32
        %add3A_1288 = arith.constant 7 : i32
        %add3A_1289 = arith.addi %add3A_1287, %add3A_1288 : i32
        %get3A_1290 = arith.index_cast %add3A_1289 : i32 to index
        %get3A_1291 = arith.constant 0 : index
        %get3A_1292 = tpu.vector_load %arg6[%get3A_1290, %get3A_1291] {strides = array<i32>} : memref<5120x16xf32, #tpu.memory_space<vmem>>, vector<1x16xf32>,
        %get3A_1293 = vector.shape_cast %get3A_1292 : vector<1x16xf32> to vector<16xf32>
        %add3A_1294 = arith.addf %add3A_1280, %get3A_1293 : vector<16xf32>
        %mul3A_1295 = arith.constant 1280 : i32
        %mul3A_1296 = arith.muli %select_n3A_282, %mul3A_1295 : i32
        %mul3A_1297 = arith.constant 320 : i32
        %mul3A_1298 = arith.muli %scan3A_307, %mul3A_1297 : i32
        %add3A_1299 = arith.addi %mul3A_1296, %mul3A_1298 : i32
        %add3A_1300 = arith.constant 60 : i32
        %add3A_1301 = arith.addi %add3A_1299, %add3A_1300 : i32
        %add3A_1302 = arith.constant 8 : i32
        %add3A_1303 = arith.addi %add3A_1301, %add3A_1302 : i32
        %get3A_1304 = arith.index_cast %add3A_1303 : i32 to index
        %get3A_1305 = arith.constant 0 : index
        %get3A_1306 = tpu.vector_load %arg6[%get3A_1304, %get3A_1305] {strides = array<i32>} : memref<5120x16xf32, #tpu.memory_space<vmem>>, vector<1x16xf32>,
        %get3A_1307 = vector.shape_cast %get3A_1306 : vector<1x16xf32> to vector<16xf32>
        %add3A_1308 = arith.addf %add3A_1294, %get3A_1307 : vector<16xf32>
        %mul3A_1309 = arith.constant 1280 : i32
        %mul3A_1310 = arith.muli %select_n3A_282, %mul3A_1309 : i32
        %mul3A_1311 = arith.constant 320 : i32
        %mul3A_1312 = arith.muli %scan3A_307, %mul3A_1311 : i32
        %add3A_1313 = arith.addi %mul3A_1310, %mul3A_1312 : i32
        %add3A_1314 = arith.constant 60 : i32
        %add3A_1315 = arith.addi %add3A_1313, %add3A_1314 : i32
        %add3A_1316 = arith.constant 9 : i32
        %add3A_1317 = arith.addi %add3A_1315, %add3A_1316 : i32
        %get3A_1318 = arith.index_cast %add3A_1317 : i32 to index
        %get3A_1319 = arith.constant 0 : index
        %get3A_1320 = tpu.vector_load %arg6[%get3A_1318, %get3A_1319] {strides = array<i32>} : memref<5120x16xf32, #tpu.memory_space<vmem>>, vector<1x16xf32>,
        %get3A_1321 = vector.shape_cast %get3A_1320 : vector<1x16xf32> to vector<16xf32>
        %add3A_1322 = arith.addf %add3A_1308, %get3A_1321 : vector<16xf32>
        %mul3A_1323 = arith.constant 1280 : i32
        %mul3A_1324 = arith.muli %select_n3A_282, %mul3A_1323 : i32
        %mul3A_1325 = arith.constant 320 : i32
        %mul3A_1326 = arith.muli %scan3A_307, %mul3A_1325 : i32
        %add3A_1327 = arith.addi %mul3A_1324, %mul3A_1326 : i32
        %add3A_1328 = arith.constant 60 : i32
        %add3A_1329 = arith.addi %add3A_1327, %add3A_1328 : i32
        %add3A_1330 = arith.constant 10 : i32
        %add3A_1331 = arith.addi %add3A_1329, %add3A_1330 : i32
        %get3A_1332 = arith.index_cast %add3A_1331 : i32 to index
        %get3A_1333 = arith.constant 0 : index
        %get3A_1334 = tpu.vector_load %arg6[%get3A_1332, %get3A_1333] {strides = array<i32>} : memref<5120x16xf32, #tpu.memory_space<vmem>>, vector<1x16xf32>,
        %get3A_1335 = vector.shape_cast %get3A_1334 : vector<1x16xf32> to vector<16xf32>
        %add3A_1336 = arith.addf %add3A_1322, %get3A_1335 : vector<16xf32>
        %mul3A_1337 = arith.constant 1280 : i32
        %mul3A_1338 = arith.muli %select_n3A_282, %mul3A_1337 : i32
        %mul3A_1339 = arith.constant 320 : i32
        %mul3A_1340 = arith.muli %scan3A_307, %mul3A_1339 : i32
        %add3A_1341 = arith.addi %mul3A_1338, %mul3A_1340 : i32
        %add3A_1342 = arith.constant 60 : i32
        %add3A_1343 = arith.addi %add3A_1341, %add3A_1342 : i32
        %add3A_1344 = arith.constant 11 : i32
        %add3A_1345 = arith.addi %add3A_1343, %add3A_1344 : i32
        %get3A_1346 = arith.index_cast %add3A_1345 : i32 to index
        %get3A_1347 = arith.constant 0 : index
        %get3A_1348 = tpu.vector_load %arg6[%get3A_1346, %get3A_1347] {strides = array<i32>} : memref<5120x16xf32, #tpu.memory_space<vmem>>, vector<1x16xf32>,
        %get3A_1349 = vector.shape_cast %get3A_1348 : vector<1x16xf32> to vector<16xf32>
        %add3A_1350 = arith.addf %add3A_1336, %get3A_1349 : vector<16xf32>
        %mul3A_1351 = arith.constant 1280 : i32
        %mul3A_1352 = arith.muli %select_n3A_282, %mul3A_1351 : i32
        %mul3A_1353 = arith.constant 320 : i32
        %mul3A_1354 = arith.muli %scan3A_307, %mul3A_1353 : i32
        %add3A_1355 = arith.addi %mul3A_1352, %mul3A_1354 : i32
        %add3A_1356 = arith.constant 60 : i32
        %add3A_1357 = arith.addi %add3A_1355, %add3A_1356 : i32
        %add3A_1358 = arith.constant 12 : i32
        %add3A_1359 = arith.addi %add3A_1357, %add3A_1358 : i32
        %get3A_1360 = arith.index_cast %add3A_1359 : i32 to index
        %get3A_1361 = arith.constant 0 : index
        %get3A_1362 = tpu.vector_load %arg6[%get3A_1360, %get3A_1361] {strides = array<i32>} : memref<5120x16xf32, #tpu.memory_space<vmem>>, vector<1x16xf32>,
        %get3A_1363 = vector.shape_cast %get3A_1362 : vector<1x16xf32> to vector<16xf32>
        %add3A_1364 = arith.addf %add3A_1350, %get3A_1363 : vector<16xf32>
        %mul3A_1365 = arith.constant 1280 : i32
        %mul3A_1366 = arith.muli %select_n3A_282, %mul3A_1365 : i32
        %mul3A_1367 = arith.constant 320 : i32
        %mul3A_1368 = arith.muli %scan3A_307, %mul3A_1367 : i32
        %add3A_1369 = arith.addi %mul3A_1366, %mul3A_1368 : i32
        %add3A_1370 = arith.constant 60 : i32
        %add3A_1371 = arith.addi %add3A_1369, %add3A_1370 : i32
        %add3A_1372 = arith.constant 13 : i32
        %add3A_1373 = arith.addi %add3A_1371, %add3A_1372 : i32
        %get3A_1374 = arith.index_cast %add3A_1373 : i32 to index
        %get3A_1375 = arith.constant 0 : index
        %get3A_1376 = tpu.vector_load %arg6[%get3A_1374, %get3A_1375] {strides = array<i32>} : memref<5120x16xf32, #tpu.memory_space<vmem>>, vector<1x16xf32>,
        %get3A_1377 = vector.shape_cast %get3A_1376 : vector<1x16xf32> to vector<16xf32>
        %add3A_1378 = arith.addf %add3A_1364, %get3A_1377 : vector<16xf32>
        %mul3A_1379 = arith.constant 1280 : i32
        %mul3A_1380 = arith.muli %select_n3A_282, %mul3A_1379 : i32
        %mul3A_1381 = arith.constant 320 : i32
        %mul3A_1382 = arith.muli %scan3A_307, %mul3A_1381 : i32
        %add3A_1383 = arith.addi %mul3A_1380, %mul3A_1382 : i32
        %add3A_1384 = arith.constant 60 : i32
        %add3A_1385 = arith.addi %add3A_1383, %add3A_1384 : i32
        %add3A_1386 = arith.constant 14 : i32
        %add3A_1387 = arith.addi %add3A_1385, %add3A_1386 : i32
        %get3A_1388 = arith.index_cast %add3A_1387 : i32 to index
        %get3A_1389 = arith.constant 0 : index
        %get3A_1390 = tpu.vector_load %arg6[%get3A_1388, %get3A_1389] {strides = array<i32>} : memref<5120x16xf32, #tpu.memory_space<vmem>>, vector<1x16xf32>,
        %get3A_1391 = vector.shape_cast %get3A_1390 : vector<1x16xf32> to vector<16xf32>
        %add3A_1392 = arith.addf %add3A_1378, %get3A_1391 : vector<16xf32>
        %mul3A_1393 = arith.constant 1280 : i32
        %mul3A_1394 = arith.muli %select_n3A_282, %mul3A_1393 : i32
        %mul3A_1395 = arith.constant 320 : i32
        %mul3A_1396 = arith.muli %scan3A_307, %mul3A_1395 : i32
        %add3A_1397 = arith.addi %mul3A_1394, %mul3A_1396 : i32
        %add3A_1398 = arith.constant 60 : i32
        %add3A_1399 = arith.addi %add3A_1397, %add3A_1398 : i32
        %add3A_1400 = arith.constant 15 : i32
        %add3A_1401 = arith.addi %add3A_1399, %add3A_1400 : i32
        %get3A_1402 = arith.index_cast %add3A_1401 : i32 to index
        %get3A_1403 = arith.constant 0 : index
        %get3A_1404 = tpu.vector_load %arg6[%get3A_1402, %get3A_1403] {strides = array<i32>} : memref<5120x16xf32, #tpu.memory_space<vmem>>, vector<1x16xf32>,
        %get3A_1405 = vector.shape_cast %get3A_1404 : vector<1x16xf32> to vector<16xf32>
        %add3A_1406 = arith.addf %add3A_1392, %get3A_1405 : vector<16xf32>
        %mul3A_1407 = arith.constant 1280 : i32
        %mul3A_1408 = arith.muli %select_n3A_282, %mul3A_1407 : i32
        %mul3A_1409 = arith.constant 320 : i32
        %mul3A_1410 = arith.muli %scan3A_307, %mul3A_1409 : i32
        %add3A_1411 = arith.addi %mul3A_1408, %mul3A_1410 : i32
        %add3A_1412 = arith.constant 60 : i32
        %add3A_1413 = arith.addi %add3A_1411, %add3A_1412 : i32
        %add3A_1414 = arith.constant 16 : i32
        %add3A_1415 = arith.addi %add3A_1413, %add3A_1414 : i32
        %get3A_1416 = arith.index_cast %add3A_1415 : i32 to index
        %get3A_1417 = arith.constant 0 : index
        %get3A_1418 = tpu.vector_load %arg6[%get3A_1416, %get3A_1417] {strides = array<i32>} : memref<5120x16xf32, #tpu.memory_space<vmem>>, vector<1x16xf32>,
        %get3A_1419 = vector.shape_cast %get3A_1418 : vector<1x16xf32> to vector<16xf32>
        %add3A_1420 = arith.addf %add3A_1406, %get3A_1419 : vector<16xf32>
        %mul3A_1421 = arith.constant 1280 : i32
        %mul3A_1422 = arith.muli %select_n3A_282, %mul3A_1421 : i32
        %mul3A_1423 = arith.constant 320 : i32
        %mul3A_1424 = arith.muli %scan3A_307, %mul3A_1423 : i32
        %add3A_1425 = arith.addi %mul3A_1422, %mul3A_1424 : i32
        %add3A_1426 = arith.constant 60 : i32
        %add3A_1427 = arith.addi %add3A_1425, %add3A_1426 : i32
        %add3A_1428 = arith.constant 17 : i32
        %add3A_1429 = arith.addi %add3A_1427, %add3A_1428 : i32
        %get3A_1430 = arith.index_cast %add3A_1429 : i32 to index
        %get3A_1431 = arith.constant 0 : index
        %get3A_1432 = tpu.vector_load %arg6[%get3A_1430, %get3A_1431] {strides = array<i32>} : memref<5120x16xf32, #tpu.memory_space<vmem>>, vector<1x16xf32>,
        %get3A_1433 = vector.shape_cast %get3A_1432 : vector<1x16xf32> to vector<16xf32>
        %add3A_1434 = arith.addf %add3A_1420, %get3A_1433 : vector<16xf32>
        %mul3A_1435 = arith.constant 1280 : i32
        %mul3A_1436 = arith.muli %select_n3A_282, %mul3A_1435 : i32
        %mul3A_1437 = arith.constant 320 : i32
        %mul3A_1438 = arith.muli %scan3A_307, %mul3A_1437 : i32
        %add3A_1439 = arith.addi %mul3A_1436, %mul3A_1438 : i32
        %add3A_1440 = arith.constant 60 : i32
        %add3A_1441 = arith.addi %add3A_1439, %add3A_1440 : i32
        %add3A_1442 = arith.constant 18 : i32
        %add3A_1443 = arith.addi %add3A_1441, %add3A_1442 : i32
        %get3A_1444 = arith.index_cast %add3A_1443 : i32 to index
        %get3A_1445 = arith.constant 0 : index
        %get3A_1446 = tpu.vector_load %arg6[%get3A_1444, %get3A_1445] {strides = array<i32>} : memref<5120x16xf32, #tpu.memory_space<vmem>>, vector<1x16xf32>,
        %get3A_1447 = vector.shape_cast %get3A_1446 : vector<1x16xf32> to vector<16xf32>
        %add3A_1448 = arith.addf %add3A_1434, %get3A_1447 : vector<16xf32>
        %mul3A_1449 = arith.constant 1280 : i32
        %mul3A_1450 = arith.muli %select_n3A_282, %mul3A_1449 : i32
        %mul3A_1451 = arith.constant 320 : i32
        %mul3A_1452 = arith.muli %scan3A_307, %mul3A_1451 : i32
        %add3A_1453 = arith.addi %mul3A_1450, %mul3A_1452 : i32
        %add3A_1454 = arith.constant 60 : i32
        %add3A_1455 = arith.addi %add3A_1453, %add3A_1454 : i32
        %add3A_1456 = arith.constant 19 : i32
        %add3A_1457 = arith.addi %add3A_1455, %add3A_1456 : i32
        %get3A_1458 = arith.index_cast %add3A_1457 : i32 to index
        %get3A_1459 = arith.constant 0 : index
        %get3A_1460 = tpu.vector_load %arg6[%get3A_1458, %get3A_1459] {strides = array<i32>} : memref<5120x16xf32, #tpu.memory_space<vmem>>, vector<1x16xf32>,
        %get3A_1461 = vector.shape_cast %get3A_1460 : vector<1x16xf32> to vector<16xf32>
        %add3A_1462 = arith.addf %add3A_1448, %get3A_1461 : vector<16xf32>
        %mul3A_1463 = arith.constant 8 : i32
        %mul3A_1464 = arith.muli %scan3A_267, %mul3A_1463 : i32
        %mul3A_1465 = arith.constant 2 : i32
        %mul3A_1466 = arith.muli %scan3A_307, %mul3A_1465 : i32
        %add3A_1467 = arith.addi %mul3A_1464, %mul3A_1466 : i32
        %add3A_1468 = arith.constant 0 : i32
        %add3A_1469 = arith.addi %add3A_1467, %add3A_1468 : i32
        %swap3A_1470 = arith.index_cast %add3A_1469 : i32 to index
        %swap3A_1471 = arith.constant 48 : index
        %swap3A_1472 = tpu.vector_load %arg7[%swap3A_1470, %swap3A_1471] {strides = array<i32>} : memref<64x128xf32, #tpu.memory_space<vmem>>, vector<1x16xf32>,
        %swap3A_1473 = vector.shape_cast %swap3A_1472 : vector<1x16xf32> to vector<16xf32>
        %swap3A_1474 = vector.shape_cast %add3A_1462 : vector<16xf32> to vector<1x16xf32>
        tpu.vector_store %arg7[%swap3A_1470, %swap3A_1471], %swap3A_1474 {strides = array<i32>} : memref<64x128xf32, #tpu.memory_space<vmem>>, vector<1x16xf32>,
        %mul3A_1475 = arith.constant 1280 : i32
        %mul3A_1476 = arith.muli %select_n3A_282, %mul3A_1475 : i32
        %mul3A_1477 = arith.constant 320 : i32
        %mul3A_1478 = arith.muli %scan3A_307, %mul3A_1477 : i32
        %add3A_1479 = arith.addi %mul3A_1476, %mul3A_1478 : i32
        %add3A_1480 = arith.constant 80 : i32
        %add3A_1481 = arith.addi %add3A_1479, %add3A_1480 : i32
        %add3A_1482 = arith.constant 0 : i32
        %add3A_1483 = arith.addi %add3A_1481, %add3A_1482 : i32
        %get3A_1484 = arith.index_cast %add3A_1483 : i32 to index
        %get3A_1485 = arith.constant 0 : index
        %get3A_1486 = tpu.vector_load %arg6[%get3A_1484, %get3A_1485] {strides = array<i32>} : memref<5120x16xf32, #tpu.memory_space<vmem>>, vector<1x16xf32>,
        %get3A_1487 = vector.shape_cast %get3A_1486 : vector<1x16xf32> to vector<16xf32>
        %add3A_1488 = arith.addf %broadcast_in_dim3A_5, %get3A_1487 : vector<16xf32>
        %mul3A_1489 = arith.constant 1280 : i32
        %mul3A_1490 = arith.muli %select_n3A_282, %mul3A_1489 : i32
        %mul3A_1491 = arith.constant 320 : i32
        %mul3A_1492 = arith.muli %scan3A_307, %mul3A_1491 : i32
        %add3A_1493 = arith.addi %mul3A_1490, %mul3A_1492 : i32
        %add3A_1494 = arith.constant 80 : i32
        %add3A_1495 = arith.addi %add3A_1493, %add3A_1494 : i32
        %add3A_1496 = arith.constant 1 : i32
        %add3A_1497 = arith.addi %add3A_1495, %add3A_1496 : i32
        %get3A_1498 = arith.index_cast %add3A_1497 : i32 to index
        %get3A_1499 = arith.constant 0 : index
        %get3A_1500 = tpu.vector_load %arg6[%get3A_1498, %get3A_1499] {strides = array<i32>} : memref<5120x16xf32, #tpu.memory_space<vmem>>, vector<1x16xf32>,
        %get3A_1501 = vector.shape_cast %get3A_1500 : vector<1x16xf32> to vector<16xf32>
        %add3A_1502 = arith.addf %add3A_1488, %get3A_1501 : vector<16xf32>
        %mul3A_1503 = arith.constant 1280 : i32
        %mul3A_1504 = arith.muli %select_n3A_282, %mul3A_1503 : i32
        %mul3A_1505 = arith.constant 320 : i32
        %mul3A_1506 = arith.muli %scan3A_307, %mul3A_1505 : i32
        %add3A_1507 = arith.addi %mul3A_1504, %mul3A_1506 : i32
        %add3A_1508 = arith.constant 80 : i32
        %add3A_1509 = arith.addi %add3A_1507, %add3A_1508 : i32
        %add3A_1510 = arith.constant 2 : i32
        %add3A_1511 = arith.addi %add3A_1509, %add3A_1510 : i32
        %get3A_1512 = arith.index_cast %add3A_1511 : i32 to index
        %get3A_1513 = arith.constant 0 : index
        %get3A_1514 = tpu.vector_load %arg6[%get3A_1512, %get3A_1513] {strides = array<i32>} : memref<5120x16xf32, #tpu.memory_space<vmem>>, vector<1x16xf32>,
        %get3A_1515 = vector.shape_cast %get3A_1514 : vector<1x16xf32> to vector<16xf32>
        %add3A_1516 = arith.addf %add3A_1502, %get3A_1515 : vector<16xf32>
        %mul3A_1517 = arith.constant 1280 : i32
        %mul3A_1518 = arith.muli %select_n3A_282, %mul3A_1517 : i32
        %mul3A_1519 = arith.constant 320 : i32
        %mul3A_1520 = arith.muli %scan3A_307, %mul3A_1519 : i32
        %add3A_1521 = arith.addi %mul3A_1518, %mul3A_1520 : i32
        %add3A_1522 = arith.constant 80 : i32
        %add3A_1523 = arith.addi %add3A_1521, %add3A_1522 : i32
        %add3A_1524 = arith.constant 3 : i32
        %add3A_1525 = arith.addi %add3A_1523, %add3A_1524 : i32
        %get3A_1526 = arith.index_cast %add3A_1525 : i32 to index
        %get3A_1527 = arith.constant 0 : index
        %get3A_1528 = tpu.vector_load %arg6[%get3A_1526, %get3A_1527] {strides = array<i32>} : memref<5120x16xf32, #tpu.memory_space<vmem>>, vector<1x16xf32>,
        %get3A_1529 = vector.shape_cast %get3A_1528 : vector<1x16xf32> to vector<16xf32>
        %add3A_1530 = arith.addf %add3A_1516, %get3A_1529 : vector<16xf32>
        %mul3A_1531 = arith.constant 1280 : i32
        %mul3A_1532 = arith.muli %select_n3A_282, %mul3A_1531 : i32
        %mul3A_1533 = arith.constant 320 : i32
        %mul3A_1534 = arith.muli %scan3A_307, %mul3A_1533 : i32
        %add3A_1535 = arith.addi %mul3A_1532, %mul3A_1534 : i32
        %add3A_1536 = arith.constant 80 : i32
        %add3A_1537 = arith.addi %add3A_1535, %add3A_1536 : i32
        %add3A_1538 = arith.constant 4 : i32
        %add3A_1539 = arith.addi %add3A_1537, %add3A_1538 : i32
        %get3A_1540 = arith.index_cast %add3A_1539 : i32 to index
        %get3A_1541 = arith.constant 0 : index
        %get3A_1542 = tpu.vector_load %arg6[%get3A_1540, %get3A_1541] {strides = array<i32>} : memref<5120x16xf32, #tpu.memory_space<vmem>>, vector<1x16xf32>,
        %get3A_1543 = vector.shape_cast %get3A_1542 : vector<1x16xf32> to vector<16xf32>
        %add3A_1544 = arith.addf %add3A_1530, %get3A_1543 : vector<16xf32>
        %mul3A_1545 = arith.constant 1280 : i32
        %mul3A_1546 = arith.muli %select_n3A_282, %mul3A_1545 : i32
        %mul3A_1547 = arith.constant 320 : i32
        %mul3A_1548 = arith.muli %scan3A_307, %mul3A_1547 : i32
        %add3A_1549 = arith.addi %mul3A_1546, %mul3A_1548 : i32
        %add3A_1550 = arith.constant 80 : i32
        %add3A_1551 = arith.addi %add3A_1549, %add3A_1550 : i32
        %add3A_1552 = arith.constant 5 : i32
        %add3A_1553 = arith.addi %add3A_1551, %add3A_1552 : i32
        %get3A_1554 = arith.index_cast %add3A_1553 : i32 to index
        %get3A_1555 = arith.constant 0 : index
        %get3A_1556 = tpu.vector_load %arg6[%get3A_1554, %get3A_1555] {strides = array<i32>} : memref<5120x16xf32, #tpu.memory_space<vmem>>, vector<1x16xf32>,
        %get3A_1557 = vector.shape_cast %get3A_1556 : vector<1x16xf32> to vector<16xf32>
        %add3A_1558 = arith.addf %add3A_1544, %get3A_1557 : vector<16xf32>
        %mul3A_1559 = arith.constant 1280 : i32
        %mul3A_1560 = arith.muli %select_n3A_282, %mul3A_1559 : i32
        %mul3A_1561 = arith.constant 320 : i32
        %mul3A_1562 = arith.muli %scan3A_307, %mul3A_1561 : i32
        %add3A_1563 = arith.addi %mul3A_1560, %mul3A_1562 : i32
        %add3A_1564 = arith.constant 80 : i32
        %add3A_1565 = arith.addi %add3A_1563, %add3A_1564 : i32
        %add3A_1566 = arith.constant 6 : i32
        %add3A_1567 = arith.addi %add3A_1565, %add3A_1566 : i32
        %get3A_1568 = arith.index_cast %add3A_1567 : i32 to index
        %get3A_1569 = arith.constant 0 : index
        %get3A_1570 = tpu.vector_load %arg6[%get3A_1568, %get3A_1569] {strides = array<i32>} : memref<5120x16xf32, #tpu.memory_space<vmem>>, vector<1x16xf32>,
        %get3A_1571 = vector.shape_cast %get3A_1570 : vector<1x16xf32> to vector<16xf32>
        %add3A_1572 = arith.addf %add3A_1558, %get3A_1571 : vector<16xf32>
        %mul3A_1573 = arith.constant 1280 : i32
        %mul3A_1574 = arith.muli %select_n3A_282, %mul3A_1573 : i32
        %mul3A_1575 = arith.constant 320 : i32
        %mul3A_1576 = arith.muli %scan3A_307, %mul3A_1575 : i32
        %add3A_1577 = arith.addi %mul3A_1574, %mul3A_1576 : i32
        %add3A_1578 = arith.constant 80 : i32
        %add3A_1579 = arith.addi %add3A_1577, %add3A_1578 : i32
        %add3A_1580 = arith.constant 7 : i32
        %add3A_1581 = arith.addi %add3A_1579, %add3A_1580 : i32
        %get3A_1582 = arith.index_cast %add3A_1581 : i32 to index
        %get3A_1583 = arith.constant 0 : index
        %get3A_1584 = tpu.vector_load %arg6[%get3A_1582, %get3A_1583] {strides = array<i32>} : memref<5120x16xf32, #tpu.memory_space<vmem>>, vector<1x16xf32>,
        %get3A_1585 = vector.shape_cast %get3A_1584 : vector<1x16xf32> to vector<16xf32>
        %add3A_1586 = arith.addf %add3A_1572, %get3A_1585 : vector<16xf32>
        %mul3A_1587 = arith.constant 1280 : i32
        %mul3A_1588 = arith.muli %select_n3A_282, %mul3A_1587 : i32
        %mul3A_1589 = arith.constant 320 : i32
        %mul3A_1590 = arith.muli %scan3A_307, %mul3A_1589 : i32
        %add3A_1591 = arith.addi %mul3A_1588, %mul3A_1590 : i32
        %add3A_1592 = arith.constant 80 : i32
        %add3A_1593 = arith.addi %add3A_1591, %add3A_1592 : i32
        %add3A_1594 = arith.constant 8 : i32
        %add3A_1595 = arith.addi %add3A_1593, %add3A_1594 : i32
        %get3A_1596 = arith.index_cast %add3A_1595 : i32 to index
        %get3A_1597 = arith.constant 0 : index
        %get3A_1598 = tpu.vector_load %arg6[%get3A_1596, %get3A_1597] {strides = array<i32>} : memref<5120x16xf32, #tpu.memory_space<vmem>>, vector<1x16xf32>,
        %get3A_1599 = vector.shape_cast %get3A_1598 : vector<1x16xf32> to vector<16xf32>
        %add3A_1600 = arith.addf %add3A_1586, %get3A_1599 : vector<16xf32>
        %mul3A_1601 = arith.constant 1280 : i32
        %mul3A_1602 = arith.muli %select_n3A_282, %mul3A_1601 : i32
        %mul3A_1603 = arith.constant 320 : i32
        %mul3A_1604 = arith.muli %scan3A_307, %mul3A_1603 : i32
        %add3A_1605 = arith.addi %mul3A_1602, %mul3A_1604 : i32
        %add3A_1606 = arith.constant 80 : i32
        %add3A_1607 = arith.addi %add3A_1605, %add3A_1606 : i32
        %add3A_1608 = arith.constant 9 : i32
        %add3A_1609 = arith.addi %add3A_1607, %add3A_1608 : i32
        %get3A_1610 = arith.index_cast %add3A_1609 : i32 to index
        %get3A_1611 = arith.constant 0 : index
        %get3A_1612 = tpu.vector_load %arg6[%get3A_1610, %get3A_1611] {strides = array<i32>} : memref<5120x16xf32, #tpu.memory_space<vmem>>, vector<1x16xf32>,
        %get3A_1613 = vector.shape_cast %get3A_1612 : vector<1x16xf32> to vector<16xf32>
        %add3A_1614 = arith.addf %add3A_1600, %get3A_1613 : vector<16xf32>
        %mul3A_1615 = arith.constant 1280 : i32
        %mul3A_1616 = arith.muli %select_n3A_282, %mul3A_1615 : i32
        %mul3A_1617 = arith.constant 320 : i32
        %mul3A_1618 = arith.muli %scan3A_307, %mul3A_1617 : i32
        %add3A_1619 = arith.addi %mul3A_1616, %mul3A_1618 : i32
        %add3A_1620 = arith.constant 80 : i32
        %add3A_1621 = arith.addi %add3A_1619, %add3A_1620 : i32
        %add3A_1622 = arith.constant 10 : i32
        %add3A_1623 = arith.addi %add3A_1621, %add3A_1622 : i32
        %get3A_1624 = arith.index_cast %add3A_1623 : i32 to index
        %get3A_1625 = arith.constant 0 : index
        %get3A_1626 = tpu.vector_load %arg6[%get3A_1624, %get3A_1625] {strides = array<i32>} : memref<5120x16xf32, #tpu.memory_space<vmem>>, vector<1x16xf32>,
        %get3A_1627 = vector.shape_cast %get3A_1626 : vector<1x16xf32> to vector<16xf32>
        %add3A_1628 = arith.addf %add3A_1614, %get3A_1627 : vector<16xf32>
        %mul3A_1629 = arith.constant 1280 : i32
        %mul3A_1630 = arith.muli %select_n3A_282, %mul3A_1629 : i32
        %mul3A_1631 = arith.constant 320 : i32
        %mul3A_1632 = arith.muli %scan3A_307, %mul3A_1631 : i32
        %add3A_1633 = arith.addi %mul3A_1630, %mul3A_1632 : i32
        %add3A_1634 = arith.constant 80 : i32
        %add3A_1635 = arith.addi %add3A_1633, %add3A_1634 : i32
        %add3A_1636 = arith.constant 11 : i32
        %add3A_1637 = arith.addi %add3A_1635, %add3A_1636 : i32
        %get3A_1638 = arith.index_cast %add3A_1637 : i32 to index
        %get3A_1639 = arith.constant 0 : index
        %get3A_1640 = tpu.vector_load %arg6[%get3A_1638, %get3A_1639] {strides = array<i32>} : memref<5120x16xf32, #tpu.memory_space<vmem>>, vector<1x16xf32>,
        %get3A_1641 = vector.shape_cast %get3A_1640 : vector<1x16xf32> to vector<16xf32>
        %add3A_1642 = arith.addf %add3A_1628, %get3A_1641 : vector<16xf32>
        %mul3A_1643 = arith.constant 1280 : i32
        %mul3A_1644 = arith.muli %select_n3A_282, %mul3A_1643 : i32
        %mul3A_1645 = arith.constant 320 : i32
        %mul3A_1646 = arith.muli %scan3A_307, %mul3A_1645 : i32
        %add3A_1647 = arith.addi %mul3A_1644, %mul3A_1646 : i32
        %add3A_1648 = arith.constant 80 : i32
        %add3A_1649 = arith.addi %add3A_1647, %add3A_1648 : i32
        %add3A_1650 = arith.constant 12 : i32
        %add3A_1651 = arith.addi %add3A_1649, %add3A_1650 : i32
        %get3A_1652 = arith.index_cast %add3A_1651 : i32 to index
        %get3A_1653 = arith.constant 0 : index
        %get3A_1654 = tpu.vector_load %arg6[%get3A_1652, %get3A_1653] {strides = array<i32>} : memref<5120x16xf32, #tpu.memory_space<vmem>>, vector<1x16xf32>,
        %get3A_1655 = vector.shape_cast %get3A_1654 : vector<1x16xf32> to vector<16xf32>
        %add3A_1656 = arith.addf %add3A_1642, %get3A_1655 : vector<16xf32>
        %mul3A_1657 = arith.constant 1280 : i32
        %mul3A_1658 = arith.muli %select_n3A_282, %mul3A_1657 : i32
        %mul3A_1659 = arith.constant 320 : i32
        %mul3A_1660 = arith.muli %scan3A_307, %mul3A_1659 : i32
        %add3A_1661 = arith.addi %mul3A_1658, %mul3A_1660 : i32
        %add3A_1662 = arith.constant 80 : i32
        %add3A_1663 = arith.addi %add3A_1661, %add3A_1662 : i32
        %add3A_1664 = arith.constant 13 : i32
        %add3A_1665 = arith.addi %add3A_1663, %add3A_1664 : i32
        %get3A_1666 = arith.index_cast %add3A_1665 : i32 to index
        %get3A_1667 = arith.constant 0 : index
        %get3A_1668 = tpu.vector_load %arg6[%get3A_1666, %get3A_1667] {strides = array<i32>} : memref<5120x16xf32, #tpu.memory_space<vmem>>, vector<1x16xf32>,
        %get3A_1669 = vector.shape_cast %get3A_1668 : vector<1x16xf32> to vector<16xf32>
        %add3A_1670 = arith.addf %add3A_1656, %get3A_1669 : vector<16xf32>
        %mul3A_1671 = arith.constant 1280 : i32
        %mul3A_1672 = arith.muli %select_n3A_282, %mul3A_1671 : i32
        %mul3A_1673 = arith.constant 320 : i32
        %mul3A_1674 = arith.muli %scan3A_307, %mul3A_1673 : i32
        %add3A_1675 = arith.addi %mul3A_1672, %mul3A_1674 : i32
        %add3A_1676 = arith.constant 80 : i32
        %add3A_1677 = arith.addi %add3A_1675, %add3A_1676 : i32
        %add3A_1678 = arith.constant 14 : i32
        %add3A_1679 = arith.addi %add3A_1677, %add3A_1678 : i32
        %get3A_1680 = arith.index_cast %add3A_1679 : i32 to index
        %get3A_1681 = arith.constant 0 : index
        %get3A_1682 = tpu.vector_load %arg6[%get3A_1680, %get3A_1681] {strides = array<i32>} : memref<5120x16xf32, #tpu.memory_space<vmem>>, vector<1x16xf32>,
        %get3A_1683 = vector.shape_cast %get3A_1682 : vector<1x16xf32> to vector<16xf32>
        %add3A_1684 = arith.addf %add3A_1670, %get3A_1683 : vector<16xf32>
        %mul3A_1685 = arith.constant 1280 : i32
        %mul3A_1686 = arith.muli %select_n3A_282, %mul3A_1685 : i32
        %mul3A_1687 = arith.constant 320 : i32
        %mul3A_1688 = arith.muli %scan3A_307, %mul3A_1687 : i32
        %add3A_1689 = arith.addi %mul3A_1686, %mul3A_1688 : i32
        %add3A_1690 = arith.constant 80 : i32
        %add3A_1691 = arith.addi %add3A_1689, %add3A_1690 : i32
        %add3A_1692 = arith.constant 15 : i32
        %add3A_1693 = arith.addi %add3A_1691, %add3A_1692 : i32
        %get3A_1694 = arith.index_cast %add3A_1693 : i32 to index
        %get3A_1695 = arith.constant 0 : index
        %get3A_1696 = tpu.vector_load %arg6[%get3A_1694, %get3A_1695] {strides = array<i32>} : memref<5120x16xf32, #tpu.memory_space<vmem>>, vector<1x16xf32>,
        %get3A_1697 = vector.shape_cast %get3A_1696 : vector<1x16xf32> to vector<16xf32>
        %add3A_1698 = arith.addf %add3A_1684, %get3A_1697 : vector<16xf32>
        %mul3A_1699 = arith.constant 1280 : i32
        %mul3A_1700 = arith.muli %select_n3A_282, %mul3A_1699 : i32
        %mul3A_1701 = arith.constant 320 : i32
        %mul3A_1702 = arith.muli %scan3A_307, %mul3A_1701 : i32
        %add3A_1703 = arith.addi %mul3A_1700, %mul3A_1702 : i32
        %add3A_1704 = arith.constant 80 : i32
        %add3A_1705 = arith.addi %add3A_1703, %add3A_1704 : i32
        %add3A_1706 = arith.constant 16 : i32
        %add3A_1707 = arith.addi %add3A_1705, %add3A_1706 : i32
        %get3A_1708 = arith.index_cast %add3A_1707 : i32 to index
        %get3A_1709 = arith.constant 0 : index
        %get3A_1710 = tpu.vector_load %arg6[%get3A_1708, %get3A_1709] {strides = array<i32>} : memref<5120x16xf32, #tpu.memory_space<vmem>>, vector<1x16xf32>,
        %get3A_1711 = vector.shape_cast %get3A_1710 : vector<1x16xf32> to vector<16xf32>
        %add3A_1712 = arith.addf %add3A_1698, %get3A_1711 : vector<16xf32>
        %mul3A_1713 = arith.constant 1280 : i32
        %mul3A_1714 = arith.muli %select_n3A_282, %mul3A_1713 : i32
        %mul3A_1715 = arith.constant 320 : i32
        %mul3A_1716 = arith.muli %scan3A_307, %mul3A_1715 : i32
        %add3A_1717 = arith.addi %mul3A_1714, %mul3A_1716 : i32
        %add3A_1718 = arith.constant 80 : i32
        %add3A_1719 = arith.addi %add3A_1717, %add3A_1718 : i32
        %add3A_1720 = arith.constant 17 : i32
        %add3A_1721 = arith.addi %add3A_1719, %add3A_1720 : i32
        %get3A_1722 = arith.index_cast %add3A_1721 : i32 to index
        %get3A_1723 = arith.constant 0 : index
        %get3A_1724 = tpu.vector_load %arg6[%get3A_1722, %get3A_1723] {strides = array<i32>} : memref<5120x16xf32, #tpu.memory_space<vmem>>, vector<1x16xf32>,
        %get3A_1725 = vector.shape_cast %get3A_1724 : vector<1x16xf32> to vector<16xf32>
        %add3A_1726 = arith.addf %add3A_1712, %get3A_1725 : vector<16xf32>
        %mul3A_1727 = arith.constant 1280 : i32
        %mul3A_1728 = arith.muli %select_n3A_282, %mul3A_1727 : i32
        %mul3A_1729 = arith.constant 320 : i32
        %mul3A_1730 = arith.muli %scan3A_307, %mul3A_1729 : i32
        %add3A_1731 = arith.addi %mul3A_1728, %mul3A_1730 : i32
        %add3A_1732 = arith.constant 80 : i32
        %add3A_1733 = arith.addi %add3A_1731, %add3A_1732 : i32
        %add3A_1734 = arith.constant 18 : i32
        %add3A_1735 = arith.addi %add3A_1733, %add3A_1734 : i32
        %get3A_1736 = arith.index_cast %add3A_1735 : i32 to index
        %get3A_1737 = arith.constant 0 : index
        %get3A_1738 = tpu.vector_load %arg6[%get3A_1736, %get3A_1737] {strides = array<i32>} : memref<5120x16xf32, #tpu.memory_space<vmem>>, vector<1x16xf32>,
        %get3A_1739 = vector.shape_cast %get3A_1738 : vector<1x16xf32> to vector<16xf32>
        %add3A_1740 = arith.addf %add3A_1726, %get3A_1739 : vector<16xf32>
        %mul3A_1741 = arith.constant 1280 : i32
        %mul3A_1742 = arith.muli %select_n3A_282, %mul3A_1741 : i32
        %mul3A_1743 = arith.constant 320 : i32
        %mul3A_1744 = arith.muli %scan3A_307, %mul3A_1743 : i32
        %add3A_1745 = arith.addi %mul3A_1742, %mul3A_1744 : i32
        %add3A_1746 = arith.constant 80 : i32
        %add3A_1747 = arith.addi %add3A_1745, %add3A_1746 : i32
        %add3A_1748 = arith.constant 19 : i32
        %add3A_1749 = arith.addi %add3A_1747, %add3A_1748 : i32
        %get3A_1750 = arith.index_cast %add3A_1749 : i32 to index
        %get3A_1751 = arith.constant 0 : index
        %get3A_1752 = tpu.vector_load %arg6[%get3A_1750, %get3A_1751] {strides = array<i32>} : memref<5120x16xf32, #tpu.memory_space<vmem>>, vector<1x16xf32>,
        %get3A_1753 = vector.shape_cast %get3A_1752 : vector<1x16xf32> to vector<16xf32>
        %add3A_1754 = arith.addf %add3A_1740, %get3A_1753 : vector<16xf32>
        %mul3A_1755 = arith.constant 8 : i32
        %mul3A_1756 = arith.muli %scan3A_267, %mul3A_1755 : i32
        %mul3A_1757 = arith.constant 2 : i32
        %mul3A_1758 = arith.muli %scan3A_307, %mul3A_1757 : i32
        %add3A_1759 = arith.addi %mul3A_1756, %mul3A_1758 : i32
        %add3A_1760 = arith.constant 0 : i32
        %add3A_1761 = arith.addi %add3A_1759, %add3A_1760 : i32
        %swap3A_1762 = arith.index_cast %add3A_1761 : i32 to index
        %swap3A_1763 = arith.constant 64 : index
        %swap3A_1764 = tpu.vector_load %arg7[%swap3A_1762, %swap3A_1763] {strides = array<i32>} : memref<64x128xf32, #tpu.memory_space<vmem>>, vector<1x16xf32>,
        %swap3A_1765 = vector.shape_cast %swap3A_1764 : vector<1x16xf32> to vector<16xf32>
        %swap3A_1766 = vector.shape_cast %add3A_1754 : vector<16xf32> to vector<1x16xf32>
        tpu.vector_store %arg7[%swap3A_1762, %swap3A_1763], %swap3A_1766 {strides = array<i32>} : memref<64x128xf32, #tpu.memory_space<vmem>>, vector<1x16xf32>,
        %mul3A_1767 = arith.constant 1280 : i32
        %mul3A_1768 = arith.muli %select_n3A_282, %mul3A_1767 : i32
        %mul3A_1769 = arith.constant 320 : i32
        %mul3A_1770 = arith.muli %scan3A_307, %mul3A_1769 : i32
        %add3A_1771 = arith.addi %mul3A_1768, %mul3A_1770 : i32
        %add3A_1772 = arith.constant 100 : i32
        %add3A_1773 = arith.addi %add3A_1771, %add3A_1772 : i32
        %add3A_1774 = arith.constant 0 : i32
        %add3A_1775 = arith.addi %add3A_1773, %add3A_1774 : i32
        %get3A_1776 = arith.index_cast %add3A_1775 : i32 to index
        %get3A_1777 = arith.constant 0 : index
        %get3A_1778 = tpu.vector_load %arg6[%get3A_1776, %get3A_1777] {strides = array<i32>} : memref<5120x16xf32, #tpu.memory_space<vmem>>, vector<1x16xf32>,
        %get3A_1779 = vector.shape_cast %get3A_1778 : vector<1x16xf32> to vector<16xf32>
        %add3A_1780 = arith.addf %broadcast_in_dim3A_5, %get3A_1779 : vector<16xf32>
        %mul3A_1781 = arith.constant 1280 : i32
        %mul3A_1782 = arith.muli %select_n3A_282, %mul3A_1781 : i32
        %mul3A_1783 = arith.constant 320 : i32
        %mul3A_1784 = arith.muli %scan3A_307, %mul3A_1783 : i32
        %add3A_1785 = arith.addi %mul3A_1782, %mul3A_1784 : i32
        %add3A_1786 = arith.constant 100 : i32
        %add3A_1787 = arith.addi %add3A_1785, %add3A_1786 : i32
        %add3A_1788 = arith.constant 1 : i32
        %add3A_1789 = arith.addi %add3A_1787, %add3A_1788 : i32
        %get3A_1790 = arith.index_cast %add3A_1789 : i32 to index
        %get3A_1791 = arith.constant 0 : index
        %get3A_1792 = tpu.vector_load %arg6[%get3A_1790, %get3A_1791] {strides = array<i32>} : memref<5120x16xf32, #tpu.memory_space<vmem>>, vector<1x16xf32>,
        %get3A_1793 = vector.shape_cast %get3A_1792 : vector<1x16xf32> to vector<16xf32>
        %add3A_1794 = arith.addf %add3A_1780, %get3A_1793 : vector<16xf32>
        %mul3A_1795 = arith.constant 1280 : i32
        %mul3A_1796 = arith.muli %select_n3A_282, %mul3A_1795 : i32
        %mul3A_1797 = arith.constant 320 : i32
        %mul3A_1798 = arith.muli %scan3A_307, %mul3A_1797 : i32
        %add3A_1799 = arith.addi %mul3A_1796, %mul3A_1798 : i32
        %add3A_1800 = arith.constant 100 : i32
        %add3A_1801 = arith.addi %add3A_1799, %add3A_1800 : i32
        %add3A_1802 = arith.constant 2 : i32
        %add3A_1803 = arith.addi %add3A_1801, %add3A_1802 : i32
        %get3A_1804 = arith.index_cast %add3A_1803 : i32 to index
        %get3A_1805 = arith.constant 0 : index
        %get3A_1806 = tpu.vector_load %arg6[%get3A_1804, %get3A_1805] {strides = array<i32>} : memref<5120x16xf32, #tpu.memory_space<vmem>>, vector<1x16xf32>,
        %get3A_1807 = vector.shape_cast %get3A_1806 : vector<1x16xf32> to vector<16xf32>
        %add3A_1808 = arith.addf %add3A_1794, %get3A_1807 : vector<16xf32>
        %mul3A_1809 = arith.constant 1280 : i32
        %mul3A_1810 = arith.muli %select_n3A_282, %mul3A_1809 : i32
        %mul3A_1811 = arith.constant 320 : i32
        %mul3A_1812 = arith.muli %scan3A_307, %mul3A_1811 : i32
        %add3A_1813 = arith.addi %mul3A_1810, %mul3A_1812 : i32
        %add3A_1814 = arith.constant 100 : i32
        %add3A_1815 = arith.addi %add3A_1813, %add3A_1814 : i32
        %add3A_1816 = arith.constant 3 : i32
        %add3A_1817 = arith.addi %add3A_1815, %add3A_1816 : i32
        %get3A_1818 = arith.index_cast %add3A_1817 : i32 to index
        %get3A_1819 = arith.constant 0 : index
        %get3A_1820 = tpu.vector_load %arg6[%get3A_1818, %get3A_1819] {strides = array<i32>} : memref<5120x16xf32, #tpu.memory_space<vmem>>, vector<1x16xf32>,
        %get3A_1821 = vector.shape_cast %get3A_1820 : vector<1x16xf32> to vector<16xf32>
        %add3A_1822 = arith.addf %add3A_1808, %get3A_1821 : vector<16xf32>
        %mul3A_1823 = arith.constant 1280 : i32
        %mul3A_1824 = arith.muli %select_n3A_282, %mul3A_1823 : i32
        %mul3A_1825 = arith.constant 320 : i32
        %mul3A_1826 = arith.muli %scan3A_307, %mul3A_1825 : i32
        %add3A_1827 = arith.addi %mul3A_1824, %mul3A_1826 : i32
        %add3A_1828 = arith.constant 100 : i32
        %add3A_1829 = arith.addi %add3A_1827, %add3A_1828 : i32
        %add3A_1830 = arith.constant 4 : i32
        %add3A_1831 = arith.addi %add3A_1829, %add3A_1830 : i32
        %get3A_1832 = arith.index_cast %add3A_1831 : i32 to index
        %get3A_1833 = arith.constant 0 : index
        %get3A_1834 = tpu.vector_load %arg6[%get3A_1832, %get3A_1833] {strides = array<i32>} : memref<5120x16xf32, #tpu.memory_space<vmem>>, vector<1x16xf32>,
        %get3A_1835 = vector.shape_cast %get3A_1834 : vector<1x16xf32> to vector<16xf32>
        %add3A_1836 = arith.addf %add3A_1822, %get3A_1835 : vector<16xf32>
        %mul3A_1837 = arith.constant 1280 : i32
        %mul3A_1838 = arith.muli %select_n3A_282, %mul3A_1837 : i32
        %mul3A_1839 = arith.constant 320 : i32
        %mul3A_1840 = arith.muli %scan3A_307, %mul3A_1839 : i32
        %add3A_1841 = arith.addi %mul3A_1838, %mul3A_1840 : i32
        %add3A_1842 = arith.constant 100 : i32
        %add3A_1843 = arith.addi %add3A_1841, %add3A_1842 : i32
        %add3A_1844 = arith.constant 5 : i32
        %add3A_1845 = arith.addi %add3A_1843, %add3A_1844 : i32
        %get3A_1846 = arith.index_cast %add3A_1845 : i32 to index
        %get3A_1847 = arith.constant 0 : index
        %get3A_1848 = tpu.vector_load %arg6[%get3A_1846, %get3A_1847] {strides = array<i32>} : memref<5120x16xf32, #tpu.memory_space<vmem>>, vector<1x16xf32>,
        %get3A_1849 = vector.shape_cast %get3A_1848 : vector<1x16xf32> to vector<16xf32>
        %add3A_1850 = arith.addf %add3A_1836, %get3A_1849 : vector<16xf32>
        %mul3A_1851 = arith.constant 1280 : i32
        %mul3A_1852 = arith.muli %select_n3A_282, %mul3A_1851 : i32
        %mul3A_1853 = arith.constant 320 : i32
        %mul3A_1854 = arith.muli %scan3A_307, %mul3A_1853 : i32
        %add3A_1855 = arith.addi %mul3A_1852, %mul3A_1854 : i32
        %add3A_1856 = arith.constant 100 : i32
        %add3A_1857 = arith.addi %add3A_1855, %add3A_1856 : i32
        %add3A_1858 = arith.constant 6 : i32
        %add3A_1859 = arith.addi %add3A_1857, %add3A_1858 : i32
        %get3A_1860 = arith.index_cast %add3A_1859 : i32 to index
        %get3A_1861 = arith.constant 0 : index
        %get3A_1862 = tpu.vector_load %arg6[%get3A_1860, %get3A_1861] {strides = array<i32>} : memref<5120x16xf32, #tpu.memory_space<vmem>>, vector<1x16xf32>,
        %get3A_1863 = vector.shape_cast %get3A_1862 : vector<1x16xf32> to vector<16xf32>
        %add3A_1864 = arith.addf %add3A_1850, %get3A_1863 : vector<16xf32>
        %mul3A_1865 = arith.constant 1280 : i32
        %mul3A_1866 = arith.muli %select_n3A_282, %mul3A_1865 : i32
        %mul3A_1867 = arith.constant 320 : i32
        %mul3A_1868 = arith.muli %scan3A_307, %mul3A_1867 : i32
        %add3A_1869 = arith.addi %mul3A_1866, %mul3A_1868 : i32
        %add3A_1870 = arith.constant 100 : i32
        %add3A_1871 = arith.addi %add3A_1869, %add3A_1870 : i32
        %add3A_1872 = arith.constant 7 : i32
        %add3A_1873 = arith.addi %add3A_1871, %add3A_1872 : i32
        %get3A_1874 = arith.index_cast %add3A_1873 : i32 to index
        %get3A_1875 = arith.constant 0 : index
        %get3A_1876 = tpu.vector_load %arg6[%get3A_1874, %get3A_1875] {strides = array<i32>} : memref<5120x16xf32, #tpu.memory_space<vmem>>, vector<1x16xf32>,
        %get3A_1877 = vector.shape_cast %get3A_1876 : vector<1x16xf32> to vector<16xf32>
        %add3A_1878 = arith.addf %add3A_1864, %get3A_1877 : vector<16xf32>
        %mul3A_1879 = arith.constant 1280 : i32
        %mul3A_1880 = arith.muli %select_n3A_282, %mul3A_1879 : i32
        %mul3A_1881 = arith.constant 320 : i32
        %mul3A_1882 = arith.muli %scan3A_307, %mul3A_1881 : i32
        %add3A_1883 = arith.addi %mul3A_1880, %mul3A_1882 : i32
        %add3A_1884 = arith.constant 100 : i32
        %add3A_1885 = arith.addi %add3A_1883, %add3A_1884 : i32
        %add3A_1886 = arith.constant 8 : i32
        %add3A_1887 = arith.addi %add3A_1885, %add3A_1886 : i32
        %get3A_1888 = arith.index_cast %add3A_1887 : i32 to index
        %get3A_1889 = arith.constant 0 : index
        %get3A_1890 = tpu.vector_load %arg6[%get3A_1888, %get3A_1889] {strides = array<i32>} : memref<5120x16xf32, #tpu.memory_space<vmem>>, vector<1x16xf32>,
        %get3A_1891 = vector.shape_cast %get3A_1890 : vector<1x16xf32> to vector<16xf32>
        %add3A_1892 = arith.addf %add3A_1878, %get3A_1891 : vector<16xf32>
        %mul3A_1893 = arith.constant 1280 : i32
        %mul3A_1894 = arith.muli %select_n3A_282, %mul3A_1893 : i32
        %mul3A_1895 = arith.constant 320 : i32
        %mul3A_1896 = arith.muli %scan3A_307, %mul3A_1895 : i32
        %add3A_1897 = arith.addi %mul3A_1894, %mul3A_1896 : i32
        %add3A_1898 = arith.constant 100 : i32
        %add3A_1899 = arith.addi %add3A_1897, %add3A_1898 : i32
        %add3A_1900 = arith.constant 9 : i32
        %add3A_1901 = arith.addi %add3A_1899, %add3A_1900 : i32
        %get3A_1902 = arith.index_cast %add3A_1901 : i32 to index
        %get3A_1903 = arith.constant 0 : index
        %get3A_1904 = tpu.vector_load %arg6[%get3A_1902, %get3A_1903] {strides = array<i32>} : memref<5120x16xf32, #tpu.memory_space<vmem>>, vector<1x16xf32>,
        %get3A_1905 = vector.shape_cast %get3A_1904 : vector<1x16xf32> to vector<16xf32>
        %add3A_1906 = arith.addf %add3A_1892, %get3A_1905 : vector<16xf32>
        %mul3A_1907 = arith.constant 1280 : i32
        %mul3A_1908 = arith.muli %select_n3A_282, %mul3A_1907 : i32
        %mul3A_1909 = arith.constant 320 : i32
        %mul3A_1910 = arith.muli %scan3A_307, %mul3A_1909 : i32
        %add3A_1911 = arith.addi %mul3A_1908, %mul3A_1910 : i32
        %add3A_1912 = arith.constant 100 : i32
        %add3A_1913 = arith.addi %add3A_1911, %add3A_1912 : i32
        %add3A_1914 = arith.constant 10 : i32
        %add3A_1915 = arith.addi %add3A_1913, %add3A_1914 : i32
        %get3A_1916 = arith.index_cast %add3A_1915 : i32 to index
        %get3A_1917 = arith.constant 0 : index
        %get3A_1918 = tpu.vector_load %arg6[%get3A_1916, %get3A_1917] {strides = array<i32>} : memref<5120x16xf32, #tpu.memory_space<vmem>>, vector<1x16xf32>,
        %get3A_1919 = vector.shape_cast %get3A_1918 : vector<1x16xf32> to vector<16xf32>
        %add3A_1920 = arith.addf %add3A_1906, %get3A_1919 : vector<16xf32>
        %mul3A_1921 = arith.constant 1280 : i32
        %mul3A_1922 = arith.muli %select_n3A_282, %mul3A_1921 : i32
        %mul3A_1923 = arith.constant 320 : i32
        %mul3A_1924 = arith.muli %scan3A_307, %mul3A_1923 : i32
        %add3A_1925 = arith.addi %mul3A_1922, %mul3A_1924 : i32
        %add3A_1926 = arith.constant 100 : i32
        %add3A_1927 = arith.addi %add3A_1925, %add3A_1926 : i32
        %add3A_1928 = arith.constant 11 : i32
        %add3A_1929 = arith.addi %add3A_1927, %add3A_1928 : i32
        %get3A_1930 = arith.index_cast %add3A_1929 : i32 to index
        %get3A_1931 = arith.constant 0 : index
        %get3A_1932 = tpu.vector_load %arg6[%get3A_1930, %get3A_1931] {strides = array<i32>} : memref<5120x16xf32, #tpu.memory_space<vmem>>, vector<1x16xf32>,
        %get3A_1933 = vector.shape_cast %get3A_1932 : vector<1x16xf32> to vector<16xf32>
        %add3A_1934 = arith.addf %add3A_1920, %get3A_1933 : vector<16xf32>
        %mul3A_1935 = arith.constant 1280 : i32
        %mul3A_1936 = arith.muli %select_n3A_282, %mul3A_1935 : i32
        %mul3A_1937 = arith.constant 320 : i32
        %mul3A_1938 = arith.muli %scan3A_307, %mul3A_1937 : i32
        %add3A_1939 = arith.addi %mul3A_1936, %mul3A_1938 : i32
        %add3A_1940 = arith.constant 100 : i32
        %add3A_1941 = arith.addi %add3A_1939, %add3A_1940 : i32
        %add3A_1942 = arith.constant 12 : i32
        %add3A_1943 = arith.addi %add3A_1941, %add3A_1942 : i32
        %get3A_1944 = arith.index_cast %add3A_1943 : i32 to index
        %get3A_1945 = arith.constant 0 : index
        %get3A_1946 = tpu.vector_load %arg6[%get3A_1944, %get3A_1945] {strides = array<i32>} : memref<5120x16xf32, #tpu.memory_space<vmem>>, vector<1x16xf32>,
        %get3A_1947 = vector.shape_cast %get3A_1946 : vector<1x16xf32> to vector<16xf32>
        %add3A_1948 = arith.addf %add3A_1934, %get3A_1947 : vector<16xf32>
        %mul3A_1949 = arith.constant 1280 : i32
        %mul3A_1950 = arith.muli %select_n3A_282, %mul3A_1949 : i32
        %mul3A_1951 = arith.constant 320 : i32
        %mul3A_1952 = arith.muli %scan3A_307, %mul3A_1951 : i32
        %add3A_1953 = arith.addi %mul3A_1950, %mul3A_1952 : i32
        %add3A_1954 = arith.constant 100 : i32
        %add3A_1955 = arith.addi %add3A_1953, %add3A_1954 : i32
        %add3A_1956 = arith.constant 13 : i32
        %add3A_1957 = arith.addi %add3A_1955, %add3A_1956 : i32
        %get3A_1958 = arith.index_cast %add3A_1957 : i32 to index
        %get3A_1959 = arith.constant 0 : index
        %get3A_1960 = tpu.vector_load %arg6[%get3A_1958, %get3A_1959] {strides = array<i32>} : memref<5120x16xf32, #tpu.memory_space<vmem>>, vector<1x16xf32>,
        %get3A_1961 = vector.shape_cast %get3A_1960 : vector<1x16xf32> to vector<16xf32>
        %add3A_1962 = arith.addf %add3A_1948, %get3A_1961 : vector<16xf32>
        %mul3A_1963 = arith.constant 1280 : i32
        %mul3A_1964 = arith.muli %select_n3A_282, %mul3A_1963 : i32
        %mul3A_1965 = arith.constant 320 : i32
        %mul3A_1966 = arith.muli %scan3A_307, %mul3A_1965 : i32
        %add3A_1967 = arith.addi %mul3A_1964, %mul3A_1966 : i32
        %add3A_1968 = arith.constant 100 : i32
        %add3A_1969 = arith.addi %add3A_1967, %add3A_1968 : i32
        %add3A_1970 = arith.constant 14 : i32
        %add3A_1971 = arith.addi %add3A_1969, %add3A_1970 : i32
        %get3A_1972 = arith.index_cast %add3A_1971 : i32 to index
        %get3A_1973 = arith.constant 0 : index
        %get3A_1974 = tpu.vector_load %arg6[%get3A_1972, %get3A_1973] {strides = array<i32>} : memref<5120x16xf32, #tpu.memory_space<vmem>>, vector<1x16xf32>,
        %get3A_1975 = vector.shape_cast %get3A_1974 : vector<1x16xf32> to vector<16xf32>
        %add3A_1976 = arith.addf %add3A_1962, %get3A_1975 : vector<16xf32>
        %mul3A_1977 = arith.constant 1280 : i32
        %mul3A_1978 = arith.muli %select_n3A_282, %mul3A_1977 : i32
        %mul3A_1979 = arith.constant 320 : i32
        %mul3A_1980 = arith.muli %scan3A_307, %mul3A_1979 : i32
        %add3A_1981 = arith.addi %mul3A_1978, %mul3A_1980 : i32
        %add3A_1982 = arith.constant 100 : i32
        %add3A_1983 = arith.addi %add3A_1981, %add3A_1982 : i32
        %add3A_1984 = arith.constant 15 : i32
        %add3A_1985 = arith.addi %add3A_1983, %add3A_1984 : i32
        %get3A_1986 = arith.index_cast %add3A_1985 : i32 to index
        %get3A_1987 = arith.constant 0 : index
        %get3A_1988 = tpu.vector_load %arg6[%get3A_1986, %get3A_1987] {strides = array<i32>} : memref<5120x16xf32, #tpu.memory_space<vmem>>, vector<1x16xf32>,
        %get3A_1989 = vector.shape_cast %get3A_1988 : vector<1x16xf32> to vector<16xf32>
        %add3A_1990 = arith.addf %add3A_1976, %get3A_1989 : vector<16xf32>
        %mul3A_1991 = arith.constant 1280 : i32
        %mul3A_1992 = arith.muli %select_n3A_282, %mul3A_1991 : i32
        %mul3A_1993 = arith.constant 320 : i32
        %mul3A_1994 = arith.muli %scan3A_307, %mul3A_1993 : i32
        %add3A_1995 = arith.addi %mul3A_1992, %mul3A_1994 : i32
        %add3A_1996 = arith.constant 100 : i32
        %add3A_1997 = arith.addi %add3A_1995, %add3A_1996 : i32
        %add3A_1998 = arith.constant 16 : i32
        %add3A_1999 = arith.addi %add3A_1997, %add3A_1998 : i32
        %get3A_2000 = arith.index_cast %add3A_1999 : i32 to index
        %get3A_2001 = arith.constant 0 : index
        %get3A_2002 = tpu.vector_load %arg6[%get3A_2000, %get3A_2001] {strides = array<i32>} : memref<5120x16xf32, #tpu.memory_space<vmem>>, vector<1x16xf32>,
        %get3A_2003 = vector.shape_cast %get3A_2002 : vector<1x16xf32> to vector<16xf32>
        %add3A_2004 = arith.addf %add3A_1990, %get3A_2003 : vector<16xf32>
        %mul3A_2005 = arith.constant 1280 : i32
        %mul3A_2006 = arith.muli %select_n3A_282, %mul3A_2005 : i32
        %mul3A_2007 = arith.constant 320 : i32
        %mul3A_2008 = arith.muli %scan3A_307, %mul3A_2007 : i32
        %add3A_2009 = arith.addi %mul3A_2006, %mul3A_2008 : i32
        %add3A_2010 = arith.constant 100 : i32
        %add3A_2011 = arith.addi %add3A_2009, %add3A_2010 : i32
        %add3A_2012 = arith.constant 17 : i32
        %add3A_2013 = arith.addi %add3A_2011, %add3A_2012 : i32
        %get3A_2014 = arith.index_cast %add3A_2013 : i32 to index
        %get3A_2015 = arith.constant 0 : index
        %get3A_2016 = tpu.vector_load %arg6[%get3A_2014, %get3A_2015] {strides = array<i32>} : memref<5120x16xf32, #tpu.memory_space<vmem>>, vector<1x16xf32>,
        %get3A_2017 = vector.shape_cast %get3A_2016 : vector<1x16xf32> to vector<16xf32>
        %add3A_2018 = arith.addf %add3A_2004, %get3A_2017 : vector<16xf32>
        %mul3A_2019 = arith.constant 1280 : i32
        %mul3A_2020 = arith.muli %select_n3A_282, %mul3A_2019 : i32
        %mul3A_2021 = arith.constant 320 : i32
        %mul3A_2022 = arith.muli %scan3A_307, %mul3A_2021 : i32
        %add3A_2023 = arith.addi %mul3A_2020, %mul3A_2022 : i32
        %add3A_2024 = arith.constant 100 : i32
        %add3A_2025 = arith.addi %add3A_2023, %add3A_2024 : i32
        %add3A_2026 = arith.constant 18 : i32
        %add3A_2027 = arith.addi %add3A_2025, %add3A_2026 : i32
        %get3A_2028 = arith.index_cast %add3A_2027 : i32 to index
        %get3A_2029 = arith.constant 0 : index
        %get3A_2030 = tpu.vector_load %arg6[%get3A_2028, %get3A_2029] {strides = array<i32>} : memref<5120x16xf32, #tpu.memory_space<vmem>>, vector<1x16xf32>,
        %get3A_2031 = vector.shape_cast %get3A_2030 : vector<1x16xf32> to vector<16xf32>
        %add3A_2032 = arith.addf %add3A_2018, %get3A_2031 : vector<16xf32>
        %mul3A_2033 = arith.constant 1280 : i32
        %mul3A_2034 = arith.muli %select_n3A_282, %mul3A_2033 : i32
        %mul3A_2035 = arith.constant 320 : i32
        %mul3A_2036 = arith.muli %scan3A_307, %mul3A_2035 : i32
        %add3A_2037 = arith.addi %mul3A_2034, %mul3A_2036 : i32
        %add3A_2038 = arith.constant 100 : i32
        %add3A_2039 = arith.addi %add3A_2037, %add3A_2038 : i32
        %add3A_2040 = arith.constant 19 : i32
        %add3A_2041 = arith.addi %add3A_2039, %add3A_2040 : i32
        %get3A_2042 = arith.index_cast %add3A_2041 : i32 to index
        %get3A_2043 = arith.constant 0 : index
        %get3A_2044 = tpu.vector_load %arg6[%get3A_2042, %get3A_2043] {strides = array<i32>} : memref<5120x16xf32, #tpu.memory_space<vmem>>, vector<1x16xf32>,
        %get3A_2045 = vector.shape_cast %get3A_2044 : vector<1x16xf32> to vector<16xf32>
        %add3A_2046 = arith.addf %add3A_2032, %get3A_2045 : vector<16xf32>
        %mul3A_2047 = arith.constant 8 : i32
        %mul3A_2048 = arith.muli %scan3A_267, %mul3A_2047 : i32
        %mul3A_2049 = arith.constant 2 : i32
        %mul3A_2050 = arith.muli %scan3A_307, %mul3A_2049 : i32
        %add3A_2051 = arith.addi %mul3A_2048, %mul3A_2050 : i32
        %add3A_2052 = arith.constant 0 : i32
        %add3A_2053 = arith.addi %add3A_2051, %add3A_2052 : i32
        %swap3A_2054 = arith.index_cast %add3A_2053 : i32 to index
        %swap3A_2055 = arith.constant 80 : index
        %swap3A_2056 = tpu.vector_load %arg7[%swap3A_2054, %swap3A_2055] {strides = array<i32>} : memref<64x128xf32, #tpu.memory_space<vmem>>, vector<1x16xf32>,
        %swap3A_2057 = vector.shape_cast %swap3A_2056 : vector<1x16xf32> to vector<16xf32>
        %swap3A_2058 = vector.shape_cast %add3A_2046 : vector<16xf32> to vector<1x16xf32>
        tpu.vector_store %arg7[%swap3A_2054, %swap3A_2055], %swap3A_2058 {strides = array<i32>} : memref<64x128xf32, #tpu.memory_space<vmem>>, vector<1x16xf32>,
        %mul3A_2059 = arith.constant 1280 : i32
        %mul3A_2060 = arith.muli %select_n3A_282, %mul3A_2059 : i32
        %mul3A_2061 = arith.constant 320 : i32
        %mul3A_2062 = arith.muli %scan3A_307, %mul3A_2061 : i32
        %add3A_2063 = arith.addi %mul3A_2060, %mul3A_2062 : i32
        %add3A_2064 = arith.constant 120 : i32
        %add3A_2065 = arith.addi %add3A_2063, %add3A_2064 : i32
        %add3A_2066 = arith.constant 0 : i32
        %add3A_2067 = arith.addi %add3A_2065, %add3A_2066 : i32
        %get3A_2068 = arith.index_cast %add3A_2067 : i32 to index
        %get3A_2069 = arith.constant 0 : index
        %get3A_2070 = tpu.vector_load %arg6[%get3A_2068, %get3A_2069] {strides = array<i32>} : memref<5120x16xf32, #tpu.memory_space<vmem>>, vector<1x16xf32>,
        %get3A_2071 = vector.shape_cast %get3A_2070 : vector<1x16xf32> to vector<16xf32>
        %add3A_2072 = arith.addf %broadcast_in_dim3A_5, %get3A_2071 : vector<16xf32>
        %mul3A_2073 = arith.constant 1280 : i32
        %mul3A_2074 = arith.muli %select_n3A_282, %mul3A_2073 : i32
        %mul3A_2075 = arith.constant 320 : i32
        %mul3A_2076 = arith.muli %scan3A_307, %mul3A_2075 : i32
        %add3A_2077 = arith.addi %mul3A_2074, %mul3A_2076 : i32
        %add3A_2078 = arith.constant 120 : i32
        %add3A_2079 = arith.addi %add3A_2077, %add3A_2078 : i32
        %add3A_2080 = arith.constant 1 : i32
        %add3A_2081 = arith.addi %add3A_2079, %add3A_2080 : i32
        %get3A_2082 = arith.index_cast %add3A_2081 : i32 to index
        %get3A_2083 = arith.constant 0 : index
        %get3A_2084 = tpu.vector_load %arg6[%get3A_2082, %get3A_2083] {strides = array<i32>} : memref<5120x16xf32, #tpu.memory_space<vmem>>, vector<1x16xf32>,
        %get3A_2085 = vector.shape_cast %get3A_2084 : vector<1x16xf32> to vector<16xf32>
        %add3A_2086 = arith.addf %add3A_2072, %get3A_2085 : vector<16xf32>
        %mul3A_2087 = arith.constant 1280 : i32
        %mul3A_2088 = arith.muli %select_n3A_282, %mul3A_2087 : i32
        %mul3A_2089 = arith.constant 320 : i32
        %mul3A_2090 = arith.muli %scan3A_307, %mul3A_2089 : i32
        %add3A_2091 = arith.addi %mul3A_2088, %mul3A_2090 : i32
        %add3A_2092 = arith.constant 120 : i32
        %add3A_2093 = arith.addi %add3A_2091, %add3A_2092 : i32
        %add3A_2094 = arith.constant 2 : i32
        %add3A_2095 = arith.addi %add3A_2093, %add3A_2094 : i32
        %get3A_2096 = arith.index_cast %add3A_2095 : i32 to index
        %get3A_2097 = arith.constant 0 : index
        %get3A_2098 = tpu.vector_load %arg6[%get3A_2096, %get3A_2097] {strides = array<i32>} : memref<5120x16xf32, #tpu.memory_space<vmem>>, vector<1x16xf32>,
        %get3A_2099 = vector.shape_cast %get3A_2098 : vector<1x16xf32> to vector<16xf32>
        %add3A_2100 = arith.addf %add3A_2086, %get3A_2099 : vector<16xf32>
        %mul3A_2101 = arith.constant 1280 : i32
        %mul3A_2102 = arith.muli %select_n3A_282, %mul3A_2101 : i32
        %mul3A_2103 = arith.constant 320 : i32
        %mul3A_2104 = arith.muli %scan3A_307, %mul3A_2103 : i32
        %add3A_2105 = arith.addi %mul3A_2102, %mul3A_2104 : i32
        %add3A_2106 = arith.constant 120 : i32
        %add3A_2107 = arith.addi %add3A_2105, %add3A_2106 : i32
        %add3A_2108 = arith.constant 3 : i32
        %add3A_2109 = arith.addi %add3A_2107, %add3A_2108 : i32
        %get3A_2110 = arith.index_cast %add3A_2109 : i32 to index
        %get3A_2111 = arith.constant 0 : index
        %get3A_2112 = tpu.vector_load %arg6[%get3A_2110, %get3A_2111] {strides = array<i32>} : memref<5120x16xf32, #tpu.memory_space<vmem>>, vector<1x16xf32>,
        %get3A_2113 = vector.shape_cast %get3A_2112 : vector<1x16xf32> to vector<16xf32>
        %add3A_2114 = arith.addf %add3A_2100, %get3A_2113 : vector<16xf32>
        %mul3A_2115 = arith.constant 1280 : i32
        %mul3A_2116 = arith.muli %select_n3A_282, %mul3A_2115 : i32
        %mul3A_2117 = arith.constant 320 : i32
        %mul3A_2118 = arith.muli %scan3A_307, %mul3A_2117 : i32
        %add3A_2119 = arith.addi %mul3A_2116, %mul3A_2118 : i32
        %add3A_2120 = arith.constant 120 : i32
        %add3A_2121 = arith.addi %add3A_2119, %add3A_2120 : i32
        %add3A_2122 = arith.constant 4 : i32
        %add3A_2123 = arith.addi %add3A_2121, %add3A_2122 : i32
        %get3A_2124 = arith.index_cast %add3A_2123 : i32 to index
        %get3A_2125 = arith.constant 0 : index
        %get3A_2126 = tpu.vector_load %arg6[%get3A_2124, %get3A_2125] {strides = array<i32>} : memref<5120x16xf32, #tpu.memory_space<vmem>>, vector<1x16xf32>,
        %get3A_2127 = vector.shape_cast %get3A_2126 : vector<1x16xf32> to vector<16xf32>
        %add3A_2128 = arith.addf %add3A_2114, %get3A_2127 : vector<16xf32>
        %mul3A_2129 = arith.constant 1280 : i32
        %mul3A_2130 = arith.muli %select_n3A_282, %mul3A_2129 : i32
        %mul3A_2131 = arith.constant 320 : i32
        %mul3A_2132 = arith.muli %scan3A_307, %mul3A_2131 : i32
        %add3A_2133 = arith.addi %mul3A_2130, %mul3A_2132 : i32
        %add3A_2134 = arith.constant 120 : i32
        %add3A_2135 = arith.addi %add3A_2133, %add3A_2134 : i32
        %add3A_2136 = arith.constant 5 : i32
        %add3A_2137 = arith.addi %add3A_2135, %add3A_2136 : i32
        %get3A_2138 = arith.index_cast %add3A_2137 : i32 to index
        %get3A_2139 = arith.constant 0 : index
        %get3A_2140 = tpu.vector_load %arg6[%get3A_2138, %get3A_2139] {strides = array<i32>} : memref<5120x16xf32, #tpu.memory_space<vmem>>, vector<1x16xf32>,
        %get3A_2141 = vector.shape_cast %get3A_2140 : vector<1x16xf32> to vector<16xf32>
        %add3A_2142 = arith.addf %add3A_2128, %get3A_2141 : vector<16xf32>
        %mul3A_2143 = arith.constant 1280 : i32
        %mul3A_2144 = arith.muli %select_n3A_282, %mul3A_2143 : i32
        %mul3A_2145 = arith.constant 320 : i32
        %mul3A_2146 = arith.muli %scan3A_307, %mul3A_2145 : i32
        %add3A_2147 = arith.addi %mul3A_2144, %mul3A_2146 : i32
        %add3A_2148 = arith.constant 120 : i32
        %add3A_2149 = arith.addi %add3A_2147, %add3A_2148 : i32
        %add3A_2150 = arith.constant 6 : i32
        %add3A_2151 = arith.addi %add3A_2149, %add3A_2150 : i32
        %get3A_2152 = arith.index_cast %add3A_2151 : i32 to index
        %get3A_2153 = arith.constant 0 : index
        %get3A_2154 = tpu.vector_load %arg6[%get3A_2152, %get3A_2153] {strides = array<i32>} : memref<5120x16xf32, #tpu.memory_space<vmem>>, vector<1x16xf32>,
        %get3A_2155 = vector.shape_cast %get3A_2154 : vector<1x16xf32> to vector<16xf32>
        %add3A_2156 = arith.addf %add3A_2142, %get3A_2155 : vector<16xf32>
        %mul3A_2157 = arith.constant 1280 : i32
        %mul3A_2158 = arith.muli %select_n3A_282, %mul3A_2157 : i32
        %mul3A_2159 = arith.constant 320 : i32
        %mul3A_2160 = arith.muli %scan3A_307, %mul3A_2159 : i32
        %add3A_2161 = arith.addi %mul3A_2158, %mul3A_2160 : i32
        %add3A_2162 = arith.constant 120 : i32
        %add3A_2163 = arith.addi %add3A_2161, %add3A_2162 : i32
        %add3A_2164 = arith.constant 7 : i32
        %add3A_2165 = arith.addi %add3A_2163, %add3A_2164 : i32
        %get3A_2166 = arith.index_cast %add3A_2165 : i32 to index
        %get3A_2167 = arith.constant 0 : index
        %get3A_2168 = tpu.vector_load %arg6[%get3A_2166, %get3A_2167] {strides = array<i32>} : memref<5120x16xf32, #tpu.memory_space<vmem>>, vector<1x16xf32>,
        %get3A_2169 = vector.shape_cast %get3A_2168 : vector<1x16xf32> to vector<16xf32>
        %add3A_2170 = arith.addf %add3A_2156, %get3A_2169 : vector<16xf32>
        %mul3A_2171 = arith.constant 1280 : i32
        %mul3A_2172 = arith.muli %select_n3A_282, %mul3A_2171 : i32
        %mul3A_2173 = arith.constant 320 : i32
        %mul3A_2174 = arith.muli %scan3A_307, %mul3A_2173 : i32
        %add3A_2175 = arith.addi %mul3A_2172, %mul3A_2174 : i32
        %add3A_2176 = arith.constant 120 : i32
        %add3A_2177 = arith.addi %add3A_2175, %add3A_2176 : i32
        %add3A_2178 = arith.constant 8 : i32
        %add3A_2179 = arith.addi %add3A_2177, %add3A_2178 : i32
        %get3A_2180 = arith.index_cast %add3A_2179 : i32 to index
        %get3A_2181 = arith.constant 0 : index
        %get3A_2182 = tpu.vector_load %arg6[%get3A_2180, %get3A_2181] {strides = array<i32>} : memref<5120x16xf32, #tpu.memory_space<vmem>>, vector<1x16xf32>,
        %get3A_2183 = vector.shape_cast %get3A_2182 : vector<1x16xf32> to vector<16xf32>
        %add3A_2184 = arith.addf %add3A_2170, %get3A_2183 : vector<16xf32>
        %mul3A_2185 = arith.constant 1280 : i32
        %mul3A_2186 = arith.muli %select_n3A_282, %mul3A_2185 : i32
        %mul3A_2187 = arith.constant 320 : i32
        %mul3A_2188 = arith.muli %scan3A_307, %mul3A_2187 : i32
        %add3A_2189 = arith.addi %mul3A_2186, %mul3A_2188 : i32
        %add3A_2190 = arith.constant 120 : i32
        %add3A_2191 = arith.addi %add3A_2189, %add3A_2190 : i32
        %add3A_2192 = arith.constant 9 : i32
        %add3A_2193 = arith.addi %add3A_2191, %add3A_2192 : i32
        %get3A_2194 = arith.index_cast %add3A_2193 : i32 to index
        %get3A_2195 = arith.constant 0 : index
        %get3A_2196 = tpu.vector_load %arg6[%get3A_2194, %get3A_2195] {strides = array<i32>} : memref<5120x16xf32, #tpu.memory_space<vmem>>, vector<1x16xf32>,
        %get3A_2197 = vector.shape_cast %get3A_2196 : vector<1x16xf32> to vector<16xf32>
        %add3A_2198 = arith.addf %add3A_2184, %get3A_2197 : vector<16xf32>
        %mul3A_2199 = arith.constant 1280 : i32
        %mul3A_2200 = arith.muli %select_n3A_282, %mul3A_2199 : i32
        %mul3A_2201 = arith.constant 320 : i32
        %mul3A_2202 = arith.muli %scan3A_307, %mul3A_2201 : i32
        %add3A_2203 = arith.addi %mul3A_2200, %mul3A_2202 : i32
        %add3A_2204 = arith.constant 120 : i32
        %add3A_2205 = arith.addi %add3A_2203, %add3A_2204 : i32
        %add3A_2206 = arith.constant 10 : i32
        %add3A_2207 = arith.addi %add3A_2205, %add3A_2206 : i32
        %get3A_2208 = arith.index_cast %add3A_2207 : i32 to index
        %get3A_2209 = arith.constant 0 : index
        %get3A_2210 = tpu.vector_load %arg6[%get3A_2208, %get3A_2209] {strides = array<i32>} : memref<5120x16xf32, #tpu.memory_space<vmem>>, vector<1x16xf32>,
        %get3A_2211 = vector.shape_cast %get3A_2210 : vector<1x16xf32> to vector<16xf32>
        %add3A_2212 = arith.addf %add3A_2198, %get3A_2211 : vector<16xf32>
        %mul3A_2213 = arith.constant 1280 : i32
        %mul3A_2214 = arith.muli %select_n3A_282, %mul3A_2213 : i32
        %mul3A_2215 = arith.constant 320 : i32
        %mul3A_2216 = arith.muli %scan3A_307, %mul3A_2215 : i32
        %add3A_2217 = arith.addi %mul3A_2214, %mul3A_2216 : i32
        %add3A_2218 = arith.constant 120 : i32
        %add3A_2219 = arith.addi %add3A_2217, %add3A_2218 : i32
        %add3A_2220 = arith.constant 11 : i32
        %add3A_2221 = arith.addi %add3A_2219, %add3A_2220 : i32
        %get3A_2222 = arith.index_cast %add3A_2221 : i32 to index
        %get3A_2223 = arith.constant 0 : index
        %get3A_2224 = tpu.vector_load %arg6[%get3A_2222, %get3A_2223] {strides = array<i32>} : memref<5120x16xf32, #tpu.memory_space<vmem>>, vector<1x16xf32>,
        %get3A_2225 = vector.shape_cast %get3A_2224 : vector<1x16xf32> to vector<16xf32>
        %add3A_2226 = arith.addf %add3A_2212, %get3A_2225 : vector<16xf32>
        %mul3A_2227 = arith.constant 1280 : i32
        %mul3A_2228 = arith.muli %select_n3A_282, %mul3A_2227 : i32
        %mul3A_2229 = arith.constant 320 : i32
        %mul3A_2230 = arith.muli %scan3A_307, %mul3A_2229 : i32
        %add3A_2231 = arith.addi %mul3A_2228, %mul3A_2230 : i32
        %add3A_2232 = arith.constant 120 : i32
        %add3A_2233 = arith.addi %add3A_2231, %add3A_2232 : i32
        %add3A_2234 = arith.constant 12 : i32
        %add3A_2235 = arith.addi %add3A_2233, %add3A_2234 : i32
        %get3A_2236 = arith.index_cast %add3A_2235 : i32 to index
        %get3A_2237 = arith.constant 0 : index
        %get3A_2238 = tpu.vector_load %arg6[%get3A_2236, %get3A_2237] {strides = array<i32>} : memref<5120x16xf32, #tpu.memory_space<vmem>>, vector<1x16xf32>,
        %get3A_2239 = vector.shape_cast %get3A_2238 : vector<1x16xf32> to vector<16xf32>
        %add3A_2240 = arith.addf %add3A_2226, %get3A_2239 : vector<16xf32>
        %mul3A_2241 = arith.constant 1280 : i32
        %mul3A_2242 = arith.muli %select_n3A_282, %mul3A_2241 : i32
        %mul3A_2243 = arith.constant 320 : i32
        %mul3A_2244 = arith.muli %scan3A_307, %mul3A_2243 : i32
        %add3A_2245 = arith.addi %mul3A_2242, %mul3A_2244 : i32
        %add3A_2246 = arith.constant 120 : i32
        %add3A_2247 = arith.addi %add3A_2245, %add3A_2246 : i32
        %add3A_2248 = arith.constant 13 : i32
        %add3A_2249 = arith.addi %add3A_2247, %add3A_2248 : i32
        %get3A_2250 = arith.index_cast %add3A_2249 : i32 to index
        %get3A_2251 = arith.constant 0 : index
        %get3A_2252 = tpu.vector_load %arg6[%get3A_2250, %get3A_2251] {strides = array<i32>} : memref<5120x16xf32, #tpu.memory_space<vmem>>, vector<1x16xf32>,
        %get3A_2253 = vector.shape_cast %get3A_2252 : vector<1x16xf32> to vector<16xf32>
        %add3A_2254 = arith.addf %add3A_2240, %get3A_2253 : vector<16xf32>
        %mul3A_2255 = arith.constant 1280 : i32
        %mul3A_2256 = arith.muli %select_n3A_282, %mul3A_2255 : i32
        %mul3A_2257 = arith.constant 320 : i32
        %mul3A_2258 = arith.muli %scan3A_307, %mul3A_2257 : i32
        %add3A_2259 = arith.addi %mul3A_2256, %mul3A_2258 : i32
        %add3A_2260 = arith.constant 120 : i32
        %add3A_2261 = arith.addi %add3A_2259, %add3A_2260 : i32
        %add3A_2262 = arith.constant 14 : i32
        %add3A_2263 = arith.addi %add3A_2261, %add3A_2262 : i32
        %get3A_2264 = arith.index_cast %add3A_2263 : i32 to index
        %get3A_2265 = arith.constant 0 : index
        %get3A_2266 = tpu.vector_load %arg6[%get3A_2264, %get3A_2265] {strides = array<i32>} : memref<5120x16xf32, #tpu.memory_space<vmem>>, vector<1x16xf32>,
        %get3A_2267 = vector.shape_cast %get3A_2266 : vector<1x16xf32> to vector<16xf32>
        %add3A_2268 = arith.addf %add3A_2254, %get3A_2267 : vector<16xf32>
        %mul3A_2269 = arith.constant 1280 : i32
        %mul3A_2270 = arith.muli %select_n3A_282, %mul3A_2269 : i32
        %mul3A_2271 = arith.constant 320 : i32
        %mul3A_2272 = arith.muli %scan3A_307, %mul3A_2271 : i32
        %add3A_2273 = arith.addi %mul3A_2270, %mul3A_2272 : i32
        %add3A_2274 = arith.constant 120 : i32
        %add3A_2275 = arith.addi %add3A_2273, %add3A_2274 : i32
        %add3A_2276 = arith.constant 15 : i32
        %add3A_2277 = arith.addi %add3A_2275, %add3A_2276 : i32
        %get3A_2278 = arith.index_cast %add3A_2277 : i32 to index
        %get3A_2279 = arith.constant 0 : index
        %get3A_2280 = tpu.vector_load %arg6[%get3A_2278, %get3A_2279] {strides = array<i32>} : memref<5120x16xf32, #tpu.memory_space<vmem>>, vector<1x16xf32>,
        %get3A_2281 = vector.shape_cast %get3A_2280 : vector<1x16xf32> to vector<16xf32>
        %add3A_2282 = arith.addf %add3A_2268, %get3A_2281 : vector<16xf32>
        %mul3A_2283 = arith.constant 1280 : i32
        %mul3A_2284 = arith.muli %select_n3A_282, %mul3A_2283 : i32
        %mul3A_2285 = arith.constant 320 : i32
        %mul3A_2286 = arith.muli %scan3A_307, %mul3A_2285 : i32
        %add3A_2287 = arith.addi %mul3A_2284, %mul3A_2286 : i32
        %add3A_2288 = arith.constant 120 : i32
        %add3A_2289 = arith.addi %add3A_2287, %add3A_2288 : i32
        %add3A_2290 = arith.constant 16 : i32
        %add3A_2291 = arith.addi %add3A_2289, %add3A_2290 : i32
        %get3A_2292 = arith.index_cast %add3A_2291 : i32 to index
        %get3A_2293 = arith.constant 0 : index
        %get3A_2294 = tpu.vector_load %arg6[%get3A_2292, %get3A_2293] {strides = array<i32>} : memref<5120x16xf32, #tpu.memory_space<vmem>>, vector<1x16xf32>,
        %get3A_2295 = vector.shape_cast %get3A_2294 : vector<1x16xf32> to vector<16xf32>
        %add3A_2296 = arith.addf %add3A_2282, %get3A_2295 : vector<16xf32>
        %mul3A_2297 = arith.constant 1280 : i32
        %mul3A_2298 = arith.muli %select_n3A_282, %mul3A_2297 : i32
        %mul3A_2299 = arith.constant 320 : i32
        %mul3A_2300 = arith.muli %scan3A_307, %mul3A_2299 : i32
        %add3A_2301 = arith.addi %mul3A_2298, %mul3A_2300 : i32
        %add3A_2302 = arith.constant 120 : i32
        %add3A_2303 = arith.addi %add3A_2301, %add3A_2302 : i32
        %add3A_2304 = arith.constant 17 : i32
        %add3A_2305 = arith.addi %add3A_2303, %add3A_2304 : i32
        %get3A_2306 = arith.index_cast %add3A_2305 : i32 to index
        %get3A_2307 = arith.constant 0 : index
        %get3A_2308 = tpu.vector_load %arg6[%get3A_2306, %get3A_2307] {strides = array<i32>} : memref<5120x16xf32, #tpu.memory_space<vmem>>, vector<1x16xf32>,
        %get3A_2309 = vector.shape_cast %get3A_2308 : vector<1x16xf32> to vector<16xf32>
        %add3A_2310 = arith.addf %add3A_2296, %get3A_2309 : vector<16xf32>
        %mul3A_2311 = arith.constant 1280 : i32
        %mul3A_2312 = arith.muli %select_n3A_282, %mul3A_2311 : i32
        %mul3A_2313 = arith.constant 320 : i32
        %mul3A_2314 = arith.muli %scan3A_307, %mul3A_2313 : i32
        %add3A_2315 = arith.addi %mul3A_2312, %mul3A_2314 : i32
        %add3A_2316 = arith.constant 120 : i32
        %add3A_2317 = arith.addi %add3A_2315, %add3A_2316 : i32
        %add3A_2318 = arith.constant 18 : i32
        %add3A_2319 = arith.addi %add3A_2317, %add3A_2318 : i32
        %get3A_2320 = arith.index_cast %add3A_2319 : i32 to index
        %get3A_2321 = arith.constant 0 : index
        %get3A_2322 = tpu.vector_load %arg6[%get3A_2320, %get3A_2321] {strides = array<i32>} : memref<5120x16xf32, #tpu.memory_space<vmem>>, vector<1x16xf32>,
        %get3A_2323 = vector.shape_cast %get3A_2322 : vector<1x16xf32> to vector<16xf32>
        %add3A_2324 = arith.addf %add3A_2310, %get3A_2323 : vector<16xf32>
        %mul3A_2325 = arith.constant 1280 : i32
        %mul3A_2326 = arith.muli %select_n3A_282, %mul3A_2325 : i32
        %mul3A_2327 = arith.constant 320 : i32
        %mul3A_2328 = arith.muli %scan3A_307, %mul3A_2327 : i32
        %add3A_2329 = arith.addi %mul3A_2326, %mul3A_2328 : i32
        %add3A_2330 = arith.constant 120 : i32
        %add3A_2331 = arith.addi %add3A_2329, %add3A_2330 : i32
        %add3A_2332 = arith.constant 19 : i32
        %add3A_2333 = arith.addi %add3A_2331, %add3A_2332 : i32
        %get3A_2334 = arith.index_cast %add3A_2333 : i32 to index
        %get3A_2335 = arith.constant 0 : index
        %get3A_2336 = tpu.vector_load %arg6[%get3A_2334, %get3A_2335] {strides = array<i32>} : memref<5120x16xf32, #tpu.memory_space<vmem>>, vector<1x16xf32>,
        %get3A_2337 = vector.shape_cast %get3A_2336 : vector<1x16xf32> to vector<16xf32>
        %add3A_2338 = arith.addf %add3A_2324, %get3A_2337 : vector<16xf32>
        %mul3A_2339 = arith.constant 8 : i32
        %mul3A_2340 = arith.muli %scan3A_267, %mul3A_2339 : i32
        %mul3A_2341 = arith.constant 2 : i32
        %mul3A_2342 = arith.muli %scan3A_307, %mul3A_2341 : i32
        %add3A_2343 = arith.addi %mul3A_2340, %mul3A_2342 : i32
        %add3A_2344 = arith.constant 0 : i32
        %add3A_2345 = arith.addi %add3A_2343, %add3A_2344 : i32
        %swap3A_2346 = arith.index_cast %add3A_2345 : i32 to index
        %swap3A_2347 = arith.constant 96 : index
        %swap3A_2348 = tpu.vector_load %arg7[%swap3A_2346, %swap3A_2347] {strides = array<i32>} : memref<64x128xf32, #tpu.memory_space<vmem>>, vector<1x16xf32>,
        %swap3A_2349 = vector.shape_cast %swap3A_2348 : vector<1x16xf32> to vector<16xf32>
        %swap3A_2350 = vector.shape_cast %add3A_2338 : vector<16xf32> to vector<1x16xf32>
        tpu.vector_store %arg7[%swap3A_2346, %swap3A_2347], %swap3A_2350 {strides = array<i32>} : memref<64x128xf32, #tpu.memory_space<vmem>>, vector<1x16xf32>,
        %mul3A_2351 = arith.constant 1280 : i32
        %mul3A_2352 = arith.muli %select_n3A_282, %mul3A_2351 : i32
        %mul3A_2353 = arith.constant 320 : i32
        %mul3A_2354 = arith.muli %scan3A_307, %mul3A_2353 : i32
        %add3A_2355 = arith.addi %mul3A_2352, %mul3A_2354 : i32
        %add3A_2356 = arith.constant 140 : i32
        %add3A_2357 = arith.addi %add3A_2355, %add3A_2356 : i32
        %add3A_2358 = arith.constant 0 : i32
        %add3A_2359 = arith.addi %add3A_2357, %add3A_2358 : i32
        %get3A_2360 = arith.index_cast %add3A_2359 : i32 to index
        %get3A_2361 = arith.constant 0 : index
        %get3A_2362 = tpu.vector_load %arg6[%get3A_2360, %get3A_2361] {strides = array<i32>} : memref<5120x16xf32, #tpu.memory_space<vmem>>, vector<1x16xf32>,
        %get3A_2363 = vector.shape_cast %get3A_2362 : vector<1x16xf32> to vector<16xf32>
        %add3A_2364 = arith.addf %broadcast_in_dim3A_5, %get3A_2363 : vector<16xf32>
        %mul3A_2365 = arith.constant 1280 : i32
        %mul3A_2366 = arith.muli %select_n3A_282, %mul3A_2365 : i32
        %mul3A_2367 = arith.constant 320 : i32
        %mul3A_2368 = arith.muli %scan3A_307, %mul3A_2367 : i32
        %add3A_2369 = arith.addi %mul3A_2366, %mul3A_2368 : i32
        %add3A_2370 = arith.constant 140 : i32
        %add3A_2371 = arith.addi %add3A_2369, %add3A_2370 : i32
        %add3A_2372 = arith.constant 1 : i32
        %add3A_2373 = arith.addi %add3A_2371, %add3A_2372 : i32
        %get3A_2374 = arith.index_cast %add3A_2373 : i32 to index
        %get3A_2375 = arith.constant 0 : index
        %get3A_2376 = tpu.vector_load %arg6[%get3A_2374, %get3A_2375] {strides = array<i32>} : memref<5120x16xf32, #tpu.memory_space<vmem>>, vector<1x16xf32>,
        %get3A_2377 = vector.shape_cast %get3A_2376 : vector<1x16xf32> to vector<16xf32>
        %add3A_2378 = arith.addf %add3A_2364, %get3A_2377 : vector<16xf32>
        %mul3A_2379 = arith.constant 1280 : i32
        %mul3A_2380 = arith.muli %select_n3A_282, %mul3A_2379 : i32
        %mul3A_2381 = arith.constant 320 : i32
        %mul3A_2382 = arith.muli %scan3A_307, %mul3A_2381 : i32
        %add3A_2383 = arith.addi %mul3A_2380, %mul3A_2382 : i32
        %add3A_2384 = arith.constant 140 : i32
        %add3A_2385 = arith.addi %add3A_2383, %add3A_2384 : i32
        %add3A_2386 = arith.constant 2 : i32
        %add3A_2387 = arith.addi %add3A_2385, %add3A_2386 : i32
        %get3A_2388 = arith.index_cast %add3A_2387 : i32 to index
        %get3A_2389 = arith.constant 0 : index
        %get3A_2390 = tpu.vector_load %arg6[%get3A_2388, %get3A_2389] {strides = array<i32>} : memref<5120x16xf32, #tpu.memory_space<vmem>>, vector<1x16xf32>,
        %get3A_2391 = vector.shape_cast %get3A_2390 : vector<1x16xf32> to vector<16xf32>
        %add3A_2392 = arith.addf %add3A_2378, %get3A_2391 : vector<16xf32>
        %mul3A_2393 = arith.constant 1280 : i32
        %mul3A_2394 = arith.muli %select_n3A_282, %mul3A_2393 : i32
        %mul3A_2395 = arith.constant 320 : i32
        %mul3A_2396 = arith.muli %scan3A_307, %mul3A_2395 : i32
        %add3A_2397 = arith.addi %mul3A_2394, %mul3A_2396 : i32
        %add3A_2398 = arith.constant 140 : i32
        %add3A_2399 = arith.addi %add3A_2397, %add3A_2398 : i32
        %add3A_2400 = arith.constant 3 : i32
        %add3A_2401 = arith.addi %add3A_2399, %add3A_2400 : i32
        %get3A_2402 = arith.index_cast %add3A_2401 : i32 to index
        %get3A_2403 = arith.constant 0 : index
        %get3A_2404 = tpu.vector_load %arg6[%get3A_2402, %get3A_2403] {strides = array<i32>} : memref<5120x16xf32, #tpu.memory_space<vmem>>, vector<1x16xf32>,
        %get3A_2405 = vector.shape_cast %get3A_2404 : vector<1x16xf32> to vector<16xf32>
        %add3A_2406 = arith.addf %add3A_2392, %get3A_2405 : vector<16xf32>
        %mul3A_2407 = arith.constant 1280 : i32
        %mul3A_2408 = arith.muli %select_n3A_282, %mul3A_2407 : i32
        %mul3A_2409 = arith.constant 320 : i32
        %mul3A_2410 = arith.muli %scan3A_307, %mul3A_2409 : i32
        %add3A_2411 = arith.addi %mul3A_2408, %mul3A_2410 : i32
        %add3A_2412 = arith.constant 140 : i32
        %add3A_2413 = arith.addi %add3A_2411, %add3A_2412 : i32
        %add3A_2414 = arith.constant 4 : i32
        %add3A_2415 = arith.addi %add3A_2413, %add3A_2414 : i32
        %get3A_2416 = arith.index_cast %add3A_2415 : i32 to index
        %get3A_2417 = arith.constant 0 : index
        %get3A_2418 = tpu.vector_load %arg6[%get3A_2416, %get3A_2417] {strides = array<i32>} : memref<5120x16xf32, #tpu.memory_space<vmem>>, vector<1x16xf32>,
        %get3A_2419 = vector.shape_cast %get3A_2418 : vector<1x16xf32> to vector<16xf32>
        %add3A_2420 = arith.addf %add3A_2406, %get3A_2419 : vector<16xf32>
        %mul3A_2421 = arith.constant 1280 : i32
        %mul3A_2422 = arith.muli %select_n3A_282, %mul3A_2421 : i32
        %mul3A_2423 = arith.constant 320 : i32
        %mul3A_2424 = arith.muli %scan3A_307, %mul3A_2423 : i32
        %add3A_2425 = arith.addi %mul3A_2422, %mul3A_2424 : i32
        %add3A_2426 = arith.constant 140 : i32
        %add3A_2427 = arith.addi %add3A_2425, %add3A_2426 : i32
        %add3A_2428 = arith.constant 5 : i32
        %add3A_2429 = arith.addi %add3A_2427, %add3A_2428 : i32
        %get3A_2430 = arith.index_cast %add3A_2429 : i32 to index
        %get3A_2431 = arith.constant 0 : index
        %get3A_2432 = tpu.vector_load %arg6[%get3A_2430, %get3A_2431] {strides = array<i32>} : memref<5120x16xf32, #tpu.memory_space<vmem>>, vector<1x16xf32>,
        %get3A_2433 = vector.shape_cast %get3A_2432 : vector<1x16xf32> to vector<16xf32>
        %add3A_2434 = arith.addf %add3A_2420, %get3A_2433 : vector<16xf32>
        %mul3A_2435 = arith.constant 1280 : i32
        %mul3A_2436 = arith.muli %select_n3A_282, %mul3A_2435 : i32
        %mul3A_2437 = arith.constant 320 : i32
        %mul3A_2438 = arith.muli %scan3A_307, %mul3A_2437 : i32
        %add3A_2439 = arith.addi %mul3A_2436, %mul3A_2438 : i32
        %add3A_2440 = arith.constant 140 : i32
        %add3A_2441 = arith.addi %add3A_2439, %add3A_2440 : i32
        %add3A_2442 = arith.constant 6 : i32
        %add3A_2443 = arith.addi %add3A_2441, %add3A_2442 : i32
        %get3A_2444 = arith.index_cast %add3A_2443 : i32 to index
        %get3A_2445 = arith.constant 0 : index
        %get3A_2446 = tpu.vector_load %arg6[%get3A_2444, %get3A_2445] {strides = array<i32>} : memref<5120x16xf32, #tpu.memory_space<vmem>>, vector<1x16xf32>,
        %get3A_2447 = vector.shape_cast %get3A_2446 : vector<1x16xf32> to vector<16xf32>
        %add3A_2448 = arith.addf %add3A_2434, %get3A_2447 : vector<16xf32>
        %mul3A_2449 = arith.constant 1280 : i32
        %mul3A_2450 = arith.muli %select_n3A_282, %mul3A_2449 : i32
        %mul3A_2451 = arith.constant 320 : i32
        %mul3A_2452 = arith.muli %scan3A_307, %mul3A_2451 : i32
        %add3A_2453 = arith.addi %mul3A_2450, %mul3A_2452 : i32
        %add3A_2454 = arith.constant 140 : i32
        %add3A_2455 = arith.addi %add3A_2453, %add3A_2454 : i32
        %add3A_2456 = arith.constant 7 : i32
        %add3A_2457 = arith.addi %add3A_2455, %add3A_2456 : i32
        %get3A_2458 = arith.index_cast %add3A_2457 : i32 to index
        %get3A_2459 = arith.constant 0 : index
        %get3A_2460 = tpu.vector_load %arg6[%get3A_2458, %get3A_2459] {strides = array<i32>} : memref<5120x16xf32, #tpu.memory_space<vmem>>, vector<1x16xf32>,
        %get3A_2461 = vector.shape_cast %get3A_2460 : vector<1x16xf32> to vector<16xf32>
        %add3A_2462 = arith.addf %add3A_2448, %get3A_2461 : vector<16xf32>
        %mul3A_2463 = arith.constant 1280 : i32
        %mul3A_2464 = arith.muli %select_n3A_282, %mul3A_2463 : i32
        %mul3A_2465 = arith.constant 320 : i32
        %mul3A_2466 = arith.muli %scan3A_307, %mul3A_2465 : i32
        %add3A_2467 = arith.addi %mul3A_2464, %mul3A_2466 : i32
        %add3A_2468 = arith.constant 140 : i32
        %add3A_2469 = arith.addi %add3A_2467, %add3A_2468 : i32
        %add3A_2470 = arith.constant 8 : i32
        %add3A_2471 = arith.addi %add3A_2469, %add3A_2470 : i32
        %get3A_2472 = arith.index_cast %add3A_2471 : i32 to index
        %get3A_2473 = arith.constant 0 : index
        %get3A_2474 = tpu.vector_load %arg6[%get3A_2472, %get3A_2473] {strides = array<i32>} : memref<5120x16xf32, #tpu.memory_space<vmem>>, vector<1x16xf32>,
        %get3A_2475 = vector.shape_cast %get3A_2474 : vector<1x16xf32> to vector<16xf32>
        %add3A_2476 = arith.addf %add3A_2462, %get3A_2475 : vector<16xf32>
        %mul3A_2477 = arith.constant 1280 : i32
        %mul3A_2478 = arith.muli %select_n3A_282, %mul3A_2477 : i32
        %mul3A_2479 = arith.constant 320 : i32
        %mul3A_2480 = arith.muli %scan3A_307, %mul3A_2479 : i32
        %add3A_2481 = arith.addi %mul3A_2478, %mul3A_2480 : i32
        %add3A_2482 = arith.constant 140 : i32
        %add3A_2483 = arith.addi %add3A_2481, %add3A_2482 : i32
        %add3A_2484 = arith.constant 9 : i32
        %add3A_2485 = arith.addi %add3A_2483, %add3A_2484 : i32
        %get3A_2486 = arith.index_cast %add3A_2485 : i32 to index
        %get3A_2487 = arith.constant 0 : index
        %get3A_2488 = tpu.vector_load %arg6[%get3A_2486, %get3A_2487] {strides = array<i32>} : memref<5120x16xf32, #tpu.memory_space<vmem>>, vector<1x16xf32>,
        %get3A_2489 = vector.shape_cast %get3A_2488 : vector<1x16xf32> to vector<16xf32>
        %add3A_2490 = arith.addf %add3A_2476, %get3A_2489 : vector<16xf32>
        %mul3A_2491 = arith.constant 1280 : i32
        %mul3A_2492 = arith.muli %select_n3A_282, %mul3A_2491 : i32
        %mul3A_2493 = arith.constant 320 : i32
        %mul3A_2494 = arith.muli %scan3A_307, %mul3A_2493 : i32
        %add3A_2495 = arith.addi %mul3A_2492, %mul3A_2494 : i32
        %add3A_2496 = arith.constant 140 : i32
        %add3A_2497 = arith.addi %add3A_2495, %add3A_2496 : i32
        %add3A_2498 = arith.constant 10 : i32
        %add3A_2499 = arith.addi %add3A_2497, %add3A_2498 : i32
        %get3A_2500 = arith.index_cast %add3A_2499 : i32 to index
        %get3A_2501 = arith.constant 0 : index
        %get3A_2502 = tpu.vector_load %arg6[%get3A_2500, %get3A_2501] {strides = array<i32>} : memref<5120x16xf32, #tpu.memory_space<vmem>>, vector<1x16xf32>,
        %get3A_2503 = vector.shape_cast %get3A_2502 : vector<1x16xf32> to vector<16xf32>
        %add3A_2504 = arith.addf %add3A_2490, %get3A_2503 : vector<16xf32>
        %mul3A_2505 = arith.constant 1280 : i32
        %mul3A_2506 = arith.muli %select_n3A_282, %mul3A_2505 : i32
        %mul3A_2507 = arith.constant 320 : i32
        %mul3A_2508 = arith.muli %scan3A_307, %mul3A_2507 : i32
        %add3A_2509 = arith.addi %mul3A_2506, %mul3A_2508 : i32
        %add3A_2510 = arith.constant 140 : i32
        %add3A_2511 = arith.addi %add3A_2509, %add3A_2510 : i32
        %add3A_2512 = arith.constant 11 : i32
        %add3A_2513 = arith.addi %add3A_2511, %add3A_2512 : i32
        %get3A_2514 = arith.index_cast %add3A_2513 : i32 to index
        %get3A_2515 = arith.constant 0 : index
        %get3A_2516 = tpu.vector_load %arg6[%get3A_2514, %get3A_2515] {strides = array<i32>} : memref<5120x16xf32, #tpu.memory_space<vmem>>, vector<1x16xf32>,
        %get3A_2517 = vector.shape_cast %get3A_2516 : vector<1x16xf32> to vector<16xf32>
        %add3A_2518 = arith.addf %add3A_2504, %get3A_2517 : vector<16xf32>
        %mul3A_2519 = arith.constant 1280 : i32
        %mul3A_2520 = arith.muli %select_n3A_282, %mul3A_2519 : i32
        %mul3A_2521 = arith.constant 320 : i32
        %mul3A_2522 = arith.muli %scan3A_307, %mul3A_2521 : i32
        %add3A_2523 = arith.addi %mul3A_2520, %mul3A_2522 : i32
        %add3A_2524 = arith.constant 140 : i32
        %add3A_2525 = arith.addi %add3A_2523, %add3A_2524 : i32
        %add3A_2526 = arith.constant 12 : i32
        %add3A_2527 = arith.addi %add3A_2525, %add3A_2526 : i32
        %get3A_2528 = arith.index_cast %add3A_2527 : i32 to index
        %get3A_2529 = arith.constant 0 : index
        %get3A_2530 = tpu.vector_load %arg6[%get3A_2528, %get3A_2529] {strides = array<i32>} : memref<5120x16xf32, #tpu.memory_space<vmem>>, vector<1x16xf32>,
        %get3A_2531 = vector.shape_cast %get3A_2530 : vector<1x16xf32> to vector<16xf32>
        %add3A_2532 = arith.addf %add3A_2518, %get3A_2531 : vector<16xf32>
        %mul3A_2533 = arith.constant 1280 : i32
        %mul3A_2534 = arith.muli %select_n3A_282, %mul3A_2533 : i32
        %mul3A_2535 = arith.constant 320 : i32
        %mul3A_2536 = arith.muli %scan3A_307, %mul3A_2535 : i32
        %add3A_2537 = arith.addi %mul3A_2534, %mul3A_2536 : i32
        %add3A_2538 = arith.constant 140 : i32
        %add3A_2539 = arith.addi %add3A_2537, %add3A_2538 : i32
        %add3A_2540 = arith.constant 13 : i32
        %add3A_2541 = arith.addi %add3A_2539, %add3A_2540 : i32
        %get3A_2542 = arith.index_cast %add3A_2541 : i32 to index
        %get3A_2543 = arith.constant 0 : index
        %get3A_2544 = tpu.vector_load %arg6[%get3A_2542, %get3A_2543] {strides = array<i32>} : memref<5120x16xf32, #tpu.memory_space<vmem>>, vector<1x16xf32>,
        %get3A_2545 = vector.shape_cast %get3A_2544 : vector<1x16xf32> to vector<16xf32>
        %add3A_2546 = arith.addf %add3A_2532, %get3A_2545 : vector<16xf32>
        %mul3A_2547 = arith.constant 1280 : i32
        %mul3A_2548 = arith.muli %select_n3A_282, %mul3A_2547 : i32
        %mul3A_2549 = arith.constant 320 : i32
        %mul3A_2550 = arith.muli %scan3A_307, %mul3A_2549 : i32
        %add3A_2551 = arith.addi %mul3A_2548, %mul3A_2550 : i32
        %add3A_2552 = arith.constant 140 : i32
        %add3A_2553 = arith.addi %add3A_2551, %add3A_2552 : i32
        %add3A_2554 = arith.constant 14 : i32
        %add3A_2555 = arith.addi %add3A_2553, %add3A_2554 : i32
        %get3A_2556 = arith.index_cast %add3A_2555 : i32 to index
        %get3A_2557 = arith.constant 0 : index
        %get3A_2558 = tpu.vector_load %arg6[%get3A_2556, %get3A_2557] {strides = array<i32>} : memref<5120x16xf32, #tpu.memory_space<vmem>>, vector<1x16xf32>,
        %get3A_2559 = vector.shape_cast %get3A_2558 : vector<1x16xf32> to vector<16xf32>
        %add3A_2560 = arith.addf %add3A_2546, %get3A_2559 : vector<16xf32>
        %mul3A_2561 = arith.constant 1280 : i32
        %mul3A_2562 = arith.muli %select_n3A_282, %mul3A_2561 : i32
        %mul3A_2563 = arith.constant 320 : i32
        %mul3A_2564 = arith.muli %scan3A_307, %mul3A_2563 : i32
        %add3A_2565 = arith.addi %mul3A_2562, %mul3A_2564 : i32
        %add3A_2566 = arith.constant 140 : i32
        %add3A_2567 = arith.addi %add3A_2565, %add3A_2566 : i32
        %add3A_2568 = arith.constant 15 : i32
        %add3A_2569 = arith.addi %add3A_2567, %add3A_2568 : i32
        %get3A_2570 = arith.index_cast %add3A_2569 : i32 to index
        %get3A_2571 = arith.constant 0 : index
        %get3A_2572 = tpu.vector_load %arg6[%get3A_2570, %get3A_2571] {strides = array<i32>} : memref<5120x16xf32, #tpu.memory_space<vmem>>, vector<1x16xf32>,
        %get3A_2573 = vector.shape_cast %get3A_2572 : vector<1x16xf32> to vector<16xf32>
        %add3A_2574 = arith.addf %add3A_2560, %get3A_2573 : vector<16xf32>
        %mul3A_2575 = arith.constant 1280 : i32
        %mul3A_2576 = arith.muli %select_n3A_282, %mul3A_2575 : i32
        %mul3A_2577 = arith.constant 320 : i32
        %mul3A_2578 = arith.muli %scan3A_307, %mul3A_2577 : i32
        %add3A_2579 = arith.addi %mul3A_2576, %mul3A_2578 : i32
        %add3A_2580 = arith.constant 140 : i32
        %add3A_2581 = arith.addi %add3A_2579, %add3A_2580 : i32
        %add3A_2582 = arith.constant 16 : i32
        %add3A_2583 = arith.addi %add3A_2581, %add3A_2582 : i32
        %get3A_2584 = arith.index_cast %add3A_2583 : i32 to index
        %get3A_2585 = arith.constant 0 : index
        %get3A_2586 = tpu.vector_load %arg6[%get3A_2584, %get3A_2585] {strides = array<i32>} : memref<5120x16xf32, #tpu.memory_space<vmem>>, vector<1x16xf32>,
        %get3A_2587 = vector.shape_cast %get3A_2586 : vector<1x16xf32> to vector<16xf32>
        %add3A_2588 = arith.addf %add3A_2574, %get3A_2587 : vector<16xf32>
        %mul3A_2589 = arith.constant 1280 : i32
        %mul3A_2590 = arith.muli %select_n3A_282, %mul3A_2589 : i32
        %mul3A_2591 = arith.constant 320 : i32
        %mul3A_2592 = arith.muli %scan3A_307, %mul3A_2591 : i32
        %add3A_2593 = arith.addi %mul3A_2590, %mul3A_2592 : i32
        %add3A_2594 = arith.constant 140 : i32
        %add3A_2595 = arith.addi %add3A_2593, %add3A_2594 : i32
        %add3A_2596 = arith.constant 17 : i32
        %add3A_2597 = arith.addi %add3A_2595, %add3A_2596 : i32
        %get3A_2598 = arith.index_cast %add3A_2597 : i32 to index
        %get3A_2599 = arith.constant 0 : index
        %get3A_2600 = tpu.vector_load %arg6[%get3A_2598, %get3A_2599] {strides = array<i32>} : memref<5120x16xf32, #tpu.memory_space<vmem>>, vector<1x16xf32>,
        %get3A_2601 = vector.shape_cast %get3A_2600 : vector<1x16xf32> to vector<16xf32>
        %add3A_2602 = arith.addf %add3A_2588, %get3A_2601 : vector<16xf32>
        %mul3A_2603 = arith.constant 1280 : i32
        %mul3A_2604 = arith.muli %select_n3A_282, %mul3A_2603 : i32
        %mul3A_2605 = arith.constant 320 : i32
        %mul3A_2606 = arith.muli %scan3A_307, %mul3A_2605 : i32
        %add3A_2607 = arith.addi %mul3A_2604, %mul3A_2606 : i32
        %add3A_2608 = arith.constant 140 : i32
        %add3A_2609 = arith.addi %add3A_2607, %add3A_2608 : i32
        %add3A_2610 = arith.constant 18 : i32
        %add3A_2611 = arith.addi %add3A_2609, %add3A_2610 : i32
        %get3A_2612 = arith.index_cast %add3A_2611 : i32 to index
        %get3A_2613 = arith.constant 0 : index
        %get3A_2614 = tpu.vector_load %arg6[%get3A_2612, %get3A_2613] {strides = array<i32>} : memref<5120x16xf32, #tpu.memory_space<vmem>>, vector<1x16xf32>,
        %get3A_2615 = vector.shape_cast %get3A_2614 : vector<1x16xf32> to vector<16xf32>
        %add3A_2616 = arith.addf %add3A_2602, %get3A_2615 : vector<16xf32>
        %mul3A_2617 = arith.constant 1280 : i32
        %mul3A_2618 = arith.muli %select_n3A_282, %mul3A_2617 : i32
        %mul3A_2619 = arith.constant 320 : i32
        %mul3A_2620 = arith.muli %scan3A_307, %mul3A_2619 : i32
        %add3A_2621 = arith.addi %mul3A_2618, %mul3A_2620 : i32
        %add3A_2622 = arith.constant 140 : i32
        %add3A_2623 = arith.addi %add3A_2621, %add3A_2622 : i32
        %add3A_2624 = arith.constant 19 : i32
        %add3A_2625 = arith.addi %add3A_2623, %add3A_2624 : i32
        %get3A_2626 = arith.index_cast %add3A_2625 : i32 to index
        %get3A_2627 = arith.constant 0 : index
        %get3A_2628 = tpu.vector_load %arg6[%get3A_2626, %get3A_2627] {strides = array<i32>} : memref<5120x16xf32, #tpu.memory_space<vmem>>, vector<1x16xf32>,
        %get3A_2629 = vector.shape_cast %get3A_2628 : vector<1x16xf32> to vector<16xf32>
        %add3A_2630 = arith.addf %add3A_2616, %get3A_2629 : vector<16xf32>
        %mul3A_2631 = arith.constant 8 : i32
        %mul3A_2632 = arith.muli %scan3A_267, %mul3A_2631 : i32
        %mul3A_2633 = arith.constant 2 : i32
        %mul3A_2634 = arith.muli %scan3A_307, %mul3A_2633 : i32
        %add3A_2635 = arith.addi %mul3A_2632, %mul3A_2634 : i32
        %add3A_2636 = arith.constant 0 : i32
        %add3A_2637 = arith.addi %add3A_2635, %add3A_2636 : i32
        %swap3A_2638 = arith.index_cast %add3A_2637 : i32 to index
        %swap3A_2639 = arith.constant 112 : index
        %swap3A_2640 = tpu.vector_load %arg7[%swap3A_2638, %swap3A_2639] {strides = array<i32>} : memref<64x128xf32, #tpu.memory_space<vmem>>, vector<1x16xf32>,
        %swap3A_2641 = vector.shape_cast %swap3A_2640 : vector<1x16xf32> to vector<16xf32>
        %swap3A_2642 = vector.shape_cast %add3A_2630 : vector<16xf32> to vector<1x16xf32>
        tpu.vector_store %arg7[%swap3A_2638, %swap3A_2639], %swap3A_2642 {strides = array<i32>} : memref<64x128xf32, #tpu.memory_space<vmem>>, vector<1x16xf32>,
        %mul3A_2643 = arith.constant 1280 : i32
        %mul3A_2644 = arith.muli %select_n3A_282, %mul3A_2643 : i32
        %mul3A_2645 = arith.constant 320 : i32
        %mul3A_2646 = arith.muli %scan3A_307, %mul3A_2645 : i32
        %add3A_2647 = arith.addi %mul3A_2644, %mul3A_2646 : i32
        %add3A_2648 = arith.constant 160 : i32
        %add3A_2649 = arith.addi %add3A_2647, %add3A_2648 : i32
        %add3A_2650 = arith.constant 0 : i32
        %add3A_2651 = arith.addi %add3A_2649, %add3A_2650 : i32
        %get3A_2652 = arith.index_cast %add3A_2651 : i32 to index
        %get3A_2653 = arith.constant 0 : index
        %get3A_2654 = tpu.vector_load %arg6[%get3A_2652, %get3A_2653] {strides = array<i32>} : memref<5120x16xf32, #tpu.memory_space<vmem>>, vector<1x16xf32>,
        %get3A_2655 = vector.shape_cast %get3A_2654 : vector<1x16xf32> to vector<16xf32>
        %add3A_2656 = arith.addf %broadcast_in_dim3A_5, %get3A_2655 : vector<16xf32>
        %mul3A_2657 = arith.constant 1280 : i32
        %mul3A_2658 = arith.muli %select_n3A_282, %mul3A_2657 : i32
        %mul3A_2659 = arith.constant 320 : i32
        %mul3A_2660 = arith.muli %scan3A_307, %mul3A_2659 : i32
        %add3A_2661 = arith.addi %mul3A_2658, %mul3A_2660 : i32
        %add3A_2662 = arith.constant 160 : i32
        %add3A_2663 = arith.addi %add3A_2661, %add3A_2662 : i32
        %add3A_2664 = arith.constant 1 : i32
        %add3A_2665 = arith.addi %add3A_2663, %add3A_2664 : i32
        %get3A_2666 = arith.index_cast %add3A_2665 : i32 to index
        %get3A_2667 = arith.constant 0 : index
        %get3A_2668 = tpu.vector_load %arg6[%get3A_2666, %get3A_2667] {strides = array<i32>} : memref<5120x16xf32, #tpu.memory_space<vmem>>, vector<1x16xf32>,
        %get3A_2669 = vector.shape_cast %get3A_2668 : vector<1x16xf32> to vector<16xf32>
        %add3A_2670 = arith.addf %add3A_2656, %get3A_2669 : vector<16xf32>
        %mul3A_2671 = arith.constant 1280 : i32
        %mul3A_2672 = arith.muli %select_n3A_282, %mul3A_2671 : i32
        %mul3A_2673 = arith.constant 320 : i32
        %mul3A_2674 = arith.muli %scan3A_307, %mul3A_2673 : i32
        %add3A_2675 = arith.addi %mul3A_2672, %mul3A_2674 : i32
        %add3A_2676 = arith.constant 160 : i32
        %add3A_2677 = arith.addi %add3A_2675, %add3A_2676 : i32
        %add3A_2678 = arith.constant 2 : i32
        %add3A_2679 = arith.addi %add3A_2677, %add3A_2678 : i32
        %get3A_2680 = arith.index_cast %add3A_2679 : i32 to index
        %get3A_2681 = arith.constant 0 : index
        %get3A_2682 = tpu.vector_load %arg6[%get3A_2680, %get3A_2681] {strides = array<i32>} : memref<5120x16xf32, #tpu.memory_space<vmem>>, vector<1x16xf32>,
        %get3A_2683 = vector.shape_cast %get3A_2682 : vector<1x16xf32> to vector<16xf32>
        %add3A_2684 = arith.addf %add3A_2670, %get3A_2683 : vector<16xf32>
        %mul3A_2685 = arith.constant 1280 : i32
        %mul3A_2686 = arith.muli %select_n3A_282, %mul3A_2685 : i32
        %mul3A_2687 = arith.constant 320 : i32
        %mul3A_2688 = arith.muli %scan3A_307, %mul3A_2687 : i32
        %add3A_2689 = arith.addi %mul3A_2686, %mul3A_2688 : i32
        %add3A_2690 = arith.constant 160 : i32
        %add3A_2691 = arith.addi %add3A_2689, %add3A_2690 : i32
        %add3A_2692 = arith.constant 3 : i32
        %add3A_2693 = arith.addi %add3A_2691, %add3A_2692 : i32
        %get3A_2694 = arith.index_cast %add3A_2693 : i32 to index
        %get3A_2695 = arith.constant 0 : index
        %get3A_2696 = tpu.vector_load %arg6[%get3A_2694, %get3A_2695] {strides = array<i32>} : memref<5120x16xf32, #tpu.memory_space<vmem>>, vector<1x16xf32>,
        %get3A_2697 = vector.shape_cast %get3A_2696 : vector<1x16xf32> to vector<16xf32>
        %add3A_2698 = arith.addf %add3A_2684, %get3A_2697 : vector<16xf32>
        %mul3A_2699 = arith.constant 1280 : i32
        %mul3A_2700 = arith.muli %select_n3A_282, %mul3A_2699 : i32
        %mul3A_2701 = arith.constant 320 : i32
        %mul3A_2702 = arith.muli %scan3A_307, %mul3A_2701 : i32
        %add3A_2703 = arith.addi %mul3A_2700, %mul3A_2702 : i32
        %add3A_2704 = arith.constant 160 : i32
        %add3A_2705 = arith.addi %add3A_2703, %add3A_2704 : i32
        %add3A_2706 = arith.constant 4 : i32
        %add3A_2707 = arith.addi %add3A_2705, %add3A_2706 : i32
        %get3A_2708 = arith.index_cast %add3A_2707 : i32 to index
        %get3A_2709 = arith.constant 0 : index
        %get3A_2710 = tpu.vector_load %arg6[%get3A_2708, %get3A_2709] {strides = array<i32>} : memref<5120x16xf32, #tpu.memory_space<vmem>>, vector<1x16xf32>,
        %get3A_2711 = vector.shape_cast %get3A_2710 : vector<1x16xf32> to vector<16xf32>
        %add3A_2712 = arith.addf %add3A_2698, %get3A_2711 : vector<16xf32>
        %mul3A_2713 = arith.constant 1280 : i32
        %mul3A_2714 = arith.muli %select_n3A_282, %mul3A_2713 : i32
        %mul3A_2715 = arith.constant 320 : i32
        %mul3A_2716 = arith.muli %scan3A_307, %mul3A_2715 : i32
        %add3A_2717 = arith.addi %mul3A_2714, %mul3A_2716 : i32
        %add3A_2718 = arith.constant 160 : i32
        %add3A_2719 = arith.addi %add3A_2717, %add3A_2718 : i32
        %add3A_2720 = arith.constant 5 : i32
        %add3A_2721 = arith.addi %add3A_2719, %add3A_2720 : i32
        %get3A_2722 = arith.index_cast %add3A_2721 : i32 to index
        %get3A_2723 = arith.constant 0 : index
        %get3A_2724 = tpu.vector_load %arg6[%get3A_2722, %get3A_2723] {strides = array<i32>} : memref<5120x16xf32, #tpu.memory_space<vmem>>, vector<1x16xf32>,
        %get3A_2725 = vector.shape_cast %get3A_2724 : vector<1x16xf32> to vector<16xf32>
        %add3A_2726 = arith.addf %add3A_2712, %get3A_2725 : vector<16xf32>
        %mul3A_2727 = arith.constant 1280 : i32
        %mul3A_2728 = arith.muli %select_n3A_282, %mul3A_2727 : i32
        %mul3A_2729 = arith.constant 320 : i32
        %mul3A_2730 = arith.muli %scan3A_307, %mul3A_2729 : i32
        %add3A_2731 = arith.addi %mul3A_2728, %mul3A_2730 : i32
        %add3A_2732 = arith.constant 160 : i32
        %add3A_2733 = arith.addi %add3A_2731, %add3A_2732 : i32
        %add3A_2734 = arith.constant 6 : i32
        %add3A_2735 = arith.addi %add3A_2733, %add3A_2734 : i32
        %get3A_2736 = arith.index_cast %add3A_2735 : i32 to index
        %get3A_2737 = arith.constant 0 : index
        %get3A_2738 = tpu.vector_load %arg6[%get3A_2736, %get3A_2737] {strides = array<i32>} : memref<5120x16xf32, #tpu.memory_space<vmem>>, vector<1x16xf32>,
        %get3A_2739 = vector.shape_cast %get3A_2738 : vector<1x16xf32> to vector<16xf32>
        %add3A_2740 = arith.addf %add3A_2726, %get3A_2739 : vector<16xf32>
        %mul3A_2741 = arith.constant 1280 : i32
        %mul3A_2742 = arith.muli %select_n3A_282, %mul3A_2741 : i32
        %mul3A_2743 = arith.constant 320 : i32
        %mul3A_2744 = arith.muli %scan3A_307, %mul3A_2743 : i32
        %add3A_2745 = arith.addi %mul3A_2742, %mul3A_2744 : i32
        %add3A_2746 = arith.constant 160 : i32
        %add3A_2747 = arith.addi %add3A_2745, %add3A_2746 : i32
        %add3A_2748 = arith.constant 7 : i32
        %add3A_2749 = arith.addi %add3A_2747, %add3A_2748 : i32
        %get3A_2750 = arith.index_cast %add3A_2749 : i32 to index
        %get3A_2751 = arith.constant 0 : index
        %get3A_2752 = tpu.vector_load %arg6[%get3A_2750, %get3A_2751] {strides = array<i32>} : memref<5120x16xf32, #tpu.memory_space<vmem>>, vector<1x16xf32>,
        %get3A_2753 = vector.shape_cast %get3A_2752 : vector<1x16xf32> to vector<16xf32>
        %add3A_2754 = arith.addf %add3A_2740, %get3A_2753 : vector<16xf32>
        %mul3A_2755 = arith.constant 1280 : i32
        %mul3A_2756 = arith.muli %select_n3A_282, %mul3A_2755 : i32
        %mul3A_2757 = arith.constant 320 : i32
        %mul3A_2758 = arith.muli %scan3A_307, %mul3A_2757 : i32
        %add3A_2759 = arith.addi %mul3A_2756, %mul3A_2758 : i32
        %add3A_2760 = arith.constant 160 : i32
        %add3A_2761 = arith.addi %add3A_2759, %add3A_2760 : i32
        %add3A_2762 = arith.constant 8 : i32
        %add3A_2763 = arith.addi %add3A_2761, %add3A_2762 : i32
        %get3A_2764 = arith.index_cast %add3A_2763 : i32 to index
        %get3A_2765 = arith.constant 0 : index
        %get3A_2766 = tpu.vector_load %arg6[%get3A_2764, %get3A_2765] {strides = array<i32>} : memref<5120x16xf32, #tpu.memory_space<vmem>>, vector<1x16xf32>,
        %get3A_2767 = vector.shape_cast %get3A_2766 : vector<1x16xf32> to vector<16xf32>
        %add3A_2768 = arith.addf %add3A_2754, %get3A_2767 : vector<16xf32>
        %mul3A_2769 = arith.constant 1280 : i32
        %mul3A_2770 = arith.muli %select_n3A_282, %mul3A_2769 : i32
        %mul3A_2771 = arith.constant 320 : i32
        %mul3A_2772 = arith.muli %scan3A_307, %mul3A_2771 : i32
        %add3A_2773 = arith.addi %mul3A_2770, %mul3A_2772 : i32
        %add3A_2774 = arith.constant 160 : i32
        %add3A_2775 = arith.addi %add3A_2773, %add3A_2774 : i32
        %add3A_2776 = arith.constant 9 : i32
        %add3A_2777 = arith.addi %add3A_2775, %add3A_2776 : i32
        %get3A_2778 = arith.index_cast %add3A_2777 : i32 to index
        %get3A_2779 = arith.constant 0 : index
        %get3A_2780 = tpu.vector_load %arg6[%get3A_2778, %get3A_2779] {strides = array<i32>} : memref<5120x16xf32, #tpu.memory_space<vmem>>, vector<1x16xf32>,
        %get3A_2781 = vector.shape_cast %get3A_2780 : vector<1x16xf32> to vector<16xf32>
        %add3A_2782 = arith.addf %add3A_2768, %get3A_2781 : vector<16xf32>
        %mul3A_2783 = arith.constant 1280 : i32
        %mul3A_2784 = arith.muli %select_n3A_282, %mul3A_2783 : i32
        %mul3A_2785 = arith.constant 320 : i32
        %mul3A_2786 = arith.muli %scan3A_307, %mul3A_2785 : i32
        %add3A_2787 = arith.addi %mul3A_2784, %mul3A_2786 : i32
        %add3A_2788 = arith.constant 160 : i32
        %add3A_2789 = arith.addi %add3A_2787, %add3A_2788 : i32
        %add3A_2790 = arith.constant 10 : i32
        %add3A_2791 = arith.addi %add3A_2789, %add3A_2790 : i32
        %get3A_2792 = arith.index_cast %add3A_2791 : i32 to index
        %get3A_2793 = arith.constant 0 : index
        %get3A_2794 = tpu.vector_load %arg6[%get3A_2792, %get3A_2793] {strides = array<i32>} : memref<5120x16xf32, #tpu.memory_space<vmem>>, vector<1x16xf32>,
        %get3A_2795 = vector.shape_cast %get3A_2794 : vector<1x16xf32> to vector<16xf32>
        %add3A_2796 = arith.addf %add3A_2782, %get3A_2795 : vector<16xf32>
        %mul3A_2797 = arith.constant 1280 : i32
        %mul3A_2798 = arith.muli %select_n3A_282, %mul3A_2797 : i32
        %mul3A_2799 = arith.constant 320 : i32
        %mul3A_2800 = arith.muli %scan3A_307, %mul3A_2799 : i32
        %add3A_2801 = arith.addi %mul3A_2798, %mul3A_2800 : i32
        %add3A_2802 = arith.constant 160 : i32
        %add3A_2803 = arith.addi %add3A_2801, %add3A_2802 : i32
        %add3A_2804 = arith.constant 11 : i32
        %add3A_2805 = arith.addi %add3A_2803, %add3A_2804 : i32
        %get3A_2806 = arith.index_cast %add3A_2805 : i32 to index
        %get3A_2807 = arith.constant 0 : index
        %get3A_2808 = tpu.vector_load %arg6[%get3A_2806, %get3A_2807] {strides = array<i32>} : memref<5120x16xf32, #tpu.memory_space<vmem>>, vector<1x16xf32>,
        %get3A_2809 = vector.shape_cast %get3A_2808 : vector<1x16xf32> to vector<16xf32>
        %add3A_2810 = arith.addf %add3A_2796, %get3A_2809 : vector<16xf32>
        %mul3A_2811 = arith.constant 1280 : i32
        %mul3A_2812 = arith.muli %select_n3A_282, %mul3A_2811 : i32
        %mul3A_2813 = arith.constant 320 : i32
        %mul3A_2814 = arith.muli %scan3A_307, %mul3A_2813 : i32
        %add3A_2815 = arith.addi %mul3A_2812, %mul3A_2814 : i32
        %add3A_2816 = arith.constant 160 : i32
        %add3A_2817 = arith.addi %add3A_2815, %add3A_2816 : i32
        %add3A_2818 = arith.constant 12 : i32
        %add3A_2819 = arith.addi %add3A_2817, %add3A_2818 : i32
        %get3A_2820 = arith.index_cast %add3A_2819 : i32 to index
        %get3A_2821 = arith.constant 0 : index
        %get3A_2822 = tpu.vector_load %arg6[%get3A_2820, %get3A_2821] {strides = array<i32>} : memref<5120x16xf32, #tpu.memory_space<vmem>>, vector<1x16xf32>,
        %get3A_2823 = vector.shape_cast %get3A_2822 : vector<1x16xf32> to vector<16xf32>
        %add3A_2824 = arith.addf %add3A_2810, %get3A_2823 : vector<16xf32>
        %mul3A_2825 = arith.constant 1280 : i32
        %mul3A_2826 = arith.muli %select_n3A_282, %mul3A_2825 : i32
        %mul3A_2827 = arith.constant 320 : i32
        %mul3A_2828 = arith.muli %scan3A_307, %mul3A_2827 : i32
        %add3A_2829 = arith.addi %mul3A_2826, %mul3A_2828 : i32
        %add3A_2830 = arith.constant 160 : i32
        %add3A_2831 = arith.addi %add3A_2829, %add3A_2830 : i32
        %add3A_2832 = arith.constant 13 : i32
        %add3A_2833 = arith.addi %add3A_2831, %add3A_2832 : i32
        %get3A_2834 = arith.index_cast %add3A_2833 : i32 to index
        %get3A_2835 = arith.constant 0 : index
        %get3A_2836 = tpu.vector_load %arg6[%get3A_2834, %get3A_2835] {strides = array<i32>} : memref<5120x16xf32, #tpu.memory_space<vmem>>, vector<1x16xf32>,
        %get3A_2837 = vector.shape_cast %get3A_2836 : vector<1x16xf32> to vector<16xf32>
        %add3A_2838 = arith.addf %add3A_2824, %get3A_2837 : vector<16xf32>
        %mul3A_2839 = arith.constant 1280 : i32
        %mul3A_2840 = arith.muli %select_n3A_282, %mul3A_2839 : i32
        %mul3A_2841 = arith.constant 320 : i32
        %mul3A_2842 = arith.muli %scan3A_307, %mul3A_2841 : i32
        %add3A_2843 = arith.addi %mul3A_2840, %mul3A_2842 : i32
        %add3A_2844 = arith.constant 160 : i32
        %add3A_2845 = arith.addi %add3A_2843, %add3A_2844 : i32
        %add3A_2846 = arith.constant 14 : i32
        %add3A_2847 = arith.addi %add3A_2845, %add3A_2846 : i32
        %get3A_2848 = arith.index_cast %add3A_2847 : i32 to index
        %get3A_2849 = arith.constant 0 : index
        %get3A_2850 = tpu.vector_load %arg6[%get3A_2848, %get3A_2849] {strides = array<i32>} : memref<5120x16xf32, #tpu.memory_space<vmem>>, vector<1x16xf32>,
        %get3A_2851 = vector.shape_cast %get3A_2850 : vector<1x16xf32> to vector<16xf32>
        %add3A_2852 = arith.addf %add3A_2838, %get3A_2851 : vector<16xf32>
        %mul3A_2853 = arith.constant 1280 : i32
        %mul3A_2854 = arith.muli %select_n3A_282, %mul3A_2853 : i32
        %mul3A_2855 = arith.constant 320 : i32
        %mul3A_2856 = arith.muli %scan3A_307, %mul3A_2855 : i32
        %add3A_2857 = arith.addi %mul3A_2854, %mul3A_2856 : i32
        %add3A_2858 = arith.constant 160 : i32
        %add3A_2859 = arith.addi %add3A_2857, %add3A_2858 : i32
        %add3A_2860 = arith.constant 15 : i32
        %add3A_2861 = arith.addi %add3A_2859, %add3A_2860 : i32
        %get3A_2862 = arith.index_cast %add3A_2861 : i32 to index
        %get3A_2863 = arith.constant 0 : index
        %get3A_2864 = tpu.vector_load %arg6[%get3A_2862, %get3A_2863] {strides = array<i32>} : memref<5120x16xf32, #tpu.memory_space<vmem>>, vector<1x16xf32>,
        %get3A_2865 = vector.shape_cast %get3A_2864 : vector<1x16xf32> to vector<16xf32>
        %add3A_2866 = arith.addf %add3A_2852, %get3A_2865 : vector<16xf32>
        %mul3A_2867 = arith.constant 1280 : i32
        %mul3A_2868 = arith.muli %select_n3A_282, %mul3A_2867 : i32
        %mul3A_2869 = arith.constant 320 : i32
        %mul3A_2870 = arith.muli %scan3A_307, %mul3A_2869 : i32
        %add3A_2871 = arith.addi %mul3A_2868, %mul3A_2870 : i32
        %add3A_2872 = arith.constant 160 : i32
        %add3A_2873 = arith.addi %add3A_2871, %add3A_2872 : i32
        %add3A_2874 = arith.constant 16 : i32
        %add3A_2875 = arith.addi %add3A_2873, %add3A_2874 : i32
        %get3A_2876 = arith.index_cast %add3A_2875 : i32 to index
        %get3A_2877 = arith.constant 0 : index
        %get3A_2878 = tpu.vector_load %arg6[%get3A_2876, %get3A_2877] {strides = array<i32>} : memref<5120x16xf32, #tpu.memory_space<vmem>>, vector<1x16xf32>,
        %get3A_2879 = vector.shape_cast %get3A_2878 : vector<1x16xf32> to vector<16xf32>
        %add3A_2880 = arith.addf %add3A_2866, %get3A_2879 : vector<16xf32>
        %mul3A_2881 = arith.constant 1280 : i32
        %mul3A_2882 = arith.muli %select_n3A_282, %mul3A_2881 : i32
        %mul3A_2883 = arith.constant 320 : i32
        %mul3A_2884 = arith.muli %scan3A_307, %mul3A_2883 : i32
        %add3A_2885 = arith.addi %mul3A_2882, %mul3A_2884 : i32
        %add3A_2886 = arith.constant 160 : i32
        %add3A_2887 = arith.addi %add3A_2885, %add3A_2886 : i32
        %add3A_2888 = arith.constant 17 : i32
        %add3A_2889 = arith.addi %add3A_2887, %add3A_2888 : i32
        %get3A_2890 = arith.index_cast %add3A_2889 : i32 to index
        %get3A_2891 = arith.constant 0 : index
        %get3A_2892 = tpu.vector_load %arg6[%get3A_2890, %get3A_2891] {strides = array<i32>} : memref<5120x16xf32, #tpu.memory_space<vmem>>, vector<1x16xf32>,
        %get3A_2893 = vector.shape_cast %get3A_2892 : vector<1x16xf32> to vector<16xf32>
        %add3A_2894 = arith.addf %add3A_2880, %get3A_2893 : vector<16xf32>
        %mul3A_2895 = arith.constant 1280 : i32
        %mul3A_2896 = arith.muli %select_n3A_282, %mul3A_2895 : i32
        %mul3A_2897 = arith.constant 320 : i32
        %mul3A_2898 = arith.muli %scan3A_307, %mul3A_2897 : i32
        %add3A_2899 = arith.addi %mul3A_2896, %mul3A_2898 : i32
        %add3A_2900 = arith.constant 160 : i32
        %add3A_2901 = arith.addi %add3A_2899, %add3A_2900 : i32
        %add3A_2902 = arith.constant 18 : i32
        %add3A_2903 = arith.addi %add3A_2901, %add3A_2902 : i32
        %get3A_2904 = arith.index_cast %add3A_2903 : i32 to index
        %get3A_2905 = arith.constant 0 : index
        %get3A_2906 = tpu.vector_load %arg6[%get3A_2904, %get3A_2905] {strides = array<i32>} : memref<5120x16xf32, #tpu.memory_space<vmem>>, vector<1x16xf32>,
        %get3A_2907 = vector.shape_cast %get3A_2906 : vector<1x16xf32> to vector<16xf32>
        %add3A_2908 = arith.addf %add3A_2894, %get3A_2907 : vector<16xf32>
        %mul3A_2909 = arith.constant 1280 : i32
        %mul3A_2910 = arith.muli %select_n3A_282, %mul3A_2909 : i32
        %mul3A_2911 = arith.constant 320 : i32
        %mul3A_2912 = arith.muli %scan3A_307, %mul3A_2911 : i32
        %add3A_2913 = arith.addi %mul3A_2910, %mul3A_2912 : i32
        %add3A_2914 = arith.constant 160 : i32
        %add3A_2915 = arith.addi %add3A_2913, %add3A_2914 : i32
        %add3A_2916 = arith.constant 19 : i32
        %add3A_2917 = arith.addi %add3A_2915, %add3A_2916 : i32
        %get3A_2918 = arith.index_cast %add3A_2917 : i32 to index
        %get3A_2919 = arith.constant 0 : index
        %get3A_2920 = tpu.vector_load %arg6[%get3A_2918, %get3A_2919] {strides = array<i32>} : memref<5120x16xf32, #tpu.memory_space<vmem>>, vector<1x16xf32>,
        %get3A_2921 = vector.shape_cast %get3A_2920 : vector<1x16xf32> to vector<16xf32>
        %add3A_2922 = arith.addf %add3A_2908, %get3A_2921 : vector<16xf32>
        %mul3A_2923 = arith.constant 8 : i32
        %mul3A_2924 = arith.muli %scan3A_267, %mul3A_2923 : i32
        %mul3A_2925 = arith.constant 2 : i32
        %mul3A_2926 = arith.muli %scan3A_307, %mul3A_2925 : i32
        %add3A_2927 = arith.addi %mul3A_2924, %mul3A_2926 : i32
        %add3A_2928 = arith.constant 1 : i32
        %add3A_2929 = arith.addi %add3A_2927, %add3A_2928 : i32
        %swap3A_2930 = arith.index_cast %add3A_2929 : i32 to index
        %swap3A_2931 = arith.constant 0 : index
        %swap3A_2932 = tpu.vector_load %arg7[%swap3A_2930, %swap3A_2931] {strides = array<i32>} : memref<64x128xf32, #tpu.memory_space<vmem>>, vector<1x16xf32>,
        %swap3A_2933 = vector.shape_cast %swap3A_2932 : vector<1x16xf32> to vector<16xf32>
        %swap3A_2934 = vector.shape_cast %add3A_2922 : vector<16xf32> to vector<1x16xf32>
        tpu.vector_store %arg7[%swap3A_2930, %swap3A_2931], %swap3A_2934 {strides = array<i32>} : memref<64x128xf32, #tpu.memory_space<vmem>>, vector<1x16xf32>,
        %mul3A_2935 = arith.constant 1280 : i32
        %mul3A_2936 = arith.muli %select_n3A_282, %mul3A_2935 : i32
        %mul3A_2937 = arith.constant 320 : i32
        %mul3A_2938 = arith.muli %scan3A_307, %mul3A_2937 : i32
        %add3A_2939 = arith.addi %mul3A_2936, %mul3A_2938 : i32
        %add3A_2940 = arith.constant 180 : i32
        %add3A_2941 = arith.addi %add3A_2939, %add3A_2940 : i32
        %add3A_2942 = arith.constant 0 : i32
        %add3A_2943 = arith.addi %add3A_2941, %add3A_2942 : i32
        %get3A_2944 = arith.index_cast %add3A_2943 : i32 to index
        %get3A_2945 = arith.constant 0 : index
        %get3A_2946 = tpu.vector_load %arg6[%get3A_2944, %get3A_2945] {strides = array<i32>} : memref<5120x16xf32, #tpu.memory_space<vmem>>, vector<1x16xf32>,
        %get3A_2947 = vector.shape_cast %get3A_2946 : vector<1x16xf32> to vector<16xf32>
        %add3A_2948 = arith.addf %broadcast_in_dim3A_5, %get3A_2947 : vector<16xf32>
        %mul3A_2949 = arith.constant 1280 : i32
        %mul3A_2950 = arith.muli %select_n3A_282, %mul3A_2949 : i32
        %mul3A_2951 = arith.constant 320 : i32
        %mul3A_2952 = arith.muli %scan3A_307, %mul3A_2951 : i32
        %add3A_2953 = arith.addi %mul3A_2950, %mul3A_2952 : i32
        %add3A_2954 = arith.constant 180 : i32
        %add3A_2955 = arith.addi %add3A_2953, %add3A_2954 : i32
        %add3A_2956 = arith.constant 1 : i32
        %add3A_2957 = arith.addi %add3A_2955, %add3A_2956 : i32
        %get3A_2958 = arith.index_cast %add3A_2957 : i32 to index
        %get3A_2959 = arith.constant 0 : index
        %get3A_2960 = tpu.vector_load %arg6[%get3A_2958, %get3A_2959] {strides = array<i32>} : memref<5120x16xf32, #tpu.memory_space<vmem>>, vector<1x16xf32>,
        %get3A_2961 = vector.shape_cast %get3A_2960 : vector<1x16xf32> to vector<16xf32>
        %add3A_2962 = arith.addf %add3A_2948, %get3A_2961 : vector<16xf32>
        %mul3A_2963 = arith.constant 1280 : i32
        %mul3A_2964 = arith.muli %select_n3A_282, %mul3A_2963 : i32
        %mul3A_2965 = arith.constant 320 : i32
        %mul3A_2966 = arith.muli %scan3A_307, %mul3A_2965 : i32
        %add3A_2967 = arith.addi %mul3A_2964, %mul3A_2966 : i32
        %add3A_2968 = arith.constant 180 : i32
        %add3A_2969 = arith.addi %add3A_2967, %add3A_2968 : i32
        %add3A_2970 = arith.constant 2 : i32
        %add3A_2971 = arith.addi %add3A_2969, %add3A_2970 : i32
        %get3A_2972 = arith.index_cast %add3A_2971 : i32 to index
        %get3A_2973 = arith.constant 0 : index
        %get3A_2974 = tpu.vector_load %arg6[%get3A_2972, %get3A_2973] {strides = array<i32>} : memref<5120x16xf32, #tpu.memory_space<vmem>>, vector<1x16xf32>,
        %get3A_2975 = vector.shape_cast %get3A_2974 : vector<1x16xf32> to vector<16xf32>
        %add3A_2976 = arith.addf %add3A_2962, %get3A_2975 : vector<16xf32>
        %mul3A_2977 = arith.constant 1280 : i32
        %mul3A_2978 = arith.muli %select_n3A_282, %mul3A_2977 : i32
        %mul3A_2979 = arith.constant 320 : i32
        %mul3A_2980 = arith.muli %scan3A_307, %mul3A_2979 : i32
        %add3A_2981 = arith.addi %mul3A_2978, %mul3A_2980 : i32
        %add3A_2982 = arith.constant 180 : i32
        %add3A_2983 = arith.addi %add3A_2981, %add3A_2982 : i32
        %add3A_2984 = arith.constant 3 : i32
        %add3A_2985 = arith.addi %add3A_2983, %add3A_2984 : i32
        %get3A_2986 = arith.index_cast %add3A_2985 : i32 to index
        %get3A_2987 = arith.constant 0 : index
        %get3A_2988 = tpu.vector_load %arg6[%get3A_2986, %get3A_2987] {strides = array<i32>} : memref<5120x16xf32, #tpu.memory_space<vmem>>, vector<1x16xf32>,
        %get3A_2989 = vector.shape_cast %get3A_2988 : vector<1x16xf32> to vector<16xf32>
        %add3A_2990 = arith.addf %add3A_2976, %get3A_2989 : vector<16xf32>
        %mul3A_2991 = arith.constant 1280 : i32
        %mul3A_2992 = arith.muli %select_n3A_282, %mul3A_2991 : i32
        %mul3A_2993 = arith.constant 320 : i32
        %mul3A_2994 = arith.muli %scan3A_307, %mul3A_2993 : i32
        %add3A_2995 = arith.addi %mul3A_2992, %mul3A_2994 : i32
        %add3A_2996 = arith.constant 180 : i32
        %add3A_2997 = arith.addi %add3A_2995, %add3A_2996 : i32
        %add3A_2998 = arith.constant 4 : i32
        %add3A_2999 = arith.addi %add3A_2997, %add3A_2998 : i32
        %get3A_3000 = arith.index_cast %add3A_2999 : i32 to index
        %get3A_3001 = arith.constant 0 : index
        %get3A_3002 = tpu.vector_load %arg6[%get3A_3000, %get3A_3001] {strides = array<i32>} : memref<5120x16xf32, #tpu.memory_space<vmem>>, vector<1x16xf32>,
        %get3A_3003 = vector.shape_cast %get3A_3002 : vector<1x16xf32> to vector<16xf32>
        %add3A_3004 = arith.addf %add3A_2990, %get3A_3003 : vector<16xf32>
        %mul3A_3005 = arith.constant 1280 : i32
        %mul3A_3006 = arith.muli %select_n3A_282, %mul3A_3005 : i32
        %mul3A_3007 = arith.constant 320 : i32
        %mul3A_3008 = arith.muli %scan3A_307, %mul3A_3007 : i32
        %add3A_3009 = arith.addi %mul3A_3006, %mul3A_3008 : i32
        %add3A_3010 = arith.constant 180 : i32
        %add3A_3011 = arith.addi %add3A_3009, %add3A_3010 : i32
        %add3A_3012 = arith.constant 5 : i32
        %add3A_3013 = arith.addi %add3A_3011, %add3A_3012 : i32
        %get3A_3014 = arith.index_cast %add3A_3013 : i32 to index
        %get3A_3015 = arith.constant 0 : index
        %get3A_3016 = tpu.vector_load %arg6[%get3A_3014, %get3A_3015] {strides = array<i32>} : memref<5120x16xf32, #tpu.memory_space<vmem>>, vector<1x16xf32>,
        %get3A_3017 = vector.shape_cast %get3A_3016 : vector<1x16xf32> to vector<16xf32>
        %add3A_3018 = arith.addf %add3A_3004, %get3A_3017 : vector<16xf32>
        %mul3A_3019 = arith.constant 1280 : i32
        %mul3A_3020 = arith.muli %select_n3A_282, %mul3A_3019 : i32
        %mul3A_3021 = arith.constant 320 : i32
        %mul3A_3022 = arith.muli %scan3A_307, %mul3A_3021 : i32
        %add3A_3023 = arith.addi %mul3A_3020, %mul3A_3022 : i32
        %add3A_3024 = arith.constant 180 : i32
        %add3A_3025 = arith.addi %add3A_3023, %add3A_3024 : i32
        %add3A_3026 = arith.constant 6 : i32
        %add3A_3027 = arith.addi %add3A_3025, %add3A_3026 : i32
        %get3A_3028 = arith.index_cast %add3A_3027 : i32 to index
        %get3A_3029 = arith.constant 0 : index
        %get3A_3030 = tpu.vector_load %arg6[%get3A_3028, %get3A_3029] {strides = array<i32>} : memref<5120x16xf32, #tpu.memory_space<vmem>>, vector<1x16xf32>,
        %get3A_3031 = vector.shape_cast %get3A_3030 : vector<1x16xf32> to vector<16xf32>
        %add3A_3032 = arith.addf %add3A_3018, %get3A_3031 : vector<16xf32>
        %mul3A_3033 = arith.constant 1280 : i32
        %mul3A_3034 = arith.muli %select_n3A_282, %mul3A_3033 : i32
        %mul3A_3035 = arith.constant 320 : i32
        %mul3A_3036 = arith.muli %scan3A_307, %mul3A_3035 : i32
        %add3A_3037 = arith.addi %mul3A_3034, %mul3A_3036 : i32
        %add3A_3038 = arith.constant 180 : i32
        %add3A_3039 = arith.addi %add3A_3037, %add3A_3038 : i32
        %add3A_3040 = arith.constant 7 : i32
        %add3A_3041 = arith.addi %add3A_3039, %add3A_3040 : i32
        %get3A_3042 = arith.index_cast %add3A_3041 : i32 to index
        %get3A_3043 = arith.constant 0 : index
        %get3A_3044 = tpu.vector_load %arg6[%get3A_3042, %get3A_3043] {strides = array<i32>} : memref<5120x16xf32, #tpu.memory_space<vmem>>, vector<1x16xf32>,
        %get3A_3045 = vector.shape_cast %get3A_3044 : vector<1x16xf32> to vector<16xf32>
        %add3A_3046 = arith.addf %add3A_3032, %get3A_3045 : vector<16xf32>
        %mul3A_3047 = arith.constant 1280 : i32
        %mul3A_3048 = arith.muli %select_n3A_282, %mul3A_3047 : i32
        %mul3A_3049 = arith.constant 320 : i32
        %mul3A_3050 = arith.muli %scan3A_307, %mul3A_3049 : i32
        %add3A_3051 = arith.addi %mul3A_3048, %mul3A_3050 : i32
        %add3A_3052 = arith.constant 180 : i32
        %add3A_3053 = arith.addi %add3A_3051, %add3A_3052 : i32
        %add3A_3054 = arith.constant 8 : i32
        %add3A_3055 = arith.addi %add3A_3053, %add3A_3054 : i32
        %get3A_3056 = arith.index_cast %add3A_3055 : i32 to index
        %get3A_3057 = arith.constant 0 : index
        %get3A_3058 = tpu.vector_load %arg6[%get3A_3056, %get3A_3057] {strides = array<i32>} : memref<5120x16xf32, #tpu.memory_space<vmem>>, vector<1x16xf32>,
        %get3A_3059 = vector.shape_cast %get3A_3058 : vector<1x16xf32> to vector<16xf32>
        %add3A_3060 = arith.addf %add3A_3046, %get3A_3059 : vector<16xf32>
        %mul3A_3061 = arith.constant 1280 : i32
        %mul3A_3062 = arith.muli %select_n3A_282, %mul3A_3061 : i32
        %mul3A_3063 = arith.constant 320 : i32
        %mul3A_3064 = arith.muli %scan3A_307, %mul3A_3063 : i32
        %add3A_3065 = arith.addi %mul3A_3062, %mul3A_3064 : i32
        %add3A_3066 = arith.constant 180 : i32
        %add3A_3067 = arith.addi %add3A_3065, %add3A_3066 : i32
        %add3A_3068 = arith.constant 9 : i32
        %add3A_3069 = arith.addi %add3A_3067, %add3A_3068 : i32
        %get3A_3070 = arith.index_cast %add3A_3069 : i32 to index
        %get3A_3071 = arith.constant 0 : index
        %get3A_3072 = tpu.vector_load %arg6[%get3A_3070, %get3A_3071] {strides = array<i32>} : memref<5120x16xf32, #tpu.memory_space<vmem>>, vector<1x16xf32>,
        %get3A_3073 = vector.shape_cast %get3A_3072 : vector<1x16xf32> to vector<16xf32>
        %add3A_3074 = arith.addf %add3A_3060, %get3A_3073 : vector<16xf32>
        %mul3A_3075 = arith.constant 1280 : i32
        %mul3A_3076 = arith.muli %select_n3A_282, %mul3A_3075 : i32
        %mul3A_3077 = arith.constant 320 : i32
        %mul3A_3078 = arith.muli %scan3A_307, %mul3A_3077 : i32
        %add3A_3079 = arith.addi %mul3A_3076, %mul3A_3078 : i32
        %add3A_3080 = arith.constant 180 : i32
        %add3A_3081 = arith.addi %add3A_3079, %add3A_3080 : i32
        %add3A_3082 = arith.constant 10 : i32
        %add3A_3083 = arith.addi %add3A_3081, %add3A_3082 : i32
        %get3A_3084 = arith.index_cast %add3A_3083 : i32 to index
        %get3A_3085 = arith.constant 0 : index
        %get3A_3086 = tpu.vector_load %arg6[%get3A_3084, %get3A_3085] {strides = array<i32>} : memref<5120x16xf32, #tpu.memory_space<vmem>>, vector<1x16xf32>,
        %get3A_3087 = vector.shape_cast %get3A_3086 : vector<1x16xf32> to vector<16xf32>
        %add3A_3088 = arith.addf %add3A_3074, %get3A_3087 : vector<16xf32>
        %mul3A_3089 = arith.constant 1280 : i32
        %mul3A_3090 = arith.muli %select_n3A_282, %mul3A_3089 : i32
        %mul3A_3091 = arith.constant 320 : i32
        %mul3A_3092 = arith.muli %scan3A_307, %mul3A_3091 : i32
        %add3A_3093 = arith.addi %mul3A_3090, %mul3A_3092 : i32
        %add3A_3094 = arith.constant 180 : i32
        %add3A_3095 = arith.addi %add3A_3093, %add3A_3094 : i32
        %add3A_3096 = arith.constant 11 : i32
        %add3A_3097 = arith.addi %add3A_3095, %add3A_3096 : i32
        %get3A_3098 = arith.index_cast %add3A_3097 : i32 to index
        %get3A_3099 = arith.constant 0 : index
        %get3A_3100 = tpu.vector_load %arg6[%get3A_3098, %get3A_3099] {strides = array<i32>} : memref<5120x16xf32, #tpu.memory_space<vmem>>, vector<1x16xf32>,
        %get3A_3101 = vector.shape_cast %get3A_3100 : vector<1x16xf32> to vector<16xf32>
        %add3A_3102 = arith.addf %add3A_3088, %get3A_3101 : vector<16xf32>
        %mul3A_3103 = arith.constant 1280 : i32
        %mul3A_3104 = arith.muli %select_n3A_282, %mul3A_3103 : i32
        %mul3A_3105 = arith.constant 320 : i32
        %mul3A_3106 = arith.muli %scan3A_307, %mul3A_3105 : i32
        %add3A_3107 = arith.addi %mul3A_3104, %mul3A_3106 : i32
        %add3A_3108 = arith.constant 180 : i32
        %add3A_3109 = arith.addi %add3A_3107, %add3A_3108 : i32
        %add3A_3110 = arith.constant 12 : i32
        %add3A_3111 = arith.addi %add3A_3109, %add3A_3110 : i32
        %get3A_3112 = arith.index_cast %add3A_3111 : i32 to index
        %get3A_3113 = arith.constant 0 : index
        %get3A_3114 = tpu.vector_load %arg6[%get3A_3112, %get3A_3113] {strides = array<i32>} : memref<5120x16xf32, #tpu.memory_space<vmem>>, vector<1x16xf32>,
        %get3A_3115 = vector.shape_cast %get3A_3114 : vector<1x16xf32> to vector<16xf32>
        %add3A_3116 = arith.addf %add3A_3102, %get3A_3115 : vector<16xf32>
        %mul3A_3117 = arith.constant 1280 : i32
        %mul3A_3118 = arith.muli %select_n3A_282, %mul3A_3117 : i32
        %mul3A_3119 = arith.constant 320 : i32
        %mul3A_3120 = arith.muli %scan3A_307, %mul3A_3119 : i32
        %add3A_3121 = arith.addi %mul3A_3118, %mul3A_3120 : i32
        %add3A_3122 = arith.constant 180 : i32
        %add3A_3123 = arith.addi %add3A_3121, %add3A_3122 : i32
        %add3A_3124 = arith.constant 13 : i32
        %add3A_3125 = arith.addi %add3A_3123, %add3A_3124 : i32
        %get3A_3126 = arith.index_cast %add3A_3125 : i32 to index
        %get3A_3127 = arith.constant 0 : index
        %get3A_3128 = tpu.vector_load %arg6[%get3A_3126, %get3A_3127] {strides = array<i32>} : memref<5120x16xf32, #tpu.memory_space<vmem>>, vector<1x16xf32>,
        %get3A_3129 = vector.shape_cast %get3A_3128 : vector<1x16xf32> to vector<16xf32>
        %add3A_3130 = arith.addf %add3A_3116, %get3A_3129 : vector<16xf32>
        %mul3A_3131 = arith.constant 1280 : i32
        %mul3A_3132 = arith.muli %select_n3A_282, %mul3A_3131 : i32
        %mul3A_3133 = arith.constant 320 : i32
        %mul3A_3134 = arith.muli %scan3A_307, %mul3A_3133 : i32
        %add3A_3135 = arith.addi %mul3A_3132, %mul3A_3134 : i32
        %add3A_3136 = arith.constant 180 : i32
        %add3A_3137 = arith.addi %add3A_3135, %add3A_3136 : i32
        %add3A_3138 = arith.constant 14 : i32
        %add3A_3139 = arith.addi %add3A_3137, %add3A_3138 : i32
        %get3A_3140 = arith.index_cast %add3A_3139 : i32 to index
        %get3A_3141 = arith.constant 0 : index
        %get3A_3142 = tpu.vector_load %arg6[%get3A_3140, %get3A_3141] {strides = array<i32>} : memref<5120x16xf32, #tpu.memory_space<vmem>>, vector<1x16xf32>,
        %get3A_3143 = vector.shape_cast %get3A_3142 : vector<1x16xf32> to vector<16xf32>
        %add3A_3144 = arith.addf %add3A_3130, %get3A_3143 : vector<16xf32>
        %mul3A_3145 = arith.constant 1280 : i32
        %mul3A_3146 = arith.muli %select_n3A_282, %mul3A_3145 : i32
        %mul3A_3147 = arith.constant 320 : i32
        %mul3A_3148 = arith.muli %scan3A_307, %mul3A_3147 : i32
        %add3A_3149 = arith.addi %mul3A_3146, %mul3A_3148 : i32
        %add3A_3150 = arith.constant 180 : i32
        %add3A_3151 = arith.addi %add3A_3149, %add3A_3150 : i32
        %add3A_3152 = arith.constant 15 : i32
        %add3A_3153 = arith.addi %add3A_3151, %add3A_3152 : i32
        %get3A_3154 = arith.index_cast %add3A_3153 : i32 to index
        %get3A_3155 = arith.constant 0 : index
        %get3A_3156 = tpu.vector_load %arg6[%get3A_3154, %get3A_3155] {strides = array<i32>} : memref<5120x16xf32, #tpu.memory_space<vmem>>, vector<1x16xf32>,
        %get3A_3157 = vector.shape_cast %get3A_3156 : vector<1x16xf32> to vector<16xf32>
        %add3A_3158 = arith.addf %add3A_3144, %get3A_3157 : vector<16xf32>
        %mul3A_3159 = arith.constant 1280 : i32
        %mul3A_3160 = arith.muli %select_n3A_282, %mul3A_3159 : i32
        %mul3A_3161 = arith.constant 320 : i32
        %mul3A_3162 = arith.muli %scan3A_307, %mul3A_3161 : i32
        %add3A_3163 = arith.addi %mul3A_3160, %mul3A_3162 : i32
        %add3A_3164 = arith.constant 180 : i32
        %add3A_3165 = arith.addi %add3A_3163, %add3A_3164 : i32
        %add3A_3166 = arith.constant 16 : i32
        %add3A_3167 = arith.addi %add3A_3165, %add3A_3166 : i32
        %get3A_3168 = arith.index_cast %add3A_3167 : i32 to index
        %get3A_3169 = arith.constant 0 : index
        %get3A_3170 = tpu.vector_load %arg6[%get3A_3168, %get3A_3169] {strides = array<i32>} : memref<5120x16xf32, #tpu.memory_space<vmem>>, vector<1x16xf32>,
        %get3A_3171 = vector.shape_cast %get3A_3170 : vector<1x16xf32> to vector<16xf32>
        %add3A_3172 = arith.addf %add3A_3158, %get3A_3171 : vector<16xf32>
        %mul3A_3173 = arith.constant 1280 : i32
        %mul3A_3174 = arith.muli %select_n3A_282, %mul3A_3173 : i32
        %mul3A_3175 = arith.constant 320 : i32
        %mul3A_3176 = arith.muli %scan3A_307, %mul3A_3175 : i32
        %add3A_3177 = arith.addi %mul3A_3174, %mul3A_3176 : i32
        %add3A_3178 = arith.constant 180 : i32
        %add3A_3179 = arith.addi %add3A_3177, %add3A_3178 : i32
        %add3A_3180 = arith.constant 17 : i32
        %add3A_3181 = arith.addi %add3A_3179, %add3A_3180 : i32
        %get3A_3182 = arith.index_cast %add3A_3181 : i32 to index
        %get3A_3183 = arith.constant 0 : index
        %get3A_3184 = tpu.vector_load %arg6[%get3A_3182, %get3A_3183] {strides = array<i32>} : memref<5120x16xf32, #tpu.memory_space<vmem>>, vector<1x16xf32>,
        %get3A_3185 = vector.shape_cast %get3A_3184 : vector<1x16xf32> to vector<16xf32>
        %add3A_3186 = arith.addf %add3A_3172, %get3A_3185 : vector<16xf32>
        %mul3A_3187 = arith.constant 1280 : i32
        %mul3A_3188 = arith.muli %select_n3A_282, %mul3A_3187 : i32
        %mul3A_3189 = arith.constant 320 : i32
        %mul3A_3190 = arith.muli %scan3A_307, %mul3A_3189 : i32
        %add3A_3191 = arith.addi %mul3A_3188, %mul3A_3190 : i32
        %add3A_3192 = arith.constant 180 : i32
        %add3A_3193 = arith.addi %add3A_3191, %add3A_3192 : i32
        %add3A_3194 = arith.constant 18 : i32
        %add3A_3195 = arith.addi %add3A_3193, %add3A_3194 : i32
        %get3A_3196 = arith.index_cast %add3A_3195 : i32 to index
        %get3A_3197 = arith.constant 0 : index
        %get3A_3198 = tpu.vector_load %arg6[%get3A_3196, %get3A_3197] {strides = array<i32>} : memref<5120x16xf32, #tpu.memory_space<vmem>>, vector<1x16xf32>,
        %get3A_3199 = vector.shape_cast %get3A_3198 : vector<1x16xf32> to vector<16xf32>
        %add3A_3200 = arith.addf %add3A_3186, %get3A_3199 : vector<16xf32>
        %mul3A_3201 = arith.constant 1280 : i32
        %mul3A_3202 = arith.muli %select_n3A_282, %mul3A_3201 : i32
        %mul3A_3203 = arith.constant 320 : i32
        %mul3A_3204 = arith.muli %scan3A_307, %mul3A_3203 : i32
        %add3A_3205 = arith.addi %mul3A_3202, %mul3A_3204 : i32
        %add3A_3206 = arith.constant 180 : i32
        %add3A_3207 = arith.addi %add3A_3205, %add3A_3206 : i32
        %add3A_3208 = arith.constant 19 : i32
        %add3A_3209 = arith.addi %add3A_3207, %add3A_3208 : i32
        %get3A_3210 = arith.index_cast %add3A_3209 : i32 to index
        %get3A_3211 = arith.constant 0 : index
        %get3A_3212 = tpu.vector_load %arg6[%get3A_3210, %get3A_3211] {strides = array<i32>} : memref<5120x16xf32, #tpu.memory_space<vmem>>, vector<1x16xf32>,
        %get3A_3213 = vector.shape_cast %get3A_3212 : vector<1x16xf32> to vector<16xf32>
        %add3A_3214 = arith.addf %add3A_3200, %get3A_3213 : vector<16xf32>
        %mul3A_3215 = arith.constant 8 : i32
        %mul3A_3216 = arith.muli %scan3A_267, %mul3A_3215 : i32
        %mul3A_3217 = arith.constant 2 : i32
        %mul3A_3218 = arith.muli %scan3A_307, %mul3A_3217 : i32
        %add3A_3219 = arith.addi %mul3A_3216, %mul3A_3218 : i32
        %add3A_3220 = arith.constant 1 : i32
        %add3A_3221 = arith.addi %add3A_3219, %add3A_3220 : i32
        %swap3A_3222 = arith.index_cast %add3A_3221 : i32 to index
        %swap3A_3223 = arith.constant 16 : index
        %swap3A_3224 = tpu.vector_load %arg7[%swap3A_3222, %swap3A_3223] {strides = array<i32>} : memref<64x128xf32, #tpu.memory_space<vmem>>, vector<1x16xf32>,
        %swap3A_3225 = vector.shape_cast %swap3A_3224 : vector<1x16xf32> to vector<16xf32>
        %swap3A_3226 = vector.shape_cast %add3A_3214 : vector<16xf32> to vector<1x16xf32>
        tpu.vector_store %arg7[%swap3A_3222, %swap3A_3223], %swap3A_3226 {strides = array<i32>} : memref<64x128xf32, #tpu.memory_space<vmem>>, vector<1x16xf32>,
        %mul3A_3227 = arith.constant 1280 : i32
        %mul3A_3228 = arith.muli %select_n3A_282, %mul3A_3227 : i32
        %mul3A_3229 = arith.constant 320 : i32
        %mul3A_3230 = arith.muli %scan3A_307, %mul3A_3229 : i32
        %add3A_3231 = arith.addi %mul3A_3228, %mul3A_3230 : i32
        %add3A_3232 = arith.constant 200 : i32
        %add3A_3233 = arith.addi %add3A_3231, %add3A_3232 : i32
        %add3A_3234 = arith.constant 0 : i32
        %add3A_3235 = arith.addi %add3A_3233, %add3A_3234 : i32
        %get3A_3236 = arith.index_cast %add3A_3235 : i32 to index
        %get3A_3237 = arith.constant 0 : index
        %get3A_3238 = tpu.vector_load %arg6[%get3A_3236, %get3A_3237] {strides = array<i32>} : memref<5120x16xf32, #tpu.memory_space<vmem>>, vector<1x16xf32>,
        %get3A_3239 = vector.shape_cast %get3A_3238 : vector<1x16xf32> to vector<16xf32>
        %add3A_3240 = arith.addf %broadcast_in_dim3A_5, %get3A_3239 : vector<16xf32>
        %mul3A_3241 = arith.constant 1280 : i32
        %mul3A_3242 = arith.muli %select_n3A_282, %mul3A_3241 : i32
        %mul3A_3243 = arith.constant 320 : i32
        %mul3A_3244 = arith.muli %scan3A_307, %mul3A_3243 : i32
        %add3A_3245 = arith.addi %mul3A_3242, %mul3A_3244 : i32
        %add3A_3246 = arith.constant 200 : i32
        %add3A_3247 = arith.addi %add3A_3245, %add3A_3246 : i32
        %add3A_3248 = arith.constant 1 : i32
        %add3A_3249 = arith.addi %add3A_3247, %add3A_3248 : i32
        %get3A_3250 = arith.index_cast %add3A_3249 : i32 to index
        %get3A_3251 = arith.constant 0 : index
        %get3A_3252 = tpu.vector_load %arg6[%get3A_3250, %get3A_3251] {strides = array<i32>} : memref<5120x16xf32, #tpu.memory_space<vmem>>, vector<1x16xf32>,
        %get3A_3253 = vector.shape_cast %get3A_3252 : vector<1x16xf32> to vector<16xf32>
        %add3A_3254 = arith.addf %add3A_3240, %get3A_3253 : vector<16xf32>
        %mul3A_3255 = arith.constant 1280 : i32
        %mul3A_3256 = arith.muli %select_n3A_282, %mul3A_3255 : i32
        %mul3A_3257 = arith.constant 320 : i32
        %mul3A_3258 = arith.muli %scan3A_307, %mul3A_3257 : i32
        %add3A_3259 = arith.addi %mul3A_3256, %mul3A_3258 : i32
        %add3A_3260 = arith.constant 200 : i32
        %add3A_3261 = arith.addi %add3A_3259, %add3A_3260 : i32
        %add3A_3262 = arith.constant 2 : i32
        %add3A_3263 = arith.addi %add3A_3261, %add3A_3262 : i32
        %get3A_3264 = arith.index_cast %add3A_3263 : i32 to index
        %get3A_3265 = arith.constant 0 : index
        %get3A_3266 = tpu.vector_load %arg6[%get3A_3264, %get3A_3265] {strides = array<i32>} : memref<5120x16xf32, #tpu.memory_space<vmem>>, vector<1x16xf32>,
        %get3A_3267 = vector.shape_cast %get3A_3266 : vector<1x16xf32> to vector<16xf32>
        %add3A_3268 = arith.addf %add3A_3254, %get3A_3267 : vector<16xf32>
        %mul3A_3269 = arith.constant 1280 : i32
        %mul3A_3270 = arith.muli %select_n3A_282, %mul3A_3269 : i32
        %mul3A_3271 = arith.constant 320 : i32
        %mul3A_3272 = arith.muli %scan3A_307, %mul3A_3271 : i32
        %add3A_3273 = arith.addi %mul3A_3270, %mul3A_3272 : i32
        %add3A_3274 = arith.constant 200 : i32
        %add3A_3275 = arith.addi %add3A_3273, %add3A_3274 : i32
        %add3A_3276 = arith.constant 3 : i32
        %add3A_3277 = arith.addi %add3A_3275, %add3A_3276 : i32
        %get3A_3278 = arith.index_cast %add3A_3277 : i32 to index
        %get3A_3279 = arith.constant 0 : index
        %get3A_3280 = tpu.vector_load %arg6[%get3A_3278, %get3A_3279] {strides = array<i32>} : memref<5120x16xf32, #tpu.memory_space<vmem>>, vector<1x16xf32>,
        %get3A_3281 = vector.shape_cast %get3A_3280 : vector<1x16xf32> to vector<16xf32>
        %add3A_3282 = arith.addf %add3A_3268, %get3A_3281 : vector<16xf32>
        %mul3A_3283 = arith.constant 1280 : i32
        %mul3A_3284 = arith.muli %select_n3A_282, %mul3A_3283 : i32
        %mul3A_3285 = arith.constant 320 : i32
        %mul3A_3286 = arith.muli %scan3A_307, %mul3A_3285 : i32
        %add3A_3287 = arith.addi %mul3A_3284, %mul3A_3286 : i32
        %add3A_3288 = arith.constant 200 : i32
        %add3A_3289 = arith.addi %add3A_3287, %add3A_3288 : i32
        %add3A_3290 = arith.constant 4 : i32
        %add3A_3291 = arith.addi %add3A_3289, %add3A_3290 : i32
        %get3A_3292 = arith.index_cast %add3A_3291 : i32 to index
        %get3A_3293 = arith.constant 0 : index
        %get3A_3294 = tpu.vector_load %arg6[%get3A_3292, %get3A_3293] {strides = array<i32>} : memref<5120x16xf32, #tpu.memory_space<vmem>>, vector<1x16xf32>,
        %get3A_3295 = vector.shape_cast %get3A_3294 : vector<1x16xf32> to vector<16xf32>
        %add3A_3296 = arith.addf %add3A_3282, %get3A_3295 : vector<16xf32>
        %mul3A_3297 = arith.constant 1280 : i32
        %mul3A_3298 = arith.muli %select_n3A_282, %mul3A_3297 : i32
        %mul3A_3299 = arith.constant 320 : i32
        %mul3A_3300 = arith.muli %scan3A_307, %mul3A_3299 : i32
        %add3A_3301 = arith.addi %mul3A_3298, %mul3A_3300 : i32
        %add3A_3302 = arith.constant 200 : i32
        %add3A_3303 = arith.addi %add3A_3301, %add3A_3302 : i32
        %add3A_3304 = arith.constant 5 : i32
        %add3A_3305 = arith.addi %add3A_3303, %add3A_3304 : i32
        %get3A_3306 = arith.index_cast %add3A_3305 : i32 to index
        %get3A_3307 = arith.constant 0 : index
        %get3A_3308 = tpu.vector_load %arg6[%get3A_3306, %get3A_3307] {strides = array<i32>} : memref<5120x16xf32, #tpu.memory_space<vmem>>, vector<1x16xf32>,
        %get3A_3309 = vector.shape_cast %get3A_3308 : vector<1x16xf32> to vector<16xf32>
        %add3A_3310 = arith.addf %add3A_3296, %get3A_3309 : vector<16xf32>
        %mul3A_3311 = arith.constant 1280 : i32
        %mul3A_3312 = arith.muli %select_n3A_282, %mul3A_3311 : i32
        %mul3A_3313 = arith.constant 320 : i32
        %mul3A_3314 = arith.muli %scan3A_307, %mul3A_3313 : i32
        %add3A_3315 = arith.addi %mul3A_3312, %mul3A_3314 : i32
        %add3A_3316 = arith.constant 200 : i32
        %add3A_3317 = arith.addi %add3A_3315, %add3A_3316 : i32
        %add3A_3318 = arith.constant 6 : i32
        %add3A_3319 = arith.addi %add3A_3317, %add3A_3318 : i32
        %get3A_3320 = arith.index_cast %add3A_3319 : i32 to index
        %get3A_3321 = arith.constant 0 : index
        %get3A_3322 = tpu.vector_load %arg6[%get3A_3320, %get3A_3321] {strides = array<i32>} : memref<5120x16xf32, #tpu.memory_space<vmem>>, vector<1x16xf32>,
        %get3A_3323 = vector.shape_cast %get3A_3322 : vector<1x16xf32> to vector<16xf32>
        %add3A_3324 = arith.addf %add3A_3310, %get3A_3323 : vector<16xf32>
        %mul3A_3325 = arith.constant 1280 : i32
        %mul3A_3326 = arith.muli %select_n3A_282, %mul3A_3325 : i32
        %mul3A_3327 = arith.constant 320 : i32
        %mul3A_3328 = arith.muli %scan3A_307, %mul3A_3327 : i32
        %add3A_3329 = arith.addi %mul3A_3326, %mul3A_3328 : i32
        %add3A_3330 = arith.constant 200 : i32
        %add3A_3331 = arith.addi %add3A_3329, %add3A_3330 : i32
        %add3A_3332 = arith.constant 7 : i32
        %add3A_3333 = arith.addi %add3A_3331, %add3A_3332 : i32
        %get3A_3334 = arith.index_cast %add3A_3333 : i32 to index
        %get3A_3335 = arith.constant 0 : index
        %get3A_3336 = tpu.vector_load %arg6[%get3A_3334, %get3A_3335] {strides = array<i32>} : memref<5120x16xf32, #tpu.memory_space<vmem>>, vector<1x16xf32>,
        %get3A_3337 = vector.shape_cast %get3A_3336 : vector<1x16xf32> to vector<16xf32>
        %add3A_3338 = arith.addf %add3A_3324, %get3A_3337 : vector<16xf32>
        %mul3A_3339 = arith.constant 1280 : i32
        %mul3A_3340 = arith.muli %select_n3A_282, %mul3A_3339 : i32
        %mul3A_3341 = arith.constant 320 : i32
        %mul3A_3342 = arith.muli %scan3A_307, %mul3A_3341 : i32
        %add3A_3343 = arith.addi %mul3A_3340, %mul3A_3342 : i32
        %add3A_3344 = arith.constant 200 : i32
        %add3A_3345 = arith.addi %add3A_3343, %add3A_3344 : i32
        %add3A_3346 = arith.constant 8 : i32
        %add3A_3347 = arith.addi %add3A_3345, %add3A_3346 : i32
        %get3A_3348 = arith.index_cast %add3A_3347 : i32 to index
        %get3A_3349 = arith.constant 0 : index
        %get3A_3350 = tpu.vector_load %arg6[%get3A_3348, %get3A_3349] {strides = array<i32>} : memref<5120x16xf32, #tpu.memory_space<vmem>>, vector<1x16xf32>,
        %get3A_3351 = vector.shape_cast %get3A_3350 : vector<1x16xf32> to vector<16xf32>
        %add3A_3352 = arith.addf %add3A_3338, %get3A_3351 : vector<16xf32>
        %mul3A_3353 = arith.constant 1280 : i32
        %mul3A_3354 = arith.muli %select_n3A_282, %mul3A_3353 : i32
        %mul3A_3355 = arith.constant 320 : i32
        %mul3A_3356 = arith.muli %scan3A_307, %mul3A_3355 : i32
        %add3A_3357 = arith.addi %mul3A_3354, %mul3A_3356 : i32
        %add3A_3358 = arith.constant 200 : i32
        %add3A_3359 = arith.addi %add3A_3357, %add3A_3358 : i32
        %add3A_3360 = arith.constant 9 : i32
        %add3A_3361 = arith.addi %add3A_3359, %add3A_3360 : i32
        %get3A_3362 = arith.index_cast %add3A_3361 : i32 to index
        %get3A_3363 = arith.constant 0 : index
        %get3A_3364 = tpu.vector_load %arg6[%get3A_3362, %get3A_3363] {strides = array<i32>} : memref<5120x16xf32, #tpu.memory_space<vmem>>, vector<1x16xf32>,
        %get3A_3365 = vector.shape_cast %get3A_3364 : vector<1x16xf32> to vector<16xf32>
        %add3A_3366 = arith.addf %add3A_3352, %get3A_3365 : vector<16xf32>
        %mul3A_3367 = arith.constant 1280 : i32
        %mul3A_3368 = arith.muli %select_n3A_282, %mul3A_3367 : i32
        %mul3A_3369 = arith.constant 320 : i32
        %mul3A_3370 = arith.muli %scan3A_307, %mul3A_3369 : i32
        %add3A_3371 = arith.addi %mul3A_3368, %mul3A_3370 : i32
        %add3A_3372 = arith.constant 200 : i32
        %add3A_3373 = arith.addi %add3A_3371, %add3A_3372 : i32
        %add3A_3374 = arith.constant 10 : i32
        %add3A_3375 = arith.addi %add3A_3373, %add3A_3374 : i32
        %get3A_3376 = arith.index_cast %add3A_3375 : i32 to index
        %get3A_3377 = arith.constant 0 : index
        %get3A_3378 = tpu.vector_load %arg6[%get3A_3376, %get3A_3377] {strides = array<i32>} : memref<5120x16xf32, #tpu.memory_space<vmem>>, vector<1x16xf32>,
        %get3A_3379 = vector.shape_cast %get3A_3378 : vector<1x16xf32> to vector<16xf32>
        %add3A_3380 = arith.addf %add3A_3366, %get3A_3379 : vector<16xf32>
        %mul3A_3381 = arith.constant 1280 : i32
        %mul3A_3382 = arith.muli %select_n3A_282, %mul3A_3381 : i32
        %mul3A_3383 = arith.constant 320 : i32
        %mul3A_3384 = arith.muli %scan3A_307, %mul3A_3383 : i32
        %add3A_3385 = arith.addi %mul3A_3382, %mul3A_3384 : i32
        %add3A_3386 = arith.constant 200 : i32
        %add3A_3387 = arith.addi %add3A_3385, %add3A_3386 : i32
        %add3A_3388 = arith.constant 11 : i32
        %add3A_3389 = arith.addi %add3A_3387, %add3A_3388 : i32
        %get3A_3390 = arith.index_cast %add3A_3389 : i32 to index
        %get3A_3391 = arith.constant 0 : index
        %get3A_3392 = tpu.vector_load %arg6[%get3A_3390, %get3A_3391] {strides = array<i32>} : memref<5120x16xf32, #tpu.memory_space<vmem>>, vector<1x16xf32>,
        %get3A_3393 = vector.shape_cast %get3A_3392 : vector<1x16xf32> to vector<16xf32>
        %add3A_3394 = arith.addf %add3A_3380, %get3A_3393 : vector<16xf32>
        %mul3A_3395 = arith.constant 1280 : i32
        %mul3A_3396 = arith.muli %select_n3A_282, %mul3A_3395 : i32
        %mul3A_3397 = arith.constant 320 : i32
        %mul3A_3398 = arith.muli %scan3A_307, %mul3A_3397 : i32
        %add3A_3399 = arith.addi %mul3A_3396, %mul3A_3398 : i32
        %add3A_3400 = arith.constant 200 : i32
        %add3A_3401 = arith.addi %add3A_3399, %add3A_3400 : i32
        %add3A_3402 = arith.constant 12 : i32
        %add3A_3403 = arith.addi %add3A_3401, %add3A_3402 : i32
        %get3A_3404 = arith.index_cast %add3A_3403 : i32 to index
        %get3A_3405 = arith.constant 0 : index
        %get3A_3406 = tpu.vector_load %arg6[%get3A_3404, %get3A_3405] {strides = array<i32>} : memref<5120x16xf32, #tpu.memory_space<vmem>>, vector<1x16xf32>,
        %get3A_3407 = vector.shape_cast %get3A_3406 : vector<1x16xf32> to vector<16xf32>
        %add3A_3408 = arith.addf %add3A_3394, %get3A_3407 : vector<16xf32>
        %mul3A_3409 = arith.constant 1280 : i32
        %mul3A_3410 = arith.muli %select_n3A_282, %mul3A_3409 : i32
        %mul3A_3411 = arith.constant 320 : i32
        %mul3A_3412 = arith.muli %scan3A_307, %mul3A_3411 : i32
        %add3A_3413 = arith.addi %mul3A_3410, %mul3A_3412 : i32
        %add3A_3414 = arith.constant 200 : i32
        %add3A_3415 = arith.addi %add3A_3413, %add3A_3414 : i32
        %add3A_3416 = arith.constant 13 : i32
        %add3A_3417 = arith.addi %add3A_3415, %add3A_3416 : i32
        %get3A_3418 = arith.index_cast %add3A_3417 : i32 to index
        %get3A_3419 = arith.constant 0 : index
        %get3A_3420 = tpu.vector_load %arg6[%get3A_3418, %get3A_3419] {strides = array<i32>} : memref<5120x16xf32, #tpu.memory_space<vmem>>, vector<1x16xf32>,
        %get3A_3421 = vector.shape_cast %get3A_3420 : vector<1x16xf32> to vector<16xf32>
        %add3A_3422 = arith.addf %add3A_3408, %get3A_3421 : vector<16xf32>
        %mul3A_3423 = arith.constant 1280 : i32
        %mul3A_3424 = arith.muli %select_n3A_282, %mul3A_3423 : i32
        %mul3A_3425 = arith.constant 320 : i32
        %mul3A_3426 = arith.muli %scan3A_307, %mul3A_3425 : i32
        %add3A_3427 = arith.addi %mul3A_3424, %mul3A_3426 : i32
        %add3A_3428 = arith.constant 200 : i32
        %add3A_3429 = arith.addi %add3A_3427, %add3A_3428 : i32
        %add3A_3430 = arith.constant 14 : i32
        %add3A_3431 = arith.addi %add3A_3429, %add3A_3430 : i32
        %get3A_3432 = arith.index_cast %add3A_3431 : i32 to index
        %get3A_3433 = arith.constant 0 : index
        %get3A_3434 = tpu.vector_load %arg6[%get3A_3432, %get3A_3433] {strides = array<i32>} : memref<5120x16xf32, #tpu.memory_space<vmem>>, vector<1x16xf32>,
        %get3A_3435 = vector.shape_cast %get3A_3434 : vector<1x16xf32> to vector<16xf32>
        %add3A_3436 = arith.addf %add3A_3422, %get3A_3435 : vector<16xf32>
        %mul3A_3437 = arith.constant 1280 : i32
        %mul3A_3438 = arith.muli %select_n3A_282, %mul3A_3437 : i32
        %mul3A_3439 = arith.constant 320 : i32
        %mul3A_3440 = arith.muli %scan3A_307, %mul3A_3439 : i32
        %add3A_3441 = arith.addi %mul3A_3438, %mul3A_3440 : i32
        %add3A_3442 = arith.constant 200 : i32
        %add3A_3443 = arith.addi %add3A_3441, %add3A_3442 : i32
        %add3A_3444 = arith.constant 15 : i32
        %add3A_3445 = arith.addi %add3A_3443, %add3A_3444 : i32
        %get3A_3446 = arith.index_cast %add3A_3445 : i32 to index
        %get3A_3447 = arith.constant 0 : index
        %get3A_3448 = tpu.vector_load %arg6[%get3A_3446, %get3A_3447] {strides = array<i32>} : memref<5120x16xf32, #tpu.memory_space<vmem>>, vector<1x16xf32>,
        %get3A_3449 = vector.shape_cast %get3A_3448 : vector<1x16xf32> to vector<16xf32>
        %add3A_3450 = arith.addf %add3A_3436, %get3A_3449 : vector<16xf32>
        %mul3A_3451 = arith.constant 1280 : i32
        %mul3A_3452 = arith.muli %select_n3A_282, %mul3A_3451 : i32
        %mul3A_3453 = arith.constant 320 : i32
        %mul3A_3454 = arith.muli %scan3A_307, %mul3A_3453 : i32
        %add3A_3455 = arith.addi %mul3A_3452, %mul3A_3454 : i32
        %add3A_3456 = arith.constant 200 : i32
        %add3A_3457 = arith.addi %add3A_3455, %add3A_3456 : i32
        %add3A_3458 = arith.constant 16 : i32
        %add3A_3459 = arith.addi %add3A_3457, %add3A_3458 : i32
        %get3A_3460 = arith.index_cast %add3A_3459 : i32 to index
        %get3A_3461 = arith.constant 0 : index
        %get3A_3462 = tpu.vector_load %arg6[%get3A_3460, %get3A_3461] {strides = array<i32>} : memref<5120x16xf32, #tpu.memory_space<vmem>>, vector<1x16xf32>,
        %get3A_3463 = vector.shape_cast %get3A_3462 : vector<1x16xf32> to vector<16xf32>
        %add3A_3464 = arith.addf %add3A_3450, %get3A_3463 : vector<16xf32>
        %mul3A_3465 = arith.constant 1280 : i32
        %mul3A_3466 = arith.muli %select_n3A_282, %mul3A_3465 : i32
        %mul3A_3467 = arith.constant 320 : i32
        %mul3A_3468 = arith.muli %scan3A_307, %mul3A_3467 : i32
        %add3A_3469 = arith.addi %mul3A_3466, %mul3A_3468 : i32
        %add3A_3470 = arith.constant 200 : i32
        %add3A_3471 = arith.addi %add3A_3469, %add3A_3470 : i32
        %add3A_3472 = arith.constant 17 : i32
        %add3A_3473 = arith.addi %add3A_3471, %add3A_3472 : i32
        %get3A_3474 = arith.index_cast %add3A_3473 : i32 to index
        %get3A_3475 = arith.constant 0 : index
        %get3A_3476 = tpu.vector_load %arg6[%get3A_3474, %get3A_3475] {strides = array<i32>} : memref<5120x16xf32, #tpu.memory_space<vmem>>, vector<1x16xf32>,
        %get3A_3477 = vector.shape_cast %get3A_3476 : vector<1x16xf32> to vector<16xf32>
        %add3A_3478 = arith.addf %add3A_3464, %get3A_3477 : vector<16xf32>
        %mul3A_3479 = arith.constant 1280 : i32
        %mul3A_3480 = arith.muli %select_n3A_282, %mul3A_3479 : i32
        %mul3A_3481 = arith.constant 320 : i32
        %mul3A_3482 = arith.muli %scan3A_307, %mul3A_3481 : i32
        %add3A_3483 = arith.addi %mul3A_3480, %mul3A_3482 : i32
        %add3A_3484 = arith.constant 200 : i32
        %add3A_3485 = arith.addi %add3A_3483, %add3A_3484 : i32
        %add3A_3486 = arith.constant 18 : i32
        %add3A_3487 = arith.addi %add3A_3485, %add3A_3486 : i32
        %get3A_3488 = arith.index_cast %add3A_3487 : i32 to index
        %get3A_3489 = arith.constant 0 : index
        %get3A_3490 = tpu.vector_load %arg6[%get3A_3488, %get3A_3489] {strides = array<i32>} : memref<5120x16xf32, #tpu.memory_space<vmem>>, vector<1x16xf32>,
        %get3A_3491 = vector.shape_cast %get3A_3490 : vector<1x16xf32> to vector<16xf32>
        %add3A_3492 = arith.addf %add3A_3478, %get3A_3491 : vector<16xf32>
        %mul3A_3493 = arith.constant 1280 : i32
        %mul3A_3494 = arith.muli %select_n3A_282, %mul3A_3493 : i32
        %mul3A_3495 = arith.constant 320 : i32
        %mul3A_3496 = arith.muli %scan3A_307, %mul3A_3495 : i32
        %add3A_3497 = arith.addi %mul3A_3494, %mul3A_3496 : i32
        %add3A_3498 = arith.constant 200 : i32
        %add3A_3499 = arith.addi %add3A_3497, %add3A_3498 : i32
        %add3A_3500 = arith.constant 19 : i32
        %add3A_3501 = arith.addi %add3A_3499, %add3A_3500 : i32
        %get3A_3502 = arith.index_cast %add3A_3501 : i32 to index
        %get3A_3503 = arith.constant 0 : index
        %get3A_3504 = tpu.vector_load %arg6[%get3A_3502, %get3A_3503] {strides = array<i32>} : memref<5120x16xf32, #tpu.memory_space<vmem>>, vector<1x16xf32>,
        %get3A_3505 = vector.shape_cast %get3A_3504 : vector<1x16xf32> to vector<16xf32>
        %add3A_3506 = arith.addf %add3A_3492, %get3A_3505 : vector<16xf32>
        %mul3A_3507 = arith.constant 8 : i32
        %mul3A_3508 = arith.muli %scan3A_267, %mul3A_3507 : i32
        %mul3A_3509 = arith.constant 2 : i32
        %mul3A_3510 = arith.muli %scan3A_307, %mul3A_3509 : i32
        %add3A_3511 = arith.addi %mul3A_3508, %mul3A_3510 : i32
        %add3A_3512 = arith.constant 1 : i32
        %add3A_3513 = arith.addi %add3A_3511, %add3A_3512 : i32
        %swap3A_3514 = arith.index_cast %add3A_3513 : i32 to index
        %swap3A_3515 = arith.constant 32 : index
        %swap3A_3516 = tpu.vector_load %arg7[%swap3A_3514, %swap3A_3515] {strides = array<i32>} : memref<64x128xf32, #tpu.memory_space<vmem>>, vector<1x16xf32>,
        %swap3A_3517 = vector.shape_cast %swap3A_3516 : vector<1x16xf32> to vector<16xf32>
        %swap3A_3518 = vector.shape_cast %add3A_3506 : vector<16xf32> to vector<1x16xf32>
        tpu.vector_store %arg7[%swap3A_3514, %swap3A_3515], %swap3A_3518 {strides = array<i32>} : memref<64x128xf32, #tpu.memory_space<vmem>>, vector<1x16xf32>,
        %mul3A_3519 = arith.constant 1280 : i32
        %mul3A_3520 = arith.muli %select_n3A_282, %mul3A_3519 : i32
        %mul3A_3521 = arith.constant 320 : i32
        %mul3A_3522 = arith.muli %scan3A_307, %mul3A_3521 : i32
        %add3A_3523 = arith.addi %mul3A_3520, %mul3A_3522 : i32
        %add3A_3524 = arith.constant 220 : i32
        %add3A_3525 = arith.addi %add3A_3523, %add3A_3524 : i32
        %add3A_3526 = arith.constant 0 : i32
        %add3A_3527 = arith.addi %add3A_3525, %add3A_3526 : i32
        %get3A_3528 = arith.index_cast %add3A_3527 : i32 to index
        %get3A_3529 = arith.constant 0 : index
        %get3A_3530 = tpu.vector_load %arg6[%get3A_3528, %get3A_3529] {strides = array<i32>} : memref<5120x16xf32, #tpu.memory_space<vmem>>, vector<1x16xf32>,
        %get3A_3531 = vector.shape_cast %get3A_3530 : vector<1x16xf32> to vector<16xf32>
        %add3A_3532 = arith.addf %broadcast_in_dim3A_5, %get3A_3531 : vector<16xf32>
        %mul3A_3533 = arith.constant 1280 : i32
        %mul3A_3534 = arith.muli %select_n3A_282, %mul3A_3533 : i32
        %mul3A_3535 = arith.constant 320 : i32
        %mul3A_3536 = arith.muli %scan3A_307, %mul3A_3535 : i32
        %add3A_3537 = arith.addi %mul3A_3534, %mul3A_3536 : i32
        %add3A_3538 = arith.constant 220 : i32
        %add3A_3539 = arith.addi %add3A_3537, %add3A_3538 : i32
        %add3A_3540 = arith.constant 1 : i32
        %add3A_3541 = arith.addi %add3A_3539, %add3A_3540 : i32
        %get3A_3542 = arith.index_cast %add3A_3541 : i32 to index
        %get3A_3543 = arith.constant 0 : index
        %get3A_3544 = tpu.vector_load %arg6[%get3A_3542, %get3A_3543] {strides = array<i32>} : memref<5120x16xf32, #tpu.memory_space<vmem>>, vector<1x16xf32>,
        %get3A_3545 = vector.shape_cast %get3A_3544 : vector<1x16xf32> to vector<16xf32>
        %add3A_3546 = arith.addf %add3A_3532, %get3A_3545 : vector<16xf32>
        %mul3A_3547 = arith.constant 1280 : i32
        %mul3A_3548 = arith.muli %select_n3A_282, %mul3A_3547 : i32
        %mul3A_3549 = arith.constant 320 : i32
        %mul3A_3550 = arith.muli %scan3A_307, %mul3A_3549 : i32
        %add3A_3551 = arith.addi %mul3A_3548, %mul3A_3550 : i32
        %add3A_3552 = arith.constant 220 : i32
        %add3A_3553 = arith.addi %add3A_3551, %add3A_3552 : i32
        %add3A_3554 = arith.constant 2 : i32
        %add3A_3555 = arith.addi %add3A_3553, %add3A_3554 : i32
        %get3A_3556 = arith.index_cast %add3A_3555 : i32 to index
        %get3A_3557 = arith.constant 0 : index
        %get3A_3558 = tpu.vector_load %arg6[%get3A_3556, %get3A_3557] {strides = array<i32>} : memref<5120x16xf32, #tpu.memory_space<vmem>>, vector<1x16xf32>,
        %get3A_3559 = vector.shape_cast %get3A_3558 : vector<1x16xf32> to vector<16xf32>
        %add3A_3560 = arith.addf %add3A_3546, %get3A_3559 : vector<16xf32>
        %mul3A_3561 = arith.constant 1280 : i32
        %mul3A_3562 = arith.muli %select_n3A_282, %mul3A_3561 : i32
        %mul3A_3563 = arith.constant 320 : i32
        %mul3A_3564 = arith.muli %scan3A_307, %mul3A_3563 : i32
        %add3A_3565 = arith.addi %mul3A_3562, %mul3A_3564 : i32
        %add3A_3566 = arith.constant 220 : i32
        %add3A_3567 = arith.addi %add3A_3565, %add3A_3566 : i32
        %add3A_3568 = arith.constant 3 : i32
        %add3A_3569 = arith.addi %add3A_3567, %add3A_3568 : i32
        %get3A_3570 = arith.index_cast %add3A_3569 : i32 to index
        %get3A_3571 = arith.constant 0 : index
        %get3A_3572 = tpu.vector_load %arg6[%get3A_3570, %get3A_3571] {strides = array<i32>} : memref<5120x16xf32, #tpu.memory_space<vmem>>, vector<1x16xf32>,
        %get3A_3573 = vector.shape_cast %get3A_3572 : vector<1x16xf32> to vector<16xf32>
        %add3A_3574 = arith.addf %add3A_3560, %get3A_3573 : vector<16xf32>
        %mul3A_3575 = arith.constant 1280 : i32
        %mul3A_3576 = arith.muli %select_n3A_282, %mul3A_3575 : i32
        %mul3A_3577 = arith.constant 320 : i32
        %mul3A_3578 = arith.muli %scan3A_307, %mul3A_3577 : i32
        %add3A_3579 = arith.addi %mul3A_3576, %mul3A_3578 : i32
        %add3A_3580 = arith.constant 220 : i32
        %add3A_3581 = arith.addi %add3A_3579, %add3A_3580 : i32
        %add3A_3582 = arith.constant 4 : i32
        %add3A_3583 = arith.addi %add3A_3581, %add3A_3582 : i32
        %get3A_3584 = arith.index_cast %add3A_3583 : i32 to index
        %get3A_3585 = arith.constant 0 : index
        %get3A_3586 = tpu.vector_load %arg6[%get3A_3584, %get3A_3585] {strides = array<i32>} : memref<5120x16xf32, #tpu.memory_space<vmem>>, vector<1x16xf32>,
        %get3A_3587 = vector.shape_cast %get3A_3586 : vector<1x16xf32> to vector<16xf32>
        %add3A_3588 = arith.addf %add3A_3574, %get3A_3587 : vector<16xf32>
        %mul3A_3589 = arith.constant 1280 : i32
        %mul3A_3590 = arith.muli %select_n3A_282, %mul3A_3589 : i32
        %mul3A_3591 = arith.constant 320 : i32
        %mul3A_3592 = arith.muli %scan3A_307, %mul3A_3591 : i32
        %add3A_3593 = arith.addi %mul3A_3590, %mul3A_3592 : i32
        %add3A_3594 = arith.constant 220 : i32
        %add3A_3595 = arith.addi %add3A_3593, %add3A_3594 : i32
        %add3A_3596 = arith.constant 5 : i32
        %add3A_3597 = arith.addi %add3A_3595, %add3A_3596 : i32
        %get3A_3598 = arith.index_cast %add3A_3597 : i32 to index
        %get3A_3599 = arith.constant 0 : index
        %get3A_3600 = tpu.vector_load %arg6[%get3A_3598, %get3A_3599] {strides = array<i32>} : memref<5120x16xf32, #tpu.memory_space<vmem>>, vector<1x16xf32>,
        %get3A_3601 = vector.shape_cast %get3A_3600 : vector<1x16xf32> to vector<16xf32>
        %add3A_3602 = arith.addf %add3A_3588, %get3A_3601 : vector<16xf32>
        %mul3A_3603 = arith.constant 1280 : i32
        %mul3A_3604 = arith.muli %select_n3A_282, %mul3A_3603 : i32
        %mul3A_3605 = arith.constant 320 : i32
        %mul3A_3606 = arith.muli %scan3A_307, %mul3A_3605 : i32
        %add3A_3607 = arith.addi %mul3A_3604, %mul3A_3606 : i32
        %add3A_3608 = arith.constant 220 : i32
        %add3A_3609 = arith.addi %add3A_3607, %add3A_3608 : i32
        %add3A_3610 = arith.constant 6 : i32
        %add3A_3611 = arith.addi %add3A_3609, %add3A_3610 : i32
        %get3A_3612 = arith.index_cast %add3A_3611 : i32 to index
        %get3A_3613 = arith.constant 0 : index
        %get3A_3614 = tpu.vector_load %arg6[%get3A_3612, %get3A_3613] {strides = array<i32>} : memref<5120x16xf32, #tpu.memory_space<vmem>>, vector<1x16xf32>,
        %get3A_3615 = vector.shape_cast %get3A_3614 : vector<1x16xf32> to vector<16xf32>
        %add3A_3616 = arith.addf %add3A_3602, %get3A_3615 : vector<16xf32>
        %mul3A_3617 = arith.constant 1280 : i32
        %mul3A_3618 = arith.muli %select_n3A_282, %mul3A_3617 : i32
        %mul3A_3619 = arith.constant 320 : i32
        %mul3A_3620 = arith.muli %scan3A_307, %mul3A_3619 : i32
        %add3A_3621 = arith.addi %mul3A_3618, %mul3A_3620 : i32
        %add3A_3622 = arith.constant 220 : i32
        %add3A_3623 = arith.addi %add3A_3621, %add3A_3622 : i32
        %add3A_3624 = arith.constant 7 : i32
        %add3A_3625 = arith.addi %add3A_3623, %add3A_3624 : i32
        %get3A_3626 = arith.index_cast %add3A_3625 : i32 to index
        %get3A_3627 = arith.constant 0 : index
        %get3A_3628 = tpu.vector_load %arg6[%get3A_3626, %get3A_3627] {strides = array<i32>} : memref<5120x16xf32, #tpu.memory_space<vmem>>, vector<1x16xf32>,
        %get3A_3629 = vector.shape_cast %get3A_3628 : vector<1x16xf32> to vector<16xf32>
        %add3A_3630 = arith.addf %add3A_3616, %get3A_3629 : vector<16xf32>
        %mul3A_3631 = arith.constant 1280 : i32
        %mul3A_3632 = arith.muli %select_n3A_282, %mul3A_3631 : i32
        %mul3A_3633 = arith.constant 320 : i32
        %mul3A_3634 = arith.muli %scan3A_307, %mul3A_3633 : i32
        %add3A_3635 = arith.addi %mul3A_3632, %mul3A_3634 : i32
        %add3A_3636 = arith.constant 220 : i32
        %add3A_3637 = arith.addi %add3A_3635, %add3A_3636 : i32
        %add3A_3638 = arith.constant 8 : i32
        %add3A_3639 = arith.addi %add3A_3637, %add3A_3638 : i32
        %get3A_3640 = arith.index_cast %add3A_3639 : i32 to index
        %get3A_3641 = arith.constant 0 : index
        %get3A_3642 = tpu.vector_load %arg6[%get3A_3640, %get3A_3641] {strides = array<i32>} : memref<5120x16xf32, #tpu.memory_space<vmem>>, vector<1x16xf32>,
        %get3A_3643 = vector.shape_cast %get3A_3642 : vector<1x16xf32> to vector<16xf32>
        %add3A_3644 = arith.addf %add3A_3630, %get3A_3643 : vector<16xf32>
        %mul3A_3645 = arith.constant 1280 : i32
        %mul3A_3646 = arith.muli %select_n3A_282, %mul3A_3645 : i32
        %mul3A_3647 = arith.constant 320 : i32
        %mul3A_3648 = arith.muli %scan3A_307, %mul3A_3647 : i32
        %add3A_3649 = arith.addi %mul3A_3646, %mul3A_3648 : i32
        %add3A_3650 = arith.constant 220 : i32
        %add3A_3651 = arith.addi %add3A_3649, %add3A_3650 : i32
        %add3A_3652 = arith.constant 9 : i32
        %add3A_3653 = arith.addi %add3A_3651, %add3A_3652 : i32
        %get3A_3654 = arith.index_cast %add3A_3653 : i32 to index
        %get3A_3655 = arith.constant 0 : index
        %get3A_3656 = tpu.vector_load %arg6[%get3A_3654, %get3A_3655] {strides = array<i32>} : memref<5120x16xf32, #tpu.memory_space<vmem>>, vector<1x16xf32>,
        %get3A_3657 = vector.shape_cast %get3A_3656 : vector<1x16xf32> to vector<16xf32>
        %add3A_3658 = arith.addf %add3A_3644, %get3A_3657 : vector<16xf32>
        %mul3A_3659 = arith.constant 1280 : i32
        %mul3A_3660 = arith.muli %select_n3A_282, %mul3A_3659 : i32
        %mul3A_3661 = arith.constant 320 : i32
        %mul3A_3662 = arith.muli %scan3A_307, %mul3A_3661 : i32
        %add3A_3663 = arith.addi %mul3A_3660, %mul3A_3662 : i32
        %add3A_3664 = arith.constant 220 : i32
        %add3A_3665 = arith.addi %add3A_3663, %add3A_3664 : i32
        %add3A_3666 = arith.constant 10 : i32
        %add3A_3667 = arith.addi %add3A_3665, %add3A_3666 : i32
        %get3A_3668 = arith.index_cast %add3A_3667 : i32 to index
        %get3A_3669 = arith.constant 0 : index
        %get3A_3670 = tpu.vector_load %arg6[%get3A_3668, %get3A_3669] {strides = array<i32>} : memref<5120x16xf32, #tpu.memory_space<vmem>>, vector<1x16xf32>,
        %get3A_3671 = vector.shape_cast %get3A_3670 : vector<1x16xf32> to vector<16xf32>
        %add3A_3672 = arith.addf %add3A_3658, %get3A_3671 : vector<16xf32>
        %mul3A_3673 = arith.constant 1280 : i32
        %mul3A_3674 = arith.muli %select_n3A_282, %mul3A_3673 : i32
        %mul3A_3675 = arith.constant 320 : i32
        %mul3A_3676 = arith.muli %scan3A_307, %mul3A_3675 : i32
        %add3A_3677 = arith.addi %mul3A_3674, %mul3A_3676 : i32
        %add3A_3678 = arith.constant 220 : i32
        %add3A_3679 = arith.addi %add3A_3677, %add3A_3678 : i32
        %add3A_3680 = arith.constant 11 : i32
        %add3A_3681 = arith.addi %add3A_3679, %add3A_3680 : i32
        %get3A_3682 = arith.index_cast %add3A_3681 : i32 to index
        %get3A_3683 = arith.constant 0 : index
        %get3A_3684 = tpu.vector_load %arg6[%get3A_3682, %get3A_3683] {strides = array<i32>} : memref<5120x16xf32, #tpu.memory_space<vmem>>, vector<1x16xf32>,
        %get3A_3685 = vector.shape_cast %get3A_3684 : vector<1x16xf32> to vector<16xf32>
        %add3A_3686 = arith.addf %add3A_3672, %get3A_3685 : vector<16xf32>
        %mul3A_3687 = arith.constant 1280 : i32
        %mul3A_3688 = arith.muli %select_n3A_282, %mul3A_3687 : i32
        %mul3A_3689 = arith.constant 320 : i32
        %mul3A_3690 = arith.muli %scan3A_307, %mul3A_3689 : i32
        %add3A_3691 = arith.addi %mul3A_3688, %mul3A_3690 : i32
        %add3A_3692 = arith.constant 220 : i32
        %add3A_3693 = arith.addi %add3A_3691, %add3A_3692 : i32
        %add3A_3694 = arith.constant 12 : i32
        %add3A_3695 = arith.addi %add3A_3693, %add3A_3694 : i32
        %get3A_3696 = arith.index_cast %add3A_3695 : i32 to index
        %get3A_3697 = arith.constant 0 : index
        %get3A_3698 = tpu.vector_load %arg6[%get3A_3696, %get3A_3697] {strides = array<i32>} : memref<5120x16xf32, #tpu.memory_space<vmem>>, vector<1x16xf32>,
        %get3A_3699 = vector.shape_cast %get3A_3698 : vector<1x16xf32> to vector<16xf32>
        %add3A_3700 = arith.addf %add3A_3686, %get3A_3699 : vector<16xf32>
        %mul3A_3701 = arith.constant 1280 : i32
        %mul3A_3702 = arith.muli %select_n3A_282, %mul3A_3701 : i32
        %mul3A_3703 = arith.constant 320 : i32
        %mul3A_3704 = arith.muli %scan3A_307, %mul3A_3703 : i32
        %add3A_3705 = arith.addi %mul3A_3702, %mul3A_3704 : i32
        %add3A_3706 = arith.constant 220 : i32
        %add3A_3707 = arith.addi %add3A_3705, %add3A_3706 : i32
        %add3A_3708 = arith.constant 13 : i32
        %add3A_3709 = arith.addi %add3A_3707, %add3A_3708 : i32
        %get3A_3710 = arith.index_cast %add3A_3709 : i32 to index
        %get3A_3711 = arith.constant 0 : index
        %get3A_3712 = tpu.vector_load %arg6[%get3A_3710, %get3A_3711] {strides = array<i32>} : memref<5120x16xf32, #tpu.memory_space<vmem>>, vector<1x16xf32>,
        %get3A_3713 = vector.shape_cast %get3A_3712 : vector<1x16xf32> to vector<16xf32>
        %add3A_3714 = arith.addf %add3A_3700, %get3A_3713 : vector<16xf32>
        %mul3A_3715 = arith.constant 1280 : i32
        %mul3A_3716 = arith.muli %select_n3A_282, %mul3A_3715 : i32
        %mul3A_3717 = arith.constant 320 : i32
        %mul3A_3718 = arith.muli %scan3A_307, %mul3A_3717 : i32
        %add3A_3719 = arith.addi %mul3A_3716, %mul3A_3718 : i32
        %add3A_3720 = arith.constant 220 : i32
        %add3A_3721 = arith.addi %add3A_3719, %add3A_3720 : i32
        %add3A_3722 = arith.constant 14 : i32
        %add3A_3723 = arith.addi %add3A_3721, %add3A_3722 : i32
        %get3A_3724 = arith.index_cast %add3A_3723 : i32 to index
        %get3A_3725 = arith.constant 0 : index
        %get3A_3726 = tpu.vector_load %arg6[%get3A_3724, %get3A_3725] {strides = array<i32>} : memref<5120x16xf32, #tpu.memory_space<vmem>>, vector<1x16xf32>,
        %get3A_3727 = vector.shape_cast %get3A_3726 : vector<1x16xf32> to vector<16xf32>
        %add3A_3728 = arith.addf %add3A_3714, %get3A_3727 : vector<16xf32>
        %mul3A_3729 = arith.constant 1280 : i32
        %mul3A_3730 = arith.muli %select_n3A_282, %mul3A_3729 : i32
        %mul3A_3731 = arith.constant 320 : i32
        %mul3A_3732 = arith.muli %scan3A_307, %mul3A_3731 : i32
        %add3A_3733 = arith.addi %mul3A_3730, %mul3A_3732 : i32
        %add3A_3734 = arith.constant 220 : i32
        %add3A_3735 = arith.addi %add3A_3733, %add3A_3734 : i32
        %add3A_3736 = arith.constant 15 : i32
        %add3A_3737 = arith.addi %add3A_3735, %add3A_3736 : i32
        %get3A_3738 = arith.index_cast %add3A_3737 : i32 to index
        %get3A_3739 = arith.constant 0 : index
        %get3A_3740 = tpu.vector_load %arg6[%get3A_3738, %get3A_3739] {strides = array<i32>} : memref<5120x16xf32, #tpu.memory_space<vmem>>, vector<1x16xf32>,
        %get3A_3741 = vector.shape_cast %get3A_3740 : vector<1x16xf32> to vector<16xf32>
        %add3A_3742 = arith.addf %add3A_3728, %get3A_3741 : vector<16xf32>
        %mul3A_3743 = arith.constant 1280 : i32
        %mul3A_3744 = arith.muli %select_n3A_282, %mul3A_3743 : i32
        %mul3A_3745 = arith.constant 320 : i32
        %mul3A_3746 = arith.muli %scan3A_307, %mul3A_3745 : i32
        %add3A_3747 = arith.addi %mul3A_3744, %mul3A_3746 : i32
        %add3A_3748 = arith.constant 220 : i32
        %add3A_3749 = arith.addi %add3A_3747, %add3A_3748 : i32
        %add3A_3750 = arith.constant 16 : i32
        %add3A_3751 = arith.addi %add3A_3749, %add3A_3750 : i32
        %get3A_3752 = arith.index_cast %add3A_3751 : i32 to index
        %get3A_3753 = arith.constant 0 : index
        %get3A_3754 = tpu.vector_load %arg6[%get3A_3752, %get3A_3753] {strides = array<i32>} : memref<5120x16xf32, #tpu.memory_space<vmem>>, vector<1x16xf32>,
        %get3A_3755 = vector.shape_cast %get3A_3754 : vector<1x16xf32> to vector<16xf32>
        %add3A_3756 = arith.addf %add3A_3742, %get3A_3755 : vector<16xf32>
        %mul3A_3757 = arith.constant 1280 : i32
        %mul3A_3758 = arith.muli %select_n3A_282, %mul3A_3757 : i32
        %mul3A_3759 = arith.constant 320 : i32
        %mul3A_3760 = arith.muli %scan3A_307, %mul3A_3759 : i32
        %add3A_3761 = arith.addi %mul3A_3758, %mul3A_3760 : i32
        %add3A_3762 = arith.constant 220 : i32
        %add3A_3763 = arith.addi %add3A_3761, %add3A_3762 : i32
        %add3A_3764 = arith.constant 17 : i32
        %add3A_3765 = arith.addi %add3A_3763, %add3A_3764 : i32
        %get3A_3766 = arith.index_cast %add3A_3765 : i32 to index
        %get3A_3767 = arith.constant 0 : index
        %get3A_3768 = tpu.vector_load %arg6[%get3A_3766, %get3A_3767] {strides = array<i32>} : memref<5120x16xf32, #tpu.memory_space<vmem>>, vector<1x16xf32>,
        %get3A_3769 = vector.shape_cast %get3A_3768 : vector<1x16xf32> to vector<16xf32>
        %add3A_3770 = arith.addf %add3A_3756, %get3A_3769 : vector<16xf32>
        %mul3A_3771 = arith.constant 1280 : i32
        %mul3A_3772 = arith.muli %select_n3A_282, %mul3A_3771 : i32
        %mul3A_3773 = arith.constant 320 : i32
        %mul3A_3774 = arith.muli %scan3A_307, %mul3A_3773 : i32
        %add3A_3775 = arith.addi %mul3A_3772, %mul3A_3774 : i32
        %add3A_3776 = arith.constant 220 : i32
        %add3A_3777 = arith.addi %add3A_3775, %add3A_3776 : i32
        %add3A_3778 = arith.constant 18 : i32
        %add3A_3779 = arith.addi %add3A_3777, %add3A_3778 : i32
        %get3A_3780 = arith.index_cast %add3A_3779 : i32 to index
        %get3A_3781 = arith.constant 0 : index
        %get3A_3782 = tpu.vector_load %arg6[%get3A_3780, %get3A_3781] {strides = array<i32>} : memref<5120x16xf32, #tpu.memory_space<vmem>>, vector<1x16xf32>,
        %get3A_3783 = vector.shape_cast %get3A_3782 : vector<1x16xf32> to vector<16xf32>
        %add3A_3784 = arith.addf %add3A_3770, %get3A_3783 : vector<16xf32>
        %mul3A_3785 = arith.constant 1280 : i32
        %mul3A_3786 = arith.muli %select_n3A_282, %mul3A_3785 : i32
        %mul3A_3787 = arith.constant 320 : i32
        %mul3A_3788 = arith.muli %scan3A_307, %mul3A_3787 : i32
        %add3A_3789 = arith.addi %mul3A_3786, %mul3A_3788 : i32
        %add3A_3790 = arith.constant 220 : i32
        %add3A_3791 = arith.addi %add3A_3789, %add3A_3790 : i32
        %add3A_3792 = arith.constant 19 : i32
        %add3A_3793 = arith.addi %add3A_3791, %add3A_3792 : i32
        %get3A_3794 = arith.index_cast %add3A_3793 : i32 to index
        %get3A_3795 = arith.constant 0 : index
        %get3A_3796 = tpu.vector_load %arg6[%get3A_3794, %get3A_3795] {strides = array<i32>} : memref<5120x16xf32, #tpu.memory_space<vmem>>, vector<1x16xf32>,
        %get3A_3797 = vector.shape_cast %get3A_3796 : vector<1x16xf32> to vector<16xf32>
        %add3A_3798 = arith.addf %add3A_3784, %get3A_3797 : vector<16xf32>
        %mul3A_3799 = arith.constant 8 : i32
        %mul3A_3800 = arith.muli %scan3A_267, %mul3A_3799 : i32
        %mul3A_3801 = arith.constant 2 : i32
        %mul3A_3802 = arith.muli %scan3A_307, %mul3A_3801 : i32
        %add3A_3803 = arith.addi %mul3A_3800, %mul3A_3802 : i32
        %add3A_3804 = arith.constant 1 : i32
        %add3A_3805 = arith.addi %add3A_3803, %add3A_3804 : i32
        %swap3A_3806 = arith.index_cast %add3A_3805 : i32 to index
        %swap3A_3807 = arith.constant 48 : index
        %swap3A_3808 = tpu.vector_load %arg7[%swap3A_3806, %swap3A_3807] {strides = array<i32>} : memref<64x128xf32, #tpu.memory_space<vmem>>, vector<1x16xf32>,
        %swap3A_3809 = vector.shape_cast %swap3A_3808 : vector<1x16xf32> to vector<16xf32>
        %swap3A_3810 = vector.shape_cast %add3A_3798 : vector<16xf32> to vector<1x16xf32>
        tpu.vector_store %arg7[%swap3A_3806, %swap3A_3807], %swap3A_3810 {strides = array<i32>} : memref<64x128xf32, #tpu.memory_space<vmem>>, vector<1x16xf32>,
        %mul3A_3811 = arith.constant 1280 : i32
        %mul3A_3812 = arith.muli %select_n3A_282, %mul3A_3811 : i32
        %mul3A_3813 = arith.constant 320 : i32
        %mul3A_3814 = arith.muli %scan3A_307, %mul3A_3813 : i32
        %add3A_3815 = arith.addi %mul3A_3812, %mul3A_3814 : i32
        %add3A_3816 = arith.constant 240 : i32
        %add3A_3817 = arith.addi %add3A_3815, %add3A_3816 : i32
        %add3A_3818 = arith.constant 0 : i32
        %add3A_3819 = arith.addi %add3A_3817, %add3A_3818 : i32
        %get3A_3820 = arith.index_cast %add3A_3819 : i32 to index
        %get3A_3821 = arith.constant 0 : index
        %get3A_3822 = tpu.vector_load %arg6[%get3A_3820, %get3A_3821] {strides = array<i32>} : memref<5120x16xf32, #tpu.memory_space<vmem>>, vector<1x16xf32>,
        %get3A_3823 = vector.shape_cast %get3A_3822 : vector<1x16xf32> to vector<16xf32>
        %add3A_3824 = arith.addf %broadcast_in_dim3A_5, %get3A_3823 : vector<16xf32>
        %mul3A_3825 = arith.constant 1280 : i32
        %mul3A_3826 = arith.muli %select_n3A_282, %mul3A_3825 : i32
        %mul3A_3827 = arith.constant 320 : i32
        %mul3A_3828 = arith.muli %scan3A_307, %mul3A_3827 : i32
        %add3A_3829 = arith.addi %mul3A_3826, %mul3A_3828 : i32
        %add3A_3830 = arith.constant 240 : i32
        %add3A_3831 = arith.addi %add3A_3829, %add3A_3830 : i32
        %add3A_3832 = arith.constant 1 : i32
        %add3A_3833 = arith.addi %add3A_3831, %add3A_3832 : i32
        %get3A_3834 = arith.index_cast %add3A_3833 : i32 to index
        %get3A_3835 = arith.constant 0 : index
        %get3A_3836 = tpu.vector_load %arg6[%get3A_3834, %get3A_3835] {strides = array<i32>} : memref<5120x16xf32, #tpu.memory_space<vmem>>, vector<1x16xf32>,
        %get3A_3837 = vector.shape_cast %get3A_3836 : vector<1x16xf32> to vector<16xf32>
        %add3A_3838 = arith.addf %add3A_3824, %get3A_3837 : vector<16xf32>
        %mul3A_3839 = arith.constant 1280 : i32
        %mul3A_3840 = arith.muli %select_n3A_282, %mul3A_3839 : i32
        %mul3A_3841 = arith.constant 320 : i32
        %mul3A_3842 = arith.muli %scan3A_307, %mul3A_3841 : i32
        %add3A_3843 = arith.addi %mul3A_3840, %mul3A_3842 : i32
        %add3A_3844 = arith.constant 240 : i32
        %add3A_3845 = arith.addi %add3A_3843, %add3A_3844 : i32
        %add3A_3846 = arith.constant 2 : i32
        %add3A_3847 = arith.addi %add3A_3845, %add3A_3846 : i32
        %get3A_3848 = arith.index_cast %add3A_3847 : i32 to index
        %get3A_3849 = arith.constant 0 : index
        %get3A_3850 = tpu.vector_load %arg6[%get3A_3848, %get3A_3849] {strides = array<i32>} : memref<5120x16xf32, #tpu.memory_space<vmem>>, vector<1x16xf32>,
        %get3A_3851 = vector.shape_cast %get3A_3850 : vector<1x16xf32> to vector<16xf32>
        %add3A_3852 = arith.addf %add3A_3838, %get3A_3851 : vector<16xf32>
        %mul3A_3853 = arith.constant 1280 : i32
        %mul3A_3854 = arith.muli %select_n3A_282, %mul3A_3853 : i32
        %mul3A_3855 = arith.constant 320 : i32
        %mul3A_3856 = arith.muli %scan3A_307, %mul3A_3855 : i32
        %add3A_3857 = arith.addi %mul3A_3854, %mul3A_3856 : i32
        %add3A_3858 = arith.constant 240 : i32
        %add3A_3859 = arith.addi %add3A_3857, %add3A_3858 : i32
        %add3A_3860 = arith.constant 3 : i32
        %add3A_3861 = arith.addi %add3A_3859, %add3A_3860 : i32
        %get3A_3862 = arith.index_cast %add3A_3861 : i32 to index
        %get3A_3863 = arith.constant 0 : index
        %get3A_3864 = tpu.vector_load %arg6[%get3A_3862, %get3A_3863] {strides = array<i32>} : memref<5120x16xf32, #tpu.memory_space<vmem>>, vector<1x16xf32>,
        %get3A_3865 = vector.shape_cast %get3A_3864 : vector<1x16xf32> to vector<16xf32>
        %add3A_3866 = arith.addf %add3A_3852, %get3A_3865 : vector<16xf32>
        %mul3A_3867 = arith.constant 1280 : i32
        %mul3A_3868 = arith.muli %select_n3A_282, %mul3A_3867 : i32
        %mul3A_3869 = arith.constant 320 : i32
        %mul3A_3870 = arith.muli %scan3A_307, %mul3A_3869 : i32
        %add3A_3871 = arith.addi %mul3A_3868, %mul3A_3870 : i32
        %add3A_3872 = arith.constant 240 : i32
        %add3A_3873 = arith.addi %add3A_3871, %add3A_3872 : i32
        %add3A_3874 = arith.constant 4 : i32
        %add3A_3875 = arith.addi %add3A_3873, %add3A_3874 : i32
        %get3A_3876 = arith.index_cast %add3A_3875 : i32 to index
        %get3A_3877 = arith.constant 0 : index
        %get3A_3878 = tpu.vector_load %arg6[%get3A_3876, %get3A_3877] {strides = array<i32>} : memref<5120x16xf32, #tpu.memory_space<vmem>>, vector<1x16xf32>,
        %get3A_3879 = vector.shape_cast %get3A_3878 : vector<1x16xf32> to vector<16xf32>
        %add3A_3880 = arith.addf %add3A_3866, %get3A_3879 : vector<16xf32>
        %mul3A_3881 = arith.constant 1280 : i32
        %mul3A_3882 = arith.muli %select_n3A_282, %mul3A_3881 : i32
        %mul3A_3883 = arith.constant 320 : i32
        %mul3A_3884 = arith.muli %scan3A_307, %mul3A_3883 : i32
        %add3A_3885 = arith.addi %mul3A_3882, %mul3A_3884 : i32
        %add3A_3886 = arith.constant 240 : i32
        %add3A_3887 = arith.addi %add3A_3885, %add3A_3886 : i32
        %add3A_3888 = arith.constant 5 : i32
        %add3A_3889 = arith.addi %add3A_3887, %add3A_3888 : i32
        %get3A_3890 = arith.index_cast %add3A_3889 : i32 to index
        %get3A_3891 = arith.constant 0 : index
        %get3A_3892 = tpu.vector_load %arg6[%get3A_3890, %get3A_3891] {strides = array<i32>} : memref<5120x16xf32, #tpu.memory_space<vmem>>, vector<1x16xf32>,
        %get3A_3893 = vector.shape_cast %get3A_3892 : vector<1x16xf32> to vector<16xf32>
        %add3A_3894 = arith.addf %add3A_3880, %get3A_3893 : vector<16xf32>
        %mul3A_3895 = arith.constant 1280 : i32
        %mul3A_3896 = arith.muli %select_n3A_282, %mul3A_3895 : i32
        %mul3A_3897 = arith.constant 320 : i32
        %mul3A_3898 = arith.muli %scan3A_307, %mul3A_3897 : i32
        %add3A_3899 = arith.addi %mul3A_3896, %mul3A_3898 : i32
        %add3A_3900 = arith.constant 240 : i32
        %add3A_3901 = arith.addi %add3A_3899, %add3A_3900 : i32
        %add3A_3902 = arith.constant 6 : i32
        %add3A_3903 = arith.addi %add3A_3901, %add3A_3902 : i32
        %get3A_3904 = arith.index_cast %add3A_3903 : i32 to index
        %get3A_3905 = arith.constant 0 : index
        %get3A_3906 = tpu.vector_load %arg6[%get3A_3904, %get3A_3905] {strides = array<i32>} : memref<5120x16xf32, #tpu.memory_space<vmem>>, vector<1x16xf32>,
        %get3A_3907 = vector.shape_cast %get3A_3906 : vector<1x16xf32> to vector<16xf32>
        %add3A_3908 = arith.addf %add3A_3894, %get3A_3907 : vector<16xf32>
        %mul3A_3909 = arith.constant 1280 : i32
        %mul3A_3910 = arith.muli %select_n3A_282, %mul3A_3909 : i32
        %mul3A_3911 = arith.constant 320 : i32
        %mul3A_3912 = arith.muli %scan3A_307, %mul3A_3911 : i32
        %add3A_3913 = arith.addi %mul3A_3910, %mul3A_3912 : i32
        %add3A_3914 = arith.constant 240 : i32
        %add3A_3915 = arith.addi %add3A_3913, %add3A_3914 : i32
        %add3A_3916 = arith.constant 7 : i32
        %add3A_3917 = arith.addi %add3A_3915, %add3A_3916 : i32
        %get3A_3918 = arith.index_cast %add3A_3917 : i32 to index
        %get3A_3919 = arith.constant 0 : index
        %get3A_3920 = tpu.vector_load %arg6[%get3A_3918, %get3A_3919] {strides = array<i32>} : memref<5120x16xf32, #tpu.memory_space<vmem>>, vector<1x16xf32>,
        %get3A_3921 = vector.shape_cast %get3A_3920 : vector<1x16xf32> to vector<16xf32>
        %add3A_3922 = arith.addf %add3A_3908, %get3A_3921 : vector<16xf32>
        %mul3A_3923 = arith.constant 1280 : i32
        %mul3A_3924 = arith.muli %select_n3A_282, %mul3A_3923 : i32
        %mul3A_3925 = arith.constant 320 : i32
        %mul3A_3926 = arith.muli %scan3A_307, %mul3A_3925 : i32
        %add3A_3927 = arith.addi %mul3A_3924, %mul3A_3926 : i32
        %add3A_3928 = arith.constant 240 : i32
        %add3A_3929 = arith.addi %add3A_3927, %add3A_3928 : i32
        %add3A_3930 = arith.constant 8 : i32
        %add3A_3931 = arith.addi %add3A_3929, %add3A_3930 : i32
        %get3A_3932 = arith.index_cast %add3A_3931 : i32 to index
        %get3A_3933 = arith.constant 0 : index
        %get3A_3934 = tpu.vector_load %arg6[%get3A_3932, %get3A_3933] {strides = array<i32>} : memref<5120x16xf32, #tpu.memory_space<vmem>>, vector<1x16xf32>,
        %get3A_3935 = vector.shape_cast %get3A_3934 : vector<1x16xf32> to vector<16xf32>
        %add3A_3936 = arith.addf %add3A_3922, %get3A_3935 : vector<16xf32>
        %mul3A_3937 = arith.constant 1280 : i32
        %mul3A_3938 = arith.muli %select_n3A_282, %mul3A_3937 : i32
        %mul3A_3939 = arith.constant 320 : i32
        %mul3A_3940 = arith.muli %scan3A_307, %mul3A_3939 : i32
        %add3A_3941 = arith.addi %mul3A_3938, %mul3A_3940 : i32
        %add3A_3942 = arith.constant 240 : i32
        %add3A_3943 = arith.addi %add3A_3941, %add3A_3942 : i32
        %add3A_3944 = arith.constant 9 : i32
        %add3A_3945 = arith.addi %add3A_3943, %add3A_3944 : i32
        %get3A_3946 = arith.index_cast %add3A_3945 : i32 to index
        %get3A_3947 = arith.constant 0 : index
        %get3A_3948 = tpu.vector_load %arg6[%get3A_3946, %get3A_3947] {strides = array<i32>} : memref<5120x16xf32, #tpu.memory_space<vmem>>, vector<1x16xf32>,
        %get3A_3949 = vector.shape_cast %get3A_3948 : vector<1x16xf32> to vector<16xf32>
        %add3A_3950 = arith.addf %add3A_3936, %get3A_3949 : vector<16xf32>
        %mul3A_3951 = arith.constant 1280 : i32
        %mul3A_3952 = arith.muli %select_n3A_282, %mul3A_3951 : i32
        %mul3A_3953 = arith.constant 320 : i32
        %mul3A_3954 = arith.muli %scan3A_307, %mul3A_3953 : i32
        %add3A_3955 = arith.addi %mul3A_3952, %mul3A_3954 : i32
        %add3A_3956 = arith.constant 240 : i32
        %add3A_3957 = arith.addi %add3A_3955, %add3A_3956 : i32
        %add3A_3958 = arith.constant 10 : i32
        %add3A_3959 = arith.addi %add3A_3957, %add3A_3958 : i32
        %get3A_3960 = arith.index_cast %add3A_3959 : i32 to index
        %get3A_3961 = arith.constant 0 : index
        %get3A_3962 = tpu.vector_load %arg6[%get3A_3960, %get3A_3961] {strides = array<i32>} : memref<5120x16xf32, #tpu.memory_space<vmem>>, vector<1x16xf32>,
        %get3A_3963 = vector.shape_cast %get3A_3962 : vector<1x16xf32> to vector<16xf32>
        %add3A_3964 = arith.addf %add3A_3950, %get3A_3963 : vector<16xf32>
        %mul3A_3965 = arith.constant 1280 : i32
        %mul3A_3966 = arith.muli %select_n3A_282, %mul3A_3965 : i32
        %mul3A_3967 = arith.constant 320 : i32
        %mul3A_3968 = arith.muli %scan3A_307, %mul3A_3967 : i32
        %add3A_3969 = arith.addi %mul3A_3966, %mul3A_3968 : i32
        %add3A_3970 = arith.constant 240 : i32
        %add3A_3971 = arith.addi %add3A_3969, %add3A_3970 : i32
        %add3A_3972 = arith.constant 11 : i32
        %add3A_3973 = arith.addi %add3A_3971, %add3A_3972 : i32
        %get3A_3974 = arith.index_cast %add3A_3973 : i32 to index
        %get3A_3975 = arith.constant 0 : index
        %get3A_3976 = tpu.vector_load %arg6[%get3A_3974, %get3A_3975] {strides = array<i32>} : memref<5120x16xf32, #tpu.memory_space<vmem>>, vector<1x16xf32>,
        %get3A_3977 = vector.shape_cast %get3A_3976 : vector<1x16xf32> to vector<16xf32>
        %add3A_3978 = arith.addf %add3A_3964, %get3A_3977 : vector<16xf32>
        %mul3A_3979 = arith.constant 1280 : i32
        %mul3A_3980 = arith.muli %select_n3A_282, %mul3A_3979 : i32
        %mul3A_3981 = arith.constant 320 : i32
        %mul3A_3982 = arith.muli %scan3A_307, %mul3A_3981 : i32
        %add3A_3983 = arith.addi %mul3A_3980, %mul3A_3982 : i32
        %add3A_3984 = arith.constant 240 : i32
        %add3A_3985 = arith.addi %add3A_3983, %add3A_3984 : i32
        %add3A_3986 = arith.constant 12 : i32
        %add3A_3987 = arith.addi %add3A_3985, %add3A_3986 : i32
        %get3A_3988 = arith.index_cast %add3A_3987 : i32 to index
        %get3A_3989 = arith.constant 0 : index
        %get3A_3990 = tpu.vector_load %arg6[%get3A_3988, %get3A_3989] {strides = array<i32>} : memref<5120x16xf32, #tpu.memory_space<vmem>>, vector<1x16xf32>,
        %get3A_3991 = vector.shape_cast %get3A_3990 : vector<1x16xf32> to vector<16xf32>
        %add3A_3992 = arith.addf %add3A_3978, %get3A_3991 : vector<16xf32>
        %mul3A_3993 = arith.constant 1280 : i32
        %mul3A_3994 = arith.muli %select_n3A_282, %mul3A_3993 : i32
        %mul3A_3995 = arith.constant 320 : i32
        %mul3A_3996 = arith.muli %scan3A_307, %mul3A_3995 : i32
        %add3A_3997 = arith.addi %mul3A_3994, %mul3A_3996 : i32
        %add3A_3998 = arith.constant 240 : i32
        %add3A_3999 = arith.addi %add3A_3997, %add3A_3998 : i32
        %add3A_4000 = arith.constant 13 : i32
        %add3A_4001 = arith.addi %add3A_3999, %add3A_4000 : i32
        %get3A_4002 = arith.index_cast %add3A_4001 : i32 to index
        %get3A_4003 = arith.constant 0 : index
        %get3A_4004 = tpu.vector_load %arg6[%get3A_4002, %get3A_4003] {strides = array<i32>} : memref<5120x16xf32, #tpu.memory_space<vmem>>, vector<1x16xf32>,
        %get3A_4005 = vector.shape_cast %get3A_4004 : vector<1x16xf32> to vector<16xf32>
        %add3A_4006 = arith.addf %add3A_3992, %get3A_4005 : vector<16xf32>
        %mul3A_4007 = arith.constant 1280 : i32
        %mul3A_4008 = arith.muli %select_n3A_282, %mul3A_4007 : i32
        %mul3A_4009 = arith.constant 320 : i32
        %mul3A_4010 = arith.muli %scan3A_307, %mul3A_4009 : i32
        %add3A_4011 = arith.addi %mul3A_4008, %mul3A_4010 : i32
        %add3A_4012 = arith.constant 240 : i32
        %add3A_4013 = arith.addi %add3A_4011, %add3A_4012 : i32
        %add3A_4014 = arith.constant 14 : i32
        %add3A_4015 = arith.addi %add3A_4013, %add3A_4014 : i32
        %get3A_4016 = arith.index_cast %add3A_4015 : i32 to index
        %get3A_4017 = arith.constant 0 : index
        %get3A_4018 = tpu.vector_load %arg6[%get3A_4016, %get3A_4017] {strides = array<i32>} : memref<5120x16xf32, #tpu.memory_space<vmem>>, vector<1x16xf32>,
        %get3A_4019 = vector.shape_cast %get3A_4018 : vector<1x16xf32> to vector<16xf32>
        %add3A_4020 = arith.addf %add3A_4006, %get3A_4019 : vector<16xf32>
        %mul3A_4021 = arith.constant 1280 : i32
        %mul3A_4022 = arith.muli %select_n3A_282, %mul3A_4021 : i32
        %mul3A_4023 = arith.constant 320 : i32
        %mul3A_4024 = arith.muli %scan3A_307, %mul3A_4023 : i32
        %add3A_4025 = arith.addi %mul3A_4022, %mul3A_4024 : i32
        %add3A_4026 = arith.constant 240 : i32
        %add3A_4027 = arith.addi %add3A_4025, %add3A_4026 : i32
        %add3A_4028 = arith.constant 15 : i32
        %add3A_4029 = arith.addi %add3A_4027, %add3A_4028 : i32
        %get3A_4030 = arith.index_cast %add3A_4029 : i32 to index
        %get3A_4031 = arith.constant 0 : index
        %get3A_4032 = tpu.vector_load %arg6[%get3A_4030, %get3A_4031] {strides = array<i32>} : memref<5120x16xf32, #tpu.memory_space<vmem>>, vector<1x16xf32>,
        %get3A_4033 = vector.shape_cast %get3A_4032 : vector<1x16xf32> to vector<16xf32>
        %add3A_4034 = arith.addf %add3A_4020, %get3A_4033 : vector<16xf32>
        %mul3A_4035 = arith.constant 1280 : i32
        %mul3A_4036 = arith.muli %select_n3A_282, %mul3A_4035 : i32
        %mul3A_4037 = arith.constant 320 : i32
        %mul3A_4038 = arith.muli %scan3A_307, %mul3A_4037 : i32
        %add3A_4039 = arith.addi %mul3A_4036, %mul3A_4038 : i32
        %add3A_4040 = arith.constant 240 : i32
        %add3A_4041 = arith.addi %add3A_4039, %add3A_4040 : i32
        %add3A_4042 = arith.constant 16 : i32
        %add3A_4043 = arith.addi %add3A_4041, %add3A_4042 : i32
        %get3A_4044 = arith.index_cast %add3A_4043 : i32 to index
        %get3A_4045 = arith.constant 0 : index
        %get3A_4046 = tpu.vector_load %arg6[%get3A_4044, %get3A_4045] {strides = array<i32>} : memref<5120x16xf32, #tpu.memory_space<vmem>>, vector<1x16xf32>,
        %get3A_4047 = vector.shape_cast %get3A_4046 : vector<1x16xf32> to vector<16xf32>
        %add3A_4048 = arith.addf %add3A_4034, %get3A_4047 : vector<16xf32>
        %mul3A_4049 = arith.constant 1280 : i32
        %mul3A_4050 = arith.muli %select_n3A_282, %mul3A_4049 : i32
        %mul3A_4051 = arith.constant 320 : i32
        %mul3A_4052 = arith.muli %scan3A_307, %mul3A_4051 : i32
        %add3A_4053 = arith.addi %mul3A_4050, %mul3A_4052 : i32
        %add3A_4054 = arith.constant 240 : i32
        %add3A_4055 = arith.addi %add3A_4053, %add3A_4054 : i32
        %add3A_4056 = arith.constant 17 : i32
        %add3A_4057 = arith.addi %add3A_4055, %add3A_4056 : i32
        %get3A_4058 = arith.index_cast %add3A_4057 : i32 to index
        %get3A_4059 = arith.constant 0 : index
        %get3A_4060 = tpu.vector_load %arg6[%get3A_4058, %get3A_4059] {strides = array<i32>} : memref<5120x16xf32, #tpu.memory_space<vmem>>, vector<1x16xf32>,
        %get3A_4061 = vector.shape_cast %get3A_4060 : vector<1x16xf32> to vector<16xf32>
        %add3A_4062 = arith.addf %add3A_4048, %get3A_4061 : vector<16xf32>
        %mul3A_4063 = arith.constant 1280 : i32
        %mul3A_4064 = arith.muli %select_n3A_282, %mul3A_4063 : i32
        %mul3A_4065 = arith.constant 320 : i32
        %mul3A_4066 = arith.muli %scan3A_307, %mul3A_4065 : i32
        %add3A_4067 = arith.addi %mul3A_4064, %mul3A_4066 : i32
        %add3A_4068 = arith.constant 240 : i32
        %add3A_4069 = arith.addi %add3A_4067, %add3A_4068 : i32
        %add3A_4070 = arith.constant 18 : i32
        %add3A_4071 = arith.addi %add3A_4069, %add3A_4070 : i32
        %get3A_4072 = arith.index_cast %add3A_4071 : i32 to index
        %get3A_4073 = arith.constant 0 : index
        %get3A_4074 = tpu.vector_load %arg6[%get3A_4072, %get3A_4073] {strides = array<i32>} : memref<5120x16xf32, #tpu.memory_space<vmem>>, vector<1x16xf32>,
        %get3A_4075 = vector.shape_cast %get3A_4074 : vector<1x16xf32> to vector<16xf32>
        %add3A_4076 = arith.addf %add3A_4062, %get3A_4075 : vector<16xf32>
        %mul3A_4077 = arith.constant 1280 : i32
        %mul3A_4078 = arith.muli %select_n3A_282, %mul3A_4077 : i32
        %mul3A_4079 = arith.constant 320 : i32
        %mul3A_4080 = arith.muli %scan3A_307, %mul3A_4079 : i32
        %add3A_4081 = arith.addi %mul3A_4078, %mul3A_4080 : i32
        %add3A_4082 = arith.constant 240 : i32
        %add3A_4083 = arith.addi %add3A_4081, %add3A_4082 : i32
        %add3A_4084 = arith.constant 19 : i32
        %add3A_4085 = arith.addi %add3A_4083, %add3A_4084 : i32
        %get3A_4086 = arith.index_cast %add3A_4085 : i32 to index
        %get3A_4087 = arith.constant 0 : index
        %get3A_4088 = tpu.vector_load %arg6[%get3A_4086, %get3A_4087] {strides = array<i32>} : memref<5120x16xf32, #tpu.memory_space<vmem>>, vector<1x16xf32>,
        %get3A_4089 = vector.shape_cast %get3A_4088 : vector<1x16xf32> to vector<16xf32>
        %add3A_4090 = arith.addf %add3A_4076, %get3A_4089 : vector<16xf32>
        %mul3A_4091 = arith.constant 8 : i32
        %mul3A_4092 = arith.muli %scan3A_267, %mul3A_4091 : i32
        %mul3A_4093 = arith.constant 2 : i32
        %mul3A_4094 = arith.muli %scan3A_307, %mul3A_4093 : i32
        %add3A_4095 = arith.addi %mul3A_4092, %mul3A_4094 : i32
        %add3A_4096 = arith.constant 1 : i32
        %add3A_4097 = arith.addi %add3A_4095, %add3A_4096 : i32
        %swap3A_4098 = arith.index_cast %add3A_4097 : i32 to index
        %swap3A_4099 = arith.constant 64 : index
        %swap3A_4100 = tpu.vector_load %arg7[%swap3A_4098, %swap3A_4099] {strides = array<i32>} : memref<64x128xf32, #tpu.memory_space<vmem>>, vector<1x16xf32>,
        %swap3A_4101 = vector.shape_cast %swap3A_4100 : vector<1x16xf32> to vector<16xf32>
        %swap3A_4102 = vector.shape_cast %add3A_4090 : vector<16xf32> to vector<1x16xf32>
        tpu.vector_store %arg7[%swap3A_4098, %swap3A_4099], %swap3A_4102 {strides = array<i32>} : memref<64x128xf32, #tpu.memory_space<vmem>>, vector<1x16xf32>,
        %mul3A_4103 = arith.constant 1280 : i32
        %mul3A_4104 = arith.muli %select_n3A_282, %mul3A_4103 : i32
        %mul3A_4105 = arith.constant 320 : i32
        %mul3A_4106 = arith.muli %scan3A_307, %mul3A_4105 : i32
        %add3A_4107 = arith.addi %mul3A_4104, %mul3A_4106 : i32
        %add3A_4108 = arith.constant 260 : i32
        %add3A_4109 = arith.addi %add3A_4107, %add3A_4108 : i32
        %add3A_4110 = arith.constant 0 : i32
        %add3A_4111 = arith.addi %add3A_4109, %add3A_4110 : i32
        %get3A_4112 = arith.index_cast %add3A_4111 : i32 to index
        %get3A_4113 = arith.constant 0 : index
        %get3A_4114 = tpu.vector_load %arg6[%get3A_4112, %get3A_4113] {strides = array<i32>} : memref<5120x16xf32, #tpu.memory_space<vmem>>, vector<1x16xf32>,
        %get3A_4115 = vector.shape_cast %get3A_4114 : vector<1x16xf32> to vector<16xf32>
        %add3A_4116 = arith.addf %broadcast_in_dim3A_5, %get3A_4115 : vector<16xf32>
        %mul3A_4117 = arith.constant 1280 : i32
        %mul3A_4118 = arith.muli %select_n3A_282, %mul3A_4117 : i32
        %mul3A_4119 = arith.constant 320 : i32
        %mul3A_4120 = arith.muli %scan3A_307, %mul3A_4119 : i32
        %add3A_4121 = arith.addi %mul3A_4118, %mul3A_4120 : i32
        %add3A_4122 = arith.constant 260 : i32
        %add3A_4123 = arith.addi %add3A_4121, %add3A_4122 : i32
        %add3A_4124 = arith.constant 1 : i32
        %add3A_4125 = arith.addi %add3A_4123, %add3A_4124 : i32
        %get3A_4126 = arith.index_cast %add3A_4125 : i32 to index
        %get3A_4127 = arith.constant 0 : index
        %get3A_4128 = tpu.vector_load %arg6[%get3A_4126, %get3A_4127] {strides = array<i32>} : memref<5120x16xf32, #tpu.memory_space<vmem>>, vector<1x16xf32>,
        %get3A_4129 = vector.shape_cast %get3A_4128 : vector<1x16xf32> to vector<16xf32>
        %add3A_4130 = arith.addf %add3A_4116, %get3A_4129 : vector<16xf32>
        %mul3A_4131 = arith.constant 1280 : i32
        %mul3A_4132 = arith.muli %select_n3A_282, %mul3A_4131 : i32
        %mul3A_4133 = arith.constant 320 : i32
        %mul3A_4134 = arith.muli %scan3A_307, %mul3A_4133 : i32
        %add3A_4135 = arith.addi %mul3A_4132, %mul3A_4134 : i32
        %add3A_4136 = arith.constant 260 : i32
        %add3A_4137 = arith.addi %add3A_4135, %add3A_4136 : i32
        %add3A_4138 = arith.constant 2 : i32
        %add3A_4139 = arith.addi %add3A_4137, %add3A_4138 : i32
        %get3A_4140 = arith.index_cast %add3A_4139 : i32 to index
        %get3A_4141 = arith.constant 0 : index
        %get3A_4142 = tpu.vector_load %arg6[%get3A_4140, %get3A_4141] {strides = array<i32>} : memref<5120x16xf32, #tpu.memory_space<vmem>>, vector<1x16xf32>,
        %get3A_4143 = vector.shape_cast %get3A_4142 : vector<1x16xf32> to vector<16xf32>
        %add3A_4144 = arith.addf %add3A_4130, %get3A_4143 : vector<16xf32>
        %mul3A_4145 = arith.constant 1280 : i32
        %mul3A_4146 = arith.muli %select_n3A_282, %mul3A_4145 : i32
        %mul3A_4147 = arith.constant 320 : i32
        %mul3A_4148 = arith.muli %scan3A_307, %mul3A_4147 : i32
        %add3A_4149 = arith.addi %mul3A_4146, %mul3A_4148 : i32
        %add3A_4150 = arith.constant 260 : i32
        %add3A_4151 = arith.addi %add3A_4149, %add3A_4150 : i32
        %add3A_4152 = arith.constant 3 : i32
        %add3A_4153 = arith.addi %add3A_4151, %add3A_4152 : i32
        %get3A_4154 = arith.index_cast %add3A_4153 : i32 to index
        %get3A_4155 = arith.constant 0 : index
        %get3A_4156 = tpu.vector_load %arg6[%get3A_4154, %get3A_4155] {strides = array<i32>} : memref<5120x16xf32, #tpu.memory_space<vmem>>, vector<1x16xf32>,
        %get3A_4157 = vector.shape_cast %get3A_4156 : vector<1x16xf32> to vector<16xf32>
        %add3A_4158 = arith.addf %add3A_4144, %get3A_4157 : vector<16xf32>
        %mul3A_4159 = arith.constant 1280 : i32
        %mul3A_4160 = arith.muli %select_n3A_282, %mul3A_4159 : i32
        %mul3A_4161 = arith.constant 320 : i32
        %mul3A_4162 = arith.muli %scan3A_307, %mul3A_4161 : i32
        %add3A_4163 = arith.addi %mul3A_4160, %mul3A_4162 : i32
        %add3A_4164 = arith.constant 260 : i32
        %add3A_4165 = arith.addi %add3A_4163, %add3A_4164 : i32
        %add3A_4166 = arith.constant 4 : i32
        %add3A_4167 = arith.addi %add3A_4165, %add3A_4166 : i32
        %get3A_4168 = arith.index_cast %add3A_4167 : i32 to index
        %get3A_4169 = arith.constant 0 : index
        %get3A_4170 = tpu.vector_load %arg6[%get3A_4168, %get3A_4169] {strides = array<i32>} : memref<5120x16xf32, #tpu.memory_space<vmem>>, vector<1x16xf32>,
        %get3A_4171 = vector.shape_cast %get3A_4170 : vector<1x16xf32> to vector<16xf32>
        %add3A_4172 = arith.addf %add3A_4158, %get3A_4171 : vector<16xf32>
        %mul3A_4173 = arith.constant 1280 : i32
        %mul3A_4174 = arith.muli %select_n3A_282, %mul3A_4173 : i32
        %mul3A_4175 = arith.constant 320 : i32
        %mul3A_4176 = arith.muli %scan3A_307, %mul3A_4175 : i32
        %add3A_4177 = arith.addi %mul3A_4174, %mul3A_4176 : i32
        %add3A_4178 = arith.constant 260 : i32
        %add3A_4179 = arith.addi %add3A_4177, %add3A_4178 : i32
        %add3A_4180 = arith.constant 5 : i32
        %add3A_4181 = arith.addi %add3A_4179, %add3A_4180 : i32
        %get3A_4182 = arith.index_cast %add3A_4181 : i32 to index
        %get3A_4183 = arith.constant 0 : index
        %get3A_4184 = tpu.vector_load %arg6[%get3A_4182, %get3A_4183] {strides = array<i32>} : memref<5120x16xf32, #tpu.memory_space<vmem>>, vector<1x16xf32>,
        %get3A_4185 = vector.shape_cast %get3A_4184 : vector<1x16xf32> to vector<16xf32>
        %add3A_4186 = arith.addf %add3A_4172, %get3A_4185 : vector<16xf32>
        %mul3A_4187 = arith.constant 1280 : i32
        %mul3A_4188 = arith.muli %select_n3A_282, %mul3A_4187 : i32
        %mul3A_4189 = arith.constant 320 : i32
        %mul3A_4190 = arith.muli %scan3A_307, %mul3A_4189 : i32
        %add3A_4191 = arith.addi %mul3A_4188, %mul3A_4190 : i32
        %add3A_4192 = arith.constant 260 : i32
        %add3A_4193 = arith.addi %add3A_4191, %add3A_4192 : i32
        %add3A_4194 = arith.constant 6 : i32
        %add3A_4195 = arith.addi %add3A_4193, %add3A_4194 : i32
        %get3A_4196 = arith.index_cast %add3A_4195 : i32 to index
        %get3A_4197 = arith.constant 0 : index
        %get3A_4198 = tpu.vector_load %arg6[%get3A_4196, %get3A_4197] {strides = array<i32>} : memref<5120x16xf32, #tpu.memory_space<vmem>>, vector<1x16xf32>,
        %get3A_4199 = vector.shape_cast %get3A_4198 : vector<1x16xf32> to vector<16xf32>
        %add3A_4200 = arith.addf %add3A_4186, %get3A_4199 : vector<16xf32>
        %mul3A_4201 = arith.constant 1280 : i32
        %mul3A_4202 = arith.muli %select_n3A_282, %mul3A_4201 : i32
        %mul3A_4203 = arith.constant 320 : i32
        %mul3A_4204 = arith.muli %scan3A_307, %mul3A_4203 : i32
        %add3A_4205 = arith.addi %mul3A_4202, %mul3A_4204 : i32
        %add3A_4206 = arith.constant 260 : i32
        %add3A_4207 = arith.addi %add3A_4205, %add3A_4206 : i32
        %add3A_4208 = arith.constant 7 : i32
        %add3A_4209 = arith.addi %add3A_4207, %add3A_4208 : i32
        %get3A_4210 = arith.index_cast %add3A_4209 : i32 to index
        %get3A_4211 = arith.constant 0 : index
        %get3A_4212 = tpu.vector_load %arg6[%get3A_4210, %get3A_4211] {strides = array<i32>} : memref<5120x16xf32, #tpu.memory_space<vmem>>, vector<1x16xf32>,
        %get3A_4213 = vector.shape_cast %get3A_4212 : vector<1x16xf32> to vector<16xf32>
        %add3A_4214 = arith.addf %add3A_4200, %get3A_4213 : vector<16xf32>
        %mul3A_4215 = arith.constant 1280 : i32
        %mul3A_4216 = arith.muli %select_n3A_282, %mul3A_4215 : i32
        %mul3A_4217 = arith.constant 320 : i32
        %mul3A_4218 = arith.muli %scan3A_307, %mul3A_4217 : i32
        %add3A_4219 = arith.addi %mul3A_4216, %mul3A_4218 : i32
        %add3A_4220 = arith.constant 260 : i32
        %add3A_4221 = arith.addi %add3A_4219, %add3A_4220 : i32
        %add3A_4222 = arith.constant 8 : i32
        %add3A_4223 = arith.addi %add3A_4221, %add3A_4222 : i32
        %get3A_4224 = arith.index_cast %add3A_4223 : i32 to index
        %get3A_4225 = arith.constant 0 : index
        %get3A_4226 = tpu.vector_load %arg6[%get3A_4224, %get3A_4225] {strides = array<i32>} : memref<5120x16xf32, #tpu.memory_space<vmem>>, vector<1x16xf32>,
        %get3A_4227 = vector.shape_cast %get3A_4226 : vector<1x16xf32> to vector<16xf32>
        %add3A_4228 = arith.addf %add3A_4214, %get3A_4227 : vector<16xf32>
        %mul3A_4229 = arith.constant 1280 : i32
        %mul3A_4230 = arith.muli %select_n3A_282, %mul3A_4229 : i32
        %mul3A_4231 = arith.constant 320 : i32
        %mul3A_4232 = arith.muli %scan3A_307, %mul3A_4231 : i32
        %add3A_4233 = arith.addi %mul3A_4230, %mul3A_4232 : i32
        %add3A_4234 = arith.constant 260 : i32
        %add3A_4235 = arith.addi %add3A_4233, %add3A_4234 : i32
        %add3A_4236 = arith.constant 9 : i32
        %add3A_4237 = arith.addi %add3A_4235, %add3A_4236 : i32
        %get3A_4238 = arith.index_cast %add3A_4237 : i32 to index
        %get3A_4239 = arith.constant 0 : index
        %get3A_4240 = tpu.vector_load %arg6[%get3A_4238, %get3A_4239] {strides = array<i32>} : memref<5120x16xf32, #tpu.memory_space<vmem>>, vector<1x16xf32>,
        %get3A_4241 = vector.shape_cast %get3A_4240 : vector<1x16xf32> to vector<16xf32>
        %add3A_4242 = arith.addf %add3A_4228, %get3A_4241 : vector<16xf32>
        %mul3A_4243 = arith.constant 1280 : i32
        %mul3A_4244 = arith.muli %select_n3A_282, %mul3A_4243 : i32
        %mul3A_4245 = arith.constant 320 : i32
        %mul3A_4246 = arith.muli %scan3A_307, %mul3A_4245 : i32
        %add3A_4247 = arith.addi %mul3A_4244, %mul3A_4246 : i32
        %add3A_4248 = arith.constant 260 : i32
        %add3A_4249 = arith.addi %add3A_4247, %add3A_4248 : i32
        %add3A_4250 = arith.constant 10 : i32
        %add3A_4251 = arith.addi %add3A_4249, %add3A_4250 : i32
        %get3A_4252 = arith.index_cast %add3A_4251 : i32 to index
        %get3A_4253 = arith.constant 0 : index
        %get3A_4254 = tpu.vector_load %arg6[%get3A_4252, %get3A_4253] {strides = array<i32>} : memref<5120x16xf32, #tpu.memory_space<vmem>>, vector<1x16xf32>,
        %get3A_4255 = vector.shape_cast %get3A_4254 : vector<1x16xf32> to vector<16xf32>
        %add3A_4256 = arith.addf %add3A_4242, %get3A_4255 : vector<16xf32>
        %mul3A_4257 = arith.constant 1280 : i32
        %mul3A_4258 = arith.muli %select_n3A_282, %mul3A_4257 : i32
        %mul3A_4259 = arith.constant 320 : i32
        %mul3A_4260 = arith.muli %scan3A_307, %mul3A_4259 : i32
        %add3A_4261 = arith.addi %mul3A_4258, %mul3A_4260 : i32
        %add3A_4262 = arith.constant 260 : i32
        %add3A_4263 = arith.addi %add3A_4261, %add3A_4262 : i32
        %add3A_4264 = arith.constant 11 : i32
        %add3A_4265 = arith.addi %add3A_4263, %add3A_4264 : i32
        %get3A_4266 = arith.index_cast %add3A_4265 : i32 to index
        %get3A_4267 = arith.constant 0 : index
        %get3A_4268 = tpu.vector_load %arg6[%get3A_4266, %get3A_4267] {strides = array<i32>} : memref<5120x16xf32, #tpu.memory_space<vmem>>, vector<1x16xf32>,
        %get3A_4269 = vector.shape_cast %get3A_4268 : vector<1x16xf32> to vector<16xf32>
        %add3A_4270 = arith.addf %add3A_4256, %get3A_4269 : vector<16xf32>
        %mul3A_4271 = arith.constant 1280 : i32
        %mul3A_4272 = arith.muli %select_n3A_282, %mul3A_4271 : i32
        %mul3A_4273 = arith.constant 320 : i32
        %mul3A_4274 = arith.muli %scan3A_307, %mul3A_4273 : i32
        %add3A_4275 = arith.addi %mul3A_4272, %mul3A_4274 : i32
        %add3A_4276 = arith.constant 260 : i32
        %add3A_4277 = arith.addi %add3A_4275, %add3A_4276 : i32
        %add3A_4278 = arith.constant 12 : i32
        %add3A_4279 = arith.addi %add3A_4277, %add3A_4278 : i32
        %get3A_4280 = arith.index_cast %add3A_4279 : i32 to index
        %get3A_4281 = arith.constant 0 : index
        %get3A_4282 = tpu.vector_load %arg6[%get3A_4280, %get3A_4281] {strides = array<i32>} : memref<5120x16xf32, #tpu.memory_space<vmem>>, vector<1x16xf32>,
        %get3A_4283 = vector.shape_cast %get3A_4282 : vector<1x16xf32> to vector<16xf32>
        %add3A_4284 = arith.addf %add3A_4270, %get3A_4283 : vector<16xf32>
        %mul3A_4285 = arith.constant 1280 : i32
        %mul3A_4286 = arith.muli %select_n3A_282, %mul3A_4285 : i32
        %mul3A_4287 = arith.constant 320 : i32
        %mul3A_4288 = arith.muli %scan3A_307, %mul3A_4287 : i32
        %add3A_4289 = arith.addi %mul3A_4286, %mul3A_4288 : i32
        %add3A_4290 = arith.constant 260 : i32
        %add3A_4291 = arith.addi %add3A_4289, %add3A_4290 : i32
        %add3A_4292 = arith.constant 13 : i32
        %add3A_4293 = arith.addi %add3A_4291, %add3A_4292 : i32
        %get3A_4294 = arith.index_cast %add3A_4293 : i32 to index
        %get3A_4295 = arith.constant 0 : index
        %get3A_4296 = tpu.vector_load %arg6[%get3A_4294, %get3A_4295] {strides = array<i32>} : memref<5120x16xf32, #tpu.memory_space<vmem>>, vector<1x16xf32>,
        %get3A_4297 = vector.shape_cast %get3A_4296 : vector<1x16xf32> to vector<16xf32>
        %add3A_4298 = arith.addf %add3A_4284, %get3A_4297 : vector<16xf32>
        %mul3A_4299 = arith.constant 1280 : i32
        %mul3A_4300 = arith.muli %select_n3A_282, %mul3A_4299 : i32
        %mul3A_4301 = arith.constant 320 : i32
        %mul3A_4302 = arith.muli %scan3A_307, %mul3A_4301 : i32
        %add3A_4303 = arith.addi %mul3A_4300, %mul3A_4302 : i32
        %add3A_4304 = arith.constant 260 : i32
        %add3A_4305 = arith.addi %add3A_4303, %add3A_4304 : i32
        %add3A_4306 = arith.constant 14 : i32
        %add3A_4307 = arith.addi %add3A_4305, %add3A_4306 : i32
        %get3A_4308 = arith.index_cast %add3A_4307 : i32 to index
        %get3A_4309 = arith.constant 0 : index
        %get3A_4310 = tpu.vector_load %arg6[%get3A_4308, %get3A_4309] {strides = array<i32>} : memref<5120x16xf32, #tpu.memory_space<vmem>>, vector<1x16xf32>,
        %get3A_4311 = vector.shape_cast %get3A_4310 : vector<1x16xf32> to vector<16xf32>
        %add3A_4312 = arith.addf %add3A_4298, %get3A_4311 : vector<16xf32>
        %mul3A_4313 = arith.constant 1280 : i32
        %mul3A_4314 = arith.muli %select_n3A_282, %mul3A_4313 : i32
        %mul3A_4315 = arith.constant 320 : i32
        %mul3A_4316 = arith.muli %scan3A_307, %mul3A_4315 : i32
        %add3A_4317 = arith.addi %mul3A_4314, %mul3A_4316 : i32
        %add3A_4318 = arith.constant 260 : i32
        %add3A_4319 = arith.addi %add3A_4317, %add3A_4318 : i32
        %add3A_4320 = arith.constant 15 : i32
        %add3A_4321 = arith.addi %add3A_4319, %add3A_4320 : i32
        %get3A_4322 = arith.index_cast %add3A_4321 : i32 to index
        %get3A_4323 = arith.constant 0 : index
        %get3A_4324 = tpu.vector_load %arg6[%get3A_4322, %get3A_4323] {strides = array<i32>} : memref<5120x16xf32, #tpu.memory_space<vmem>>, vector<1x16xf32>,
        %get3A_4325 = vector.shape_cast %get3A_4324 : vector<1x16xf32> to vector<16xf32>
        %add3A_4326 = arith.addf %add3A_4312, %get3A_4325 : vector<16xf32>
        %mul3A_4327 = arith.constant 1280 : i32
        %mul3A_4328 = arith.muli %select_n3A_282, %mul3A_4327 : i32
        %mul3A_4329 = arith.constant 320 : i32
        %mul3A_4330 = arith.muli %scan3A_307, %mul3A_4329 : i32
        %add3A_4331 = arith.addi %mul3A_4328, %mul3A_4330 : i32
        %add3A_4332 = arith.constant 260 : i32
        %add3A_4333 = arith.addi %add3A_4331, %add3A_4332 : i32
        %add3A_4334 = arith.constant 16 : i32
        %add3A_4335 = arith.addi %add3A_4333, %add3A_4334 : i32
        %get3A_4336 = arith.index_cast %add3A_4335 : i32 to index
        %get3A_4337 = arith.constant 0 : index
        %get3A_4338 = tpu.vector_load %arg6[%get3A_4336, %get3A_4337] {strides = array<i32>} : memref<5120x16xf32, #tpu.memory_space<vmem>>, vector<1x16xf32>,
        %get3A_4339 = vector.shape_cast %get3A_4338 : vector<1x16xf32> to vector<16xf32>
        %add3A_4340 = arith.addf %add3A_4326, %get3A_4339 : vector<16xf32>
        %mul3A_4341 = arith.constant 1280 : i32
        %mul3A_4342 = arith.muli %select_n3A_282, %mul3A_4341 : i32
        %mul3A_4343 = arith.constant 320 : i32
        %mul3A_4344 = arith.muli %scan3A_307, %mul3A_4343 : i32
        %add3A_4345 = arith.addi %mul3A_4342, %mul3A_4344 : i32
        %add3A_4346 = arith.constant 260 : i32
        %add3A_4347 = arith.addi %add3A_4345, %add3A_4346 : i32
        %add3A_4348 = arith.constant 17 : i32
        %add3A_4349 = arith.addi %add3A_4347, %add3A_4348 : i32
        %get3A_4350 = arith.index_cast %add3A_4349 : i32 to index
        %get3A_4351 = arith.constant 0 : index
        %get3A_4352 = tpu.vector_load %arg6[%get3A_4350, %get3A_4351] {strides = array<i32>} : memref<5120x16xf32, #tpu.memory_space<vmem>>, vector<1x16xf32>,
        %get3A_4353 = vector.shape_cast %get3A_4352 : vector<1x16xf32> to vector<16xf32>
        %add3A_4354 = arith.addf %add3A_4340, %get3A_4353 : vector<16xf32>
        %mul3A_4355 = arith.constant 1280 : i32
        %mul3A_4356 = arith.muli %select_n3A_282, %mul3A_4355 : i32
        %mul3A_4357 = arith.constant 320 : i32
        %mul3A_4358 = arith.muli %scan3A_307, %mul3A_4357 : i32
        %add3A_4359 = arith.addi %mul3A_4356, %mul3A_4358 : i32
        %add3A_4360 = arith.constant 260 : i32
        %add3A_4361 = arith.addi %add3A_4359, %add3A_4360 : i32
        %add3A_4362 = arith.constant 18 : i32
        %add3A_4363 = arith.addi %add3A_4361, %add3A_4362 : i32
        %get3A_4364 = arith.index_cast %add3A_4363 : i32 to index
        %get3A_4365 = arith.constant 0 : index
        %get3A_4366 = tpu.vector_load %arg6[%get3A_4364, %get3A_4365] {strides = array<i32>} : memref<5120x16xf32, #tpu.memory_space<vmem>>, vector<1x16xf32>,
        %get3A_4367 = vector.shape_cast %get3A_4366 : vector<1x16xf32> to vector<16xf32>
        %add3A_4368 = arith.addf %add3A_4354, %get3A_4367 : vector<16xf32>
        %mul3A_4369 = arith.constant 1280 : i32
        %mul3A_4370 = arith.muli %select_n3A_282, %mul3A_4369 : i32
        %mul3A_4371 = arith.constant 320 : i32
        %mul3A_4372 = arith.muli %scan3A_307, %mul3A_4371 : i32
        %add3A_4373 = arith.addi %mul3A_4370, %mul3A_4372 : i32
        %add3A_4374 = arith.constant 260 : i32
        %add3A_4375 = arith.addi %add3A_4373, %add3A_4374 : i32
        %add3A_4376 = arith.constant 19 : i32
        %add3A_4377 = arith.addi %add3A_4375, %add3A_4376 : i32
        %get3A_4378 = arith.index_cast %add3A_4377 : i32 to index
        %get3A_4379 = arith.constant 0 : index
        %get3A_4380 = tpu.vector_load %arg6[%get3A_4378, %get3A_4379] {strides = array<i32>} : memref<5120x16xf32, #tpu.memory_space<vmem>>, vector<1x16xf32>,
        %get3A_4381 = vector.shape_cast %get3A_4380 : vector<1x16xf32> to vector<16xf32>
        %add3A_4382 = arith.addf %add3A_4368, %get3A_4381 : vector<16xf32>
        %mul3A_4383 = arith.constant 8 : i32
        %mul3A_4384 = arith.muli %scan3A_267, %mul3A_4383 : i32
        %mul3A_4385 = arith.constant 2 : i32
        %mul3A_4386 = arith.muli %scan3A_307, %mul3A_4385 : i32
        %add3A_4387 = arith.addi %mul3A_4384, %mul3A_4386 : i32
        %add3A_4388 = arith.constant 1 : i32
        %add3A_4389 = arith.addi %add3A_4387, %add3A_4388 : i32
        %swap3A_4390 = arith.index_cast %add3A_4389 : i32 to index
        %swap3A_4391 = arith.constant 80 : index
        %swap3A_4392 = tpu.vector_load %arg7[%swap3A_4390, %swap3A_4391] {strides = array<i32>} : memref<64x128xf32, #tpu.memory_space<vmem>>, vector<1x16xf32>,
        %swap3A_4393 = vector.shape_cast %swap3A_4392 : vector<1x16xf32> to vector<16xf32>
        %swap3A_4394 = vector.shape_cast %add3A_4382 : vector<16xf32> to vector<1x16xf32>
        tpu.vector_store %arg7[%swap3A_4390, %swap3A_4391], %swap3A_4394 {strides = array<i32>} : memref<64x128xf32, #tpu.memory_space<vmem>>, vector<1x16xf32>,
        %mul3A_4395 = arith.constant 1280 : i32
        %mul3A_4396 = arith.muli %select_n3A_282, %mul3A_4395 : i32
        %mul3A_4397 = arith.constant 320 : i32
        %mul3A_4398 = arith.muli %scan3A_307, %mul3A_4397 : i32
        %add3A_4399 = arith.addi %mul3A_4396, %mul3A_4398 : i32
        %add3A_4400 = arith.constant 280 : i32
        %add3A_4401 = arith.addi %add3A_4399, %add3A_4400 : i32
        %add3A_4402 = arith.constant 0 : i32
        %add3A_4403 = arith.addi %add3A_4401, %add3A_4402 : i32
        %get3A_4404 = arith.index_cast %add3A_4403 : i32 to index
        %get3A_4405 = arith.constant 0 : index
        %get3A_4406 = tpu.vector_load %arg6[%get3A_4404, %get3A_4405] {strides = array<i32>} : memref<5120x16xf32, #tpu.memory_space<vmem>>, vector<1x16xf32>,
        %get3A_4407 = vector.shape_cast %get3A_4406 : vector<1x16xf32> to vector<16xf32>
        %add3A_4408 = arith.addf %broadcast_in_dim3A_5, %get3A_4407 : vector<16xf32>
        %mul3A_4409 = arith.constant 1280 : i32
        %mul3A_4410 = arith.muli %select_n3A_282, %mul3A_4409 : i32
        %mul3A_4411 = arith.constant 320 : i32
        %mul3A_4412 = arith.muli %scan3A_307, %mul3A_4411 : i32
        %add3A_4413 = arith.addi %mul3A_4410, %mul3A_4412 : i32
        %add3A_4414 = arith.constant 280 : i32
        %add3A_4415 = arith.addi %add3A_4413, %add3A_4414 : i32
        %add3A_4416 = arith.constant 1 : i32
        %add3A_4417 = arith.addi %add3A_4415, %add3A_4416 : i32
        %get3A_4418 = arith.index_cast %add3A_4417 : i32 to index
        %get3A_4419 = arith.constant 0 : index
        %get3A_4420 = tpu.vector_load %arg6[%get3A_4418, %get3A_4419] {strides = array<i32>} : memref<5120x16xf32, #tpu.memory_space<vmem>>, vector<1x16xf32>,
        %get3A_4421 = vector.shape_cast %get3A_4420 : vector<1x16xf32> to vector<16xf32>
        %add3A_4422 = arith.addf %add3A_4408, %get3A_4421 : vector<16xf32>
        %mul3A_4423 = arith.constant 1280 : i32
        %mul3A_4424 = arith.muli %select_n3A_282, %mul3A_4423 : i32
        %mul3A_4425 = arith.constant 320 : i32
        %mul3A_4426 = arith.muli %scan3A_307, %mul3A_4425 : i32
        %add3A_4427 = arith.addi %mul3A_4424, %mul3A_4426 : i32
        %add3A_4428 = arith.constant 280 : i32
        %add3A_4429 = arith.addi %add3A_4427, %add3A_4428 : i32
        %add3A_4430 = arith.constant 2 : i32
        %add3A_4431 = arith.addi %add3A_4429, %add3A_4430 : i32
        %get3A_4432 = arith.index_cast %add3A_4431 : i32 to index
        %get3A_4433 = arith.constant 0 : index
        %get3A_4434 = tpu.vector_load %arg6[%get3A_4432, %get3A_4433] {strides = array<i32>} : memref<5120x16xf32, #tpu.memory_space<vmem>>, vector<1x16xf32>,
        %get3A_4435 = vector.shape_cast %get3A_4434 : vector<1x16xf32> to vector<16xf32>
        %add3A_4436 = arith.addf %add3A_4422, %get3A_4435 : vector<16xf32>
        %mul3A_4437 = arith.constant 1280 : i32
        %mul3A_4438 = arith.muli %select_n3A_282, %mul3A_4437 : i32
        %mul3A_4439 = arith.constant 320 : i32
        %mul3A_4440 = arith.muli %scan3A_307, %mul3A_4439 : i32
        %add3A_4441 = arith.addi %mul3A_4438, %mul3A_4440 : i32
        %add3A_4442 = arith.constant 280 : i32
        %add3A_4443 = arith.addi %add3A_4441, %add3A_4442 : i32
        %add3A_4444 = arith.constant 3 : i32
        %add3A_4445 = arith.addi %add3A_4443, %add3A_4444 : i32
        %get3A_4446 = arith.index_cast %add3A_4445 : i32 to index
        %get3A_4447 = arith.constant 0 : index
        %get3A_4448 = tpu.vector_load %arg6[%get3A_4446, %get3A_4447] {strides = array<i32>} : memref<5120x16xf32, #tpu.memory_space<vmem>>, vector<1x16xf32>,
        %get3A_4449 = vector.shape_cast %get3A_4448 : vector<1x16xf32> to vector<16xf32>
        %add3A_4450 = arith.addf %add3A_4436, %get3A_4449 : vector<16xf32>
        %mul3A_4451 = arith.constant 1280 : i32
        %mul3A_4452 = arith.muli %select_n3A_282, %mul3A_4451 : i32
        %mul3A_4453 = arith.constant 320 : i32
        %mul3A_4454 = arith.muli %scan3A_307, %mul3A_4453 : i32
        %add3A_4455 = arith.addi %mul3A_4452, %mul3A_4454 : i32
        %add3A_4456 = arith.constant 280 : i32
        %add3A_4457 = arith.addi %add3A_4455, %add3A_4456 : i32
        %add3A_4458 = arith.constant 4 : i32
        %add3A_4459 = arith.addi %add3A_4457, %add3A_4458 : i32
        %get3A_4460 = arith.index_cast %add3A_4459 : i32 to index
        %get3A_4461 = arith.constant 0 : index
        %get3A_4462 = tpu.vector_load %arg6[%get3A_4460, %get3A_4461] {strides = array<i32>} : memref<5120x16xf32, #tpu.memory_space<vmem>>, vector<1x16xf32>,
        %get3A_4463 = vector.shape_cast %get3A_4462 : vector<1x16xf32> to vector<16xf32>
        %add3A_4464 = arith.addf %add3A_4450, %get3A_4463 : vector<16xf32>
        %mul3A_4465 = arith.constant 1280 : i32
        %mul3A_4466 = arith.muli %select_n3A_282, %mul3A_4465 : i32
        %mul3A_4467 = arith.constant 320 : i32
        %mul3A_4468 = arith.muli %scan3A_307, %mul3A_4467 : i32
        %add3A_4469 = arith.addi %mul3A_4466, %mul3A_4468 : i32
        %add3A_4470 = arith.constant 280 : i32
        %add3A_4471 = arith.addi %add3A_4469, %add3A_4470 : i32
        %add3A_4472 = arith.constant 5 : i32
        %add3A_4473 = arith.addi %add3A_4471, %add3A_4472 : i32
        %get3A_4474 = arith.index_cast %add3A_4473 : i32 to index
        %get3A_4475 = arith.constant 0 : index
        %get3A_4476 = tpu.vector_load %arg6[%get3A_4474, %get3A_4475] {strides = array<i32>} : memref<5120x16xf32, #tpu.memory_space<vmem>>, vector<1x16xf32>,
        %get3A_4477 = vector.shape_cast %get3A_4476 : vector<1x16xf32> to vector<16xf32>
        %add3A_4478 = arith.addf %add3A_4464, %get3A_4477 : vector<16xf32>
        %mul3A_4479 = arith.constant 1280 : i32
        %mul3A_4480 = arith.muli %select_n3A_282, %mul3A_4479 : i32
        %mul3A_4481 = arith.constant 320 : i32
        %mul3A_4482 = arith.muli %scan3A_307, %mul3A_4481 : i32
        %add3A_4483 = arith.addi %mul3A_4480, %mul3A_4482 : i32
        %add3A_4484 = arith.constant 280 : i32
        %add3A_4485 = arith.addi %add3A_4483, %add3A_4484 : i32
        %add3A_4486 = arith.constant 6 : i32
        %add3A_4487 = arith.addi %add3A_4485, %add3A_4486 : i32
        %get3A_4488 = arith.index_cast %add3A_4487 : i32 to index
        %get3A_4489 = arith.constant 0 : index
        %get3A_4490 = tpu.vector_load %arg6[%get3A_4488, %get3A_4489] {strides = array<i32>} : memref<5120x16xf32, #tpu.memory_space<vmem>>, vector<1x16xf32>,
        %get3A_4491 = vector.shape_cast %get3A_4490 : vector<1x16xf32> to vector<16xf32>
        %add3A_4492 = arith.addf %add3A_4478, %get3A_4491 : vector<16xf32>
        %mul3A_4493 = arith.constant 1280 : i32
        %mul3A_4494 = arith.muli %select_n3A_282, %mul3A_4493 : i32
        %mul3A_4495 = arith.constant 320 : i32
        %mul3A_4496 = arith.muli %scan3A_307, %mul3A_4495 : i32
        %add3A_4497 = arith.addi %mul3A_4494, %mul3A_4496 : i32
        %add3A_4498 = arith.constant 280 : i32
        %add3A_4499 = arith.addi %add3A_4497, %add3A_4498 : i32
        %add3A_4500 = arith.constant 7 : i32
        %add3A_4501 = arith.addi %add3A_4499, %add3A_4500 : i32
        %get3A_4502 = arith.index_cast %add3A_4501 : i32 to index
        %get3A_4503 = arith.constant 0 : index
        %get3A_4504 = tpu.vector_load %arg6[%get3A_4502, %get3A_4503] {strides = array<i32>} : memref<5120x16xf32, #tpu.memory_space<vmem>>, vector<1x16xf32>,
        %get3A_4505 = vector.shape_cast %get3A_4504 : vector<1x16xf32> to vector<16xf32>
        %add3A_4506 = arith.addf %add3A_4492, %get3A_4505 : vector<16xf32>
        %mul3A_4507 = arith.constant 1280 : i32
        %mul3A_4508 = arith.muli %select_n3A_282, %mul3A_4507 : i32
        %mul3A_4509 = arith.constant 320 : i32
        %mul3A_4510 = arith.muli %scan3A_307, %mul3A_4509 : i32
        %add3A_4511 = arith.addi %mul3A_4508, %mul3A_4510 : i32
        %add3A_4512 = arith.constant 280 : i32
        %add3A_4513 = arith.addi %add3A_4511, %add3A_4512 : i32
        %add3A_4514 = arith.constant 8 : i32
        %add3A_4515 = arith.addi %add3A_4513, %add3A_4514 : i32
        %get3A_4516 = arith.index_cast %add3A_4515 : i32 to index
        %get3A_4517 = arith.constant 0 : index
        %get3A_4518 = tpu.vector_load %arg6[%get3A_4516, %get3A_4517] {strides = array<i32>} : memref<5120x16xf32, #tpu.memory_space<vmem>>, vector<1x16xf32>,
        %get3A_4519 = vector.shape_cast %get3A_4518 : vector<1x16xf32> to vector<16xf32>
        %add3A_4520 = arith.addf %add3A_4506, %get3A_4519 : vector<16xf32>
        %mul3A_4521 = arith.constant 1280 : i32
        %mul3A_4522 = arith.muli %select_n3A_282, %mul3A_4521 : i32
        %mul3A_4523 = arith.constant 320 : i32
        %mul3A_4524 = arith.muli %scan3A_307, %mul3A_4523 : i32
        %add3A_4525 = arith.addi %mul3A_4522, %mul3A_4524 : i32
        %add3A_4526 = arith.constant 280 : i32
        %add3A_4527 = arith.addi %add3A_4525, %add3A_4526 : i32
        %add3A_4528 = arith.constant 9 : i32
        %add3A_4529 = arith.addi %add3A_4527, %add3A_4528 : i32
        %get3A_4530 = arith.index_cast %add3A_4529 : i32 to index
        %get3A_4531 = arith.constant 0 : index
        %get3A_4532 = tpu.vector_load %arg6[%get3A_4530, %get3A_4531] {strides = array<i32>} : memref<5120x16xf32, #tpu.memory_space<vmem>>, vector<1x16xf32>,
        %get3A_4533 = vector.shape_cast %get3A_4532 : vector<1x16xf32> to vector<16xf32>
        %add3A_4534 = arith.addf %add3A_4520, %get3A_4533 : vector<16xf32>
        %mul3A_4535 = arith.constant 1280 : i32
        %mul3A_4536 = arith.muli %select_n3A_282, %mul3A_4535 : i32
        %mul3A_4537 = arith.constant 320 : i32
        %mul3A_4538 = arith.muli %scan3A_307, %mul3A_4537 : i32
        %add3A_4539 = arith.addi %mul3A_4536, %mul3A_4538 : i32
        %add3A_4540 = arith.constant 280 : i32
        %add3A_4541 = arith.addi %add3A_4539, %add3A_4540 : i32
        %add3A_4542 = arith.constant 10 : i32
        %add3A_4543 = arith.addi %add3A_4541, %add3A_4542 : i32
        %get3A_4544 = arith.index_cast %add3A_4543 : i32 to index
        %get3A_4545 = arith.constant 0 : index
        %get3A_4546 = tpu.vector_load %arg6[%get3A_4544, %get3A_4545] {strides = array<i32>} : memref<5120x16xf32, #tpu.memory_space<vmem>>, vector<1x16xf32>,
        %get3A_4547 = vector.shape_cast %get3A_4546 : vector<1x16xf32> to vector<16xf32>
        %add3A_4548 = arith.addf %add3A_4534, %get3A_4547 : vector<16xf32>
        %mul3A_4549 = arith.constant 1280 : i32
        %mul3A_4550 = arith.muli %select_n3A_282, %mul3A_4549 : i32
        %mul3A_4551 = arith.constant 320 : i32
        %mul3A_4552 = arith.muli %scan3A_307, %mul3A_4551 : i32
        %add3A_4553 = arith.addi %mul3A_4550, %mul3A_4552 : i32
        %add3A_4554 = arith.constant 280 : i32
        %add3A_4555 = arith.addi %add3A_4553, %add3A_4554 : i32
        %add3A_4556 = arith.constant 11 : i32
        %add3A_4557 = arith.addi %add3A_4555, %add3A_4556 : i32
        %get3A_4558 = arith.index_cast %add3A_4557 : i32 to index
        %get3A_4559 = arith.constant 0 : index
        %get3A_4560 = tpu.vector_load %arg6[%get3A_4558, %get3A_4559] {strides = array<i32>} : memref<5120x16xf32, #tpu.memory_space<vmem>>, vector<1x16xf32>,
        %get3A_4561 = vector.shape_cast %get3A_4560 : vector<1x16xf32> to vector<16xf32>
        %add3A_4562 = arith.addf %add3A_4548, %get3A_4561 : vector<16xf32>
        %mul3A_4563 = arith.constant 1280 : i32
        %mul3A_4564 = arith.muli %select_n3A_282, %mul3A_4563 : i32
        %mul3A_4565 = arith.constant 320 : i32
        %mul3A_4566 = arith.muli %scan3A_307, %mul3A_4565 : i32
        %add3A_4567 = arith.addi %mul3A_4564, %mul3A_4566 : i32
        %add3A_4568 = arith.constant 280 : i32
        %add3A_4569 = arith.addi %add3A_4567, %add3A_4568 : i32
        %add3A_4570 = arith.constant 12 : i32
        %add3A_4571 = arith.addi %add3A_4569, %add3A_4570 : i32
        %get3A_4572 = arith.index_cast %add3A_4571 : i32 to index
        %get3A_4573 = arith.constant 0 : index
        %get3A_4574 = tpu.vector_load %arg6[%get3A_4572, %get3A_4573] {strides = array<i32>} : memref<5120x16xf32, #tpu.memory_space<vmem>>, vector<1x16xf32>,
        %get3A_4575 = vector.shape_cast %get3A_4574 : vector<1x16xf32> to vector<16xf32>
        %add3A_4576 = arith.addf %add3A_4562, %get3A_4575 : vector<16xf32>
        %mul3A_4577 = arith.constant 1280 : i32
        %mul3A_4578 = arith.muli %select_n3A_282, %mul3A_4577 : i32
        %mul3A_4579 = arith.constant 320 : i32
        %mul3A_4580 = arith.muli %scan3A_307, %mul3A_4579 : i32
        %add3A_4581 = arith.addi %mul3A_4578, %mul3A_4580 : i32
        %add3A_4582 = arith.constant 280 : i32
        %add3A_4583 = arith.addi %add3A_4581, %add3A_4582 : i32
        %add3A_4584 = arith.constant 13 : i32
        %add3A_4585 = arith.addi %add3A_4583, %add3A_4584 : i32
        %get3A_4586 = arith.index_cast %add3A_4585 : i32 to index
        %get3A_4587 = arith.constant 0 : index
        %get3A_4588 = tpu.vector_load %arg6[%get3A_4586, %get3A_4587] {strides = array<i32>} : memref<5120x16xf32, #tpu.memory_space<vmem>>, vector<1x16xf32>,
        %get3A_4589 = vector.shape_cast %get3A_4588 : vector<1x16xf32> to vector<16xf32>
        %add3A_4590 = arith.addf %add3A_4576, %get3A_4589 : vector<16xf32>
        %mul3A_4591 = arith.constant 1280 : i32
        %mul3A_4592 = arith.muli %select_n3A_282, %mul3A_4591 : i32
        %mul3A_4593 = arith.constant 320 : i32
        %mul3A_4594 = arith.muli %scan3A_307, %mul3A_4593 : i32
        %add3A_4595 = arith.addi %mul3A_4592, %mul3A_4594 : i32
        %add3A_4596 = arith.constant 280 : i32
        %add3A_4597 = arith.addi %add3A_4595, %add3A_4596 : i32
        %add3A_4598 = arith.constant 14 : i32
        %add3A_4599 = arith.addi %add3A_4597, %add3A_4598 : i32
        %get3A_4600 = arith.index_cast %add3A_4599 : i32 to index
        %get3A_4601 = arith.constant 0 : index
        %get3A_4602 = tpu.vector_load %arg6[%get3A_4600, %get3A_4601] {strides = array<i32>} : memref<5120x16xf32, #tpu.memory_space<vmem>>, vector<1x16xf32>,
        %get3A_4603 = vector.shape_cast %get3A_4602 : vector<1x16xf32> to vector<16xf32>
        %add3A_4604 = arith.addf %add3A_4590, %get3A_4603 : vector<16xf32>
        %mul3A_4605 = arith.constant 1280 : i32
        %mul3A_4606 = arith.muli %select_n3A_282, %mul3A_4605 : i32
        %mul3A_4607 = arith.constant 320 : i32
        %mul3A_4608 = arith.muli %scan3A_307, %mul3A_4607 : i32
        %add3A_4609 = arith.addi %mul3A_4606, %mul3A_4608 : i32
        %add3A_4610 = arith.constant 280 : i32
        %add3A_4611 = arith.addi %add3A_4609, %add3A_4610 : i32
        %add3A_4612 = arith.constant 15 : i32
        %add3A_4613 = arith.addi %add3A_4611, %add3A_4612 : i32
        %get3A_4614 = arith.index_cast %add3A_4613 : i32 to index
        %get3A_4615 = arith.constant 0 : index
        %get3A_4616 = tpu.vector_load %arg6[%get3A_4614, %get3A_4615] {strides = array<i32>} : memref<5120x16xf32, #tpu.memory_space<vmem>>, vector<1x16xf32>,
        %get3A_4617 = vector.shape_cast %get3A_4616 : vector<1x16xf32> to vector<16xf32>
        %add3A_4618 = arith.addf %add3A_4604, %get3A_4617 : vector<16xf32>
        %mul3A_4619 = arith.constant 1280 : i32
        %mul3A_4620 = arith.muli %select_n3A_282, %mul3A_4619 : i32
        %mul3A_4621 = arith.constant 320 : i32
        %mul3A_4622 = arith.muli %scan3A_307, %mul3A_4621 : i32
        %add3A_4623 = arith.addi %mul3A_4620, %mul3A_4622 : i32
        %add3A_4624 = arith.constant 280 : i32
        %add3A_4625 = arith.addi %add3A_4623, %add3A_4624 : i32
        %add3A_4626 = arith.constant 16 : i32
        %add3A_4627 = arith.addi %add3A_4625, %add3A_4626 : i32
        %get3A_4628 = arith.index_cast %add3A_4627 : i32 to index
        %get3A_4629 = arith.constant 0 : index
        %get3A_4630 = tpu.vector_load %arg6[%get3A_4628, %get3A_4629] {strides = array<i32>} : memref<5120x16xf32, #tpu.memory_space<vmem>>, vector<1x16xf32>,
        %get3A_4631 = vector.shape_cast %get3A_4630 : vector<1x16xf32> to vector<16xf32>
        %add3A_4632 = arith.addf %add3A_4618, %get3A_4631 : vector<16xf32>
        %mul3A_4633 = arith.constant 1280 : i32
        %mul3A_4634 = arith.muli %select_n3A_282, %mul3A_4633 : i32
        %mul3A_4635 = arith.constant 320 : i32
        %mul3A_4636 = arith.muli %scan3A_307, %mul3A_4635 : i32
        %add3A_4637 = arith.addi %mul3A_4634, %mul3A_4636 : i32
        %add3A_4638 = arith.constant 280 : i32
        %add3A_4639 = arith.addi %add3A_4637, %add3A_4638 : i32
        %add3A_4640 = arith.constant 17 : i32
        %add3A_4641 = arith.addi %add3A_4639, %add3A_4640 : i32
        %get3A_4642 = arith.index_cast %add3A_4641 : i32 to index
        %get3A_4643 = arith.constant 0 : index
        %get3A_4644 = tpu.vector_load %arg6[%get3A_4642, %get3A_4643] {strides = array<i32>} : memref<5120x16xf32, #tpu.memory_space<vmem>>, vector<1x16xf32>,
        %get3A_4645 = vector.shape_cast %get3A_4644 : vector<1x16xf32> to vector<16xf32>
        %add3A_4646 = arith.addf %add3A_4632, %get3A_4645 : vector<16xf32>
        %mul3A_4647 = arith.constant 1280 : i32
        %mul3A_4648 = arith.muli %select_n3A_282, %mul3A_4647 : i32
        %mul3A_4649 = arith.constant 320 : i32
        %mul3A_4650 = arith.muli %scan3A_307, %mul3A_4649 : i32
        %add3A_4651 = arith.addi %mul3A_4648, %mul3A_4650 : i32
        %add3A_4652 = arith.constant 280 : i32
        %add3A_4653 = arith.addi %add3A_4651, %add3A_4652 : i32
        %add3A_4654 = arith.constant 18 : i32
        %add3A_4655 = arith.addi %add3A_4653, %add3A_4654 : i32
        %get3A_4656 = arith.index_cast %add3A_4655 : i32 to index
        %get3A_4657 = arith.constant 0 : index
        %get3A_4658 = tpu.vector_load %arg6[%get3A_4656, %get3A_4657] {strides = array<i32>} : memref<5120x16xf32, #tpu.memory_space<vmem>>, vector<1x16xf32>,
        %get3A_4659 = vector.shape_cast %get3A_4658 : vector<1x16xf32> to vector<16xf32>
        %add3A_4660 = arith.addf %add3A_4646, %get3A_4659 : vector<16xf32>
        %mul3A_4661 = arith.constant 1280 : i32
        %mul3A_4662 = arith.muli %select_n3A_282, %mul3A_4661 : i32
        %mul3A_4663 = arith.constant 320 : i32
        %mul3A_4664 = arith.muli %scan3A_307, %mul3A_4663 : i32
        %add3A_4665 = arith.addi %mul3A_4662, %mul3A_4664 : i32
        %add3A_4666 = arith.constant 280 : i32
        %add3A_4667 = arith.addi %add3A_4665, %add3A_4666 : i32
        %add3A_4668 = arith.constant 19 : i32
        %add3A_4669 = arith.addi %add3A_4667, %add3A_4668 : i32
        %get3A_4670 = arith.index_cast %add3A_4669 : i32 to index
        %get3A_4671 = arith.constant 0 : index
        %get3A_4672 = tpu.vector_load %arg6[%get3A_4670, %get3A_4671] {strides = array<i32>} : memref<5120x16xf32, #tpu.memory_space<vmem>>, vector<1x16xf32>,
        %get3A_4673 = vector.shape_cast %get3A_4672 : vector<1x16xf32> to vector<16xf32>
        %add3A_4674 = arith.addf %add3A_4660, %get3A_4673 : vector<16xf32>
        %mul3A_4675 = arith.constant 8 : i32
        %mul3A_4676 = arith.muli %scan3A_267, %mul3A_4675 : i32
        %mul3A_4677 = arith.constant 2 : i32
        %mul3A_4678 = arith.muli %scan3A_307, %mul3A_4677 : i32
        %add3A_4679 = arith.addi %mul3A_4676, %mul3A_4678 : i32
        %add3A_4680 = arith.constant 1 : i32
        %add3A_4681 = arith.addi %add3A_4679, %add3A_4680 : i32
        %swap3A_4682 = arith.index_cast %add3A_4681 : i32 to index
        %swap3A_4683 = arith.constant 96 : index
        %swap3A_4684 = tpu.vector_load %arg7[%swap3A_4682, %swap3A_4683] {strides = array<i32>} : memref<64x128xf32, #tpu.memory_space<vmem>>, vector<1x16xf32>,
        %swap3A_4685 = vector.shape_cast %swap3A_4684 : vector<1x16xf32> to vector<16xf32>
        %swap3A_4686 = vector.shape_cast %add3A_4674 : vector<16xf32> to vector<1x16xf32>
        tpu.vector_store %arg7[%swap3A_4682, %swap3A_4683], %swap3A_4686 {strides = array<i32>} : memref<64x128xf32, #tpu.memory_space<vmem>>, vector<1x16xf32>,
        %mul3A_4687 = arith.constant 1280 : i32
        %mul3A_4688 = arith.muli %select_n3A_282, %mul3A_4687 : i32
        %mul3A_4689 = arith.constant 320 : i32
        %mul3A_4690 = arith.muli %scan3A_307, %mul3A_4689 : i32
        %add3A_4691 = arith.addi %mul3A_4688, %mul3A_4690 : i32
        %add3A_4692 = arith.constant 300 : i32
        %add3A_4693 = arith.addi %add3A_4691, %add3A_4692 : i32
        %add3A_4694 = arith.constant 0 : i32
        %add3A_4695 = arith.addi %add3A_4693, %add3A_4694 : i32
        %get3A_4696 = arith.index_cast %add3A_4695 : i32 to index
        %get3A_4697 = arith.constant 0 : index
        %get3A_4698 = tpu.vector_load %arg6[%get3A_4696, %get3A_4697] {strides = array<i32>} : memref<5120x16xf32, #tpu.memory_space<vmem>>, vector<1x16xf32>,
        %get3A_4699 = vector.shape_cast %get3A_4698 : vector<1x16xf32> to vector<16xf32>
        %add3A_4700 = arith.addf %broadcast_in_dim3A_5, %get3A_4699 : vector<16xf32>
        %mul3A_4701 = arith.constant 1280 : i32
        %mul3A_4702 = arith.muli %select_n3A_282, %mul3A_4701 : i32
        %mul3A_4703 = arith.constant 320 : i32
        %mul3A_4704 = arith.muli %scan3A_307, %mul3A_4703 : i32
        %add3A_4705 = arith.addi %mul3A_4702, %mul3A_4704 : i32
        %add3A_4706 = arith.constant 300 : i32
        %add3A_4707 = arith.addi %add3A_4705, %add3A_4706 : i32
        %add3A_4708 = arith.constant 1 : i32
        %add3A_4709 = arith.addi %add3A_4707, %add3A_4708 : i32
        %get3A_4710 = arith.index_cast %add3A_4709 : i32 to index
        %get3A_4711 = arith.constant 0 : index
        %get3A_4712 = tpu.vector_load %arg6[%get3A_4710, %get3A_4711] {strides = array<i32>} : memref<5120x16xf32, #tpu.memory_space<vmem>>, vector<1x16xf32>,
        %get3A_4713 = vector.shape_cast %get3A_4712 : vector<1x16xf32> to vector<16xf32>
        %add3A_4714 = arith.addf %add3A_4700, %get3A_4713 : vector<16xf32>
        %mul3A_4715 = arith.constant 1280 : i32
        %mul3A_4716 = arith.muli %select_n3A_282, %mul3A_4715 : i32
        %mul3A_4717 = arith.constant 320 : i32
        %mul3A_4718 = arith.muli %scan3A_307, %mul3A_4717 : i32
        %add3A_4719 = arith.addi %mul3A_4716, %mul3A_4718 : i32
        %add3A_4720 = arith.constant 300 : i32
        %add3A_4721 = arith.addi %add3A_4719, %add3A_4720 : i32
        %add3A_4722 = arith.constant 2 : i32
        %add3A_4723 = arith.addi %add3A_4721, %add3A_4722 : i32
        %get3A_4724 = arith.index_cast %add3A_4723 : i32 to index
        %get3A_4725 = arith.constant 0 : index
        %get3A_4726 = tpu.vector_load %arg6[%get3A_4724, %get3A_4725] {strides = array<i32>} : memref<5120x16xf32, #tpu.memory_space<vmem>>, vector<1x16xf32>,
        %get3A_4727 = vector.shape_cast %get3A_4726 : vector<1x16xf32> to vector<16xf32>
        %add3A_4728 = arith.addf %add3A_4714, %get3A_4727 : vector<16xf32>
        %mul3A_4729 = arith.constant 1280 : i32
        %mul3A_4730 = arith.muli %select_n3A_282, %mul3A_4729 : i32
        %mul3A_4731 = arith.constant 320 : i32
        %mul3A_4732 = arith.muli %scan3A_307, %mul3A_4731 : i32
        %add3A_4733 = arith.addi %mul3A_4730, %mul3A_4732 : i32
        %add3A_4734 = arith.constant 300 : i32
        %add3A_4735 = arith.addi %add3A_4733, %add3A_4734 : i32
        %add3A_4736 = arith.constant 3 : i32
        %add3A_4737 = arith.addi %add3A_4735, %add3A_4736 : i32
        %get3A_4738 = arith.index_cast %add3A_4737 : i32 to index
        %get3A_4739 = arith.constant 0 : index
        %get3A_4740 = tpu.vector_load %arg6[%get3A_4738, %get3A_4739] {strides = array<i32>} : memref<5120x16xf32, #tpu.memory_space<vmem>>, vector<1x16xf32>,
        %get3A_4741 = vector.shape_cast %get3A_4740 : vector<1x16xf32> to vector<16xf32>
        %add3A_4742 = arith.addf %add3A_4728, %get3A_4741 : vector<16xf32>
        %mul3A_4743 = arith.constant 1280 : i32
        %mul3A_4744 = arith.muli %select_n3A_282, %mul3A_4743 : i32
        %mul3A_4745 = arith.constant 320 : i32
        %mul3A_4746 = arith.muli %scan3A_307, %mul3A_4745 : i32
        %add3A_4747 = arith.addi %mul3A_4744, %mul3A_4746 : i32
        %add3A_4748 = arith.constant 300 : i32
        %add3A_4749 = arith.addi %add3A_4747, %add3A_4748 : i32
        %add3A_4750 = arith.constant 4 : i32
        %add3A_4751 = arith.addi %add3A_4749, %add3A_4750 : i32
        %get3A_4752 = arith.index_cast %add3A_4751 : i32 to index
        %get3A_4753 = arith.constant 0 : index
        %get3A_4754 = tpu.vector_load %arg6[%get3A_4752, %get3A_4753] {strides = array<i32>} : memref<5120x16xf32, #tpu.memory_space<vmem>>, vector<1x16xf32>,
        %get3A_4755 = vector.shape_cast %get3A_4754 : vector<1x16xf32> to vector<16xf32>
        %add3A_4756 = arith.addf %add3A_4742, %get3A_4755 : vector<16xf32>
        %mul3A_4757 = arith.constant 1280 : i32
        %mul3A_4758 = arith.muli %select_n3A_282, %mul3A_4757 : i32
        %mul3A_4759 = arith.constant 320 : i32
        %mul3A_4760 = arith.muli %scan3A_307, %mul3A_4759 : i32
        %add3A_4761 = arith.addi %mul3A_4758, %mul3A_4760 : i32
        %add3A_4762 = arith.constant 300 : i32
        %add3A_4763 = arith.addi %add3A_4761, %add3A_4762 : i32
        %add3A_4764 = arith.constant 5 : i32
        %add3A_4765 = arith.addi %add3A_4763, %add3A_4764 : i32
        %get3A_4766 = arith.index_cast %add3A_4765 : i32 to index
        %get3A_4767 = arith.constant 0 : index
        %get3A_4768 = tpu.vector_load %arg6[%get3A_4766, %get3A_4767] {strides = array<i32>} : memref<5120x16xf32, #tpu.memory_space<vmem>>, vector<1x16xf32>,
        %get3A_4769 = vector.shape_cast %get3A_4768 : vector<1x16xf32> to vector<16xf32>
        %add3A_4770 = arith.addf %add3A_4756, %get3A_4769 : vector<16xf32>
        %mul3A_4771 = arith.constant 1280 : i32
        %mul3A_4772 = arith.muli %select_n3A_282, %mul3A_4771 : i32
        %mul3A_4773 = arith.constant 320 : i32
        %mul3A_4774 = arith.muli %scan3A_307, %mul3A_4773 : i32
        %add3A_4775 = arith.addi %mul3A_4772, %mul3A_4774 : i32
        %add3A_4776 = arith.constant 300 : i32
        %add3A_4777 = arith.addi %add3A_4775, %add3A_4776 : i32
        %add3A_4778 = arith.constant 6 : i32
        %add3A_4779 = arith.addi %add3A_4777, %add3A_4778 : i32
        %get3A_4780 = arith.index_cast %add3A_4779 : i32 to index
        %get3A_4781 = arith.constant 0 : index
        %get3A_4782 = tpu.vector_load %arg6[%get3A_4780, %get3A_4781] {strides = array<i32>} : memref<5120x16xf32, #tpu.memory_space<vmem>>, vector<1x16xf32>,
        %get3A_4783 = vector.shape_cast %get3A_4782 : vector<1x16xf32> to vector<16xf32>
        %add3A_4784 = arith.addf %add3A_4770, %get3A_4783 : vector<16xf32>
        %mul3A_4785 = arith.constant 1280 : i32
        %mul3A_4786 = arith.muli %select_n3A_282, %mul3A_4785 : i32
        %mul3A_4787 = arith.constant 320 : i32
        %mul3A_4788 = arith.muli %scan3A_307, %mul3A_4787 : i32
        %add3A_4789 = arith.addi %mul3A_4786, %mul3A_4788 : i32
        %add3A_4790 = arith.constant 300 : i32
        %add3A_4791 = arith.addi %add3A_4789, %add3A_4790 : i32
        %add3A_4792 = arith.constant 7 : i32
        %add3A_4793 = arith.addi %add3A_4791, %add3A_4792 : i32
        %get3A_4794 = arith.index_cast %add3A_4793 : i32 to index
        %get3A_4795 = arith.constant 0 : index
        %get3A_4796 = tpu.vector_load %arg6[%get3A_4794, %get3A_4795] {strides = array<i32>} : memref<5120x16xf32, #tpu.memory_space<vmem>>, vector<1x16xf32>,
        %get3A_4797 = vector.shape_cast %get3A_4796 : vector<1x16xf32> to vector<16xf32>
        %add3A_4798 = arith.addf %add3A_4784, %get3A_4797 : vector<16xf32>
        %mul3A_4799 = arith.constant 1280 : i32
        %mul3A_4800 = arith.muli %select_n3A_282, %mul3A_4799 : i32
        %mul3A_4801 = arith.constant 320 : i32
        %mul3A_4802 = arith.muli %scan3A_307, %mul3A_4801 : i32
        %add3A_4803 = arith.addi %mul3A_4800, %mul3A_4802 : i32
        %add3A_4804 = arith.constant 300 : i32
        %add3A_4805 = arith.addi %add3A_4803, %add3A_4804 : i32
        %add3A_4806 = arith.constant 8 : i32
        %add3A_4807 = arith.addi %add3A_4805, %add3A_4806 : i32
        %get3A_4808 = arith.index_cast %add3A_4807 : i32 to index
        %get3A_4809 = arith.constant 0 : index
        %get3A_4810 = tpu.vector_load %arg6[%get3A_4808, %get3A_4809] {strides = array<i32>} : memref<5120x16xf32, #tpu.memory_space<vmem>>, vector<1x16xf32>,
        %get3A_4811 = vector.shape_cast %get3A_4810 : vector<1x16xf32> to vector<16xf32>
        %add3A_4812 = arith.addf %add3A_4798, %get3A_4811 : vector<16xf32>
        %mul3A_4813 = arith.constant 1280 : i32
        %mul3A_4814 = arith.muli %select_n3A_282, %mul3A_4813 : i32
        %mul3A_4815 = arith.constant 320 : i32
        %mul3A_4816 = arith.muli %scan3A_307, %mul3A_4815 : i32
        %add3A_4817 = arith.addi %mul3A_4814, %mul3A_4816 : i32
        %add3A_4818 = arith.constant 300 : i32
        %add3A_4819 = arith.addi %add3A_4817, %add3A_4818 : i32
        %add3A_4820 = arith.constant 9 : i32
        %add3A_4821 = arith.addi %add3A_4819, %add3A_4820 : i32
        %get3A_4822 = arith.index_cast %add3A_4821 : i32 to index
        %get3A_4823 = arith.constant 0 : index
        %get3A_4824 = tpu.vector_load %arg6[%get3A_4822, %get3A_4823] {strides = array<i32>} : memref<5120x16xf32, #tpu.memory_space<vmem>>, vector<1x16xf32>,
        %get3A_4825 = vector.shape_cast %get3A_4824 : vector<1x16xf32> to vector<16xf32>
        %add3A_4826 = arith.addf %add3A_4812, %get3A_4825 : vector<16xf32>
        %mul3A_4827 = arith.constant 1280 : i32
        %mul3A_4828 = arith.muli %select_n3A_282, %mul3A_4827 : i32
        %mul3A_4829 = arith.constant 320 : i32
        %mul3A_4830 = arith.muli %scan3A_307, %mul3A_4829 : i32
        %add3A_4831 = arith.addi %mul3A_4828, %mul3A_4830 : i32
        %add3A_4832 = arith.constant 300 : i32
        %add3A_4833 = arith.addi %add3A_4831, %add3A_4832 : i32
        %add3A_4834 = arith.constant 10 : i32
        %add3A_4835 = arith.addi %add3A_4833, %add3A_4834 : i32
        %get3A_4836 = arith.index_cast %add3A_4835 : i32 to index
        %get3A_4837 = arith.constant 0 : index
        %get3A_4838 = tpu.vector_load %arg6[%get3A_4836, %get3A_4837] {strides = array<i32>} : memref<5120x16xf32, #tpu.memory_space<vmem>>, vector<1x16xf32>,
        %get3A_4839 = vector.shape_cast %get3A_4838 : vector<1x16xf32> to vector<16xf32>
        %add3A_4840 = arith.addf %add3A_4826, %get3A_4839 : vector<16xf32>
        %mul3A_4841 = arith.constant 1280 : i32
        %mul3A_4842 = arith.muli %select_n3A_282, %mul3A_4841 : i32
        %mul3A_4843 = arith.constant 320 : i32
        %mul3A_4844 = arith.muli %scan3A_307, %mul3A_4843 : i32
        %add3A_4845 = arith.addi %mul3A_4842, %mul3A_4844 : i32
        %add3A_4846 = arith.constant 300 : i32
        %add3A_4847 = arith.addi %add3A_4845, %add3A_4846 : i32
        %add3A_4848 = arith.constant 11 : i32
        %add3A_4849 = arith.addi %add3A_4847, %add3A_4848 : i32
        %get3A_4850 = arith.index_cast %add3A_4849 : i32 to index
        %get3A_4851 = arith.constant 0 : index
        %get3A_4852 = tpu.vector_load %arg6[%get3A_4850, %get3A_4851] {strides = array<i32>} : memref<5120x16xf32, #tpu.memory_space<vmem>>, vector<1x16xf32>,
        %get3A_4853 = vector.shape_cast %get3A_4852 : vector<1x16xf32> to vector<16xf32>
        %add3A_4854 = arith.addf %add3A_4840, %get3A_4853 : vector<16xf32>
        %mul3A_4855 = arith.constant 1280 : i32
        %mul3A_4856 = arith.muli %select_n3A_282, %mul3A_4855 : i32
        %mul3A_4857 = arith.constant 320 : i32
        %mul3A_4858 = arith.muli %scan3A_307, %mul3A_4857 : i32
        %add3A_4859 = arith.addi %mul3A_4856, %mul3A_4858 : i32
        %add3A_4860 = arith.constant 300 : i32
        %add3A_4861 = arith.addi %add3A_4859, %add3A_4860 : i32
        %add3A_4862 = arith.constant 12 : i32
        %add3A_4863 = arith.addi %add3A_4861, %add3A_4862 : i32
        %get3A_4864 = arith.index_cast %add3A_4863 : i32 to index
        %get3A_4865 = arith.constant 0 : index
        %get3A_4866 = tpu.vector_load %arg6[%get3A_4864, %get3A_4865] {strides = array<i32>} : memref<5120x16xf32, #tpu.memory_space<vmem>>, vector<1x16xf32>,
        %get3A_4867 = vector.shape_cast %get3A_4866 : vector<1x16xf32> to vector<16xf32>
        %add3A_4868 = arith.addf %add3A_4854, %get3A_4867 : vector<16xf32>
        %mul3A_4869 = arith.constant 1280 : i32
        %mul3A_4870 = arith.muli %select_n3A_282, %mul3A_4869 : i32
        %mul3A_4871 = arith.constant 320 : i32
        %mul3A_4872 = arith.muli %scan3A_307, %mul3A_4871 : i32
        %add3A_4873 = arith.addi %mul3A_4870, %mul3A_4872 : i32
        %add3A_4874 = arith.constant 300 : i32
        %add3A_4875 = arith.addi %add3A_4873, %add3A_4874 : i32
        %add3A_4876 = arith.constant 13 : i32
        %add3A_4877 = arith.addi %add3A_4875, %add3A_4876 : i32
        %get3A_4878 = arith.index_cast %add3A_4877 : i32 to index
        %get3A_4879 = arith.constant 0 : index
        %get3A_4880 = tpu.vector_load %arg6[%get3A_4878, %get3A_4879] {strides = array<i32>} : memref<5120x16xf32, #tpu.memory_space<vmem>>, vector<1x16xf32>,
        %get3A_4881 = vector.shape_cast %get3A_4880 : vector<1x16xf32> to vector<16xf32>
        %add3A_4882 = arith.addf %add3A_4868, %get3A_4881 : vector<16xf32>
        %mul3A_4883 = arith.constant 1280 : i32
        %mul3A_4884 = arith.muli %select_n3A_282, %mul3A_4883 : i32
        %mul3A_4885 = arith.constant 320 : i32
        %mul3A_4886 = arith.muli %scan3A_307, %mul3A_4885 : i32
        %add3A_4887 = arith.addi %mul3A_4884, %mul3A_4886 : i32
        %add3A_4888 = arith.constant 300 : i32
        %add3A_4889 = arith.addi %add3A_4887, %add3A_4888 : i32
        %add3A_4890 = arith.constant 14 : i32
        %add3A_4891 = arith.addi %add3A_4889, %add3A_4890 : i32
        %get3A_4892 = arith.index_cast %add3A_4891 : i32 to index
        %get3A_4893 = arith.constant 0 : index
        %get3A_4894 = tpu.vector_load %arg6[%get3A_4892, %get3A_4893] {strides = array<i32>} : memref<5120x16xf32, #tpu.memory_space<vmem>>, vector<1x16xf32>,
        %get3A_4895 = vector.shape_cast %get3A_4894 : vector<1x16xf32> to vector<16xf32>
        %add3A_4896 = arith.addf %add3A_4882, %get3A_4895 : vector<16xf32>
        %mul3A_4897 = arith.constant 1280 : i32
        %mul3A_4898 = arith.muli %select_n3A_282, %mul3A_4897 : i32
        %mul3A_4899 = arith.constant 320 : i32
        %mul3A_4900 = arith.muli %scan3A_307, %mul3A_4899 : i32
        %add3A_4901 = arith.addi %mul3A_4898, %mul3A_4900 : i32
        %add3A_4902 = arith.constant 300 : i32
        %add3A_4903 = arith.addi %add3A_4901, %add3A_4902 : i32
        %add3A_4904 = arith.constant 15 : i32
        %add3A_4905 = arith.addi %add3A_4903, %add3A_4904 : i32
        %get3A_4906 = arith.index_cast %add3A_4905 : i32 to index
        %get3A_4907 = arith.constant 0 : index
        %get3A_4908 = tpu.vector_load %arg6[%get3A_4906, %get3A_4907] {strides = array<i32>} : memref<5120x16xf32, #tpu.memory_space<vmem>>, vector<1x16xf32>,
        %get3A_4909 = vector.shape_cast %get3A_4908 : vector<1x16xf32> to vector<16xf32>
        %add3A_4910 = arith.addf %add3A_4896, %get3A_4909 : vector<16xf32>
        %mul3A_4911 = arith.constant 1280 : i32
        %mul3A_4912 = arith.muli %select_n3A_282, %mul3A_4911 : i32
        %mul3A_4913 = arith.constant 320 : i32
        %mul3A_4914 = arith.muli %scan3A_307, %mul3A_4913 : i32
        %add3A_4915 = arith.addi %mul3A_4912, %mul3A_4914 : i32
        %add3A_4916 = arith.constant 300 : i32
        %add3A_4917 = arith.addi %add3A_4915, %add3A_4916 : i32
        %add3A_4918 = arith.constant 16 : i32
        %add3A_4919 = arith.addi %add3A_4917, %add3A_4918 : i32
        %get3A_4920 = arith.index_cast %add3A_4919 : i32 to index
        %get3A_4921 = arith.constant 0 : index
        %get3A_4922 = tpu.vector_load %arg6[%get3A_4920, %get3A_4921] {strides = array<i32>} : memref<5120x16xf32, #tpu.memory_space<vmem>>, vector<1x16xf32>,
        %get3A_4923 = vector.shape_cast %get3A_4922 : vector<1x16xf32> to vector<16xf32>
        %add3A_4924 = arith.addf %add3A_4910, %get3A_4923 : vector<16xf32>
        %mul3A_4925 = arith.constant 1280 : i32
        %mul3A_4926 = arith.muli %select_n3A_282, %mul3A_4925 : i32
        %mul3A_4927 = arith.constant 320 : i32
        %mul3A_4928 = arith.muli %scan3A_307, %mul3A_4927 : i32
        %add3A_4929 = arith.addi %mul3A_4926, %mul3A_4928 : i32
        %add3A_4930 = arith.constant 300 : i32
        %add3A_4931 = arith.addi %add3A_4929, %add3A_4930 : i32
        %add3A_4932 = arith.constant 17 : i32
        %add3A_4933 = arith.addi %add3A_4931, %add3A_4932 : i32
        %get3A_4934 = arith.index_cast %add3A_4933 : i32 to index
        %get3A_4935 = arith.constant 0 : index
        %get3A_4936 = tpu.vector_load %arg6[%get3A_4934, %get3A_4935] {strides = array<i32>} : memref<5120x16xf32, #tpu.memory_space<vmem>>, vector<1x16xf32>,
        %get3A_4937 = vector.shape_cast %get3A_4936 : vector<1x16xf32> to vector<16xf32>
        %add3A_4938 = arith.addf %add3A_4924, %get3A_4937 : vector<16xf32>
        %mul3A_4939 = arith.constant 1280 : i32
        %mul3A_4940 = arith.muli %select_n3A_282, %mul3A_4939 : i32
        %mul3A_4941 = arith.constant 320 : i32
        %mul3A_4942 = arith.muli %scan3A_307, %mul3A_4941 : i32
        %add3A_4943 = arith.addi %mul3A_4940, %mul3A_4942 : i32
        %add3A_4944 = arith.constant 300 : i32
        %add3A_4945 = arith.addi %add3A_4943, %add3A_4944 : i32
        %add3A_4946 = arith.constant 18 : i32
        %add3A_4947 = arith.addi %add3A_4945, %add3A_4946 : i32
        %get3A_4948 = arith.index_cast %add3A_4947 : i32 to index
        %get3A_4949 = arith.constant 0 : index
        %get3A_4950 = tpu.vector_load %arg6[%get3A_4948, %get3A_4949] {strides = array<i32>} : memref<5120x16xf32, #tpu.memory_space<vmem>>, vector<1x16xf32>,
        %get3A_4951 = vector.shape_cast %get3A_4950 : vector<1x16xf32> to vector<16xf32>
        %add3A_4952 = arith.addf %add3A_4938, %get3A_4951 : vector<16xf32>
        %mul3A_4953 = arith.constant 1280 : i32
        %mul3A_4954 = arith.muli %select_n3A_282, %mul3A_4953 : i32
        %mul3A_4955 = arith.constant 320 : i32
        %mul3A_4956 = arith.muli %scan3A_307, %mul3A_4955 : i32
        %add3A_4957 = arith.addi %mul3A_4954, %mul3A_4956 : i32
        %add3A_4958 = arith.constant 300 : i32
        %add3A_4959 = arith.addi %add3A_4957, %add3A_4958 : i32
        %add3A_4960 = arith.constant 19 : i32
        %add3A_4961 = arith.addi %add3A_4959, %add3A_4960 : i32
        %get3A_4962 = arith.index_cast %add3A_4961 : i32 to index
        %get3A_4963 = arith.constant 0 : index
        %get3A_4964 = tpu.vector_load %arg6[%get3A_4962, %get3A_4963] {strides = array<i32>} : memref<5120x16xf32, #tpu.memory_space<vmem>>, vector<1x16xf32>,
        %get3A_4965 = vector.shape_cast %get3A_4964 : vector<1x16xf32> to vector<16xf32>
        %add3A_4966 = arith.addf %add3A_4952, %get3A_4965 : vector<16xf32>
        %mul3A_4967 = arith.constant 8 : i32
        %mul3A_4968 = arith.muli %scan3A_267, %mul3A_4967 : i32
        %mul3A_4969 = arith.constant 2 : i32
        %mul3A_4970 = arith.muli %scan3A_307, %mul3A_4969 : i32
        %add3A_4971 = arith.addi %mul3A_4968, %mul3A_4970 : i32
        %add3A_4972 = arith.constant 1 : i32
        %add3A_4973 = arith.addi %add3A_4971, %add3A_4972 : i32
        %swap3A_4974 = arith.index_cast %add3A_4973 : i32 to index
        %swap3A_4975 = arith.constant 112 : index
        %swap3A_4976 = tpu.vector_load %arg7[%swap3A_4974, %swap3A_4975] {strides = array<i32>} : memref<64x128xf32, #tpu.memory_space<vmem>>, vector<1x16xf32>,
        %swap3A_4977 = vector.shape_cast %swap3A_4976 : vector<1x16xf32> to vector<16xf32>
        %swap3A_4978 = vector.shape_cast %add3A_4966 : vector<16xf32> to vector<1x16xf32>
        tpu.vector_store %arg7[%swap3A_4974, %swap3A_4975], %swap3A_4978 {strides = array<i32>} : memref<64x128xf32, #tpu.memory_space<vmem>>, vector<1x16xf32>,
        %scan3A_4979 = arith.constant 0 : i32
        scf.yield %scan3A_4979 : i32
      }
      %scan3A_305 = arith.constant 4 : i32
      %scan3A_306 = arith.constant 0 : i32
      scf.yield %scan3A_306 : i32
    }
    %scan3A_250 = arith.constant 8 : i32
    %jit3A = arith.constant 8 : i32
    %div3A = arith.divsi %mul3A_2, %jit3A : i32
    %sign3A = arith.constant 0 : i32
    %sign3A_251 = arith.cmpi sgt, %mul3A_2, %sign3A : i32
    %sign3A_252 = arith.extui %sign3A_251 : i1 to i32
    %sign3A_253 = arith.constant 0 : i32
    %sign3A_254 = arith.cmpi slt, %mul3A_2, %sign3A_253 : i32
    %sign3A_255 = arith.extui %sign3A_254 : i1 to i32
    %sign3A_256 = arith.subi %sign3A_252, %sign3A_255 : i32
    %sign3A_257 = arith.constant 0 : i32
    %sign3A_258 = arith.cmpi sgt, %jit3A, %sign3A_257 : i32
    %sign3A_259 = arith.extui %sign3A_258 : i1 to i32
    %sign3A_260 = arith.constant 0 : i32
    %sign3A_261 = arith.cmpi slt, %jit3A, %sign3A_260 : i32
    %sign3A_262 = arith.extui %sign3A_261 : i1 to i32
    %sign3A_263 = arith.subi %sign3A_259, %sign3A_262 : i32
    %ne3A = arith.cmpi ne, %sign3A_256, %sign3A_263 : i32
    %rem3A = arith.remsi %mul3A_2, %jit3A : i32
    %ne3A_264 = arith.constant 0 : i32
    %ne3A_265 = arith.cmpi ne, %rem3A, %ne3A_264 : i32
    %and3A = arith.andi %ne3A, %ne3A_265 : i1
    %sub3A = arith.constant 1 : i32
    %sub3A_266 = arith.subi %div3A, %sub3A : i32
    %select_n3A = arith.select %and3A, %sub3A_266, %div3A : i32
    "tpu.region"() ({
      %run_scoped3A = tpu.sem_alloc : memref<!tpu.dma_semaphore, #tpu.memory_space<semaphore_mem>>
      %dma_start3A_267 = arith.constant 0 : i32
      %dma_start3A_268 = tpu.memref_slice %arg4[%select_n3A, %dma_start3A_267] : memref<2048x128xf32, #tpu.memory_space<hbm>> -> memref<64x128xf32, #tpu.memory_space<hbm>>
      %dma_start3A_269 = arith.constant 0 : i32
      %dma_start3A_270 = tpu.memref_slice %arg4[%select_n3A, %dma_start3A_269] : memref<2048x128xf32, #tpu.memory_space<hbm>> -> memref<64x128xf32, #tpu.memory_space<hbm>>
      tpu.enqueue_dma source(%arg7 : memref<64x128xf32, #tpu.memory_space<vmem>>) target(%dma_start3A_270 : memref<64x128xf32, #tpu.memory_space<hbm>>) target_semaphore(%run_scoped3A : memref<!tpu.dma_semaphore, #tpu.memory_space<semaphore_mem>>)
      %dma_wait3A = arith.constant 0 : i32
      %dma_wait3A_271 = tpu.memref_slice %arg4[%select_n3A, %dma_wait3A] : memref<2048x128xf32, #tpu.memory_space<hbm>> -> memref<64x128xf32, #tpu.memory_space<hbm>>
      %dma_wait3A_272 = arith.constant 0 : i32
      %dma_wait3A_273 = tpu.memref_slice %arg4[%select_n3A, %dma_wait3A_272] : memref<2048x128xf32, #tpu.memory_space<hbm>> -> memref<64x128xf32, #tpu.memory_space<hbm>>
      tpu.wait_dma2 semaphore(%run_scoped3A : memref<!tpu.dma_semaphore, #tpu.memory_space<semaphore_mem>>) src(%arg7 : memref<64x128xf32, #tpu.memory_space<vmem>>) dst(%dma_wait3A_273 : memref<64x128xf32, #tpu.memory_space<hbm>>)
      tpu.yield
    }) : () -> ()
    return
  }
}

module attributes {stable_mosaic.version = 14 : i64} {
  func.func @_t2_body(%arg0: i32, %arg1: memref<1280x128xf32, #tpu.memory_space<vmem>>, %arg2: memref<20x16x16xf32, #tpu.memory_space<vmem>>, %arg3: memref<25600x128xf32, #tpu.memory_space<vmem>>) attributes {dimension_semantics = [#tpu.dimension_semantics<arbitrary>], iteration_bounds = array<i64: 1>, scalar_prefetch = 0 : i64, scratch_operands = 0 : i64, tpu.core_type = #tpu.core_type<tc>, window_params = [{pipeline_mode = #tpu.pipeline_mode<synchronous>, transform_indices = @transform_0, window_bounds = array<i64: 1280, 128>}, {pipeline_mode = #tpu.pipeline_mode<synchronous>, transform_indices = @transform_1, window_bounds = array<i64: 20, 16, 16>}, {pipeline_mode = #tpu.pipeline_mode<synchronous>, transform_indices = @transform_2, window_bounds = array<i64: 25600, 128>}]} {
    %get3A = arith.constant 0 : index
    %get3A_0 = arith.constant 0 : index
    %get3A_1 = vector.load %arg1[%get3A, %get3A_0] : memref<1280x128xf32, #tpu.memory_space<vmem>>, vector<1280x128xf32>
    %iota3A = tpu.iota {dimensions = array<i32: 0>} : vector<128x128xi32>
    %iota3A_2 = tpu.iota {dimensions = array<i32: 1>} : vector<128x128xi32>
    %jit3A = arith.constant 16 : i32
    %div3A = vector.broadcast %jit3A : i32 to vector<128x128xi32>
    %div3A_3 = arith.divsi %iota3A, %div3A : vector<128x128xi32>
    %sign3A = arith.constant 0 : i32
    %sign3A_4 = vector.broadcast %sign3A : i32 to vector<128x128xi32>
    %sign3A_5 = arith.cmpi sgt, %iota3A, %sign3A_4 : vector<128x128xi32>
    %sign3A_6 = arith.extui %sign3A_5 : vector<128x128xi1> to vector<128x128xi32>
    %sign3A_7 = arith.constant 0 : i32
    %sign3A_8 = vector.broadcast %sign3A_7 : i32 to vector<128x128xi32>
    %sign3A_9 = arith.cmpi slt, %iota3A, %sign3A_8 : vector<128x128xi32>
    %sign3A_10 = arith.extui %sign3A_9 : vector<128x128xi1> to vector<128x128xi32>
    %sign3A_11 = arith.subi %sign3A_6, %sign3A_10 : vector<128x128xi32>
    %sign3A_12 = arith.constant 0 : i32
    %sign3A_13 = arith.cmpi sgt, %jit3A, %sign3A_12 : i32
    %sign3A_14 = arith.extui %sign3A_13 : i1 to i32
    %sign3A_15 = arith.constant 0 : i32
    %sign3A_16 = arith.cmpi slt, %jit3A, %sign3A_15 : i32
    %sign3A_17 = arith.extui %sign3A_16 : i1 to i32
    %sign3A_18 = arith.subi %sign3A_14, %sign3A_17 : i32
    %ne3A = vector.broadcast %sign3A_18 : i32 to vector<128x128xi32>
    %ne3A_19 = arith.cmpi ne, %sign3A_11, %ne3A : vector<128x128xi32>
    %rem3A = vector.broadcast %jit3A : i32 to vector<128x128xi32>
    %rem3A_20 = arith.remsi %iota3A, %rem3A : vector<128x128xi32>
    %ne3A_21 = arith.constant 0 : i32
    %ne3A_22 = vector.broadcast %ne3A_21 : i32 to vector<128x128xi32>
    %ne3A_23 = arith.cmpi ne, %rem3A_20, %ne3A_22 : vector<128x128xi32>
    %and3A = arith.andi %ne3A_19, %ne3A_23 : vector<128x128xi1>
    %sub3A = arith.constant 1 : i32
    %sub3A_24 = vector.broadcast %sub3A : i32 to vector<128x128xi32>
    %sub3A_25 = arith.subi %div3A_3, %sub3A_24 : vector<128x128xi32>
    %select_n3A = arith.select %and3A, %sub3A_25, %div3A_3 : vector<128x128xi1>, vector<128x128xi32>
    %jit3A_26 = arith.constant 16 : i32
    %div3A_27 = vector.broadcast %jit3A_26 : i32 to vector<128x128xi32>
    %div3A_28 = arith.divsi %iota3A_2, %div3A_27 : vector<128x128xi32>
    %sign3A_29 = arith.constant 0 : i32
    %sign3A_30 = vector.broadcast %sign3A_29 : i32 to vector<128x128xi32>
    %sign3A_31 = arith.cmpi sgt, %iota3A_2, %sign3A_30 : vector<128x128xi32>
    %sign3A_32 = arith.extui %sign3A_31 : vector<128x128xi1> to vector<128x128xi32>
    %sign3A_33 = arith.constant 0 : i32
    %sign3A_34 = vector.broadcast %sign3A_33 : i32 to vector<128x128xi32>
    %sign3A_35 = arith.cmpi slt, %iota3A_2, %sign3A_34 : vector<128x128xi32>
    %sign3A_36 = arith.extui %sign3A_35 : vector<128x128xi1> to vector<128x128xi32>
    %sign3A_37 = arith.subi %sign3A_32, %sign3A_36 : vector<128x128xi32>
    %sign3A_38 = arith.constant 0 : i32
    %sign3A_39 = arith.cmpi sgt, %jit3A_26, %sign3A_38 : i32
    %sign3A_40 = arith.extui %sign3A_39 : i1 to i32
    %sign3A_41 = arith.constant 0 : i32
    %sign3A_42 = arith.cmpi slt, %jit3A_26, %sign3A_41 : i32
    %sign3A_43 = arith.extui %sign3A_42 : i1 to i32
    %sign3A_44 = arith.subi %sign3A_40, %sign3A_43 : i32
    %ne3A_45 = vector.broadcast %sign3A_44 : i32 to vector<128x128xi32>
    %ne3A_46 = arith.cmpi ne, %sign3A_37, %ne3A_45 : vector<128x128xi32>
    %rem3A_47 = vector.broadcast %jit3A_26 : i32 to vector<128x128xi32>
    %rem3A_48 = arith.remsi %iota3A_2, %rem3A_47 : vector<128x128xi32>
    %ne3A_49 = arith.constant 0 : i32
    %ne3A_50 = vector.broadcast %ne3A_49 : i32 to vector<128x128xi32>
    %ne3A_51 = arith.cmpi ne, %rem3A_48, %ne3A_50 : vector<128x128xi32>
    %and3A_52 = arith.andi %ne3A_46, %ne3A_51 : vector<128x128xi1>
    %sub3A_53 = arith.constant 1 : i32
    %sub3A_54 = vector.broadcast %sub3A_53 : i32 to vector<128x128xi32>
    %sub3A_55 = arith.subi %div3A_28, %sub3A_54 : vector<128x128xi32>
    %select_n3A_56 = arith.select %and3A_52, %sub3A_55, %div3A_28 : vector<128x128xi1>, vector<128x128xi32>
    %eq3A = arith.cmpi eq, %select_n3A, %select_n3A_56 : vector<128x128xi32>
    %get3A_57 = arith.constant 0 : index
    %get3A_58 = arith.constant 0 : index
    %get3A_59 = arith.constant 0 : index
    %get3A_60 = vector.load %arg2[%get3A_57, %get3A_58, %get3A_59] : memref<20x16x16xf32, #tpu.memory_space<vmem>>, vector<1x16x16xf32>
    %get3A_61 = vector.shape_cast %get3A_60 : vector<1x16x16xf32> to vector<16x16xf32>
    %tile3A = tpu.concatenate %get3A_61, %get3A_61, %get3A_61, %get3A_61, %get3A_61, %get3A_61, %get3A_61, %get3A_61 in 0 : vector<16x16xf32>, vector<16x16xf32>, vector<16x16xf32>, vector<16x16xf32>, vector<16x16xf32>, vector<16x16xf32>, vector<16x16xf32>, vector<16x16xf32> -> vector<128x16xf32>
    %tile3A_62 = tpu.concatenate %tile3A, %tile3A, %tile3A, %tile3A, %tile3A, %tile3A, %tile3A, %tile3A in 1 : vector<128x16xf32>, vector<128x16xf32>, vector<128x16xf32>, vector<128x16xf32>, vector<128x16xf32>, vector<128x16xf32>, vector<128x16xf32>, vector<128x16xf32> -> vector<128x128xf32>
    %jit3A_63 = arith.constant 0.000000e+00 : f32
    %broadcast_in_dim3A = vector.broadcast %jit3A_63 : f32 to vector<128x128xf32>
    %select_n3A_64 = arith.select %eq3A, %tile3A_62, %broadcast_in_dim3A : vector<128x128xi1>, vector<128x128xf32>
    %dot_general3A = arith.constant dense<0.000000e+00> : vector<1280x128xf32>
    %dot_general3A_65 = tpu.matmul %get3A_1, %select_n3A_64, %dot_general3A {dimension_numbers = #tpu.dot_dimension_numbers<[1], [0], [0], [1], [0, 0, 1, 1], [], []>, transpose_lhs_hint = false} : vector<1280x128xf32>, vector<128x128xf32>, vector<1280x128xf32> -> vector<1280x128xf32>
    %swap3A = arith.constant 0 : index
    %swap3A_66 = arith.constant 0 : index
    %swap3A_67 = vector.load %arg3[%swap3A, %swap3A_66] : memref<25600x128xf32, #tpu.memory_space<vmem>>, vector<1280x128xf32>
    tpu.vector_store %arg3[%swap3A, %swap3A_66], %dot_general3A_65 {strides = array<i32>} : memref<25600x128xf32, #tpu.memory_space<vmem>>, vector<1280x128xf32>,
    %get3A_68 = arith.constant 1 : index
    %get3A_69 = arith.constant 0 : index
    %get3A_70 = arith.constant 0 : index
    %get3A_71 = vector.load %arg2[%get3A_68, %get3A_69, %get3A_70] : memref<20x16x16xf32, #tpu.memory_space<vmem>>, vector<1x16x16xf32>
    %get3A_72 = vector.shape_cast %get3A_71 : vector<1x16x16xf32> to vector<16x16xf32>
    %tile3A_73 = tpu.concatenate %get3A_72, %get3A_72, %get3A_72, %get3A_72, %get3A_72, %get3A_72, %get3A_72, %get3A_72 in 0 : vector<16x16xf32>, vector<16x16xf32>, vector<16x16xf32>, vector<16x16xf32>, vector<16x16xf32>, vector<16x16xf32>, vector<16x16xf32>, vector<16x16xf32> -> vector<128x16xf32>
    %tile3A_74 = tpu.concatenate %tile3A_73, %tile3A_73, %tile3A_73, %tile3A_73, %tile3A_73, %tile3A_73, %tile3A_73, %tile3A_73 in 1 : vector<128x16xf32>, vector<128x16xf32>, vector<128x16xf32>, vector<128x16xf32>, vector<128x16xf32>, vector<128x16xf32>, vector<128x16xf32>, vector<128x16xf32> -> vector<128x128xf32>
    %jit3A_75 = arith.constant 0.000000e+00 : f32
    %broadcast_in_dim3A_76 = vector.broadcast %jit3A_75 : f32 to vector<128x128xf32>
    %select_n3A_77 = arith.select %eq3A, %tile3A_74, %broadcast_in_dim3A_76 : vector<128x128xi1>, vector<128x128xf32>
    %dot_general3A_78 = arith.constant dense<0.000000e+00> : vector<1280x128xf32>
    %dot_general3A_79 = tpu.matmul %get3A_1, %select_n3A_77, %dot_general3A_78 {dimension_numbers = #tpu.dot_dimension_numbers<[1], [0], [0], [1], [0, 0, 1, 1], [], []>, transpose_lhs_hint = false} : vector<1280x128xf32>, vector<128x128xf32>, vector<1280x128xf32> -> vector<1280x128xf32>
    %swap3A_80 = arith.constant 1280 : index
    %swap3A_81 = arith.constant 0 : index
    %swap3A_82 = vector.load %arg3[%swap3A_80, %swap3A_81] : memref<25600x128xf32, #tpu.memory_space<vmem>>, vector<1280x128xf32>
    tpu.vector_store %arg3[%swap3A_80, %swap3A_81], %dot_general3A_79 {strides = array<i32>} : memref<25600x128xf32, #tpu.memory_space<vmem>>, vector<1280x128xf32>,
    %get3A_83 = arith.constant 2 : index
    %get3A_84 = arith.constant 0 : index
    %get3A_85 = arith.constant 0 : index
    %get3A_86 = vector.load %arg2[%get3A_83, %get3A_84, %get3A_85] : memref<20x16x16xf32, #tpu.memory_space<vmem>>, vector<1x16x16xf32>
    %get3A_87 = vector.shape_cast %get3A_86 : vector<1x16x16xf32> to vector<16x16xf32>
    %tile3A_88 = tpu.concatenate %get3A_87, %get3A_87, %get3A_87, %get3A_87, %get3A_87, %get3A_87, %get3A_87, %get3A_87 in 0 : vector<16x16xf32>, vector<16x16xf32>, vector<16x16xf32>, vector<16x16xf32>, vector<16x16xf32>, vector<16x16xf32>, vector<16x16xf32>, vector<16x16xf32> -> vector<128x16xf32>
    %tile3A_89 = tpu.concatenate %tile3A_88, %tile3A_88, %tile3A_88, %tile3A_88, %tile3A_88, %tile3A_88, %tile3A_88, %tile3A_88 in 1 : vector<128x16xf32>, vector<128x16xf32>, vector<128x16xf32>, vector<128x16xf32>, vector<128x16xf32>, vector<128x16xf32>, vector<128x16xf32>, vector<128x16xf32> -> vector<128x128xf32>
    %jit3A_90 = arith.constant 0.000000e+00 : f32
    %broadcast_in_dim3A_91 = vector.broadcast %jit3A_90 : f32 to vector<128x128xf32>
    %select_n3A_92 = arith.select %eq3A, %tile3A_89, %broadcast_in_dim3A_91 : vector<128x128xi1>, vector<128x128xf32>
    %dot_general3A_93 = arith.constant dense<0.000000e+00> : vector<1280x128xf32>
    %dot_general3A_94 = tpu.matmul %get3A_1, %select_n3A_92, %dot_general3A_93 {dimension_numbers = #tpu.dot_dimension_numbers<[1], [0], [0], [1], [0, 0, 1, 1], [], []>, transpose_lhs_hint = false} : vector<1280x128xf32>, vector<128x128xf32>, vector<1280x128xf32> -> vector<1280x128xf32>
    %swap3A_95 = arith.constant 2560 : index
    %swap3A_96 = arith.constant 0 : index
    %swap3A_97 = vector.load %arg3[%swap3A_95, %swap3A_96] : memref<25600x128xf32, #tpu.memory_space<vmem>>, vector<1280x128xf32>
    tpu.vector_store %arg3[%swap3A_95, %swap3A_96], %dot_general3A_94 {strides = array<i32>} : memref<25600x128xf32, #tpu.memory_space<vmem>>, vector<1280x128xf32>,
    %get3A_98 = arith.constant 3 : index
    %get3A_99 = arith.constant 0 : index
    %get3A_100 = arith.constant 0 : index
    %get3A_101 = vector.load %arg2[%get3A_98, %get3A_99, %get3A_100] : memref<20x16x16xf32, #tpu.memory_space<vmem>>, vector<1x16x16xf32>
    %get3A_102 = vector.shape_cast %get3A_101 : vector<1x16x16xf32> to vector<16x16xf32>
    %tile3A_103 = tpu.concatenate %get3A_102, %get3A_102, %get3A_102, %get3A_102, %get3A_102, %get3A_102, %get3A_102, %get3A_102 in 0 : vector<16x16xf32>, vector<16x16xf32>, vector<16x16xf32>, vector<16x16xf32>, vector<16x16xf32>, vector<16x16xf32>, vector<16x16xf32>, vector<16x16xf32> -> vector<128x16xf32>
    %tile3A_104 = tpu.concatenate %tile3A_103, %tile3A_103, %tile3A_103, %tile3A_103, %tile3A_103, %tile3A_103, %tile3A_103, %tile3A_103 in 1 : vector<128x16xf32>, vector<128x16xf32>, vector<128x16xf32>, vector<128x16xf32>, vector<128x16xf32>, vector<128x16xf32>, vector<128x16xf32>, vector<128x16xf32> -> vector<128x128xf32>
    %jit3A_105 = arith.constant 0.000000e+00 : f32
    %broadcast_in_dim3A_106 = vector.broadcast %jit3A_105 : f32 to vector<128x128xf32>
    %select_n3A_107 = arith.select %eq3A, %tile3A_104, %broadcast_in_dim3A_106 : vector<128x128xi1>, vector<128x128xf32>
    %dot_general3A_108 = arith.constant dense<0.000000e+00> : vector<1280x128xf32>
    %dot_general3A_109 = tpu.matmul %get3A_1, %select_n3A_107, %dot_general3A_108 {dimension_numbers = #tpu.dot_dimension_numbers<[1], [0], [0], [1], [0, 0, 1, 1], [], []>, transpose_lhs_hint = false} : vector<1280x128xf32>, vector<128x128xf32>, vector<1280x128xf32> -> vector<1280x128xf32>
    %swap3A_110 = arith.constant 3840 : index
    %swap3A_111 = arith.constant 0 : index
    %swap3A_112 = vector.load %arg3[%swap3A_110, %swap3A_111] : memref<25600x128xf32, #tpu.memory_space<vmem>>, vector<1280x128xf32>
    tpu.vector_store %arg3[%swap3A_110, %swap3A_111], %dot_general3A_109 {strides = array<i32>} : memref<25600x128xf32, #tpu.memory_space<vmem>>, vector<1280x128xf32>,
    %get3A_113 = arith.constant 4 : index
    %get3A_114 = arith.constant 0 : index
    %get3A_115 = arith.constant 0 : index
    %get3A_116 = vector.load %arg2[%get3A_113, %get3A_114, %get3A_115] : memref<20x16x16xf32, #tpu.memory_space<vmem>>, vector<1x16x16xf32>
    %get3A_117 = vector.shape_cast %get3A_116 : vector<1x16x16xf32> to vector<16x16xf32>
    %tile3A_118 = tpu.concatenate %get3A_117, %get3A_117, %get3A_117, %get3A_117, %get3A_117, %get3A_117, %get3A_117, %get3A_117 in 0 : vector<16x16xf32>, vector<16x16xf32>, vector<16x16xf32>, vector<16x16xf32>, vector<16x16xf32>, vector<16x16xf32>, vector<16x16xf32>, vector<16x16xf32> -> vector<128x16xf32>
    %tile3A_119 = tpu.concatenate %tile3A_118, %tile3A_118, %tile3A_118, %tile3A_118, %tile3A_118, %tile3A_118, %tile3A_118, %tile3A_118 in 1 : vector<128x16xf32>, vector<128x16xf32>, vector<128x16xf32>, vector<128x16xf32>, vector<128x16xf32>, vector<128x16xf32>, vector<128x16xf32>, vector<128x16xf32> -> vector<128x128xf32>
    %jit3A_120 = arith.constant 0.000000e+00 : f32
    %broadcast_in_dim3A_121 = vector.broadcast %jit3A_120 : f32 to vector<128x128xf32>
    %select_n3A_122 = arith.select %eq3A, %tile3A_119, %broadcast_in_dim3A_121 : vector<128x128xi1>, vector<128x128xf32>
    %dot_general3A_123 = arith.constant dense<0.000000e+00> : vector<1280x128xf32>
    %dot_general3A_124 = tpu.matmul %get3A_1, %select_n3A_122, %dot_general3A_123 {dimension_numbers = #tpu.dot_dimension_numbers<[1], [0], [0], [1], [0, 0, 1, 1], [], []>, transpose_lhs_hint = false} : vector<1280x128xf32>, vector<128x128xf32>, vector<1280x128xf32> -> vector<1280x128xf32>
    %swap3A_125 = arith.constant 5120 : index
    %swap3A_126 = arith.constant 0 : index
    %swap3A_127 = vector.load %arg3[%swap3A_125, %swap3A_126] : memref<25600x128xf32, #tpu.memory_space<vmem>>, vector<1280x128xf32>
    tpu.vector_store %arg3[%swap3A_125, %swap3A_126], %dot_general3A_124 {strides = array<i32>} : memref<25600x128xf32, #tpu.memory_space<vmem>>, vector<1280x128xf32>,
    %get3A_128 = arith.constant 5 : index
    %get3A_129 = arith.constant 0 : index
    %get3A_130 = arith.constant 0 : index
    %get3A_131 = vector.load %arg2[%get3A_128, %get3A_129, %get3A_130] : memref<20x16x16xf32, #tpu.memory_space<vmem>>, vector<1x16x16xf32>
    %get3A_132 = vector.shape_cast %get3A_131 : vector<1x16x16xf32> to vector<16x16xf32>
    %tile3A_133 = tpu.concatenate %get3A_132, %get3A_132, %get3A_132, %get3A_132, %get3A_132, %get3A_132, %get3A_132, %get3A_132 in 0 : vector<16x16xf32>, vector<16x16xf32>, vector<16x16xf32>, vector<16x16xf32>, vector<16x16xf32>, vector<16x16xf32>, vector<16x16xf32>, vector<16x16xf32> -> vector<128x16xf32>
    %tile3A_134 = tpu.concatenate %tile3A_133, %tile3A_133, %tile3A_133, %tile3A_133, %tile3A_133, %tile3A_133, %tile3A_133, %tile3A_133 in 1 : vector<128x16xf32>, vector<128x16xf32>, vector<128x16xf32>, vector<128x16xf32>, vector<128x16xf32>, vector<128x16xf32>, vector<128x16xf32>, vector<128x16xf32> -> vector<128x128xf32>
    %jit3A_135 = arith.constant 0.000000e+00 : f32
    %broadcast_in_dim3A_136 = vector.broadcast %jit3A_135 : f32 to vector<128x128xf32>
    %select_n3A_137 = arith.select %eq3A, %tile3A_134, %broadcast_in_dim3A_136 : vector<128x128xi1>, vector<128x128xf32>
    %dot_general3A_138 = arith.constant dense<0.000000e+00> : vector<1280x128xf32>
    %dot_general3A_139 = tpu.matmul %get3A_1, %select_n3A_137, %dot_general3A_138 {dimension_numbers = #tpu.dot_dimension_numbers<[1], [0], [0], [1], [0, 0, 1, 1], [], []>, transpose_lhs_hint = false} : vector<1280x128xf32>, vector<128x128xf32>, vector<1280x128xf32> -> vector<1280x128xf32>
    %swap3A_140 = arith.constant 6400 : index
    %swap3A_141 = arith.constant 0 : index
    %swap3A_142 = vector.load %arg3[%swap3A_140, %swap3A_141] : memref<25600x128xf32, #tpu.memory_space<vmem>>, vector<1280x128xf32>
    tpu.vector_store %arg3[%swap3A_140, %swap3A_141], %dot_general3A_139 {strides = array<i32>} : memref<25600x128xf32, #tpu.memory_space<vmem>>, vector<1280x128xf32>,
    %get3A_143 = arith.constant 6 : index
    %get3A_144 = arith.constant 0 : index
    %get3A_145 = arith.constant 0 : index
    %get3A_146 = vector.load %arg2[%get3A_143, %get3A_144, %get3A_145] : memref<20x16x16xf32, #tpu.memory_space<vmem>>, vector<1x16x16xf32>
    %get3A_147 = vector.shape_cast %get3A_146 : vector<1x16x16xf32> to vector<16x16xf32>
    %tile3A_148 = tpu.concatenate %get3A_147, %get3A_147, %get3A_147, %get3A_147, %get3A_147, %get3A_147, %get3A_147, %get3A_147 in 0 : vector<16x16xf32>, vector<16x16xf32>, vector<16x16xf32>, vector<16x16xf32>, vector<16x16xf32>, vector<16x16xf32>, vector<16x16xf32>, vector<16x16xf32> -> vector<128x16xf32>
    %tile3A_149 = tpu.concatenate %tile3A_148, %tile3A_148, %tile3A_148, %tile3A_148, %tile3A_148, %tile3A_148, %tile3A_148, %tile3A_148 in 1 : vector<128x16xf32>, vector<128x16xf32>, vector<128x16xf32>, vector<128x16xf32>, vector<128x16xf32>, vector<128x16xf32>, vector<128x16xf32>, vector<128x16xf32> -> vector<128x128xf32>
    %jit3A_150 = arith.constant 0.000000e+00 : f32
    %broadcast_in_dim3A_151 = vector.broadcast %jit3A_150 : f32 to vector<128x128xf32>
    %select_n3A_152 = arith.select %eq3A, %tile3A_149, %broadcast_in_dim3A_151 : vector<128x128xi1>, vector<128x128xf32>
    %dot_general3A_153 = arith.constant dense<0.000000e+00> : vector<1280x128xf32>
    %dot_general3A_154 = tpu.matmul %get3A_1, %select_n3A_152, %dot_general3A_153 {dimension_numbers = #tpu.dot_dimension_numbers<[1], [0], [0], [1], [0, 0, 1, 1], [], []>, transpose_lhs_hint = false} : vector<1280x128xf32>, vector<128x128xf32>, vector<1280x128xf32> -> vector<1280x128xf32>
    %swap3A_155 = arith.constant 7680 : index
    %swap3A_156 = arith.constant 0 : index
    %swap3A_157 = vector.load %arg3[%swap3A_155, %swap3A_156] : memref<25600x128xf32, #tpu.memory_space<vmem>>, vector<1280x128xf32>
    tpu.vector_store %arg3[%swap3A_155, %swap3A_156], %dot_general3A_154 {strides = array<i32>} : memref<25600x128xf32, #tpu.memory_space<vmem>>, vector<1280x128xf32>,
    %get3A_158 = arith.constant 7 : index
    %get3A_159 = arith.constant 0 : index
    %get3A_160 = arith.constant 0 : index
    %get3A_161 = vector.load %arg2[%get3A_158, %get3A_159, %get3A_160] : memref<20x16x16xf32, #tpu.memory_space<vmem>>, vector<1x16x16xf32>
    %get3A_162 = vector.shape_cast %get3A_161 : vector<1x16x16xf32> to vector<16x16xf32>
    %tile3A_163 = tpu.concatenate %get3A_162, %get3A_162, %get3A_162, %get3A_162, %get3A_162, %get3A_162, %get3A_162, %get3A_162 in 0 : vector<16x16xf32>, vector<16x16xf32>, vector<16x16xf32>, vector<16x16xf32>, vector<16x16xf32>, vector<16x16xf32>, vector<16x16xf32>, vector<16x16xf32> -> vector<128x16xf32>
    %tile3A_164 = tpu.concatenate %tile3A_163, %tile3A_163, %tile3A_163, %tile3A_163, %tile3A_163, %tile3A_163, %tile3A_163, %tile3A_163 in 1 : vector<128x16xf32>, vector<128x16xf32>, vector<128x16xf32>, vector<128x16xf32>, vector<128x16xf32>, vector<128x16xf32>, vector<128x16xf32>, vector<128x16xf32> -> vector<128x128xf32>
    %jit3A_165 = arith.constant 0.000000e+00 : f32
    %broadcast_in_dim3A_166 = vector.broadcast %jit3A_165 : f32 to vector<128x128xf32>
    %select_n3A_167 = arith.select %eq3A, %tile3A_164, %broadcast_in_dim3A_166 : vector<128x128xi1>, vector<128x128xf32>
    %dot_general3A_168 = arith.constant dense<0.000000e+00> : vector<1280x128xf32>
    %dot_general3A_169 = tpu.matmul %get3A_1, %select_n3A_167, %dot_general3A_168 {dimension_numbers = #tpu.dot_dimension_numbers<[1], [0], [0], [1], [0, 0, 1, 1], [], []>, transpose_lhs_hint = false} : vector<1280x128xf32>, vector<128x128xf32>, vector<1280x128xf32> -> vector<1280x128xf32>
    %swap3A_170 = arith.constant 8960 : index
    %swap3A_171 = arith.constant 0 : index
    %swap3A_172 = vector.load %arg3[%swap3A_170, %swap3A_171] : memref<25600x128xf32, #tpu.memory_space<vmem>>, vector<1280x128xf32>
    tpu.vector_store %arg3[%swap3A_170, %swap3A_171], %dot_general3A_169 {strides = array<i32>} : memref<25600x128xf32, #tpu.memory_space<vmem>>, vector<1280x128xf32>,
    %get3A_173 = arith.constant 8 : index
    %get3A_174 = arith.constant 0 : index
    %get3A_175 = arith.constant 0 : index
    %get3A_176 = vector.load %arg2[%get3A_173, %get3A_174, %get3A_175] : memref<20x16x16xf32, #tpu.memory_space<vmem>>, vector<1x16x16xf32>
    %get3A_177 = vector.shape_cast %get3A_176 : vector<1x16x16xf32> to vector<16x16xf32>
    %tile3A_178 = tpu.concatenate %get3A_177, %get3A_177, %get3A_177, %get3A_177, %get3A_177, %get3A_177, %get3A_177, %get3A_177 in 0 : vector<16x16xf32>, vector<16x16xf32>, vector<16x16xf32>, vector<16x16xf32>, vector<16x16xf32>, vector<16x16xf32>, vector<16x16xf32>, vector<16x16xf32> -> vector<128x16xf32>
    %tile3A_179 = tpu.concatenate %tile3A_178, %tile3A_178, %tile3A_178, %tile3A_178, %tile3A_178, %tile3A_178, %tile3A_178, %tile3A_178 in 1 : vector<128x16xf32>, vector<128x16xf32>, vector<128x16xf32>, vector<128x16xf32>, vector<128x16xf32>, vector<128x16xf32>, vector<128x16xf32>, vector<128x16xf32> -> vector<128x128xf32>
    %jit3A_180 = arith.constant 0.000000e+00 : f32
    %broadcast_in_dim3A_181 = vector.broadcast %jit3A_180 : f32 to vector<128x128xf32>
    %select_n3A_182 = arith.select %eq3A, %tile3A_179, %broadcast_in_dim3A_181 : vector<128x128xi1>, vector<128x128xf32>
    %dot_general3A_183 = arith.constant dense<0.000000e+00> : vector<1280x128xf32>
    %dot_general3A_184 = tpu.matmul %get3A_1, %select_n3A_182, %dot_general3A_183 {dimension_numbers = #tpu.dot_dimension_numbers<[1], [0], [0], [1], [0, 0, 1, 1], [], []>, transpose_lhs_hint = false} : vector<1280x128xf32>, vector<128x128xf32>, vector<1280x128xf32> -> vector<1280x128xf32>
    %swap3A_185 = arith.constant 10240 : index
    %swap3A_186 = arith.constant 0 : index
    %swap3A_187 = vector.load %arg3[%swap3A_185, %swap3A_186] : memref<25600x128xf32, #tpu.memory_space<vmem>>, vector<1280x128xf32>
    tpu.vector_store %arg3[%swap3A_185, %swap3A_186], %dot_general3A_184 {strides = array<i32>} : memref<25600x128xf32, #tpu.memory_space<vmem>>, vector<1280x128xf32>,
    %get3A_188 = arith.constant 9 : index
    %get3A_189 = arith.constant 0 : index
    %get3A_190 = arith.constant 0 : index
    %get3A_191 = vector.load %arg2[%get3A_188, %get3A_189, %get3A_190] : memref<20x16x16xf32, #tpu.memory_space<vmem>>, vector<1x16x16xf32>
    %get3A_192 = vector.shape_cast %get3A_191 : vector<1x16x16xf32> to vector<16x16xf32>
    %tile3A_193 = tpu.concatenate %get3A_192, %get3A_192, %get3A_192, %get3A_192, %get3A_192, %get3A_192, %get3A_192, %get3A_192 in 0 : vector<16x16xf32>, vector<16x16xf32>, vector<16x16xf32>, vector<16x16xf32>, vector<16x16xf32>, vector<16x16xf32>, vector<16x16xf32>, vector<16x16xf32> -> vector<128x16xf32>
    %tile3A_194 = tpu.concatenate %tile3A_193, %tile3A_193, %tile3A_193, %tile3A_193, %tile3A_193, %tile3A_193, %tile3A_193, %tile3A_193 in 1 : vector<128x16xf32>, vector<128x16xf32>, vector<128x16xf32>, vector<128x16xf32>, vector<128x16xf32>, vector<128x16xf32>, vector<128x16xf32>, vector<128x16xf32> -> vector<128x128xf32>
    %jit3A_195 = arith.constant 0.000000e+00 : f32
    %broadcast_in_dim3A_196 = vector.broadcast %jit3A_195 : f32 to vector<128x128xf32>
    %select_n3A_197 = arith.select %eq3A, %tile3A_194, %broadcast_in_dim3A_196 : vector<128x128xi1>, vector<128x128xf32>
    %dot_general3A_198 = arith.constant dense<0.000000e+00> : vector<1280x128xf32>
    %dot_general3A_199 = tpu.matmul %get3A_1, %select_n3A_197, %dot_general3A_198 {dimension_numbers = #tpu.dot_dimension_numbers<[1], [0], [0], [1], [0, 0, 1, 1], [], []>, transpose_lhs_hint = false} : vector<1280x128xf32>, vector<128x128xf32>, vector<1280x128xf32> -> vector<1280x128xf32>
    %swap3A_200 = arith.constant 11520 : index
    %swap3A_201 = arith.constant 0 : index
    %swap3A_202 = vector.load %arg3[%swap3A_200, %swap3A_201] : memref<25600x128xf32, #tpu.memory_space<vmem>>, vector<1280x128xf32>
    tpu.vector_store %arg3[%swap3A_200, %swap3A_201], %dot_general3A_199 {strides = array<i32>} : memref<25600x128xf32, #tpu.memory_space<vmem>>, vector<1280x128xf32>,
    %get3A_203 = arith.constant 10 : index
    %get3A_204 = arith.constant 0 : index
    %get3A_205 = arith.constant 0 : index
    %get3A_206 = vector.load %arg2[%get3A_203, %get3A_204, %get3A_205] : memref<20x16x16xf32, #tpu.memory_space<vmem>>, vector<1x16x16xf32>
    %get3A_207 = vector.shape_cast %get3A_206 : vector<1x16x16xf32> to vector<16x16xf32>
    %tile3A_208 = tpu.concatenate %get3A_207, %get3A_207, %get3A_207, %get3A_207, %get3A_207, %get3A_207, %get3A_207, %get3A_207 in 0 : vector<16x16xf32>, vector<16x16xf32>, vector<16x16xf32>, vector<16x16xf32>, vector<16x16xf32>, vector<16x16xf32>, vector<16x16xf32>, vector<16x16xf32> -> vector<128x16xf32>
    %tile3A_209 = tpu.concatenate %tile3A_208, %tile3A_208, %tile3A_208, %tile3A_208, %tile3A_208, %tile3A_208, %tile3A_208, %tile3A_208 in 1 : vector<128x16xf32>, vector<128x16xf32>, vector<128x16xf32>, vector<128x16xf32>, vector<128x16xf32>, vector<128x16xf32>, vector<128x16xf32>, vector<128x16xf32> -> vector<128x128xf32>
    %jit3A_210 = arith.constant 0.000000e+00 : f32
    %broadcast_in_dim3A_211 = vector.broadcast %jit3A_210 : f32 to vector<128x128xf32>
    %select_n3A_212 = arith.select %eq3A, %tile3A_209, %broadcast_in_dim3A_211 : vector<128x128xi1>, vector<128x128xf32>
    %dot_general3A_213 = arith.constant dense<0.000000e+00> : vector<1280x128xf32>
    %dot_general3A_214 = tpu.matmul %get3A_1, %select_n3A_212, %dot_general3A_213 {dimension_numbers = #tpu.dot_dimension_numbers<[1], [0], [0], [1], [0, 0, 1, 1], [], []>, transpose_lhs_hint = false} : vector<1280x128xf32>, vector<128x128xf32>, vector<1280x128xf32> -> vector<1280x128xf32>
    %swap3A_215 = arith.constant 12800 : index
    %swap3A_216 = arith.constant 0 : index
    %swap3A_217 = vector.load %arg3[%swap3A_215, %swap3A_216] : memref<25600x128xf32, #tpu.memory_space<vmem>>, vector<1280x128xf32>
    tpu.vector_store %arg3[%swap3A_215, %swap3A_216], %dot_general3A_214 {strides = array<i32>} : memref<25600x128xf32, #tpu.memory_space<vmem>>, vector<1280x128xf32>,
    %get3A_218 = arith.constant 11 : index
    %get3A_219 = arith.constant 0 : index
    %get3A_220 = arith.constant 0 : index
    %get3A_221 = vector.load %arg2[%get3A_218, %get3A_219, %get3A_220] : memref<20x16x16xf32, #tpu.memory_space<vmem>>, vector<1x16x16xf32>
    %get3A_222 = vector.shape_cast %get3A_221 : vector<1x16x16xf32> to vector<16x16xf32>
    %tile3A_223 = tpu.concatenate %get3A_222, %get3A_222, %get3A_222, %get3A_222, %get3A_222, %get3A_222, %get3A_222, %get3A_222 in 0 : vector<16x16xf32>, vector<16x16xf32>, vector<16x16xf32>, vector<16x16xf32>, vector<16x16xf32>, vector<16x16xf32>, vector<16x16xf32>, vector<16x16xf32> -> vector<128x16xf32>
    %tile3A_224 = tpu.concatenate %tile3A_223, %tile3A_223, %tile3A_223, %tile3A_223, %tile3A_223, %tile3A_223, %tile3A_223, %tile3A_223 in 1 : vector<128x16xf32>, vector<128x16xf32>, vector<128x16xf32>, vector<128x16xf32>, vector<128x16xf32>, vector<128x16xf32>, vector<128x16xf32>, vector<128x16xf32> -> vector<128x128xf32>
    %jit3A_225 = arith.constant 0.000000e+00 : f32
    %broadcast_in_dim3A_226 = vector.broadcast %jit3A_225 : f32 to vector<128x128xf32>
    %select_n3A_227 = arith.select %eq3A, %tile3A_224, %broadcast_in_dim3A_226 : vector<128x128xi1>, vector<128x128xf32>
    %dot_general3A_228 = arith.constant dense<0.000000e+00> : vector<1280x128xf32>
    %dot_general3A_229 = tpu.matmul %get3A_1, %select_n3A_227, %dot_general3A_228 {dimension_numbers = #tpu.dot_dimension_numbers<[1], [0], [0], [1], [0, 0, 1, 1], [], []>, transpose_lhs_hint = false} : vector<1280x128xf32>, vector<128x128xf32>, vector<1280x128xf32> -> vector<1280x128xf32>
    %swap3A_230 = arith.constant 14080 : index
    %swap3A_231 = arith.constant 0 : index
    %swap3A_232 = vector.load %arg3[%swap3A_230, %swap3A_231] : memref<25600x128xf32, #tpu.memory_space<vmem>>, vector<1280x128xf32>
    tpu.vector_store %arg3[%swap3A_230, %swap3A_231], %dot_general3A_229 {strides = array<i32>} : memref<25600x128xf32, #tpu.memory_space<vmem>>, vector<1280x128xf32>,
    %get3A_233 = arith.constant 12 : index
    %get3A_234 = arith.constant 0 : index
    %get3A_235 = arith.constant 0 : index
    %get3A_236 = vector.load %arg2[%get3A_233, %get3A_234, %get3A_235] : memref<20x16x16xf32, #tpu.memory_space<vmem>>, vector<1x16x16xf32>
    %get3A_237 = vector.shape_cast %get3A_236 : vector<1x16x16xf32> to vector<16x16xf32>
    %tile3A_238 = tpu.concatenate %get3A_237, %get3A_237, %get3A_237, %get3A_237, %get3A_237, %get3A_237, %get3A_237, %get3A_237 in 0 : vector<16x16xf32>, vector<16x16xf32>, vector<16x16xf32>, vector<16x16xf32>, vector<16x16xf32>, vector<16x16xf32>, vector<16x16xf32>, vector<16x16xf32> -> vector<128x16xf32>
    %tile3A_239 = tpu.concatenate %tile3A_238, %tile3A_238, %tile3A_238, %tile3A_238, %tile3A_238, %tile3A_238, %tile3A_238, %tile3A_238 in 1 : vector<128x16xf32>, vector<128x16xf32>, vector<128x16xf32>, vector<128x16xf32>, vector<128x16xf32>, vector<128x16xf32>, vector<128x16xf32>, vector<128x16xf32> -> vector<128x128xf32>
    %jit3A_240 = arith.constant 0.000000e+00 : f32
    %broadcast_in_dim3A_241 = vector.broadcast %jit3A_240 : f32 to vector<128x128xf32>
    %select_n3A_242 = arith.select %eq3A, %tile3A_239, %broadcast_in_dim3A_241 : vector<128x128xi1>, vector<128x128xf32>
    %dot_general3A_243 = arith.constant dense<0.000000e+00> : vector<1280x128xf32>
    %dot_general3A_244 = tpu.matmul %get3A_1, %select_n3A_242, %dot_general3A_243 {dimension_numbers = #tpu.dot_dimension_numbers<[1], [0], [0], [1], [0, 0, 1, 1], [], []>, transpose_lhs_hint = false} : vector<1280x128xf32>, vector<128x128xf32>, vector<1280x128xf32> -> vector<1280x128xf32>
    %swap3A_245 = arith.constant 15360 : index
    %swap3A_246 = arith.constant 0 : index
    %swap3A_247 = vector.load %arg3[%swap3A_245, %swap3A_246] : memref<25600x128xf32, #tpu.memory_space<vmem>>, vector<1280x128xf32>
    tpu.vector_store %arg3[%swap3A_245, %swap3A_246], %dot_general3A_244 {strides = array<i32>} : memref<25600x128xf32, #tpu.memory_space<vmem>>, vector<1280x128xf32>,
    %get3A_248 = arith.constant 13 : index
    %get3A_249 = arith.constant 0 : index
    %get3A_250 = arith.constant 0 : index
    %get3A_251 = vector.load %arg2[%get3A_248, %get3A_249, %get3A_250] : memref<20x16x16xf32, #tpu.memory_space<vmem>>, vector<1x16x16xf32>
    %get3A_252 = vector.shape_cast %get3A_251 : vector<1x16x16xf32> to vector<16x16xf32>
    %tile3A_253 = tpu.concatenate %get3A_252, %get3A_252, %get3A_252, %get3A_252, %get3A_252, %get3A_252, %get3A_252, %get3A_252 in 0 : vector<16x16xf32>, vector<16x16xf32>, vector<16x16xf32>, vector<16x16xf32>, vector<16x16xf32>, vector<16x16xf32>, vector<16x16xf32>, vector<16x16xf32> -> vector<128x16xf32>
    %tile3A_254 = tpu.concatenate %tile3A_253, %tile3A_253, %tile3A_253, %tile3A_253, %tile3A_253, %tile3A_253, %tile3A_253, %tile3A_253 in 1 : vector<128x16xf32>, vector<128x16xf32>, vector<128x16xf32>, vector<128x16xf32>, vector<128x16xf32>, vector<128x16xf32>, vector<128x16xf32>, vector<128x16xf32> -> vector<128x128xf32>
    %jit3A_255 = arith.constant 0.000000e+00 : f32
    %broadcast_in_dim3A_256 = vector.broadcast %jit3A_255 : f32 to vector<128x128xf32>
    %select_n3A_257 = arith.select %eq3A, %tile3A_254, %broadcast_in_dim3A_256 : vector<128x128xi1>, vector<128x128xf32>
    %dot_general3A_258 = arith.constant dense<0.000000e+00> : vector<1280x128xf32>
    %dot_general3A_259 = tpu.matmul %get3A_1, %select_n3A_257, %dot_general3A_258 {dimension_numbers = #tpu.dot_dimension_numbers<[1], [0], [0], [1], [0, 0, 1, 1], [], []>, transpose_lhs_hint = false} : vector<1280x128xf32>, vector<128x128xf32>, vector<1280x128xf32> -> vector<1280x128xf32>
    %swap3A_260 = arith.constant 16640 : index
    %swap3A_261 = arith.constant 0 : index
    %swap3A_262 = vector.load %arg3[%swap3A_260, %swap3A_261] : memref<25600x128xf32, #tpu.memory_space<vmem>>, vector<1280x128xf32>
    tpu.vector_store %arg3[%swap3A_260, %swap3A_261], %dot_general3A_259 {strides = array<i32>} : memref<25600x128xf32, #tpu.memory_space<vmem>>, vector<1280x128xf32>,
    %get3A_263 = arith.constant 14 : index
    %get3A_264 = arith.constant 0 : index
    %get3A_265 = arith.constant 0 : index
    %get3A_266 = vector.load %arg2[%get3A_263, %get3A_264, %get3A_265] : memref<20x16x16xf32, #tpu.memory_space<vmem>>, vector<1x16x16xf32>
    %get3A_267 = vector.shape_cast %get3A_266 : vector<1x16x16xf32> to vector<16x16xf32>
    %tile3A_268 = tpu.concatenate %get3A_267, %get3A_267, %get3A_267, %get3A_267, %get3A_267, %get3A_267, %get3A_267, %get3A_267 in 0 : vector<16x16xf32>, vector<16x16xf32>, vector<16x16xf32>, vector<16x16xf32>, vector<16x16xf32>, vector<16x16xf32>, vector<16x16xf32>, vector<16x16xf32> -> vector<128x16xf32>
    %tile3A_269 = tpu.concatenate %tile3A_268, %tile3A_268, %tile3A_268, %tile3A_268, %tile3A_268, %tile3A_268, %tile3A_268, %tile3A_268 in 1 : vector<128x16xf32>, vector<128x16xf32>, vector<128x16xf32>, vector<128x16xf32>, vector<128x16xf32>, vector<128x16xf32>, vector<128x16xf32>, vector<128x16xf32> -> vector<128x128xf32>
    %jit3A_270 = arith.constant 0.000000e+00 : f32
    %broadcast_in_dim3A_271 = vector.broadcast %jit3A_270 : f32 to vector<128x128xf32>
    %select_n3A_272 = arith.select %eq3A, %tile3A_269, %broadcast_in_dim3A_271 : vector<128x128xi1>, vector<128x128xf32>
    %dot_general3A_273 = arith.constant dense<0.000000e+00> : vector<1280x128xf32>
    %dot_general3A_274 = tpu.matmul %get3A_1, %select_n3A_272, %dot_general3A_273 {dimension_numbers = #tpu.dot_dimension_numbers<[1], [0], [0], [1], [0, 0, 1, 1], [], []>, transpose_lhs_hint = false} : vector<1280x128xf32>, vector<128x128xf32>, vector<1280x128xf32> -> vector<1280x128xf32>
    %swap3A_275 = arith.constant 17920 : index
    %swap3A_276 = arith.constant 0 : index
    %swap3A_277 = vector.load %arg3[%swap3A_275, %swap3A_276] : memref<25600x128xf32, #tpu.memory_space<vmem>>, vector<1280x128xf32>
    tpu.vector_store %arg3[%swap3A_275, %swap3A_276], %dot_general3A_274 {strides = array<i32>} : memref<25600x128xf32, #tpu.memory_space<vmem>>, vector<1280x128xf32>,
    %get3A_278 = arith.constant 15 : index
    %get3A_279 = arith.constant 0 : index
    %get3A_280 = arith.constant 0 : index
    %get3A_281 = vector.load %arg2[%get3A_278, %get3A_279, %get3A_280] : memref<20x16x16xf32, #tpu.memory_space<vmem>>, vector<1x16x16xf32>
    %get3A_282 = vector.shape_cast %get3A_281 : vector<1x16x16xf32> to vector<16x16xf32>
    %tile3A_283 = tpu.concatenate %get3A_282, %get3A_282, %get3A_282, %get3A_282, %get3A_282, %get3A_282, %get3A_282, %get3A_282 in 0 : vector<16x16xf32>, vector<16x16xf32>, vector<16x16xf32>, vector<16x16xf32>, vector<16x16xf32>, vector<16x16xf32>, vector<16x16xf32>, vector<16x16xf32> -> vector<128x16xf32>
    %tile3A_284 = tpu.concatenate %tile3A_283, %tile3A_283, %tile3A_283, %tile3A_283, %tile3A_283, %tile3A_283, %tile3A_283, %tile3A_283 in 1 : vector<128x16xf32>, vector<128x16xf32>, vector<128x16xf32>, vector<128x16xf32>, vector<128x16xf32>, vector<128x16xf32>, vector<128x16xf32>, vector<128x16xf32> -> vector<128x128xf32>
    %jit3A_285 = arith.constant 0.000000e+00 : f32
    %broadcast_in_dim3A_286 = vector.broadcast %jit3A_285 : f32 to vector<128x128xf32>
    %select_n3A_287 = arith.select %eq3A, %tile3A_284, %broadcast_in_dim3A_286 : vector<128x128xi1>, vector<128x128xf32>
    %dot_general3A_288 = arith.constant dense<0.000000e+00> : vector<1280x128xf32>
    %dot_general3A_289 = tpu.matmul %get3A_1, %select_n3A_287, %dot_general3A_288 {dimension_numbers = #tpu.dot_dimension_numbers<[1], [0], [0], [1], [0, 0, 1, 1], [], []>, transpose_lhs_hint = false} : vector<1280x128xf32>, vector<128x128xf32>, vector<1280x128xf32> -> vector<1280x128xf32>
    %swap3A_290 = arith.constant 19200 : index
    %swap3A_291 = arith.constant 0 : index
    %swap3A_292 = vector.load %arg3[%swap3A_290, %swap3A_291] : memref<25600x128xf32, #tpu.memory_space<vmem>>, vector<1280x128xf32>
    tpu.vector_store %arg3[%swap3A_290, %swap3A_291], %dot_general3A_289 {strides = array<i32>} : memref<25600x128xf32, #tpu.memory_space<vmem>>, vector<1280x128xf32>,
    %get3A_293 = arith.constant 16 : index
    %get3A_294 = arith.constant 0 : index
    %get3A_295 = arith.constant 0 : index
    %get3A_296 = vector.load %arg2[%get3A_293, %get3A_294, %get3A_295] : memref<20x16x16xf32, #tpu.memory_space<vmem>>, vector<1x16x16xf32>
    %get3A_297 = vector.shape_cast %get3A_296 : vector<1x16x16xf32> to vector<16x16xf32>
    %tile3A_298 = tpu.concatenate %get3A_297, %get3A_297, %get3A_297, %get3A_297, %get3A_297, %get3A_297, %get3A_297, %get3A_297 in 0 : vector<16x16xf32>, vector<16x16xf32>, vector<16x16xf32>, vector<16x16xf32>, vector<16x16xf32>, vector<16x16xf32>, vector<16x16xf32>, vector<16x16xf32> -> vector<128x16xf32>
    %tile3A_299 = tpu.concatenate %tile3A_298, %tile3A_298, %tile3A_298, %tile3A_298, %tile3A_298, %tile3A_298, %tile3A_298, %tile3A_298 in 1 : vector<128x16xf32>, vector<128x16xf32>, vector<128x16xf32>, vector<128x16xf32>, vector<128x16xf32>, vector<128x16xf32>, vector<128x16xf32>, vector<128x16xf32> -> vector<128x128xf32>
    %jit3A_300 = arith.constant 0.000000e+00 : f32
    %broadcast_in_dim3A_301 = vector.broadcast %jit3A_300 : f32 to vector<128x128xf32>
    %select_n3A_302 = arith.select %eq3A, %tile3A_299, %broadcast_in_dim3A_301 : vector<128x128xi1>, vector<128x128xf32>
    %dot_general3A_303 = arith.constant dense<0.000000e+00> : vector<1280x128xf32>
    %dot_general3A_304 = tpu.matmul %get3A_1, %select_n3A_302, %dot_general3A_303 {dimension_numbers = #tpu.dot_dimension_numbers<[1], [0], [0], [1], [0, 0, 1, 1], [], []>, transpose_lhs_hint = false} : vector<1280x128xf32>, vector<128x128xf32>, vector<1280x128xf32> -> vector<1280x128xf32>
    %swap3A_305 = arith.constant 20480 : index
    %swap3A_306 = arith.constant 0 : index
    %swap3A_307 = vector.load %arg3[%swap3A_305, %swap3A_306] : memref<25600x128xf32, #tpu.memory_space<vmem>>, vector<1280x128xf32>
    tpu.vector_store %arg3[%swap3A_305, %swap3A_306], %dot_general3A_304 {strides = array<i32>} : memref<25600x128xf32, #tpu.memory_space<vmem>>, vector<1280x128xf32>,
    %get3A_308 = arith.constant 17 : index
    %get3A_309 = arith.constant 0 : index
    %get3A_310 = arith.constant 0 : index
    %get3A_311 = vector.load %arg2[%get3A_308, %get3A_309, %get3A_310] : memref<20x16x16xf32, #tpu.memory_space<vmem>>, vector<1x16x16xf32>
    %get3A_312 = vector.shape_cast %get3A_311 : vector<1x16x16xf32> to vector<16x16xf32>
    %tile3A_313 = tpu.concatenate %get3A_312, %get3A_312, %get3A_312, %get3A_312, %get3A_312, %get3A_312, %get3A_312, %get3A_312 in 0 : vector<16x16xf32>, vector<16x16xf32>, vector<16x16xf32>, vector<16x16xf32>, vector<16x16xf32>, vector<16x16xf32>, vector<16x16xf32>, vector<16x16xf32> -> vector<128x16xf32>
    %tile3A_314 = tpu.concatenate %tile3A_313, %tile3A_313, %tile3A_313, %tile3A_313, %tile3A_313, %tile3A_313, %tile3A_313, %tile3A_313 in 1 : vector<128x16xf32>, vector<128x16xf32>, vector<128x16xf32>, vector<128x16xf32>, vector<128x16xf32>, vector<128x16xf32>, vector<128x16xf32>, vector<128x16xf32> -> vector<128x128xf32>
    %jit3A_315 = arith.constant 0.000000e+00 : f32
    %broadcast_in_dim3A_316 = vector.broadcast %jit3A_315 : f32 to vector<128x128xf32>
    %select_n3A_317 = arith.select %eq3A, %tile3A_314, %broadcast_in_dim3A_316 : vector<128x128xi1>, vector<128x128xf32>
    %dot_general3A_318 = arith.constant dense<0.000000e+00> : vector<1280x128xf32>
    %dot_general3A_319 = tpu.matmul %get3A_1, %select_n3A_317, %dot_general3A_318 {dimension_numbers = #tpu.dot_dimension_numbers<[1], [0], [0], [1], [0, 0, 1, 1], [], []>, transpose_lhs_hint = false} : vector<1280x128xf32>, vector<128x128xf32>, vector<1280x128xf32> -> vector<1280x128xf32>
    %swap3A_320 = arith.constant 21760 : index
    %swap3A_321 = arith.constant 0 : index
    %swap3A_322 = vector.load %arg3[%swap3A_320, %swap3A_321] : memref<25600x128xf32, #tpu.memory_space<vmem>>, vector<1280x128xf32>
    tpu.vector_store %arg3[%swap3A_320, %swap3A_321], %dot_general3A_319 {strides = array<i32>} : memref<25600x128xf32, #tpu.memory_space<vmem>>, vector<1280x128xf32>,
    %get3A_323 = arith.constant 18 : index
    %get3A_324 = arith.constant 0 : index
    %get3A_325 = arith.constant 0 : index
    %get3A_326 = vector.load %arg2[%get3A_323, %get3A_324, %get3A_325] : memref<20x16x16xf32, #tpu.memory_space<vmem>>, vector<1x16x16xf32>
    %get3A_327 = vector.shape_cast %get3A_326 : vector<1x16x16xf32> to vector<16x16xf32>
    %tile3A_328 = tpu.concatenate %get3A_327, %get3A_327, %get3A_327, %get3A_327, %get3A_327, %get3A_327, %get3A_327, %get3A_327 in 0 : vector<16x16xf32>, vector<16x16xf32>, vector<16x16xf32>, vector<16x16xf32>, vector<16x16xf32>, vector<16x16xf32>, vector<16x16xf32>, vector<16x16xf32> -> vector<128x16xf32>
    %tile3A_329 = tpu.concatenate %tile3A_328, %tile3A_328, %tile3A_328, %tile3A_328, %tile3A_328, %tile3A_328, %tile3A_328, %tile3A_328 in 1 : vector<128x16xf32>, vector<128x16xf32>, vector<128x16xf32>, vector<128x16xf32>, vector<128x16xf32>, vector<128x16xf32>, vector<128x16xf32>, vector<128x16xf32> -> vector<128x128xf32>
    %jit3A_330 = arith.constant 0.000000e+00 : f32
    %broadcast_in_dim3A_331 = vector.broadcast %jit3A_330 : f32 to vector<128x128xf32>
    %select_n3A_332 = arith.select %eq3A, %tile3A_329, %broadcast_in_dim3A_331 : vector<128x128xi1>, vector<128x128xf32>
    %dot_general3A_333 = arith.constant dense<0.000000e+00> : vector<1280x128xf32>
    %dot_general3A_334 = tpu.matmul %get3A_1, %select_n3A_332, %dot_general3A_333 {dimension_numbers = #tpu.dot_dimension_numbers<[1], [0], [0], [1], [0, 0, 1, 1], [], []>, transpose_lhs_hint = false} : vector<1280x128xf32>, vector<128x128xf32>, vector<1280x128xf32> -> vector<1280x128xf32>
    %swap3A_335 = arith.constant 23040 : index
    %swap3A_336 = arith.constant 0 : index
    %swap3A_337 = vector.load %arg3[%swap3A_335, %swap3A_336] : memref<25600x128xf32, #tpu.memory_space<vmem>>, vector<1280x128xf32>
    tpu.vector_store %arg3[%swap3A_335, %swap3A_336], %dot_general3A_334 {strides = array<i32>} : memref<25600x128xf32, #tpu.memory_space<vmem>>, vector<1280x128xf32>,
    %get3A_338 = arith.constant 19 : index
    %get3A_339 = arith.constant 0 : index
    %get3A_340 = arith.constant 0 : index
    %get3A_341 = vector.load %arg2[%get3A_338, %get3A_339, %get3A_340] : memref<20x16x16xf32, #tpu.memory_space<vmem>>, vector<1x16x16xf32>
    %get3A_342 = vector.shape_cast %get3A_341 : vector<1x16x16xf32> to vector<16x16xf32>
    %tile3A_343 = tpu.concatenate %get3A_342, %get3A_342, %get3A_342, %get3A_342, %get3A_342, %get3A_342, %get3A_342, %get3A_342 in 0 : vector<16x16xf32>, vector<16x16xf32>, vector<16x16xf32>, vector<16x16xf32>, vector<16x16xf32>, vector<16x16xf32>, vector<16x16xf32>, vector<16x16xf32> -> vector<128x16xf32>
    %tile3A_344 = tpu.concatenate %tile3A_343, %tile3A_343, %tile3A_343, %tile3A_343, %tile3A_343, %tile3A_343, %tile3A_343, %tile3A_343 in 1 : vector<128x16xf32>, vector<128x16xf32>, vector<128x16xf32>, vector<128x16xf32>, vector<128x16xf32>, vector<128x16xf32>, vector<128x16xf32>, vector<128x16xf32> -> vector<128x128xf32>
    %jit3A_345 = arith.constant 0.000000e+00 : f32
    %broadcast_in_dim3A_346 = vector.broadcast %jit3A_345 : f32 to vector<128x128xf32>
    %select_n3A_347 = arith.select %eq3A, %tile3A_344, %broadcast_in_dim3A_346 : vector<128x128xi1>, vector<128x128xf32>
    %dot_general3A_348 = arith.constant dense<0.000000e+00> : vector<1280x128xf32>
    %dot_general3A_349 = tpu.matmul %get3A_1, %select_n3A_347, %dot_general3A_348 {dimension_numbers = #tpu.dot_dimension_numbers<[1], [0], [0], [1], [0, 0, 1, 1], [], []>, transpose_lhs_hint = false} : vector<1280x128xf32>, vector<128x128xf32>, vector<1280x128xf32> -> vector<1280x128xf32>
    %swap3A_350 = arith.constant 24320 : index
    %swap3A_351 = arith.constant 0 : index
    %swap3A_352 = vector.load %arg3[%swap3A_350, %swap3A_351] : memref<25600x128xf32, #tpu.memory_space<vmem>>, vector<1280x128xf32>
    tpu.vector_store %arg3[%swap3A_350, %swap3A_351], %dot_general3A_349 {strides = array<i32>} : memref<25600x128xf32, #tpu.memory_space<vmem>>, vector<1280x128xf32>,
    return
  }
  func.func @transform_0(%arg0: i32) -> (i32, i32) {
    %c0_i32 = arith.constant 0 : i32
    %c0_i32_0 = arith.constant 0 : i32
    %c0_i32_1 = arith.constant 0 : i32
    return %c0_i32, %c0_i32_0 : i32, i32
  }
  func.func @transform_1(%arg0: i32) -> (i32, i32, i32) {
    %c0_i32 = arith.constant 0 : i32
    %c0_i32_0 = arith.constant 0 : i32
    %c0_i32_1 = arith.constant 0 : i32
    %c0_i32_2 = arith.constant 0 : i32
    return %c0_i32, %c0_i32_0, %c0_i32_1 : i32, i32, i32
  }
  func.func @transform_2(%arg0: i32) -> (i32, i32) {
    %c0_i32 = arith.constant 0 : i32
    %c0_i32_0 = arith.constant 0 : i32
    %c0_i32_1 = arith.constant 0 : i32
    return %c0_i32, %c0_i32_0 : i32, i32
  }
}

module attributes {stable_mosaic.version = 14 : i64} {
  func.func @_head_body(%arg0: i32, %arg1: memref<2048x128xf32, #tpu.memory_space<vmem>>, %arg2: memref<1x16xf32, #tpu.memory_space<vmem>>, %arg3: memref<16x1xf32, #tpu.memory_space<vmem>>, %arg4: memref<1x1xf32, #tpu.memory_space<vmem>>, %arg5: memref<2048x8xf32, #tpu.memory_space<vmem>>) attributes {dimension_semantics = [#tpu.dimension_semantics<arbitrary>], iteration_bounds = array<i64: 1>, scalar_prefetch = 0 : i64, scratch_operands = 0 : i64, tpu.core_type = #tpu.core_type<tc>, window_params = [{pipeline_mode = #tpu.pipeline_mode<synchronous>, transform_indices = @transform_0, window_bounds = array<i64: 2048, 128>}, {pipeline_mode = #tpu.pipeline_mode<synchronous>, transform_indices = @transform_1, window_bounds = array<i64: 1, 16>}, {pipeline_mode = #tpu.pipeline_mode<synchronous>, transform_indices = @transform_2, window_bounds = array<i64: 16, 1>}, {pipeline_mode = #tpu.pipeline_mode<synchronous>, transform_indices = @transform_3, window_bounds = array<i64: 1, 1>}, {pipeline_mode = #tpu.pipeline_mode<synchronous>, transform_indices = @transform_4, window_bounds = array<i64: 2048, 8>}]} {
    %get3A = arith.constant 0 : index
    %get3A_0 = arith.constant 0 : index
    %get3A_1 = vector.load %arg2[%get3A, %get3A_0] : memref<1x16xf32, #tpu.memory_space<vmem>>, vector<1x16xf32>
    %tile3A = tpu.concatenate %get3A_1, %get3A_1, %get3A_1, %get3A_1, %get3A_1, %get3A_1, %get3A_1, %get3A_1 in 1 : vector<1x16xf32>, vector<1x16xf32>, vector<1x16xf32>, vector<1x16xf32>, vector<1x16xf32>, vector<1x16xf32>, vector<1x16xf32>, vector<1x16xf32> -> vector<1x128xf32>
    %get3A_2 = arith.constant 0 : index
    %get3A_3 = arith.constant 0 : index
    %get3A_4 = vector.load %arg1[%get3A_2, %get3A_3] : memref<2048x128xf32, #tpu.memory_space<vmem>>, vector<2048x128xf32>
    %add3A = vector.broadcast %tile3A : vector<1x128xf32> to vector<2048x128xf32>
    %add3A_5 = arith.addf %get3A_4, %add3A : vector<2048x128xf32>
    %max3A = arith.constant 0.000000e+00 : f32
    %max3A_6 = vector.broadcast %max3A : f32 to vector<2048x128xf32>
    %max3A_7 = arith.maximumf %add3A_5, %max3A_6 : vector<2048x128xf32>
    %get3A_8 = arith.constant 0 : index
    %get3A_9 = arith.constant 0 : index
    %get3A_10 = vector.load %arg3[%get3A_8, %get3A_9] : memref<16x1xf32, #tpu.memory_space<vmem>>, vector<16x1xf32>
    %tile3A_11 = tpu.concatenate %get3A_10, %get3A_10, %get3A_10, %get3A_10, %get3A_10, %get3A_10, %get3A_10, %get3A_10 in 0 : vector<16x1xf32>, vector<16x1xf32>, vector<16x1xf32>, vector<16x1xf32>, vector<16x1xf32>, vector<16x1xf32>, vector<16x1xf32>, vector<16x1xf32> -> vector<128x1xf32>
    %tile3A_12 = tpu.concatenate %tile3A_11, %tile3A_11, %tile3A_11, %tile3A_11, %tile3A_11, %tile3A_11, %tile3A_11, %tile3A_11 in 1 : vector<128x1xf32>, vector<128x1xf32>, vector<128x1xf32>, vector<128x1xf32>, vector<128x1xf32>, vector<128x1xf32>, vector<128x1xf32>, vector<128x1xf32> -> vector<128x8xf32>
    %iota3A = tpu.iota {dimensions = array<i32: 0>} : vector<128x8xi32>
    %iota3A_13 = tpu.iota {dimensions = array<i32: 1>} : vector<128x8xi32>
    %jit3A = arith.constant 16 : i32
    %div3A = vector.broadcast %jit3A : i32 to vector<128x8xi32>
    %div3A_14 = arith.divsi %iota3A, %div3A : vector<128x8xi32>
    %sign3A = arith.constant 0 : i32
    %sign3A_15 = vector.broadcast %sign3A : i32 to vector<128x8xi32>
    %sign3A_16 = arith.cmpi sgt, %iota3A, %sign3A_15 : vector<128x8xi32>
    %sign3A_17 = arith.extui %sign3A_16 : vector<128x8xi1> to vector<128x8xi32>
    %sign3A_18 = arith.constant 0 : i32
    %sign3A_19 = vector.broadcast %sign3A_18 : i32 to vector<128x8xi32>
    %sign3A_20 = arith.cmpi slt, %iota3A, %sign3A_19 : vector<128x8xi32>
    %sign3A_21 = arith.extui %sign3A_20 : vector<128x8xi1> to vector<128x8xi32>
    %sign3A_22 = arith.subi %sign3A_17, %sign3A_21 : vector<128x8xi32>
    %sign3A_23 = arith.constant 0 : i32
    %sign3A_24 = arith.cmpi sgt, %jit3A, %sign3A_23 : i32
    %sign3A_25 = arith.extui %sign3A_24 : i1 to i32
    %sign3A_26 = arith.constant 0 : i32
    %sign3A_27 = arith.cmpi slt, %jit3A, %sign3A_26 : i32
    %sign3A_28 = arith.extui %sign3A_27 : i1 to i32
    %sign3A_29 = arith.subi %sign3A_25, %sign3A_28 : i32
    %ne3A = vector.broadcast %sign3A_29 : i32 to vector<128x8xi32>
    %ne3A_30 = arith.cmpi ne, %sign3A_22, %ne3A : vector<128x8xi32>
    %rem3A = vector.broadcast %jit3A : i32 to vector<128x8xi32>
    %rem3A_31 = arith.remsi %iota3A, %rem3A : vector<128x8xi32>
    %ne3A_32 = arith.constant 0 : i32
    %ne3A_33 = vector.broadcast %ne3A_32 : i32 to vector<128x8xi32>
    %ne3A_34 = arith.cmpi ne, %rem3A_31, %ne3A_33 : vector<128x8xi32>
    %and3A = arith.andi %ne3A_30, %ne3A_34 : vector<128x8xi1>
    %sub3A = arith.constant 1 : i32
    %sub3A_35 = vector.broadcast %sub3A : i32 to vector<128x8xi32>
    %sub3A_36 = arith.subi %div3A_14, %sub3A_35 : vector<128x8xi32>
    %select_n3A = arith.select %and3A, %sub3A_36, %div3A_14 : vector<128x8xi1>, vector<128x8xi32>
    %eq3A = arith.cmpi eq, %select_n3A, %iota3A_13 : vector<128x8xi32>
    %jit3A_37 = arith.constant 0.000000e+00 : f32
    %broadcast_in_dim3A = vector.broadcast %jit3A_37 : f32 to vector<128x8xf32>
    %select_n3A_38 = arith.select %eq3A, %tile3A_12, %broadcast_in_dim3A : vector<128x8xi1>, vector<128x8xf32>
    %dot_general3A = arith.constant dense<0.000000e+00> : vector<2048x8xf32>
    %dot_general3A_39 = tpu.matmul %max3A_7, %select_n3A_38, %dot_general3A {dimension_numbers = #tpu.dot_dimension_numbers<[1], [0], [0], [1], [0, 0, 1, 1], [], []>, transpose_lhs_hint = false} : vector<2048x128xf32>, vector<128x8xf32>, vector<2048x8xf32> -> vector<2048x8xf32>
    %get3A_40 = arith.constant 0 : index
    %get3A_41 = arith.constant 0 : index
    %get3A_42 = vector.load %arg4[%get3A_40, %get3A_41] : memref<1x1xf32, #tpu.memory_space<vmem>>, vector<1x1xf32>
    %add3A_43 = vector.broadcast %get3A_42 : vector<1x1xf32> to vector<2048x8xf32>
    %add3A_44 = arith.addf %dot_general3A_39, %add3A_43 : vector<2048x8xf32>
    %neg3A = arith.constant 0.000000e+00 : f32
    %neg3A_45 = vector.broadcast %neg3A : f32 to vector<2048x8xf32>
    %neg3A_46 = arith.subf %neg3A_45, %add3A_44 : vector<2048x8xf32>
    %exp3A = math.exp %neg3A_46 : vector<2048x8xf32>
    %add3A_47 = arith.constant 1.000000e+00 : f32
    %add3A_48 = vector.broadcast %add3A_47 : f32 to vector<2048x8xf32>
    %add3A_49 = arith.addf %add3A_48, %exp3A : vector<2048x8xf32>
    %div3A_50 = arith.constant 1.000000e+00 : f32
    %div3A_51 = vector.broadcast %div3A_50 : f32 to vector<2048x8xf32>
    %div3A_52 = arith.divf %div3A_51, %add3A_49 : vector<2048x8xf32>
    %swap3A = arith.constant 0 : index
    %swap3A_53 = arith.constant 0 : index
    %swap3A_54 = vector.load %arg5[%swap3A, %swap3A_53] : memref<2048x8xf32, #tpu.memory_space<vmem>>, vector<2048x8xf32>
    tpu.vector_store %arg5[%swap3A, %swap3A_53], %div3A_52 {strides = array<i32>} : memref<2048x8xf32, #tpu.memory_space<vmem>>, vector<2048x8xf32>,
    return
  }
  func.func @transform_0(%arg0: i32) -> (i32, i32) {
    %c0_i32 = arith.constant 0 : i32
    %c0_i32_0 = arith.constant 0 : i32
    %c0_i32_1 = arith.constant 0 : i32
    return %c0_i32, %c0_i32_0 : i32, i32
  }
  func.func @transform_1(%arg0: i32) -> (i32, i32) {
    %c0_i32 = arith.constant 0 : i32
    %c0_i32_0 = arith.constant 0 : i32
    %c0_i32_1 = arith.constant 0 : i32
    return %c0_i32, %c0_i32_0 : i32, i32
  }
  func.func @transform_2(%arg0: i32) -> (i32, i32) {
    %c0_i32 = arith.constant 0 : i32
    %c0_i32_0 = arith.constant 0 : i32
    %c0_i32_1 = arith.constant 0 : i32
    return %c0_i32, %c0_i32_0 : i32, i32
  }
  func.func @transform_3(%arg0: i32) -> (i32, i32) {
    %c0_i32 = arith.constant 0 : i32
    %c0_i32_0 = arith.constant 0 : i32
    %c0_i32_1 = arith.constant 0 : i32
    return %c0_i32, %c0_i32_0 : i32, i32
  }
  func.func @transform_4(%arg0: i32) -> (i32, i32) {
    %c0_i32 = arith.constant 0 : i32
    %c0_i32_0 = arith.constant 0 : i32
    %c0_i32_1 = arith.constant 0 : i32
    return %c0_i32, %c0_i32_0 : i32, i32
  }
}

</mosaic_0001>

<sc_bundles>
// kernel: kernel.6.cloned.1.call-start
scs
__scs_entry_jumppad:
0x0: {  	(pc) =	sbr.rel $0x88, $3  }
0x1: {  	(tag) =	ssettag $0x0;
	lr =	simm.s32 $0x1  }
0x2: {  	[smem:$0x3F9B] =	sst lr;
	_ =	strace $0xD0000000  }
0x3: {  	_ = 	snop  }
0x4: {  	_ = 	snop  }
0x5: {  	_ = 	snop  }
0x6: {  	_ = 	snop  }
0x7: {  	_ = 	snop  }
__scs_overlays_trampoline_lowered:
0x8: {  	[smem:$0x3FAA] =	sst s0  }
0x9: {  	[smem:$0x3FAB] =	sst s1  }
0xa: {  	[smem:$0x3FAC] =	sst s2  }
0xb: {  	[smem:$0x3FAD] =	sst s3  }
0xc: {  	[smem:$0x3FAE] =	sst s4  }
0xd: {  	[smem:$0x3FAF] =	sst s5  }
0xe: {  	[smem:$0x3FB0] =	sst s6  }
0xf: {  	[smem:$0x3FB1] =	sst s7  }
0x10: {  	[smem:$0x3FB2] =	sst s8  }
0x11: {  	[smem:$0x3FB3] =	sst s9;
	s0 =	simm.s32 @!p0 $0x0  }
0x12: {  	s1 =	sld [smem:$0x3F99];
	s0 =	simm.s32 @p0 $0x1  }
0x13: {  	[smem:$0x3FB4] =	sst s0;
	s0 =	simm.s32 @!p1 $0x0  }
0x14: {  	s2 =	sld [smem:$0x3F98];
	s0 =	simm.s32 @p1 $0x1  }
0x15: {  	[smem:$0x3FB5] =	sst s0;
	s0 =	simm.s32 @!p2 $0x0  }
0x16: {  	s3 =	sld [smem:$0x3FDB];
	s0 =	simm.s32 @p2 $0x1  }
0x17: {  	s4 =	simm.s32 $0x1BF5;
	[smem:$0x3FB7] =	sst s0  }
0x18: {  	s0 =	sld [smem:$0x3F9A];
	_ =	swait.ge [sflag:s4], $0x0  }
0x19: {  	s7 =	sld [smem:$0x3F9B]  }
0x1a: {  	s8 =	sadd.s32 $0xFFFFE003, lr  }
0x1b: {  	s9 =	sadd.s32 $0xFFFFFEF7, lr;
	s5 =	simm.s32 $0xFFFFFFFF;
	p2 =	slt.u32 s8, $0xFFFFF086  }
0x1c: {  	p1 =	slt.u32 s9, $0xF7A;
	s5 =	simm.s32 @!p2 $0x0  }
0x1d: {  	s5 =	simm.s32 @p1 $0x1;
	p0 =	seq.s32 s7, s2  }
0x1e: {  	s7 =	smul.u32 @!p0 $0xF7A, s2;
	p2 =	seq.s32 @!p0 s5, $0x0  }
0x1f: {  	s9 =	smul.u32 $0xF7A, s1;
	s8 =	simm.s32 @!p0 $0x1BF5;
	p2 =	por !p2, p0  }
0x20: {  	[sflag:s8] =	ssyncset.s32 @!p0 $0xFFFFF086;
	s6 =	sadd.s32 @!p0 s3, s7;
	s7 =	simm.s32 @!p0 $0x108  }
0x21: {  	s3 =	sadd.s32 s3, s9;
	s6 =	sadd.s32 @!p0 $0x88, s6;
	s7 =	simm.s32 @p2 $0x1082  }
0x22: {  	[simem:s7], [sflag:s8] =	dma.local @!p0 [hbm:s6], $0xF7A  }
0x23: {  	s9 =	sor.u32 $0xD0000000, s2;
	s6 =	simm.s32 $0x108;
	_ =	swait.ge @!p0 [sflag:s8], $0x0  }
0x24: {  	s3 =	sadd.s32 $0x88, s3;
	s6 =	simm.s32 @!p1 $0x1082;
	[sflag:s4] =	ssyncset.s32 $0xFFFFF086  }
0x25: {  	[simem:s6], [sflag:s4] =	dma.local [hbm:s3], $0xF7A  }
0x26: {  	[smem:$0x3F9B] =	sst s1;
	(tag) =	ssettag s2;
	_ =	strace s9  }
0x27: {  	s1 =	sld [smem:$0x3FAB]  }
0x28: {  	s2 =	sld [smem:$0x3FAC]  }
0x29: {  	s4 =	sld [smem:$0x3FAE]  }
0x2a: {  	p0 =	seq.s32 s5, $0x0;
	s5 =	sld [smem:$0x3FAF]  }
0x2b: {  	s6 =	sld [smem:$0x3FB0]  }
0x2c: {  	s7 =	sld [smem:$0x3FB1]  }
0x2d: {  	s3 =	simm.s32 $0x108;
	s8 =	sld [smem:$0x3FB2]  }
0x2e: {  	s3 =	simm.s32 @!p0 $0x1082;
	s9 =	sld [smem:$0x3FB3]  }
0x2f: {  	lr =	sadd.s32 s0, s3;
	s0 =	sld [smem:$0x3FAA]  }
0x30: {  	s3 =	sld [smem:$0x3FAD]  }
0x31: {  	[smem:$0x3FB6] =	sst s10  }
0x32: {  	s10 =	sld [smem:$0x3FB4];
	_ =	sdelay $0x3  }
0x33: {  	p0 =	seq.s32 s10, $0x1;
	s10 =	sld [smem:$0x3FB6];
	_ =	sdelay $0x3  }
0x34: {  	[smem:$0x3FB6] =	sst s10  }
0x35: {  	s10 =	sld [smem:$0x3FB5];
	_ =	sdelay $0x3  }
0x36: {  	p1 =	seq.s32 s10, $0x1;
	s10 =	sld [smem:$0x3FB6];
	_ =	sdelay $0x3  }
0x37: {  	[smem:$0x3FB6] =	sst s10  }
0x38: {  	s10 =	sld [smem:$0x3FB7]  }
0x39: {  	_ = 	snop;
	(pc) =	sbr.ind lr, $3  }
0x3a: {  	_ = 	snop  }
0x3b: {  	_ = 	snop  }
0x3c: {  	p2 =	seq.s32 s10, $0x1;
	s10 =	sld [smem:$0x3FB6]  }
0x3d: {  	_ =	shalt  }
0x3e: {  	_ =	shalt  }
0x3f: {  	_ =	shalt  }
0x40: {  	_ =	shalt  }
0x41: {  	_ =	shalt  }
0x42: {  	_ =	shalt  }
0x43: {  	_ =	shalt  }
0x44: {  	_ =	shalt  }
0x45: {  	_ =	shalt  }
0x46: {  	_ =	shalt  }
0x47: {  	_ =	shalt  }
0x48: {  	_ =	shalt  }
0x49: {  	_ =	shalt  }
0x4a: {  	_ =	shalt  }
0x4b: {  	_ =	shalt  }
0x4c: {  	_ =	shalt  }
0x4d: {  	_ =	shalt  }
0x4e: {  	_ =	shalt  }
0x4f: {  	_ =	shalt  }
0x50: {  	_ =	shalt  }
0x51: {  	_ =	shalt  }
0x52: {  	_ =	shalt  }
0x53: {  	_ =	shalt  }
0x54: {  	_ =	shalt  }
0x55: {  	_ =	shalt  }
0x56: {  	_ =	shalt  }
0x57: {  	_ =	shalt  }
0x58: {  	_ =	shalt  }
0x59: {  	_ =	shalt  }
0x5a: {  	_ =	shalt  }
0x5b: {  	_ =	shalt  }
0x5c: {  	_ =	shalt  }
0x5d: {  	_ =	shalt  }
0x5e: {  	_ =	shalt  }
0x5f: {  	_ =	shalt  }
0x60: {  	_ =	shalt  }
0x61: {  	_ =	shalt  }
0x62: {  	_ =	shalt  }
0x63: {  	_ =	shalt  }
0x64: {  	_ =	shalt  }
0x65: {  	_ =	shalt  }
0x66: {  	_ =	shalt  }
0x67: {  	_ =	shalt  }
0x68: {  	_ =	shalt  }
0x69: {  	_ =	shalt  }
0x6a: {  	_ =	shalt  }
0x6b: {  	_ =	shalt  }
0x6c: {  	_ =	shalt  }
0x6d: {  	_ =	shalt  }
0x6e: {  	_ =	shalt  }
0x6f: {  	_ =	shalt  }
0x70: {  	_ =	shalt  }
0x71: {  	_ =	shalt  }
0x72: {  	_ =	shalt  }
0x73: {  	_ =	shalt  }
0x74: {  	_ =	shalt  }
0x75: {  	_ =	shalt  }
0x76: {  	_ =	shalt  }
0x77: {  	_ =	shalt  }
0x78: {  	_ =	shalt  }
0x79: {  	_ =	shalt  }
0x7a: {  	_ =	shalt  }
0x7b: {  	_ =	shalt  }
0x7c: {  	_ =	shalt  }
0x7d: {  	_ =	shalt  }
0x7e: {  	_ =	shalt  }
0x7f: {  	_ =	shalt  }
0x80: {  	_ =	shalt  }
0x81: {  	_ =	shalt  }
0x82: {  	_ =	shalt  }
0x83: {  	_ =	shalt  }
0x84: {  	_ =	shalt  }
0x85: {  	_ =	shalt  }
0x86: {  	_ =	shalt  }
0x87: {  	_ =	shalt  }
.Lfunc_end0:
.L_simem_size_0:
called_computation_lowered:
.L_overlay_start_0:
0x88: {  	s2 =	sld [smem:$0x3FD9]  }
0x89: {  	s3 =	sld [smem:$0x3FFE];
	_ =	sdelay $0x1  }
0x8a: {  	s1 =	srdreg.scid  }
0x8b: {  	s0 =	sand.u32 $0x1, s1  }
0x8c: {  	s16 =	sshll.u32 s0, $0xA;
	s2 =	sadd.s32 s3, s2  }
0x8d: {  	s2 =	sadd.s32 s2, s16  }
0x8e: {  	[smem:$0x3FC2] =	sst s2  }
0x8f: {  	_ = 	snop  }
0x90: {  	(tm) =	ssettm $0x1  }
0x91: {  	s17 =	sld [smem:$0x3FFB];
	_ =	sdelay $0x3  }
0x92: {  	_ =	strace s17  }
0x93: {  	s2 =	sld [smem:$0x3FFC];
	_ =	sdelay $0x3  }
0x94: {  	_ =	strace s2  }
0x95: {  	s2 =	sld [smem:$0x3FFD];
	_ =	sdelay $0x3  }
0x96: {  	_ =	strace s2  }
0x97: {  	_ =	strace $0x8FFFFFFF  }
0x98: {  	s18 =	sld [smem:$0x3FDB];
	_ =	sdelay $0x1  }
0x99: {  	s19 =	simm.s32 $_scs_section_size  }
0x9a: {  	s4 =	simm.s32 $_size__tile_overlayer_lowered;
	s5 =	simm.s32 $_tile_overlayer_lowered  }
0x9b: {  	s22 =	simm.s32 $0x1BFF;
	s21 =	sshll.u32 s5, $0x1;
	s2 =	sadd.s32 s19, s18  }
0x9c: {  	s6 =	simm.s32 $0x0;
	s20 =	sshll.u32 s4, $0x1;
	s4 =	sadd.s32 s21, s2  }
0x9d: {  	[timem:s6], [sflag:s22] =	dma.local [hbm:s4], s20  }
0x9e: {  	_ =	swait.ge [sflag:s22], s20  }
0x9f: {  	s3 =	ssub.s32 $0x0, s20;
	[sflag:s22] =	ssyncset.done $0x0  }
0xa0: {  	[sflag:s22] =	ssyncadd.s32 s3;
	_ =	sdelay $0x1  }
0xa1: {  	s23 =	simm.s32 $0x1B8B  }
0xa2: {  	_ =	swait.ge [sflag:s23], $0x1  }
0xa3: {  	[sflag:s23] =	ssyncset.done $0x0  }
0xa4: {  	s25 =	simm.s32 $0x1B8E;
	s24 =	sld [smem:$0x3FFE];
	[sflag:s23] =	ssyncadd.s32 $0xFFFFFFFF  }
0xa5: {  	s26 =	simm.s32 $execute0_lowered;
	[smem:$0x3FD2] =	sst s25  }
0xa6: {  	s4 =	sshll.u32 s26, $0x1;
	_ =	strace $0x80000046;
	[dreg:$0x1] =	wrdreg $0xFFFFFFFF  }
0xa7: {  	s28 =	simm.s32 $_size_execute0_lowered;
	s2 =	sadd.s32 s2, s4;
	[dreg:$0x0] =	wrdreg $0x0  }
0xa8: {  	s4 =	sshll.u32 s28, $0x1;
	[dreg:$0x2] =	wrdreg s2  }
0xa9: {  	[dreg:$0x3] =	wrdreg s4  }
0xaa: {  	[dreg:$0x4] =	wrdreg $0xC0  }
0xab: {  	_ =	task [dreg:s6], $0x5FFFF  }
0xac: {  	[dreg:$0x1] =	wrdreg $0xFFFFFFFF  }
0xad: {  	[dreg:$0x0] =	wrdreg $0x60  }
0xae: {  	[dreg:$0x2] =	wrdreg s24  }
0xaf: {  	[dreg:$0x3] =	wrdreg $0x9  }
0xb0: {  	_ =	task.clear_ibuf [dreg:s6], $0x4FFFF;
	_ =	strace $0x90000046  }
0xb1: {  	s29 =	simm.s32 $0x9;
	_ =	strace $0x80000048  }
0xb2: {  	_ =	swait.ge [sflag:s29], $0x1  }
0xb3: {  	[sflag:s29] =	ssyncadd.s32 $0xFFFFFFFF  }
0xb4: {  	_ =	strace $0x90000048  }
0xb5: {  	_ =	sfence  }
0xb6: {  	s30 =	sld [smem:$0x0];
	_ =	sdelay $0x2  }
0xb7: {  	s31 =	sshll.u32 s1, $0xD;
	s1 =	sshrl.u32 s1, $0x2  }
0xb8: {  	s3 =	sand.u32 $0x4000, s31;
	s1 =	sadd.s32 s1, s30  }
0xb9: {  	s0 =	sor.u32 s3, s0;
	s1 =	sshll.u32 s1, $0x11  }
0xba: {  	s0 =	sor.u32 s1, s0  }
0xbb: {  	s0 =	sadd.s32 $0x8F2B, s0  }
0xbc: {  	[sflag:s0] =	ssyncadd.remote.s32 $0x1  }
0xbd: {  	_ =	sfence.sel $0xFFFF  }
0xbe: {  	[dreg:$0x0] =	wrdreg $0xFFFFFFFF;
	(pc) =	sbr.abs _section_cstart, $3  }
0xbf: {  	[dreg:$0x1] =	wrdreg $0xFFFFFFFF  }
0xc0: {  	_ =	task.clear_ibuf [dreg:s6], $0x2FFFF;
	_ =	strace $0x9FFFFFFF  }
0xc1: {  	(tm) =	ssettm $0x7FFFFFFF  }
tec
execute0_lowered:
.L_overlay_start_1:
0x0: {  	(tag) =	ssettag $0x1  }
0x1: {  	s1 =	srdreg.scid;
	s0 =	stileid.u32  }
0x2: {  	s3 =	rddreg [dreg:$0x0];
	s2 =	simm.s32 $0x0;
	s8 =	simm.s32 $0x0  }
0x3: {  	s4 =	sand.u32 $0x1, s1;
	s5 =	sshll.u32 s0, $0x1;
	s1 =	rddreg [dreg:$0x1]  }
0x4: {  	[smem:$0x7FF] =	sst s2;
	s5 =	sor.u32 s4, s5;
	s4 =	ssub.s32 $0x2, s4  }
0x5: {  	v0 =	vlaneseq.u32;
	s6 =	smul.u32 $0x500, s5;
	s5 =	sshll.u32 s5, $0xD;
	s7 =	sshrl.u32 s4, $0x1  }
0x6: {  	v0 =	vmul.u32 $0x2800, v0;
	_ =	strace $0x80000047;
	s5 =	sadd.s32 s5, s3;
	s7 =	ssub.s32 s4, s7  }
0x7: {  	s6 =	sadd.s32 s6, s3;
	s3 =	sadd.s32 $0x1400, s5;
	s5 =	smax.u32 s7, $0x1  }
0x8: {  	v1 =	vadd.s32 $0xA000, v0;
	s7 =	simm.s32 $0x10000;
	s4 =	sadd.s32 $0x41400, s6;
	s6 =	simm.s32 $0x1  }
.LBB2_1:
0x9: {  	[tilespmem:s2], [sflag:$0x1] =	stream.linear.gather [hbm4b:s3+s2], $0x10000, $0x38;
	[tilespmem:$0x12800] =	vst v63  }
0xa: {  	_ =	swait.ge [sflag:s6], $0x10000  }
0xb: {  	[sflag:s6] =	ssyncset.done $0x0  }
0xc: {  	s9 =	simm.s32 $0x4;
	[sflag:s6] =	ssyncadd.s32 $0xFFFF0000  }
0xd: {  	v2 =	vld [tilespmem:s9+$0xFFFFFFFC];
	_ =	sdelay $0x4  }
0xe: {  	s11 =	simm.s32 $0x0;
	v2 =	vadd.s32 v0, v2  }
0xf: {  	[tilespmem:s11+$0x10000] =	vst v2  }
0x10: {  	v2 =	vld [tilespmem:s9+$0x0];
	_ =	sdelay $0x4  }
0x11: {  	s10 =	simm.s32 $0x50;
	v2 =	vadd.s32 v1, v2  }
.LBB2_2:
0x12: {  	p0 =	sne.s32 s10, $0x9FB0  }
0x13: {  	[tilespmem:s11+$0x10004] =	vst v2;
	s9 =	sadd.s32 $0x80, s9;
	s11 =	smov.u32 s10;
	s10 =	sadd.s32 $0x50, s10  }
0x14: {  	v2 =	vld [tilespmem:s9+$0xFFFFFFFC];
	_ =	sdelay $0x4  }
0x15: {  	s11 =	sshra.s32 s11, $0x2;
	v2 =	vadd.s32 v0, v2  }
0x16: {  	[tilespmem:s11+$0x10000] =	vst v2  }
0x17: {  	v2 =	vld [tilespmem:s9+$0x0]  }
.Ltmp0:
0x18: {  	(pc) =	sbr.rel @p0 .LBB2_2-.Ltmp0, $2  }
0x19: {  	_ =	sdelay $0x2  }
0x1a: {  	v2 =	vadd.s32 v1, v2  }
0x1b: {  	s8 =	sadd.s32 $0x1, s8  }
0x1c: {  	p0 =	sne.s32 s8, s5  }
.Ltmp1:
0x1d: {  	[tilespmem:s11+$0x10004] =	vst v2;
	(pc) =	sbr.rel @p0 .LBB2_1-.Ltmp1, $4  }
0x1e: {  	[hbm4b:s4+s2] =	stream.linear.scatter [tilespmem:s7], [sflag:$0x1], $0x2800, $0x38;
	[tilespmem:$0x12800] =	vst v63  }
0x1f: {  	_ =	swait.ge [sflag:s6], $0x2800  }
0x20: {  	[sflag:s6] =	ssyncset.done $0x0  }
0x21: {  	[sflag:s6] =	ssyncadd.s32 $0xFFFFD800  }
0x22: {  	_ =	sfence.sel $0x180000  }
0x23: {  	[bflag:$0x0] =	sbarrier.arrive $0xFFFF  }
0x24: {  	p0 =	sne.s32 s0, $0x0;
	_ =	strace $0x90000047  }
0x25: {  	s0 =	sadd.s32 @!p0 $0x100000, s1;
	[bflag:$0x2] =	sbarrier.arrive $0xFFFF  }
0x26: {  	[sflag:s0] =	ssyncadd.tile.s32 @!p0 $0x1;
	_ =	shalt  }
.Lfunc_end2:
_tile_overlayer_lowered:
.L_overlay_start_2:
0x27: {  	(tag) =	ssettag $0x2  }
0x28: {  	s0 =	rddreg [dreg:$0x0];
	s2 =	stileid.u32  }
0x29: {  	s1 =	rddreg [dreg:$0x1];
	p0 =	sne.s32 s2, $0x0  }
0x2a: {  	s3 =	rddreg [dreg:$0x2];
	[bflag:$0x3] =	sbarrier.arrive $0xFFFF;
	s2 =	simm.s32 @!p0 $0x1C01  }
0x2b: {  	[timem:s3], [sflag:s2] =	dma.local @!p0 [hbm:s0], s1  }
0x2c: {  	s0 =	simm.s32 @!p0 $0x1  }
0x2d: {  	_ =	swait.ge @!p0 [sflag:s0], s1  }
0x2e: {  	s1 =	ssub.s32 @!p0 $0x0, s1;
	[sflag:s0] =	ssyncset.done @!p0 $0x0  }
0x2f: {  	[sflag:s0] =	ssyncadd.s32 @!p0 s1  }
0x30: {  	[bflag:$0x3] =	sbarrier.arrive $0xFFFF  }
0x31: {  	_ =	shalt  }

// kernel: kernel.9.cloned.1.call-start
scs
__scs_entry_jumppad:
0x0: {  	(pc) =	sbr.rel $0x88, $3  }
0x1: {  	(tag) =	ssettag $0x0;
	lr =	simm.s32 $0x1  }
0x2: {  	[smem:$0x3F9B] =	sst lr;
	_ =	strace $0xD0000000  }
0x3: {  	_ = 	snop  }
0x4: {  	_ = 	snop  }
0x5: {  	_ = 	snop  }
0x6: {  	_ = 	snop  }
0x7: {  	_ = 	snop  }
__scs_overlays_trampoline_lowered:
0x8: {  	[smem:$0x3FAA] =	sst s0  }
0x9: {  	[smem:$0x3FAB] =	sst s1  }
0xa: {  	[smem:$0x3FAC] =	sst s2  }
0xb: {  	[smem:$0x3FAD] =	sst s3  }
0xc: {  	[smem:$0x3FAE] =	sst s4  }
0xd: {  	[smem:$0x3FAF] =	sst s5  }
0xe: {  	[smem:$0x3FB0] =	sst s6  }
0xf: {  	[smem:$0x3FB1] =	sst s7  }
0x10: {  	[smem:$0x3FB2] =	sst s8  }
0x11: {  	[smem:$0x3FB3] =	sst s9;
	s0 =	simm.s32 @!p0 $0x0  }
0x12: {  	s1 =	sld [smem:$0x3F99];
	s0 =	simm.s32 @p0 $0x1  }
0x13: {  	[smem:$0x3FB4] =	sst s0;
	s0 =	simm.s32 @!p1 $0x0  }
0x14: {  	s2 =	sld [smem:$0x3F98];
	s0 =	simm.s32 @p1 $0x1  }
0x15: {  	[smem:$0x3FB5] =	sst s0;
	s0 =	simm.s32 @!p2 $0x0  }
0x16: {  	s3 =	sld [smem:$0x3FDB];
	s0 =	simm.s32 @p2 $0x1  }
0x17: {  	s4 =	simm.s32 $0x1BF5;
	[smem:$0x3FB7] =	sst s0  }
0x18: {  	s0 =	sld [smem:$0x3F9A];
	_ =	swait.ge [sflag:s4], $0x0  }
0x19: {  	s7 =	sld [smem:$0x3F9B]  }
0x1a: {  	s8 =	sadd.s32 $0xFFFFE003, lr  }
0x1b: {  	s9 =	sadd.s32 $0xFFFFFEF7, lr;
	s5 =	simm.s32 $0xFFFFFFFF;
	p2 =	slt.u32 s8, $0xFFFFF086  }
0x1c: {  	p1 =	slt.u32 s9, $0xF7A;
	s5 =	simm.s32 @!p2 $0x0  }
0x1d: {  	s5 =	simm.s32 @p1 $0x1;
	p0 =	seq.s32 s7, s2  }
0x1e: {  	s7 =	smul.u32 @!p0 $0xF7A, s2;
	p2 =	seq.s32 @!p0 s5, $0x0  }
0x1f: {  	s9 =	smul.u32 $0xF7A, s1;
	s8 =	simm.s32 @!p0 $0x1BF5;
	p2 =	por !p2, p0  }
0x20: {  	[sflag:s8] =	ssyncset.s32 @!p0 $0xFFFFF086;
	s6 =	sadd.s32 @!p0 s3, s7;
	s7 =	simm.s32 @!p0 $0x108  }
0x21: {  	s3 =	sadd.s32 s3, s9;
	s6 =	sadd.s32 @!p0 $0x88, s6;
	s7 =	simm.s32 @p2 $0x1082  }
0x22: {  	[simem:s7], [sflag:s8] =	dma.local @!p0 [hbm:s6], $0xF7A  }
0x23: {  	s9 =	sor.u32 $0xD0000000, s2;
	s6 =	simm.s32 $0x108;
	_ =	swait.ge @!p0 [sflag:s8], $0x0  }
0x24: {  	s3 =	sadd.s32 $0x88, s3;
	s6 =	simm.s32 @!p1 $0x1082;
	[sflag:s4] =	ssyncset.s32 $0xFFFFF086  }
0x25: {  	[simem:s6], [sflag:s4] =	dma.local [hbm:s3], $0xF7A  }
0x26: {  	[smem:$0x3F9B] =	sst s1;
	(tag) =	ssettag s2;
	_ =	strace s9  }
0x27: {  	s1 =	sld [smem:$0x3FAB]  }
0x28: {  	s2 =	sld [smem:$0x3FAC]  }
0x29: {  	s4 =	sld [smem:$0x3FAE]  }
0x2a: {  	p0 =	seq.s32 s5, $0x0;
	s5 =	sld [smem:$0x3FAF]  }
0x2b: {  	s6 =	sld [smem:$0x3FB0]  }
0x2c: {  	s7 =	sld [smem:$0x3FB1]  }
0x2d: {  	s3 =	simm.s32 $0x108;
	s8 =	sld [smem:$0x3FB2]  }
0x2e: {  	s3 =	simm.s32 @!p0 $0x1082;
	s9 =	sld [smem:$0x3FB3]  }
0x2f: {  	lr =	sadd.s32 s0, s3;
	s0 =	sld [smem:$0x3FAA]  }
0x30: {  	s3 =	sld [smem:$0x3FAD]  }
0x31: {  	[smem:$0x3FB6] =	sst s10  }
0x32: {  	s10 =	sld [smem:$0x3FB4];
	_ =	sdelay $0x3  }
0x33: {  	p0 =	seq.s32 s10, $0x1;
	s10 =	sld [smem:$0x3FB6];
	_ =	sdelay $0x3  }
0x34: {  	[smem:$0x3FB6] =	sst s10  }
0x35: {  	s10 =	sld [smem:$0x3FB5];
	_ =	sdelay $0x3  }
0x36: {  	p1 =	seq.s32 s10, $0x1;
	s10 =	sld [smem:$0x3FB6];
	_ =	sdelay $0x3  }
0x37: {  	[smem:$0x3FB6] =	sst s10  }
0x38: {  	s10 =	sld [smem:$0x3FB7]  }
0x39: {  	_ = 	snop;
	(pc) =	sbr.ind lr, $3  }
0x3a: {  	_ = 	snop  }
0x3b: {  	_ = 	snop  }
0x3c: {  	p2 =	seq.s32 s10, $0x1;
	s10 =	sld [smem:$0x3FB6]  }
0x3d: {  	_ =	shalt  }
0x3e: {  	_ =	shalt  }
0x3f: {  	_ =	shalt  }
0x40: {  	_ =	shalt  }
0x41: {  	_ =	shalt  }
0x42: {  	_ =	shalt  }
0x43: {  	_ =	shalt  }
0x44: {  	_ =	shalt  }
0x45: {  	_ =	shalt  }
0x46: {  	_ =	shalt  }
0x47: {  	_ =	shalt  }
0x48: {  	_ =	shalt  }
0x49: {  	_ =	shalt  }
0x4a: {  	_ =	shalt  }
0x4b: {  	_ =	shalt  }
0x4c: {  	_ =	shalt  }
0x4d: {  	_ =	shalt  }
0x4e: {  	_ =	shalt  }
0x4f: {  	_ =	shalt  }
0x50: {  	_ =	shalt  }
0x51: {  	_ =	shalt  }
0x52: {  	_ =	shalt  }
0x53: {  	_ =	shalt  }
0x54: {  	_ =	shalt  }
0x55: {  	_ =	shalt  }
0x56: {  	_ =	shalt  }
0x57: {  	_ =	shalt  }
0x58: {  	_ =	shalt  }
0x59: {  	_ =	shalt  }
0x5a: {  	_ =	shalt  }
0x5b: {  	_ =	shalt  }
0x5c: {  	_ =	shalt  }
0x5d: {  	_ =	shalt  }
0x5e: {  	_ =	shalt  }
0x5f: {  	_ =	shalt  }
0x60: {  	_ =	shalt  }
0x61: {  	_ =	shalt  }
0x62: {  	_ =	shalt  }
0x63: {  	_ =	shalt  }
0x64: {  	_ =	shalt  }
0x65: {  	_ =	shalt  }
0x66: {  	_ =	shalt  }
0x67: {  	_ =	shalt  }
0x68: {  	_ =	shalt  }
0x69: {  	_ =	shalt  }
0x6a: {  	_ =	shalt  }
0x6b: {  	_ =	shalt  }
0x6c: {  	_ =	shalt  }
0x6d: {  	_ =	shalt  }
0x6e: {  	_ =	shalt  }
0x6f: {  	_ =	shalt  }
0x70: {  	_ =	shalt  }
0x71: {  	_ =	shalt  }
0x72: {  	_ =	shalt  }
0x73: {  	_ =	shalt  }
0x74: {  	_ =	shalt  }
0x75: {  	_ =	shalt  }
0x76: {  	_ =	shalt  }
0x77: {  	_ =	shalt  }
0x78: {  	_ =	shalt  }
0x79: {  	_ =	shalt  }
0x7a: {  	_ =	shalt  }
0x7b: {  	_ =	shalt  }
0x7c: {  	_ =	shalt  }
0x7d: {  	_ =	shalt  }
0x7e: {  	_ =	shalt  }
0x7f: {  	_ =	shalt  }
0x80: {  	_ =	shalt  }
0x81: {  	_ =	shalt  }
0x82: {  	_ =	shalt  }
0x83: {  	_ =	shalt  }
0x84: {  	_ =	shalt  }
0x85: {  	_ =	shalt  }
0x86: {  	_ =	shalt  }
0x87: {  	_ =	shalt  }
.Lfunc_end0:
.L_simem_size_0:
called_computation.1_lowered:
.L_overlay_start_0:
0x88: {  	s2 =	sld [smem:$0x3FD9]  }
0x89: {  	s3 =	sld [smem:$0x3FFE];
	_ =	sdelay $0x1  }
0x8a: {  	s1 =	srdreg.scid  }
0x8b: {  	s0 =	sand.u32 $0x1, s1  }
0x8c: {  	s16 =	sshll.u32 s0, $0xA;
	s2 =	sadd.s32 s3, s2  }
0x8d: {  	s2 =	sadd.s32 s2, s16  }
0x8e: {  	[smem:$0x3FC2] =	sst s2  }
0x8f: {  	_ = 	snop  }
0x90: {  	(tm) =	ssettm $0x1  }
0x91: {  	s17 =	sld [smem:$0x3FFB];
	_ =	sdelay $0x3  }
0x92: {  	_ =	strace s17  }
0x93: {  	s2 =	sld [smem:$0x3FFC];
	_ =	sdelay $0x3  }
0x94: {  	_ =	strace s2  }
0x95: {  	s2 =	sld [smem:$0x3FFD];
	_ =	sdelay $0x3  }
0x96: {  	_ =	strace s2  }
0x97: {  	_ =	strace $0x8FFFFFFF  }
0x98: {  	s18 =	sld [smem:$0x3FDB];
	_ =	sdelay $0x1  }
0x99: {  	s19 =	simm.s32 $_scs_section_size  }
0x9a: {  	s4 =	simm.s32 $_size__tile_overlayer_lowered;
	s5 =	simm.s32 $_tile_overlayer_lowered  }
0x9b: {  	s22 =	simm.s32 $0x1BFF;
	s21 =	sshll.u32 s5, $0x1;
	s2 =	sadd.s32 s19, s18  }
0x9c: {  	s6 =	simm.s32 $0x0;
	s20 =	sshll.u32 s4, $0x1;
	s4 =	sadd.s32 s21, s2  }
0x9d: {  	[timem:s6], [sflag:s22] =	dma.local [hbm:s4], s20  }
0x9e: {  	_ =	swait.ge [sflag:s22], s20  }
0x9f: {  	s3 =	ssub.s32 $0x0, s20;
	[sflag:s22] =	ssyncset.done $0x0  }
0xa0: {  	[sflag:s22] =	ssyncadd.s32 s3;
	_ =	sdelay $0x1  }
0xa1: {  	s23 =	simm.s32 $0x1B8B  }
0xa2: {  	_ =	swait.ge [sflag:s23], $0x1  }
0xa3: {  	[sflag:s23] =	ssyncset.done $0x0  }
0xa4: {  	s25 =	simm.s32 $0x1B8E;
	s24 =	sld [smem:$0x3FFE];
	[sflag:s23] =	ssyncadd.s32 $0xFFFFFFFF  }
0xa5: {  	s26 =	simm.s32 $execute0_lowered;
	[smem:$0x3FD2] =	sst s25  }
0xa6: {  	s4 =	sshll.u32 s26, $0x1;
	_ =	strace $0x80000049;
	[dreg:$0x1] =	wrdreg $0xFFFFFFFF  }
0xa7: {  	s28 =	simm.s32 $_size_execute0_lowered;
	s2 =	sadd.s32 s2, s4;
	[dreg:$0x0] =	wrdreg $0x0  }
0xa8: {  	s4 =	sshll.u32 s28, $0x1;
	[dreg:$0x2] =	wrdreg s2  }
0xa9: {  	[dreg:$0x3] =	wrdreg s4  }
0xaa: {  	[dreg:$0x4] =	wrdreg $0xC0  }
0xab: {  	_ =	task [dreg:s6], $0x5FFFF  }
0xac: {  	[dreg:$0x1] =	wrdreg $0xFFFFFFFF  }
0xad: {  	[dreg:$0x0] =	wrdreg $0x60  }
0xae: {  	[dreg:$0x2] =	wrdreg s24  }
0xaf: {  	[dreg:$0x3] =	wrdreg $0x9  }
0xb0: {  	_ =	task.clear_ibuf [dreg:s6], $0x4FFFF;
	_ =	strace $0x90000049  }
0xb1: {  	s29 =	simm.s32 $0x9;
	_ =	strace $0x8000004B  }
0xb2: {  	_ =	swait.ge [sflag:s29], $0x1  }
0xb3: {  	[sflag:s29] =	ssyncadd.s32 $0xFFFFFFFF  }
0xb4: {  	_ =	strace $0x9000004B  }
0xb5: {  	_ =	sfence  }
0xb6: {  	s30 =	sld [smem:$0x0];
	_ =	sdelay $0x2  }
0xb7: {  	s31 =	sshll.u32 s1, $0xD;
	s1 =	sshrl.u32 s1, $0x2  }
0xb8: {  	s3 =	sand.u32 $0x4000, s31;
	s1 =	sadd.s32 s1, s30  }
0xb9: {  	s0 =	sor.u32 s3, s0;
	s1 =	sshll.u32 s1, $0x11  }
0xba: {  	s0 =	sor.u32 s1, s0  }
0xbb: {  	s0 =	sadd.s32 $0x8F2B, s0  }
0xbc: {  	[sflag:s0] =	ssyncadd.remote.s32 $0x1  }
0xbd: {  	_ =	sfence.sel $0xFFFF  }
0xbe: {  	[dreg:$0x0] =	wrdreg $0xFFFFFFFF;
	(pc) =	sbr.abs _section_cstart, $3  }
0xbf: {  	[dreg:$0x1] =	wrdreg $0xFFFFFFFF  }
0xc0: {  	_ =	task.clear_ibuf [dreg:s6], $0x2FFFF;
	_ =	strace $0x9FFFFFFF  }
0xc1: {  	(tm) =	ssettm $0x7FFFFFFF  }
tec
execute0_lowered:
.L_overlay_start_1:
0x0: {  	(tag) =	ssettag $0x1  }
0x1: {  	s0 =	srdreg.scid  }
0x2: {  	s2 =	stileid.u32;
	s1 =	rddreg [dreg:$0x0];
	s7 =	simm.s32 $0x2  }
0x3: {  	s8 =	simm.s32 $0x80;
	s29 =	simm.s32 $0xD800;
	s30 =	simm.s32 $0xB80  }
0x4: {  	s31 =	simm.s32 $0xE000;
	s9 =	simm.s32 $0xC80;
	s10 =	simm.s32 $0xF000  }
0x5: {  	s11 =	simm.s32 $0xD00;
	s12 =	simm.s32 $0xF800;
	s13 =	simm.s32 $0xD80  }
0x6: {  	s14 =	simm.s32 $0x10000;
	s15 =	simm.s32 $0xE00;
	s16 =	simm.s32 $0x10800  }
0x7: {  	s17 =	simm.s32 $0xE80;
	s18 =	simm.s32 $0x11000;
	s19 =	simm.s32 $0x1  }
0x8: {  	s20 =	simm.s32 $0x16800;
	s0 =	sand.u32 $0x1, s0;
	s3 =	sshll.u32 s2, $0x1  }
0x9: {  	s21 =	simm.s32 $0x0;
	s2 =	simm.s32 $0x0;
	s3 =	sor.u32 s0, s3  }
0xa: {  	[smem:$0x7FF] =	sst s2;
	s0 =	ssub.s32 $0x2, s0;
	s4 =	smul.u32 $0x500, s3  }
0xb: {  	_ =	strace $0x8000004A;
	s5 =	sshll.u32 s3, $0xA;
	s6 =	sshrl.u32 s0, $0x1  }
0xc: {  	s3 =	sadd.s32 $0x4B400, s1;
	s0 =	ssub.s32 s0, s6;
	s4 =	sadd.s32 s4, s1  }
0xd: {  	s1 =	sadd.s32 s5, s1;
	s6 =	smax.u32 s0, $0x1;
	s0 =	simm.s32 $0xE800  }
0xe: {  	s4 =	sadd.s32 $0x41400, s4;
	s5 =	sadd.s32 $0x1400, s1;
	s1 =	simm.s32 $0xC00  }
.LBB2_1:
0xf: {  	[tilespmem:s2], [sflag:$0x2] =	stream.linear.gather [hbm4b:s4+s2], $0x2800, $0x38;
	[tilespmem:$0x18800] =	vst v63  }
0x10: {  	_ =	swait.ge [sflag:s7], $0x2800  }
0x11: {  	[sflag:s7] =	ssyncset.done $0x0  }
0x12: {  	s22 =	simm.s32 $0x2800;
	[sflag:s7] =	ssyncadd.s32 $0xFFFFD800  }
0x13: {  	[tilespmem:s22], [sflag:$0x1] =	stream.indirect.gather [hbm4b:s3+s8], $0x10, s2, s8, $0xb8;
	[tilespmem:$0x18800] =	vst v63  }
0x14: {  	s24 =	simm.s32 $0x3000  }
0x15: {  	[tilespmem:s24], [sflag:$0x1] =	stream.indirect.gather [hbm4b:s3+s8], $0x10, s8, s8, $0xb8;
	[tilespmem:$0x18800] =	vst v63  }
0x16: {  	s25 =	simm.s32 $0x100;
	s23 =	simm.s32 $0x3800  }
0x17: {  	[tilespmem:s23], [sflag:$0x1] =	stream.indirect.gather [hbm4b:s3+s8], $0x10, s25, s8, $0xb8;
	[tilespmem:$0x18800] =	vst v63  }
0x18: {  	s26 =	simm.s32 $0x180;
	s28 =	simm.s32 $0x4000  }
0x19: {  	[tilespmem:s28], [sflag:$0x1] =	stream.indirect.gather [hbm4b:s3+s8], $0x10, s26, s8, $0xb8;
	[tilespmem:$0x18800] =	vst v63  }
0x1a: {  	s24 =	simm.s32 $0x200;
	s25 =	simm.s32 $0x4800  }
0x1b: {  	[tilespmem:s25], [sflag:$0x1] =	stream.indirect.gather [hbm4b:s3+s8], $0x10, s24, s8, $0xb8;
	[tilespmem:$0x18800] =	vst v63  }
0x1c: {  	s26 =	simm.s32 $0x280;
	s28 =	simm.s32 $0x5000  }
0x1d: {  	[tilespmem:s28], [sflag:$0x1] =	stream.indirect.gather [hbm4b:s3+s8], $0x10, s26, s8, $0xb8;
	[tilespmem:$0x18800] =	vst v63  }
0x1e: {  	s24 =	simm.s32 $0x300;
	s25 =	simm.s32 $0x5800  }
0x1f: {  	[tilespmem:s25], [sflag:$0x1] =	stream.indirect.gather [hbm4b:s3+s8], $0x10, s24, s8, $0xb8;
	[tilespmem:$0x18800] =	vst v63  }
0x20: {  	s26 =	simm.s32 $0x380;
	s28 =	simm.s32 $0x6000  }
0x21: {  	[tilespmem:s28], [sflag:$0x1] =	stream.indirect.gather [hbm4b:s3+s8], $0x10, s26, s8, $0xb8;
	[tilespmem:$0x18800] =	vst v63  }
0x22: {  	s24 =	simm.s32 $0x400;
	s25 =	simm.s32 $0x6800  }
0x23: {  	[tilespmem:s25], [sflag:$0x1] =	stream.indirect.gather [hbm4b:s3+s8], $0x10, s24, s8, $0xb8;
	[tilespmem:$0x18800] =	vst v63  }
0x24: {  	s26 =	simm.s32 $0x480;
	s28 =	simm.s32 $0x7000  }
0x25: {  	[tilespmem:s28], [sflag:$0x1] =	stream.indirect.gather [hbm4b:s3+s8], $0x10, s26, s8, $0xb8;
	[tilespmem:$0x18800] =	vst v63  }
0x26: {  	s24 =	simm.s32 $0x500;
	s25 =	simm.s32 $0x7800  }
0x27: {  	[tilespmem:s25], [sflag:$0x1] =	stream.indirect.gather [hbm4b:s3+s8], $0x10, s24, s8, $0xb8;
	[tilespmem:$0x18800] =	vst v63  }
0x28: {  	s26 =	simm.s32 $0x580;
	s28 =	simm.s32 $0x8000  }
0x29: {  	[tilespmem:s28], [sflag:$0x1] =	stream.indirect.gather [hbm4b:s3+s8], $0x10, s26, s8, $0xb8;
	[tilespmem:$0x18800] =	vst v63  }
0x2a: {  	s24 =	simm.s32 $0x600;
	s25 =	simm.s32 $0x8800  }
0x2b: {  	[tilespmem:s25], [sflag:$0x1] =	stream.indirect.gather [hbm4b:s3+s8], $0x10, s24, s8, $0xb8;
	[tilespmem:$0x18800] =	vst v63  }
0x2c: {  	s26 =	simm.s32 $0x680;
	s28 =	simm.s32 $0x9000  }
0x2d: {  	[tilespmem:s28], [sflag:$0x1] =	stream.indirect.gather [hbm4b:s3+s8], $0x10, s26, s8, $0xb8;
	[tilespmem:$0x18800] =	vst v63  }
0x2e: {  	s24 =	simm.s32 $0x700;
	s25 =	simm.s32 $0x9800  }
0x2f: {  	[tilespmem:s25], [sflag:$0x1] =	stream.indirect.gather [hbm4b:s3+s8], $0x10, s24, s8, $0xb8;
	[tilespmem:$0x18800] =	vst v63  }
0x30: {  	s26 =	simm.s32 $0x780;
	s28 =	simm.s32 $0xA000  }
0x31: {  	[tilespmem:s28], [sflag:$0x1] =	stream.indirect.gather [hbm4b:s3+s8], $0x10, s26, s8, $0xb8;
	[tilespmem:$0x18800] =	vst v63  }
0x32: {  	s24 =	simm.s32 $0x800;
	s25 =	simm.s32 $0xA800  }
0x33: {  	[tilespmem:s25], [sflag:$0x1] =	stream.indirect.gather [hbm4b:s3+s8], $0x10, s24, s8, $0xb8;
	[tilespmem:$0x18800] =	vst v63  }
0x34: {  	s26 =	simm.s32 $0x880;
	s28 =	simm.s32 $0xB000  }
0x35: {  	[tilespmem:s28], [sflag:$0x1] =	stream.indirect.gather [hbm4b:s3+s8], $0x10, s26, s8, $0xb8;
	[tilespmem:$0x18800] =	vst v63  }
0x36: {  	s24 =	simm.s32 $0x900;
	s25 =	simm.s32 $0xB800  }
0x37: {  	[tilespmem:s25], [sflag:$0x1] =	stream.indirect.gather [hbm4b:s3+s8], $0x10, s24, s8, $0xb8;
	[tilespmem:$0x18800] =	vst v63  }
0x38: {  	s26 =	simm.s32 $0x980;
	s28 =	simm.s32 $0xC000  }
0x39: {  	[tilespmem:s28], [sflag:$0x1] =	stream.indirect.gather [hbm4b:s3+s8], $0x10, s26, s8, $0xb8;
	[tilespmem:$0x18800] =	vst v63  }
0x3a: {  	s23 =	simm.s32 $0xA00;
	s24 =	simm.s32 $0xC800  }
0x3b: {  	[tilespmem:s24], [sflag:$0x1] =	stream.indirect.gather [hbm4b:s3+s8], $0x10, s23, s8, $0xb8;
	[tilespmem:$0x18800] =	vst v63  }
0x3c: {  	s25 =	simm.s32 $0xA80;
	s26 =	simm.s32 $0xD000  }
0x3d: {  	[tilespmem:s26], [sflag:$0x1] =	stream.indirect.gather [hbm4b:s3+s8], $0x10, s25, s8, $0xb8;
	[tilespmem:$0x18800] =	vst v63  }
0x3e: {  	s28 =	simm.s32 $0xB00  }
0x3f: {  	[tilespmem:s29], [sflag:$0x1] =	stream.indirect.gather [hbm4b:s3+s8], $0x10, s28, s8, $0xb8;
	[tilespmem:$0x18800] =	vst v63  }
0x40: {  	_ = 	snop  }
0x41: {  	[tilespmem:s31], [sflag:$0x1] =	stream.indirect.gather [hbm4b:s3+s8], $0x10, s30, s8, $0xb8;
	[tilespmem:$0x18800] =	vst v63  }
0x42: {  	_ = 	snop  }
0x43: {  	[tilespmem:s0], [sflag:$0x1] =	stream.indirect.gather [hbm4b:s3+s8], $0x10, s1, s8, $0xb8;
	[tilespmem:$0x18800] =	vst v63  }
0x44: {  	_ = 	snop  }
0x45: {  	[tilespmem:s10], [sflag:$0x1] =	stream.indirect.gather [hbm4b:s3+s8], $0x10, s9, s8, $0xb8;
	[tilespmem:$0x18800] =	vst v63  }
0x46: {  	_ = 	snop  }
0x47: {  	[tilespmem:s12], [sflag:$0x1] =	stream.indirect.gather [hbm4b:s3+s8], $0x10, s11, s8, $0xb8;
	[tilespmem:$0x18800] =	vst v63  }
0x48: {  	_ = 	snop  }
0x49: {  	[tilespmem:s14], [sflag:$0x1] =	stream.indirect.gather [hbm4b:s3+s8], $0x10, s13, s8, $0xb8;
	[tilespmem:$0x18800] =	vst v63  }
0x4a: {  	_ = 	snop  }
0x4b: {  	[tilespmem:s16], [sflag:$0x1] =	stream.indirect.gather [hbm4b:s3+s8], $0x10, s15, s8, $0xb8;
	[tilespmem:$0x18800] =	vst v63  }
0x4c: {  	s22 =	simm.s32 $0x0  }
0x4d: {  	[tilespmem:s18], [sflag:$0x1] =	stream.indirect.gather [hbm4b:s3+s8], $0x10, s17, s8, $0xb8;
	[tilespmem:$0x18800] =	vst v63  }
.LBB2_2:
0x4e: {  	p0 =	sgt.u32 s22, $0x4  }
0x4f: {  	s23 =	sadd.s32 @!p0 $0x3, s22  }
0x50: {  	s24 =	sand.u32 @!p0 $0x3, s23  }
0x51: {  	s24 =	smul.u32 @!p0 $0x14000, s24  }
0x52: {  	_ =	swait.ge [sflag:s19], $0x5000;
	s23 =	smul.u32 @!p0 $0x1400, s23  }
0x53: {  	[sflag:s19] =	ssyncset.done $0x0;
	s26 =	simm.s32 @!p0 $0x80;
	s24 =	sshrl.u32 @!p0 s24, $0x2  }
0x54: {  	[sflag:s19] =	ssyncadd.s32 $0xFFFFB000;
	s23 =	sshra.s32 @!p0 s23, $0x2;
	s25 =	sadd.s32 @!p0 $0x2800, s24  }
0x55: {  	[tilespmem:s25], [sflag:$0x1] =	stream.indirect.gather @!p0 [hbm4b:s3+s26], $0x10, s23, s26, $0xb8;
	[tilespmem:$0x18800] =	vst v63  }
0x56: {  	s28 =	sor.u32 @!p0 $0x80, s23;
	s25 =	sadd.s32 @!p0 $0x3000, s24  }
0x57: {  	[tilespmem:s25], [sflag:$0x1] =	stream.indirect.gather @!p0 [hbm4b:s3+s26], $0x10, s28, s26, $0xb8;
	[tilespmem:$0x18800] =	vst v63  }
0x58: {  	s25 =	sadd.s32 @!p0 $0x3800, s24;
	s28 =	sadd.s32 @!p0 $0x100, s23  }
0x59: {  	[tilespmem:s25], [sflag:$0x1] =	stream.indirect.gather @!p0 [hbm4b:s3+s26], $0x10, s28, s26, $0xb8;
	[tilespmem:$0x18800] =	vst v63  }
0x5a: {  	s25 =	sadd.s32 @!p0 $0x4000, s24;
	s28 =	sadd.s32 @!p0 $0x180, s23  }
0x5b: {  	[tilespmem:s25], [sflag:$0x1] =	stream.indirect.gather @!p0 [hbm4b:s3+s26], $0x10, s28, s26, $0xb8;
	[tilespmem:$0x18800] =	vst v63  }
0x5c: {  	s25 =	sadd.s32 @!p0 $0x4800, s24;
	s28 =	sadd.s32 @!p0 $0x200, s23  }
0x5d: {  	[tilespmem:s25], [sflag:$0x1] =	stream.indirect.gather @!p0 [hbm4b:s3+s26], $0x10, s28, s26, $0xb8;
	[tilespmem:$0x18800] =	vst v63  }
0x5e: {  	s25 =	sadd.s32 @!p0 $0x5000, s24;
	s28 =	sadd.s32 @!p0 $0x280, s23  }
0x5f: {  	[tilespmem:s25], [sflag:$0x1] =	stream.indirect.gather @!p0 [hbm4b:s3+s26], $0x10, s28, s26, $0xb8;
	[tilespmem:$0x18800] =	vst v63  }
0x60: {  	s25 =	sadd.s32 @!p0 $0x5800, s24;
	s28 =	sadd.s32 @!p0 $0x300, s23  }
0x61: {  	[tilespmem:s25], [sflag:$0x1] =	stream.indirect.gather @!p0 [hbm4b:s3+s26], $0x10, s28, s26, $0xb8;
	[tilespmem:$0x18800] =	vst v63  }
0x62: {  	s25 =	sadd.s32 @!p0 $0x6000, s24;
	s28 =	sadd.s32 @!p0 $0x380, s23  }
0x63: {  	[tilespmem:s25], [sflag:$0x1] =	stream.indirect.gather @!p0 [hbm4b:s3+s26], $0x10, s28, s26, $0xb8;
	[tilespmem:$0x18800] =	vst v63  }
0x64: {  	s25 =	sadd.s32 @!p0 $0x6800, s24;
	s28 =	sadd.s32 @!p0 $0x400, s23  }
0x65: {  	[tilespmem:s25], [sflag:$0x1] =	stream.indirect.gather @!p0 [hbm4b:s3+s26], $0x10, s28, s26, $0xb8;
	[tilespmem:$0x18800] =	vst v63  }
0x66: {  	s24 =	sadd.s32 @!p0 $0x7000, s24;
	s23 =	sadd.s32 @!p0 $0x480, s23;
	s25 =	sshll.u32 s22, $0xA  }
0x67: {  	[tilespmem:s24], [sflag:$0x1] =	stream.indirect.gather @!p0 [hbm4b:s3+s26], $0x10, s23, s26, $0xb8;
	[tilespmem:$0x18800] =	vst v63  }
0x68: {  	s23 =	sand.u32 $0x3FFFFC00, s25  }
0x69: {  	s26 =	sand.u32 $0x3, s22;
	s28 =	sadd.s32 $0x16800, s23  }
0x6a: {  	s24 =	simm.s32 $0x0;
	s23 =	smul.u32 $0x500, s26;
	v0 =	vmov s28  }
.LBB2_3:
0x6b: {  	s25 =	smul.u32 $0x140, s24;
	_ =	sdelay $0x1  }
0x6c: {  	s25 =	sadd.s32 s23, s25  }
0x6d: {  	s25 =	sshll.u32 s25, $0x4  }
0x6e: {  	s25 =	sand.u32 $0x3FFFFFF0, s25  }
0x6f: {  	v1 =	vld [tilespmem:s25+$0x2800];
	_ =	sdelay $0x1  }
0x70: {  	v2 =	vld [tilespmem:s25+$0x2810];
	_ =	sdelay $0x1  }
0x71: {  	v3 =	vld [tilespmem:s25+$0x2820]  }
0x72: {  	v1 =	vadd.f32 $0.0e+00, v1  }
0x73: {  	v4 =	vld [tilespmem:s25+$0x2830]  }
0x74: {  	v1 =	vadd.f32 v2, v1  }
0x75: {  	v2 =	vld [tilespmem:s25+$0x2840]  }
0x76: {  	v1 =	vadd.f32 v3, v1  }
0x77: {  	v3 =	vld [tilespmem:s25+$0x2850]  }
0x78: {  	v1 =	vadd.f32 v4, v1  }
0x79: {  	v25 =	vld [tilespmem:s25+$0x2860]  }
0x7a: {  	v1 =	vadd.f32 v2, v1  }
0x7b: {  	v2 =	vld [tilespmem:s25+$0x2870]  }
0x7c: {  	v1 =	vadd.f32 v3, v1  }
0x7d: {  	v3 =	vld [tilespmem:s25+$0x2880]  }
0x7e: {  	v1 =	vadd.f32 v25, v1  }
0x7f: {  	v26 =	vld [tilespmem:s25+$0x2890]  }
0x80: {  	v1 =	vadd.f32 v2, v1  }
0x81: {  	v2 =	vld [tilespmem:s25+$0x28A0]  }
0x82: {  	v1 =	vadd.f32 v3, v1  }
0x83: {  	v3 =	vld [tilespmem:s25+$0x28B0]  }
0x84: {  	v1 =	vadd.f32 v26, v1  }
0x85: {  	v27 =	vld [tilespmem:s25+$0x28C0]  }
0x86: {  	v1 =	vadd.f32 v2, v1  }
0x87: {  	v2 =	vld [tilespmem:s25+$0x28D0]  }
0x88: {  	v1 =	vadd.f32 v3, v1  }
0x89: {  	v3 =	vld [tilespmem:s25+$0x28E0]  }
0x8a: {  	v1 =	vadd.f32 v27, v1  }
0x8b: {  	v28 =	vld [tilespmem:s25+$0x28F0]  }
0x8c: {  	v1 =	vadd.f32 v2, v1  }
0x8d: {  	v2 =	vld [tilespmem:s25+$0x2900]  }
0x8e: {  	v1 =	vadd.f32 v3, v1  }
0x8f: {  	v3 =	vld [tilespmem:s25+$0x2910]  }
0x90: {  	v1 =	vadd.f32 v28, v1  }
0x91: {  	v29 =	vld [tilespmem:s25+$0x2920]  }
0x92: {  	v1 =	vadd.f32 v2, v1  }
0x93: {  	v2 =	vld [tilespmem:s25+$0x2930]  }
0x94: {  	v1 =	vadd.f32 v3, v1;
	_ =	sdelay $0x1  }
0x95: {  	v1 =	vadd.f32 v29, v1;
	_ =	sdelay $0x1  }
0x96: {  	s26 =	sshll.u32 s24, $0x8;
	v1 =	vadd.f32 v2, v1  }
0x97: {  	s26 =	sand.u32 $0x3FFFFF00, s26  }
0x98: {  	[tilespmem:v0+s26+$0x0 ss:$0x1] =	vst.idx.msk $0xffff, v1  }
0x99: {  	v1 =	vld [tilespmem:s25+$0x2940];
	_ =	sdelay $0x1  }
0x9a: {  	v2 =	vld [tilespmem:s25+$0x2950];
	_ =	sdelay $0x1  }
0x9b: {  	v3 =	vld [tilespmem:s25+$0x2960]  }
0x9c: {  	v1 =	vadd.f32 $0.0e+00, v1  }
0x9d: {  	v30 =	vld [tilespmem:s25+$0x2970]  }
0x9e: {  	v1 =	vadd.f32 v2, v1  }
0x9f: {  	v2 =	vld [tilespmem:s25+$0x2980]  }
0xa0: {  	v1 =	vadd.f32 v3, v1  }
0xa1: {  	v3 =	vld [tilespmem:s25+$0x2990]  }
0xa2: {  	v1 =	vadd.f32 v30, v1  }
0xa3: {  	v31 =	vld [tilespmem:s25+$0x29A0]  }
0xa4: {  	v1 =	vadd.f32 v2, v1  }
0xa5: {  	v2 =	vld [tilespmem:s25+$0x29B0]  }
0xa6: {  	v1 =	vadd.f32 v3, v1  }
0xa7: {  	v3 =	vld [tilespmem:s25+$0x29C0]  }
0xa8: {  	v1 =	vadd.f32 v31, v1  }
0xa9: {  	v32 =	vld [tilespmem:s25+$0x29D0]  }
0xaa: {  	v1 =	vadd.f32 v2, v1  }
0xab: {  	v2 =	vld [tilespmem:s25+$0x29E0]  }
0xac: {  	v1 =	vadd.f32 v3, v1  }
0xad: {  	v3 =	vld [tilespmem:s25+$0x29F0]  }
0xae: {  	v1 =	vadd.f32 v32, v1  }
0xaf: {  	v33 =	vld [tilespmem:s25+$0x2A00]  }
0xb0: {  	v1 =	vadd.f32 v2, v1  }
0xb1: {  	v2 =	vld [tilespmem:s25+$0x2A10]  }
0xb2: {  	v1 =	vadd.f32 v3, v1  }
0xb3: {  	v3 =	vld [tilespmem:s25+$0x2A20]  }
0xb4: {  	v1 =	vadd.f32 v33, v1  }
0xb5: {  	v34 =	vld [tilespmem:s25+$0x2A30]  }
0xb6: {  	v1 =	vadd.f32 v2, v1  }
0xb7: {  	v2 =	vld [tilespmem:s25+$0x2A40]  }
0xb8: {  	v1 =	vadd.f32 v3, v1  }
0xb9: {  	v3 =	vld [tilespmem:s25+$0x2A50]  }
0xba: {  	v1 =	vadd.f32 v34, v1  }
0xbb: {  	v35 =	vld [tilespmem:s25+$0x2A60]  }
0xbc: {  	v1 =	vadd.f32 v2, v1  }
0xbd: {  	v2 =	vld [tilespmem:s25+$0x2A70]  }
0xbe: {  	v1 =	vadd.f32 v3, v1;
	_ =	sdelay $0x1  }
0xbf: {  	v1 =	vadd.f32 v35, v1;
	_ =	sdelay $0x1  }
0xc0: {  	v1 =	vadd.f32 v2, v1;
	_ =	sdelay $0x1  }
0xc1: {  	[tilespmem:v0+s26+$0x10 ss:$0x1] =	vst.idx.msk $0xffff, v1  }
0xc2: {  	v1 =	vld [tilespmem:s25+$0x2A80];
	_ =	sdelay $0x1  }
0xc3: {  	v2 =	vld [tilespmem:s25+$0x2A90];
	_ =	sdelay $0x1  }
0xc4: {  	v3 =	vld [tilespmem:s25+$0x2AA0]  }
0xc5: {  	v1 =	vadd.f32 $0.0e+00, v1  }
0xc6: {  	v36 =	vld [tilespmem:s25+$0x2AB0]  }
0xc7: {  	v1 =	vadd.f32 v2, v1  }
0xc8: {  	v2 =	vld [tilespmem:s25+$0x2AC0]  }
0xc9: {  	v1 =	vadd.f32 v3, v1  }
0xca: {  	v3 =	vld [tilespmem:s25+$0x2AD0]  }
0xcb: {  	v1 =	vadd.f32 v36, v1  }
0xcc: {  	v37 =	vld [tilespmem:s25+$0x2AE0]  }
0xcd: {  	v1 =	vadd.f32 v2, v1  }
0xce: {  	v2 =	vld [tilespmem:s25+$0x2AF0]  }
0xcf: {  	v1 =	vadd.f32 v3, v1  }
0xd0: {  	v3 =	vld [tilespmem:s25+$0x2B00]  }
0xd1: {  	v1 =	vadd.f32 v37, v1  }
0xd2: {  	v38 =	vld [tilespmem:s25+$0x2B10]  }
0xd3: {  	v1 =	vadd.f32 v2, v1  }
0xd4: {  	v2 =	vld [tilespmem:s25+$0x2B20]  }
0xd5: {  	v1 =	vadd.f32 v3, v1  }
0xd6: {  	v3 =	vld [tilespmem:s25+$0x2B30]  }
0xd7: {  	v1 =	vadd.f32 v38, v1  }
0xd8: {  	v39 =	vld [tilespmem:s25+$0x2B40]  }
0xd9: {  	v1 =	vadd.f32 v2, v1  }
0xda: {  	v2 =	vld [tilespmem:s25+$0x2B50]  }
0xdb: {  	v1 =	vadd.f32 v3, v1  }
0xdc: {  	v3 =	vld [tilespmem:s25+$0x2B60]  }
0xdd: {  	v1 =	vadd.f32 v39, v1  }
0xde: {  	v40 =	vld [tilespmem:s25+$0x2B70]  }
0xdf: {  	v1 =	vadd.f32 v2, v1  }
0xe0: {  	v2 =	vld [tilespmem:s25+$0x2B80]  }
0xe1: {  	v1 =	vadd.f32 v3, v1  }
0xe2: {  	v3 =	vld [tilespmem:s25+$0x2B90]  }
0xe3: {  	v1 =	vadd.f32 v40, v1  }
0xe4: {  	v41 =	vld [tilespmem:s25+$0x2BA0]  }
0xe5: {  	v1 =	vadd.f32 v2, v1  }
0xe6: {  	v2 =	vld [tilespmem:s25+$0x2BB0]  }
0xe7: {  	v1 =	vadd.f32 v3, v1;
	_ =	sdelay $0x1  }
0xe8: {  	v1 =	vadd.f32 v41, v1;
	_ =	sdelay $0x1  }
0xe9: {  	v1 =	vadd.f32 v2, v1;
	_ =	sdelay $0x1  }
0xea: {  	[tilespmem:v0+s26+$0x20 ss:$0x1] =	vst.idx.msk $0xffff, v1  }
0xeb: {  	v1 =	vld [tilespmem:s25+$0x2BC0];
	_ =	sdelay $0x1  }
0xec: {  	v2 =	vld [tilespmem:s25+$0x2BD0];
	_ =	sdelay $0x1  }
0xed: {  	v3 =	vld [tilespmem:s25+$0x2BE0]  }
0xee: {  	v1 =	vadd.f32 $0.0e+00, v1  }
0xef: {  	v42 =	vld [tilespmem:s25+$0x2BF0]  }
0xf0: {  	v1 =	vadd.f32 v2, v1  }
0xf1: {  	v2 =	vld [tilespmem:s25+$0x2C00]  }
0xf2: {  	v1 =	vadd.f32 v3, v1  }
0xf3: {  	v3 =	vld [tilespmem:s25+$0x2C10]  }
0xf4: {  	v1 =	vadd.f32 v42, v1  }
0xf5: {  	v43 =	vld [tilespmem:s25+$0x2C20]  }
0xf6: {  	v1 =	vadd.f32 v2, v1  }
0xf7: {  	v2 =	vld [tilespmem:s25+$0x2C30]  }
0xf8: {  	v1 =	vadd.f32 v3, v1  }
0xf9: {  	v3 =	vld [tilespmem:s25+$0x2C40]  }
0xfa: {  	v1 =	vadd.f32 v43, v1  }
0xfb: {  	v44 =	vld [tilespmem:s25+$0x2C50]  }
0xfc: {  	v1 =	vadd.f32 v2, v1  }
0xfd: {  	v2 =	vld [tilespmem:s25+$0x2C60]  }
0xfe: {  	v1 =	vadd.f32 v3, v1  }
0xff: {  	v3 =	vld [tilespmem:s25+$0x2C70]  }
0x100: {  	v1 =	vadd.f32 v44, v1  }
0x101: {  	v45 =	vld [tilespmem:s25+$0x2C80]  }
0x102: {  	v1 =	vadd.f32 v2, v1  }
0x103: {  	v2 =	vld [tilespmem:s25+$0x2C90]  }
0x104: {  	v1 =	vadd.f32 v3, v1  }
0x105: {  	v3 =	vld [tilespmem:s25+$0x2CA0]  }
0x106: {  	v1 =	vadd.f32 v45, v1  }
0x107: {  	v46 =	vld [tilespmem:s25+$0x2CB0]  }
0x108: {  	v1 =	vadd.f32 v2, v1  }
0x109: {  	v2 =	vld [tilespmem:s25+$0x2CC0]  }
0x10a: {  	v1 =	vadd.f32 v3, v1  }
0x10b: {  	v3 =	vld [tilespmem:s25+$0x2CD0]  }
0x10c: {  	v1 =	vadd.f32 v46, v1  }
0x10d: {  	v47 =	vld [tilespmem:s25+$0x2CE0]  }
0x10e: {  	v1 =	vadd.f32 v2, v1  }
0x10f: {  	v2 =	vld [tilespmem:s25+$0x2CF0]  }
0x110: {  	v1 =	vadd.f32 v3, v1;
	_ =	sdelay $0x1  }
0x111: {  	v1 =	vadd.f32 v47, v1;
	_ =	sdelay $0x1  }
0x112: {  	v1 =	vadd.f32 v2, v1;
	_ =	sdelay $0x1  }
0x113: {  	[tilespmem:v0+s26+$0x30 ss:$0x1] =	vst.idx.msk $0xffff, v1  }
0x114: {  	v1 =	vld [tilespmem:s25+$0x2D00];
	_ =	sdelay $0x1  }
0x115: {  	v2 =	vld [tilespmem:s25+$0x2D10];
	_ =	sdelay $0x1  }
0x116: {  	v3 =	vld [tilespmem:s25+$0x2D20]  }
0x117: {  	v1 =	vadd.f32 $0.0e+00, v1  }
0x118: {  	v48 =	vld [tilespmem:s25+$0x2D30]  }
0x119: {  	v1 =	vadd.f32 v2, v1  }
0x11a: {  	v2 =	vld [tilespmem:s25+$0x2D40]  }
0x11b: {  	v1 =	vadd.f32 v3, v1  }
0x11c: {  	v3 =	vld [tilespmem:s25+$0x2D50]  }
0x11d: {  	v1 =	vadd.f32 v48, v1  }
0x11e: {  	v49 =	vld [tilespmem:s25+$0x2D60]  }
0x11f: {  	v1 =	vadd.f32 v2, v1  }
0x120: {  	v2 =	vld [tilespmem:s25+$0x2D70]  }
0x121: {  	v1 =	vadd.f32 v3, v1  }
0x122: {  	v3 =	vld [tilespmem:s25+$0x2D80]  }
0x123: {  	v1 =	vadd.f32 v49, v1  }
0x124: {  	v50 =	vld [tilespmem:s25+$0x2D90]  }
0x125: {  	v1 =	vadd.f32 v2, v1  }
0x126: {  	v2 =	vld [tilespmem:s25+$0x2DA0]  }
0x127: {  	v1 =	vadd.f32 v3, v1  }
0x128: {  	v3 =	vld [tilespmem:s25+$0x2DB0]  }
0x129: {  	v1 =	vadd.f32 v50, v1  }
0x12a: {  	v51 =	vld [tilespmem:s25+$0x2DC0]  }
0x12b: {  	v1 =	vadd.f32 v2, v1  }
0x12c: {  	v2 =	vld [tilespmem:s25+$0x2DD0]  }
0x12d: {  	v1 =	vadd.f32 v3, v1  }
0x12e: {  	v3 =	vld [tilespmem:s25+$0x2DE0]  }
0x12f: {  	v1 =	vadd.f32 v51, v1  }
0x130: {  	v52 =	vld [tilespmem:s25+$0x2DF0]  }
0x131: {  	v1 =	vadd.f32 v2, v1  }
0x132: {  	v2 =	vld [tilespmem:s25+$0x2E00]  }
0x133: {  	v1 =	vadd.f32 v3, v1  }
0x134: {  	v3 =	vld [tilespmem:s25+$0x2E10]  }
0x135: {  	v1 =	vadd.f32 v52, v1  }
0x136: {  	v53 =	vld [tilespmem:s25+$0x2E20]  }
0x137: {  	v1 =	vadd.f32 v2, v1  }
0x138: {  	v2 =	vld [tilespmem:s25+$0x2E30]  }
0x139: {  	v1 =	vadd.f32 v3, v1;
	_ =	sdelay $0x1  }
0x13a: {  	v1 =	vadd.f32 v53, v1;
	_ =	sdelay $0x1  }
0x13b: {  	v1 =	vadd.f32 v2, v1;
	_ =	sdelay $0x1  }
0x13c: {  	[tilespmem:v0+s26+$0x40 ss:$0x1] =	vst.idx.msk $0xffff, v1  }
0x13d: {  	v1 =	vld [tilespmem:s25+$0x2E40];
	_ =	sdelay $0x1  }
0x13e: {  	v2 =	vld [tilespmem:s25+$0x2E50];
	_ =	sdelay $0x1  }
0x13f: {  	v3 =	vld [tilespmem:s25+$0x2E60]  }
0x140: {  	v1 =	vadd.f32 $0.0e+00, v1  }
0x141: {  	v54 =	vld [tilespmem:s25+$0x2E70]  }
0x142: {  	v1 =	vadd.f32 v2, v1  }
0x143: {  	v2 =	vld [tilespmem:s25+$0x2E80]  }
0x144: {  	v1 =	vadd.f32 v3, v1  }
0x145: {  	v3 =	vld [tilespmem:s25+$0x2E90]  }
0x146: {  	v1 =	vadd.f32 v54, v1  }
0x147: {  	v55 =	vld [tilespmem:s25+$0x2EA0]  }
0x148: {  	v1 =	vadd.f32 v2, v1  }
0x149: {  	v2 =	vld [tilespmem:s25+$0x2EB0]  }
0x14a: {  	v1 =	vadd.f32 v3, v1  }
0x14b: {  	v3 =	vld [tilespmem:s25+$0x2EC0]  }
0x14c: {  	v1 =	vadd.f32 v55, v1  }
0x14d: {  	v56 =	vld [tilespmem:s25+$0x2ED0]  }
0x14e: {  	v1 =	vadd.f32 v2, v1  }
0x14f: {  	v2 =	vld [tilespmem:s25+$0x2EE0]  }
0x150: {  	v1 =	vadd.f32 v3, v1  }
0x151: {  	v3 =	vld [tilespmem:s25+$0x2EF0]  }
0x152: {  	v1 =	vadd.f32 v56, v1  }
0x153: {  	v57 =	vld [tilespmem:s25+$0x2F00]  }
0x154: {  	v1 =	vadd.f32 v2, v1  }
0x155: {  	v2 =	vld [tilespmem:s25+$0x2F10]  }
0x156: {  	v1 =	vadd.f32 v3, v1  }
0x157: {  	v3 =	vld [tilespmem:s25+$0x2F20]  }
0x158: {  	v1 =	vadd.f32 v57, v1  }
0x159: {  	v58 =	vld [tilespmem:s25+$0x2F30]  }
0x15a: {  	v1 =	vadd.f32 v2, v1  }
0x15b: {  	v2 =	vld [tilespmem:s25+$0x2F40]  }
0x15c: {  	v1 =	vadd.f32 v3, v1  }
0x15d: {  	v3 =	vld [tilespmem:s25+$0x2F50]  }
0x15e: {  	v1 =	vadd.f32 v58, v1  }
0x15f: {  	v59 =	vld [tilespmem:s25+$0x2F60]  }
0x160: {  	v1 =	vadd.f32 v2, v1  }
0x161: {  	v2 =	vld [tilespmem:s25+$0x2F70]  }
0x162: {  	v1 =	vadd.f32 v3, v1;
	_ =	sdelay $0x1  }
0x163: {  	v1 =	vadd.f32 v59, v1;
	_ =	sdelay $0x1  }
0x164: {  	v1 =	vadd.f32 v2, v1;
	_ =	sdelay $0x1  }
0x165: {  	[tilespmem:v0+s26+$0x50 ss:$0x1] =	vst.idx.msk $0xffff, v1  }
0x166: {  	v1 =	vld [tilespmem:s25+$0x2F80];
	_ =	sdelay $0x1  }
0x167: {  	v2 =	vld [tilespmem:s25+$0x2F90];
	_ =	sdelay $0x1  }
0x168: {  	v3 =	vld [tilespmem:s25+$0x2FA0]  }
0x169: {  	v1 =	vadd.f32 $0.0e+00, v1  }
0x16a: {  	v60 =	vld [tilespmem:s25+$0x2FB0]  }
0x16b: {  	v1 =	vadd.f32 v2, v1  }
0x16c: {  	v2 =	vld [tilespmem:s25+$0x2FC0]  }
0x16d: {  	v1 =	vadd.f32 v3, v1  }
0x16e: {  	v3 =	vld [tilespmem:s25+$0x2FD0]  }
0x16f: {  	v1 =	vadd.f32 v60, v1  }
0x170: {  	v61 =	vld [tilespmem:s25+$0x2FE0]  }
0x171: {  	v1 =	vadd.f32 v2, v1  }
0x172: {  	v2 =	vld [tilespmem:s25+$0x2FF0]  }
0x173: {  	v1 =	vadd.f32 v3, v1  }
0x174: {  	v3 =	vld [tilespmem:s25+$0x3000]  }
0x175: {  	v1 =	vadd.f32 v61, v1  }
0x176: {  	v62 =	vld [tilespmem:s25+$0x3010]  }
0x177: {  	v1 =	vadd.f32 v2, v1  }
0x178: {  	v2 =	vld [tilespmem:s25+$0x3020]  }
0x179: {  	v1 =	vadd.f32 v3, v1  }
0x17a: {  	v3 =	vld [tilespmem:s25+$0x3030]  }
0x17b: {  	v1 =	vadd.f32 v62, v1  }
0x17c: {  	v63 =	vld [tilespmem:s25+$0x3040]  }
0x17d: {  	v1 =	vadd.f32 v2, v1  }
0x17e: {  	v2 =	vld [tilespmem:s25+$0x3050]  }
0x17f: {  	v1 =	vadd.f32 v3, v1  }
0x180: {  	v3 =	vld [tilespmem:s25+$0x3060]  }
0x181: {  	v1 =	vadd.f32 v63, v1  }
0x182: {  	v8 =	vld [tilespmem:s25+$0x3070]  }
0x183: {  	v1 =	vadd.f32 v2, v1  }
0x184: {  	v2 =	vld [tilespmem:s25+$0x3080]  }
0x185: {  	v1 =	vadd.f32 v3, v1  }
0x186: {  	v3 =	vld [tilespmem:s25+$0x3090]  }
0x187: {  	v1 =	vadd.f32 v8, v1  }
0x188: {  	v9 =	vld [tilespmem:s25+$0x30A0]  }
0x189: {  	v1 =	vadd.f32 v2, v1  }
0x18a: {  	v2 =	vld [tilespmem:s25+$0x30B0]  }
0x18b: {  	v1 =	vadd.f32 v3, v1;
	_ =	sdelay $0x1  }
0x18c: {  	v1 =	vadd.f32 v9, v1;
	_ =	sdelay $0x1  }
0x18d: {  	v1 =	vadd.f32 v2, v1;
	_ =	sdelay $0x1  }
0x18e: {  	[tilespmem:v0+s26+$0x60 ss:$0x1] =	vst.idx.msk $0xffff, v1  }
0x18f: {  	v1 =	vld [tilespmem:s25+$0x30C0];
	_ =	sdelay $0x1  }
0x190: {  	v2 =	vld [tilespmem:s25+$0x30D0];
	_ =	sdelay $0x1  }
0x191: {  	v3 =	vld [tilespmem:s25+$0x30E0]  }
0x192: {  	v1 =	vadd.f32 $0.0e+00, v1  }
0x193: {  	v10 =	vld [tilespmem:s25+$0x30F0]  }
0x194: {  	v1 =	vadd.f32 v2, v1  }
0x195: {  	v2 =	vld [tilespmem:s25+$0x3100]  }
0x196: {  	v1 =	vadd.f32 v3, v1  }
0x197: {  	v3 =	vld [tilespmem:s25+$0x3110]  }
0x198: {  	v1 =	vadd.f32 v10, v1  }
0x199: {  	v11 =	vld [tilespmem:s25+$0x3120]  }
0x19a: {  	v1 =	vadd.f32 v2, v1  }
0x19b: {  	v2 =	vld [tilespmem:s25+$0x3130]  }
0x19c: {  	v1 =	vadd.f32 v3, v1  }
0x19d: {  	v3 =	vld [tilespmem:s25+$0x3140]  }
0x19e: {  	v1 =	vadd.f32 v11, v1  }
0x19f: {  	v12 =	vld [tilespmem:s25+$0x3150]  }
0x1a0: {  	v1 =	vadd.f32 v2, v1  }
0x1a1: {  	v2 =	vld [tilespmem:s25+$0x3160]  }
0x1a2: {  	v1 =	vadd.f32 v3, v1  }
0x1a3: {  	v3 =	vld [tilespmem:s25+$0x3170]  }
0x1a4: {  	v1 =	vadd.f32 v12, v1  }
0x1a5: {  	v13 =	vld [tilespmem:s25+$0x3180]  }
0x1a6: {  	v1 =	vadd.f32 v2, v1  }
0x1a7: {  	v2 =	vld [tilespmem:s25+$0x3190]  }
0x1a8: {  	v1 =	vadd.f32 v3, v1  }
0x1a9: {  	v3 =	vld [tilespmem:s25+$0x31A0]  }
0x1aa: {  	v1 =	vadd.f32 v13, v1  }
0x1ab: {  	v14 =	vld [tilespmem:s25+$0x31B0]  }
0x1ac: {  	v1 =	vadd.f32 v2, v1  }
0x1ad: {  	v2 =	vld [tilespmem:s25+$0x31C0]  }
0x1ae: {  	v1 =	vadd.f32 v3, v1  }
0x1af: {  	v3 =	vld [tilespmem:s25+$0x31D0]  }
0x1b0: {  	v1 =	vadd.f32 v14, v1  }
0x1b1: {  	v15 =	vld [tilespmem:s25+$0x31E0]  }
0x1b2: {  	v1 =	vadd.f32 v2, v1  }
0x1b3: {  	v2 =	vld [tilespmem:s25+$0x31F0]  }
0x1b4: {  	v1 =	vadd.f32 v3, v1;
	_ =	sdelay $0x1  }
0x1b5: {  	v1 =	vadd.f32 v15, v1;
	_ =	sdelay $0x1  }
0x1b6: {  	v1 =	vadd.f32 v2, v1;
	_ =	sdelay $0x1  }
0x1b7: {  	[tilespmem:v0+s26+$0x70 ss:$0x1] =	vst.idx.msk $0xffff, v1  }
0x1b8: {  	v1 =	vld [tilespmem:s25+$0x3200];
	_ =	sdelay $0x1  }
0x1b9: {  	v2 =	vld [tilespmem:s25+$0x3210];
	_ =	sdelay $0x1  }
0x1ba: {  	v3 =	vld [tilespmem:s25+$0x3220]  }
0x1bb: {  	v1 =	vadd.f32 $0.0e+00, v1  }
0x1bc: {  	v16 =	vld [tilespmem:s25+$0x3230]  }
0x1bd: {  	v1 =	vadd.f32 v2, v1  }
0x1be: {  	v2 =	vld [tilespmem:s25+$0x3240]  }
0x1bf: {  	v1 =	vadd.f32 v3, v1  }
0x1c0: {  	v3 =	vld [tilespmem:s25+$0x3250]  }
0x1c1: {  	v1 =	vadd.f32 v16, v1  }
0x1c2: {  	v17 =	vld [tilespmem:s25+$0x3260]  }
0x1c3: {  	v1 =	vadd.f32 v2, v1  }
0x1c4: {  	v2 =	vld [tilespmem:s25+$0x3270]  }
0x1c5: {  	v1 =	vadd.f32 v3, v1  }
0x1c6: {  	v3 =	vld [tilespmem:s25+$0x3280]  }
0x1c7: {  	v1 =	vadd.f32 v17, v1  }
0x1c8: {  	v18 =	vld [tilespmem:s25+$0x3290]  }
0x1c9: {  	v1 =	vadd.f32 v2, v1  }
0x1ca: {  	v2 =	vld [tilespmem:s25+$0x32A0]  }
0x1cb: {  	v1 =	vadd.f32 v3, v1  }
0x1cc: {  	v3 =	vld [tilespmem:s25+$0x32B0]  }
0x1cd: {  	v1 =	vadd.f32 v18, v1  }
0x1ce: {  	v19 =	vld [tilespmem:s25+$0x32C0]  }
0x1cf: {  	v1 =	vadd.f32 v2, v1  }
0x1d0: {  	v2 =	vld [tilespmem:s25+$0x32D0]  }
0x1d1: {  	v1 =	vadd.f32 v3, v1  }
0x1d2: {  	v3 =	vld [tilespmem:s25+$0x32E0]  }
0x1d3: {  	v1 =	vadd.f32 v19, v1  }
0x1d4: {  	v20 =	vld [tilespmem:s25+$0x32F0]  }
0x1d5: {  	v1 =	vadd.f32 v2, v1  }
0x1d6: {  	v2 =	vld [tilespmem:s25+$0x3300]  }
0x1d7: {  	v1 =	vadd.f32 v3, v1  }
0x1d8: {  	v3 =	vld [tilespmem:s25+$0x3310]  }
0x1d9: {  	v1 =	vadd.f32 v20, v1  }
0x1da: {  	v21 =	vld [tilespmem:s25+$0x3320]  }
0x1db: {  	v1 =	vadd.f32 v2, v1  }
0x1dc: {  	v2 =	vld [tilespmem:s25+$0x3330]  }
0x1dd: {  	v1 =	vadd.f32 v3, v1;
	_ =	sdelay $0x1  }
0x1de: {  	v1 =	vadd.f32 v21, v1;
	_ =	sdelay $0x1  }
0x1df: {  	v1 =	vadd.f32 v2, v1;
	_ =	sdelay $0x1  }
0x1e0: {  	[tilespmem:v0+s26+$0x80 ss:$0x1] =	vst.idx.msk $0xffff, v1  }
0x1e1: {  	v1 =	vld [tilespmem:s25+$0x3340];
	_ =	sdelay $0x1  }
0x1e2: {  	v2 =	vld [tilespmem:s25+$0x3350];
	_ =	sdelay $0x1  }
0x1e3: {  	v3 =	vld [tilespmem:s25+$0x3360]  }
0x1e4: {  	v1 =	vadd.f32 $0.0e+00, v1  }
0x1e5: {  	v22 =	vld [tilespmem:s25+$0x3370]  }
0x1e6: {  	v1 =	vadd.f32 v2, v1  }
0x1e7: {  	v2 =	vld [tilespmem:s25+$0x3380]  }
0x1e8: {  	v1 =	vadd.f32 v3, v1  }
0x1e9: {  	v3 =	vld [tilespmem:s25+$0x3390]  }
0x1ea: {  	v1 =	vadd.f32 v22, v1  }
0x1eb: {  	v23 =	vld [tilespmem:s25+$0x33A0]  }
0x1ec: {  	v1 =	vadd.f32 v2, v1  }
0x1ed: {  	v2 =	vld [tilespmem:s25+$0x33B0]  }
0x1ee: {  	v1 =	vadd.f32 v3, v1  }
0x1ef: {  	v3 =	vld [tilespmem:s25+$0x33C0]  }
0x1f0: {  	v1 =	vadd.f32 v23, v1  }
0x1f1: {  	v24 =	vld [tilespmem:s25+$0x33D0]  }
0x1f2: {  	v1 =	vadd.f32 v2, v1  }
0x1f3: {  	v2 =	vld [tilespmem:s25+$0x33E0]  }
0x1f4: {  	v1 =	vadd.f32 v3, v1  }
0x1f5: {  	v3 =	vld [tilespmem:s25+$0x33F0]  }
0x1f6: {  	v1 =	vadd.f32 v24, v1  }
0x1f7: {  	v25 =	vld [tilespmem:s25+$0x3400]  }
0x1f8: {  	v1 =	vadd.f32 v2, v1  }
0x1f9: {  	v2 =	vld [tilespmem:s25+$0x3410]  }
0x1fa: {  	v1 =	vadd.f32 v3, v1  }
0x1fb: {  	v3 =	vld [tilespmem:s25+$0x3420]  }
0x1fc: {  	v1 =	vadd.f32 v25, v1  }
0x1fd: {  	v26 =	vld [tilespmem:s25+$0x3430]  }
0x1fe: {  	v1 =	vadd.f32 v2, v1  }
0x1ff: {  	v2 =	vld [tilespmem:s25+$0x3440]  }
0x200: {  	v1 =	vadd.f32 v3, v1  }
0x201: {  	v3 =	vld [tilespmem:s25+$0x3450]  }
0x202: {  	v1 =	vadd.f32 v26, v1  }
0x203: {  	v27 =	vld [tilespmem:s25+$0x3460]  }
0x204: {  	v1 =	vadd.f32 v2, v1  }
0x205: {  	v2 =	vld [tilespmem:s25+$0x3470]  }
0x206: {  	v1 =	vadd.f32 v3, v1;
	_ =	sdelay $0x1  }
0x207: {  	v1 =	vadd.f32 v27, v1;
	_ =	sdelay $0x1  }
0x208: {  	v1 =	vadd.f32 v2, v1;
	_ =	sdelay $0x1  }
0x209: {  	[tilespmem:v0+s26+$0x90 ss:$0x1] =	vst.idx.msk $0xffff, v1  }
0x20a: {  	v1 =	vld [tilespmem:s25+$0x3480];
	_ =	sdelay $0x1  }
0x20b: {  	v2 =	vld [tilespmem:s25+$0x3490];
	_ =	sdelay $0x1  }
0x20c: {  	v3 =	vld [tilespmem:s25+$0x34A0]  }
0x20d: {  	v1 =	vadd.f32 $0.0e+00, v1  }
0x20e: {  	v28 =	vld [tilespmem:s25+$0x34B0]  }
0x20f: {  	v1 =	vadd.f32 v2, v1  }
0x210: {  	v2 =	vld [tilespmem:s25+$0x34C0]  }
0x211: {  	v1 =	vadd.f32 v3, v1  }
0x212: {  	v3 =	vld [tilespmem:s25+$0x34D0]  }
0x213: {  	v1 =	vadd.f32 v28, v1  }
0x214: {  	v29 =	vld [tilespmem:s25+$0x34E0]  }
0x215: {  	v1 =	vadd.f32 v2, v1  }
0x216: {  	v2 =	vld [tilespmem:s25+$0x34F0]  }
0x217: {  	v1 =	vadd.f32 v3, v1  }
0x218: {  	v3 =	vld [tilespmem:s25+$0x3500]  }
0x219: {  	v1 =	vadd.f32 v29, v1  }
0x21a: {  	v30 =	vld [tilespmem:s25+$0x3510]  }
0x21b: {  	v1 =	vadd.f32 v2, v1  }
0x21c: {  	v2 =	vld [tilespmem:s25+$0x3520]  }
0x21d: {  	v1 =	vadd.f32 v3, v1  }
0x21e: {  	v3 =	vld [tilespmem:s25+$0x3530]  }
0x21f: {  	v1 =	vadd.f32 v30, v1  }
0x220: {  	v31 =	vld [tilespmem:s25+$0x3540]  }
0x221: {  	v1 =	vadd.f32 v2, v1  }
0x222: {  	v2 =	vld [tilespmem:s25+$0x3550]  }
0x223: {  	v1 =	vadd.f32 v3, v1  }
0x224: {  	v3 =	vld [tilespmem:s25+$0x3560]  }
0x225: {  	v1 =	vadd.f32 v31, v1  }
0x226: {  	v32 =	vld [tilespmem:s25+$0x3570]  }
0x227: {  	v1 =	vadd.f32 v2, v1  }
0x228: {  	v2 =	vld [tilespmem:s25+$0x3580]  }
0x229: {  	v1 =	vadd.f32 v3, v1  }
0x22a: {  	v3 =	vld [tilespmem:s25+$0x3590]  }
0x22b: {  	v1 =	vadd.f32 v32, v1  }
0x22c: {  	v33 =	vld [tilespmem:s25+$0x35A0]  }
0x22d: {  	v1 =	vadd.f32 v2, v1  }
0x22e: {  	v2 =	vld [tilespmem:s25+$0x35B0]  }
0x22f: {  	v1 =	vadd.f32 v3, v1;
	_ =	sdelay $0x1  }
0x230: {  	v1 =	vadd.f32 v33, v1;
	_ =	sdelay $0x1  }
0x231: {  	v1 =	vadd.f32 v2, v1;
	_ =	sdelay $0x1  }
0x232: {  	[tilespmem:v0+s26+$0xA0 ss:$0x1] =	vst.idx.msk $0xffff, v1  }
0x233: {  	v1 =	vld [tilespmem:s25+$0x35C0];
	_ =	sdelay $0x1  }
0x234: {  	v2 =	vld [tilespmem:s25+$0x35D0];
	_ =	sdelay $0x1  }
0x235: {  	v3 =	vld [tilespmem:s25+$0x35E0]  }
0x236: {  	v1 =	vadd.f32 $0.0e+00, v1  }
0x237: {  	v34 =	vld [tilespmem:s25+$0x35F0]  }
0x238: {  	v1 =	vadd.f32 v2, v1  }
0x239: {  	v2 =	vld [tilespmem:s25+$0x3600]  }
0x23a: {  	v1 =	vadd.f32 v3, v1  }
0x23b: {  	v3 =	vld [tilespmem:s25+$0x3610]  }
0x23c: {  	v1 =	vadd.f32 v34, v1  }
0x23d: {  	v35 =	vld [tilespmem:s25+$0x3620]  }
0x23e: {  	v1 =	vadd.f32 v2, v1  }
0x23f: {  	v2 =	vld [tilespmem:s25+$0x3630]  }
0x240: {  	v1 =	vadd.f32 v3, v1  }
0x241: {  	v3 =	vld [tilespmem:s25+$0x3640]  }
0x242: {  	v1 =	vadd.f32 v35, v1  }
0x243: {  	v36 =	vld [tilespmem:s25+$0x3650]  }
0x244: {  	v1 =	vadd.f32 v2, v1  }
0x245: {  	v2 =	vld [tilespmem:s25+$0x3660]  }
0x246: {  	v1 =	vadd.f32 v3, v1  }
0x247: {  	v3 =	vld [tilespmem:s25+$0x3670]  }
0x248: {  	v1 =	vadd.f32 v36, v1  }
0x249: {  	v37 =	vld [tilespmem:s25+$0x3680]  }
0x24a: {  	v1 =	vadd.f32 v2, v1  }
0x24b: {  	v2 =	vld [tilespmem:s25+$0x3690]  }
0x24c: {  	v1 =	vadd.f32 v3, v1  }
0x24d: {  	v3 =	vld [tilespmem:s25+$0x36A0]  }
0x24e: {  	v1 =	vadd.f32 v37, v1  }
0x24f: {  	v38 =	vld [tilespmem:s25+$0x36B0]  }
0x250: {  	v1 =	vadd.f32 v2, v1  }
0x251: {  	v2 =	vld [tilespmem:s25+$0x36C0]  }
0x252: {  	v1 =	vadd.f32 v3, v1  }
0x253: {  	v3 =	vld [tilespmem:s25+$0x36D0]  }
0x254: {  	v1 =	vadd.f32 v38, v1  }
0x255: {  	v39 =	vld [tilespmem:s25+$0x36E0]  }
0x256: {  	v1 =	vadd.f32 v2, v1  }
0x257: {  	v2 =	vld [tilespmem:s25+$0x36F0]  }
0x258: {  	v1 =	vadd.f32 v3, v1;
	_ =	sdelay $0x1  }
0x259: {  	v1 =	vadd.f32 v39, v1;
	_ =	sdelay $0x1  }
0x25a: {  	v1 =	vadd.f32 v2, v1;
	_ =	sdelay $0x1  }
0x25b: {  	[tilespmem:v0+s26+$0xB0 ss:$0x1] =	vst.idx.msk $0xffff, v1  }
0x25c: {  	v1 =	vld [tilespmem:s25+$0x3700];
	_ =	sdelay $0x1  }
0x25d: {  	v2 =	vld [tilespmem:s25+$0x3710];
	_ =	sdelay $0x1  }
0x25e: {  	v3 =	vld [tilespmem:s25+$0x3720]  }
0x25f: {  	v1 =	vadd.f32 $0.0e+00, v1  }
0x260: {  	v40 =	vld [tilespmem:s25+$0x3730]  }
0x261: {  	v1 =	vadd.f32 v2, v1  }
0x262: {  	v2 =	vld [tilespmem:s25+$0x3740]  }
0x263: {  	v1 =	vadd.f32 v3, v1  }
0x264: {  	v3 =	vld [tilespmem:s25+$0x3750]  }
0x265: {  	v1 =	vadd.f32 v40, v1  }
0x266: {  	v41 =	vld [tilespmem:s25+$0x3760]  }
0x267: {  	v1 =	vadd.f32 v2, v1  }
0x268: {  	v2 =	vld [tilespmem:s25+$0x3770]  }
0x269: {  	v1 =	vadd.f32 v3, v1  }
0x26a: {  	v3 =	vld [tilespmem:s25+$0x3780]  }
0x26b: {  	v1 =	vadd.f32 v41, v1  }
0x26c: {  	v42 =	vld [tilespmem:s25+$0x3790]  }
0x26d: {  	v1 =	vadd.f32 v2, v1  }
0x26e: {  	v2 =	vld [tilespmem:s25+$0x37A0]  }
0x26f: {  	v1 =	vadd.f32 v3, v1  }
0x270: {  	v3 =	vld [tilespmem:s25+$0x37B0]  }
0x271: {  	v1 =	vadd.f32 v42, v1  }
0x272: {  	v43 =	vld [tilespmem:s25+$0x37C0]  }
0x273: {  	v1 =	vadd.f32 v2, v1  }
0x274: {  	v2 =	vld [tilespmem:s25+$0x37D0]  }
0x275: {  	v1 =	vadd.f32 v3, v1  }
0x276: {  	v3 =	vld [tilespmem:s25+$0x37E0]  }
0x277: {  	v1 =	vadd.f32 v43, v1  }
0x278: {  	v44 =	vld [tilespmem:s25+$0x37F0]  }
0x279: {  	v1 =	vadd.f32 v2, v1  }
0x27a: {  	v2 =	vld [tilespmem:s25+$0x3800]  }
0x27b: {  	v1 =	vadd.f32 v3, v1  }
0x27c: {  	v3 =	vld [tilespmem:s25+$0x3810]  }
0x27d: {  	v1 =	vadd.f32 v44, v1  }
0x27e: {  	v45 =	vld [tilespmem:s25+$0x3820]  }
0x27f: {  	v1 =	vadd.f32 v2, v1  }
0x280: {  	v2 =	vld [tilespmem:s25+$0x3830]  }
0x281: {  	v1 =	vadd.f32 v3, v1;
	_ =	sdelay $0x1  }
0x282: {  	v1 =	vadd.f32 v45, v1;
	_ =	sdelay $0x1  }
0x283: {  	v1 =	vadd.f32 v2, v1;
	_ =	sdelay $0x1  }
0x284: {  	[tilespmem:v0+s26+$0xC0 ss:$0x1] =	vst.idx.msk $0xffff, v1  }
0x285: {  	v1 =	vld [tilespmem:s25+$0x3840];
	_ =	sdelay $0x1  }
0x286: {  	v2 =	vld [tilespmem:s25+$0x3850];
	_ =	sdelay $0x1  }
0x287: {  	v3 =	vld [tilespmem:s25+$0x3860]  }
0x288: {  	v1 =	vadd.f32 $0.0e+00, v1  }
0x289: {  	v46 =	vld [tilespmem:s25+$0x3870]  }
0x28a: {  	v1 =	vadd.f32 v2, v1  }
0x28b: {  	v2 =	vld [tilespmem:s25+$0x3880]  }
0x28c: {  	v1 =	vadd.f32 v3, v1  }
0x28d: {  	v3 =	vld [tilespmem:s25+$0x3890]  }
0x28e: {  	v1 =	vadd.f32 v46, v1  }
0x28f: {  	v47 =	vld [tilespmem:s25+$0x38A0]  }
0x290: {  	v1 =	vadd.f32 v2, v1  }
0x291: {  	v2 =	vld [tilespmem:s25+$0x38B0]  }
0x292: {  	v1 =	vadd.f32 v3, v1  }
0x293: {  	v3 =	vld [tilespmem:s25+$0x38C0]  }
0x294: {  	v1 =	vadd.f32 v47, v1  }
0x295: {  	v48 =	vld [tilespmem:s25+$0x38D0]  }
0x296: {  	v1 =	vadd.f32 v2, v1  }
0x297: {  	v2 =	vld [tilespmem:s25+$0x38E0]  }
0x298: {  	v1 =	vadd.f32 v3, v1  }
0x299: {  	v3 =	vld [tilespmem:s25+$0x38F0]  }
0x29a: {  	v1 =	vadd.f32 v48, v1  }
0x29b: {  	v49 =	vld [tilespmem:s25+$0x3900]  }
0x29c: {  	v1 =	vadd.f32 v2, v1  }
0x29d: {  	v2 =	vld [tilespmem:s25+$0x3910]  }
0x29e: {  	v1 =	vadd.f32 v3, v1  }
0x29f: {  	v3 =	vld [tilespmem:s25+$0x3920]  }
0x2a0: {  	v1 =	vadd.f32 v49, v1  }
0x2a1: {  	v50 =	vld [tilespmem:s25+$0x3930]  }
0x2a2: {  	v1 =	vadd.f32 v2, v1  }
0x2a3: {  	v2 =	vld [tilespmem:s25+$0x3940]  }
0x2a4: {  	v1 =	vadd.f32 v3, v1  }
0x2a5: {  	v3 =	vld [tilespmem:s25+$0x3950]  }
0x2a6: {  	v1 =	vadd.f32 v50, v1  }
0x2a7: {  	v51 =	vld [tilespmem:s25+$0x3960]  }
0x2a8: {  	v1 =	vadd.f32 v2, v1  }
0x2a9: {  	v2 =	vld [tilespmem:s25+$0x3970]  }
0x2aa: {  	v1 =	vadd.f32 v3, v1;
	_ =	sdelay $0x1  }
0x2ab: {  	v1 =	vadd.f32 v51, v1;
	_ =	sdelay $0x1  }
0x2ac: {  	v1 =	vadd.f32 v2, v1;
	_ =	sdelay $0x1  }
0x2ad: {  	[tilespmem:v0+s26+$0xD0 ss:$0x1] =	vst.idx.msk $0xffff, v1  }
0x2ae: {  	v1 =	vld [tilespmem:s25+$0x3980];
	_ =	sdelay $0x1  }
0x2af: {  	v2 =	vld [tilespmem:s25+$0x3990];
	_ =	sdelay $0x1  }
0x2b0: {  	v3 =	vld [tilespmem:s25+$0x39A0]  }
0x2b1: {  	v1 =	vadd.f32 $0.0e+00, v1  }
0x2b2: {  	v52 =	vld [tilespmem:s25+$0x39B0]  }
0x2b3: {  	v1 =	vadd.f32 v2, v1  }
0x2b4: {  	v2 =	vld [tilespmem:s25+$0x39C0]  }
0x2b5: {  	v1 =	vadd.f32 v3, v1  }
0x2b6: {  	v3 =	vld [tilespmem:s25+$0x39D0]  }
0x2b7: {  	v1 =	vadd.f32 v52, v1  }
0x2b8: {  	v53 =	vld [tilespmem:s25+$0x39E0]  }
0x2b9: {  	v1 =	vadd.f32 v2, v1  }
0x2ba: {  	v2 =	vld [tilespmem:s25+$0x39F0]  }
0x2bb: {  	v1 =	vadd.f32 v3, v1  }
0x2bc: {  	v3 =	vld [tilespmem:s25+$0x3A00]  }
0x2bd: {  	v1 =	vadd.f32 v53, v1  }
0x2be: {  	v54 =	vld [tilespmem:s25+$0x3A10]  }
0x2bf: {  	v1 =	vadd.f32 v2, v1  }
0x2c0: {  	v2 =	vld [tilespmem:s25+$0x3A20]  }
0x2c1: {  	v1 =	vadd.f32 v3, v1  }
0x2c2: {  	v3 =	vld [tilespmem:s25+$0x3A30]  }
0x2c3: {  	v1 =	vadd.f32 v54, v1  }
0x2c4: {  	v55 =	vld [tilespmem:s25+$0x3A40]  }
0x2c5: {  	v1 =	vadd.f32 v2, v1  }
0x2c6: {  	v2 =	vld [tilespmem:s25+$0x3A50]  }
0x2c7: {  	v1 =	vadd.f32 v3, v1  }
0x2c8: {  	v3 =	vld [tilespmem:s25+$0x3A60]  }
0x2c9: {  	v1 =	vadd.f32 v55, v1  }
0x2ca: {  	v56 =	vld [tilespmem:s25+$0x3A70]  }
0x2cb: {  	v1 =	vadd.f32 v2, v1  }
0x2cc: {  	v2 =	vld [tilespmem:s25+$0x3A80]  }
0x2cd: {  	v1 =	vadd.f32 v3, v1  }
0x2ce: {  	v3 =	vld [tilespmem:s25+$0x3A90]  }
0x2cf: {  	v1 =	vadd.f32 v56, v1  }
0x2d0: {  	v57 =	vld [tilespmem:s25+$0x3AA0]  }
0x2d1: {  	v1 =	vadd.f32 v2, v1  }
0x2d2: {  	v2 =	vld [tilespmem:s25+$0x3AB0]  }
0x2d3: {  	v1 =	vadd.f32 v3, v1;
	_ =	sdelay $0x1  }
0x2d4: {  	v1 =	vadd.f32 v57, v1;
	_ =	sdelay $0x1  }
0x2d5: {  	v1 =	vadd.f32 v2, v1;
	_ =	sdelay $0x1  }
0x2d6: {  	[tilespmem:v0+s26+$0xE0 ss:$0x1] =	vst.idx.msk $0xffff, v1  }
0x2d7: {  	v1 =	vld [tilespmem:s25+$0x3AC0];
	_ =	sdelay $0x1  }
0x2d8: {  	v2 =	vld [tilespmem:s25+$0x3AD0];
	_ =	sdelay $0x1  }
0x2d9: {  	v3 =	vld [tilespmem:s25+$0x3AE0]  }
0x2da: {  	v1 =	vadd.f32 $0.0e+00, v1  }
0x2db: {  	v58 =	vld [tilespmem:s25+$0x3AF0]  }
0x2dc: {  	v1 =	vadd.f32 v2, v1  }
0x2dd: {  	v2 =	vld [tilespmem:s25+$0x3B00]  }
0x2de: {  	v1 =	vadd.f32 v3, v1  }
0x2df: {  	v3 =	vld [tilespmem:s25+$0x3B10]  }
0x2e0: {  	v1 =	vadd.f32 v58, v1  }
0x2e1: {  	v59 =	vld [tilespmem:s25+$0x3B20]  }
0x2e2: {  	v1 =	vadd.f32 v2, v1  }
0x2e3: {  	v2 =	vld [tilespmem:s25+$0x3B30]  }
0x2e4: {  	v1 =	vadd.f32 v3, v1  }
0x2e5: {  	v3 =	vld [tilespmem:s25+$0x3B40]  }
0x2e6: {  	v1 =	vadd.f32 v59, v1  }
0x2e7: {  	v60 =	vld [tilespmem:s25+$0x3B50]  }
0x2e8: {  	v1 =	vadd.f32 v2, v1  }
0x2e9: {  	v2 =	vld [tilespmem:s25+$0x3B60]  }
0x2ea: {  	v1 =	vadd.f32 v3, v1  }
0x2eb: {  	v3 =	vld [tilespmem:s25+$0x3B70]  }
0x2ec: {  	v1 =	vadd.f32 v60, v1  }
0x2ed: {  	v61 =	vld [tilespmem:s25+$0x3B80]  }
0x2ee: {  	v1 =	vadd.f32 v2, v1  }
0x2ef: {  	v2 =	vld [tilespmem:s25+$0x3B90]  }
0x2f0: {  	v1 =	vadd.f32 v3, v1  }
0x2f1: {  	v3 =	vld [tilespmem:s25+$0x3BA0]  }
0x2f2: {  	v1 =	vadd.f32 v61, v1  }
0x2f3: {  	v62 =	vld [tilespmem:s25+$0x3BB0]  }
0x2f4: {  	v1 =	vadd.f32 v2, v1  }
0x2f5: {  	v2 =	vld [tilespmem:s25+$0x3BC0]  }
0x2f6: {  	v1 =	vadd.f32 v3, v1  }
0x2f7: {  	v3 =	vld [tilespmem:s25+$0x3BD0]  }
0x2f8: {  	v1 =	vadd.f32 v62, v1  }
0x2f9: {  	v63 =	vld [tilespmem:s25+$0x3BE0]  }
0x2fa: {  	v1 =	vadd.f32 v2, v1  }
0x2fb: {  	v2 =	vld [tilespmem:s25+$0x3BF0]  }
0x2fc: {  	v1 =	vadd.f32 v3, v1  }
0x2fd: {  	p0 =	sne.s32 s24, $0x3  }
.Ltmp0:
0x2fe: {  	v1 =	vadd.f32 v63, v1;
	(pc) =	sbr.rel @p0 .LBB2_3-.Ltmp0, $3  }
0x2ff: {  	_ = 	snop  }
0x300: {  	v1 =	vadd.f32 v2, v1;
	_ =	sdelay $0x1  }
0x301: {  	s24 =	sadd.s32 $0x1, s24;
	[tilespmem:v0+s26+$0xF0 ss:$0x1] =	vst.idx.msk $0xffff, v1  }
0x302: {  	s22 =	sadd.s32 $0x1, s22  }
0x303: {  	p0 =	sne.s32 s22, $0x8  }
.Ltmp1:
0x304: {  	_ = 	snop;
	(pc) =	sbr.rel @p0 .LBB2_2-.Ltmp1, $1  }
0x305: {  	_ =	sdelay $0x3  }
0x306: {  	s21 =	sadd.s32 $0x1, s21  }
0x307: {  	p0 =	sne.s32 s21, s6  }
.Ltmp2:
0x308: {  	_ = 	snop;
	(pc) =	sbr.rel @p0 .LBB2_1-.Ltmp2, $4  }
0x309: {  	[hbm4b:s5+s2] =	stream.linear.scatter [tilespmem:s20], [sflag:$0x2], $0x2000, $0x38;
	[tilespmem:$0x18800] =	vst v63  }
0x30a: {  	_ =	swait.ge [sflag:s7], $0x2000  }
0x30b: {  	[sflag:s7] =	ssyncset.done $0x0  }
0x30c: {  	[sflag:s7] =	ssyncadd.s32 $0xFFFFE000  }
0x30d: {  	_ =	sfence.sel $0x180000  }
0x30e: {  	[bflag:$0x0] =	sbarrier.arrive $0xFFFF  }
0x30f: {  	_ =	strace $0x9000004A  }
0x310: {  	s0 =	stileid.u32;
	[bflag:$0x2] =	sbarrier.arrive $0xFFFF  }
0x311: {  	p0 =	sne.s32 s0, $0x0;
	s0 =	rddreg [dreg:$0x1]  }
0x312: {  	s0 =	sadd.s32 @!p0 $0x100000, s0  }
0x313: {  	[sflag:s0] =	ssyncadd.tile.s32 @!p0 $0x1;
	_ =	shalt  }
.Lfunc_end2:
_tile_overlayer_lowered:
.L_overlay_start_2:
0x314: {  	(tag) =	ssettag $0x2  }
0x315: {  	s0 =	rddreg [dreg:$0x0];
	s2 =	stileid.u32  }
0x316: {  	s1 =	rddreg [dreg:$0x1];
	p0 =	sne.s32 s2, $0x0  }
0x317: {  	s3 =	rddreg [dreg:$0x2];
	[bflag:$0x3] =	sbarrier.arrive $0xFFFF;
	s2 =	simm.s32 @!p0 $0x1C02  }
0x318: {  	[timem:s3], [sflag:s2] =	dma.local @!p0 [hbm:s0], s1  }
0x319: {  	s0 =	simm.s32 @!p0 $0x2  }
0x31a: {  	_ =	swait.ge @!p0 [sflag:s0], s1  }
0x31b: {  	s1 =	ssub.s32 @!p0 $0x0, s1;
	[sflag:s0] =	ssyncset.done @!p0 $0x0  }
0x31c: {  	[sflag:s0] =	ssyncadd.s32 @!p0 s1  }
0x31d: {  	[bflag:$0x3] =	sbarrier.arrive $0xFFFF  }
0x31e: {  	_ =	shalt  }

</sc_bundles>
